<compile_context>
chip_gen: v7x
topology: tpu7x:2x2x1
jax: 0.10.2.dev20260603
libtpu: 0.0.44.dev20260713+nightly
codegen_flags: <defaults>
</compile_context>

<pallas_src>
import functools

import jax
import jax.numpy as jnp
from jax import lax
from jax.experimental import pallas as pl
from jax.experimental.pallas import tpu as pltpu
from jax.experimental.pallas import tpu_sc as plsc

NN = 10000
EE = 320000
DD = 128
GG = 256
NPAD = 10240
NSUB = 16
K = 128
CH = 160
KD = 80
CHD = 256
EPAD = NSUB * CH * K
RPW = NPAD // NSUB
BLK = 1000
NBLK = NN // BLK


def _sc_fill(ref, nrows, value):
    ncol = ref.shape[1] // 16
    v = jnp.full((16,), value, jnp.float32)

    def row(i, _):
        def col(j, _):
            ref[i, pl.ds(j * 16, 16)] = v
            return 0
        return lax.fori_loop(0, ncol, col, 0)

    lax.fori_loop(0, nrows, row, 0)


_SC_MESH = dict(core_axis_name="c", subcore_axis_name="s", num_cores=1,
                num_subcores=NSUB)


ZCH = 128


def _sc_agg_body(h_hbm, sd_hbm, agg_hbm, sd0, sd1, sd2, sd3, rows0, rows1,
                 acc_s, gsem, ssem, isem):
    s = lax.axis_index("s")
    sdb = (sd0, sd1, sd2, sd3)
    rows = (rows0, rows1)

    for set_ in range(2):
        _sc_fill(rows[0], K, 0.0)
        for t in range(RPW // K):
            pltpu.sync_copy(rows[0], acc_s.at[pl.ds(s * RPW + t * K, K)])
        plsc.subcore_barrier()

        pltpu.sync_copy(sd_hbm.at[set_, s, 0], sdb[0])
        pltpu.sync_copy(sd_hbm.at[set_, s, 1], sdb[1])
        pltpu.async_copy(sd_hbm.at[set_, s, 2], sdb[2], isem)
        pltpu.async_copy(h_hbm.at[sdb[0].at[0]], rows[0], gsem)
        pltpu.async_copy(h_hbm.at[sdb[1].at[0]], rows[1], gsem)

        def outer(t, _):
            for b in range(4):
                i = 4 * t + b
                rb = rows[b % 2]
                sb = sdb[b]
                pltpu.make_async_copy(h_hbm.at[sb.at[0]], rb, gsem).wait()
                pltpu.sync_copy(rb, acc_s.at[sb.at[1]], add=True)

                @pl.when(i + 3 < CH)
                def _():
                    pltpu.async_copy(sd_hbm.at[set_, s, i + 3],
                                     sdb[(b + 3) % 4], isem)

                @pl.when(i + 2 < CH)
                def _():
                    pltpu.make_async_copy(sd_hbm.at[set_, s, 0],
                                          sdb[(b + 2) % 4], isem).wait()
                    pltpu.async_copy(h_hbm.at[sdb[(b + 2) % 4].at[0]],
                                     rb, gsem)
            return 0

        lax.fori_loop(0, CH // 4, outer, 0)
        plsc.subcore_barrier()

        pltpu.sync_copy(acc_s.at[pl.ds(s * RPW, RPW)],
                        agg_hbm.at[set_, pl.ds(s * RPW, RPW)])
        plsc.subcore_barrier()


def _sc_deg_body(dd_hbm, deg_hbm, dst0, dst1, ones_v, zrow_v, deg_s, isem):
    s = lax.axis_index("s")
    dstb = (dst0, dst1)
    _sc_fill(ones_v, KD, 1.0)
    _sc_fill(zrow_v, ZCH, 0.0)
    for set_ in range(2):
        for t in range(RPW // ZCH):
            pltpu.sync_copy(zrow_v, deg_s.at[pl.ds(s * RPW + t * ZCH, ZCH)])
        plsc.subcore_barrier()

        pltpu.sync_copy(dd_hbm.at[set_, s, 0], dstb[0])
        pltpu.async_copy(dd_hbm.at[set_, s, 1], dstb[1], isem)

        def outer(t, _):
            for b in range(2):
                i = 2 * t + b
                db = dstb[b]

                @pl.when(i > 0)
                def _():
                    pltpu.make_async_copy(dd_hbm.at[set_, s, 0], db,
                                          isem).wait()
                pltpu.sync_copy(ones_v, deg_s.at[db], add=True)

                @pl.when(i + 2 < CHD)
                def _():
                    pltpu.async_copy(dd_hbm.at[set_, s, i + 2], db, isem)
            return 0

        lax.fori_loop(0, CHD // 2, outer, 0)
        plsc.subcore_barrier()
        pltpu.sync_copy(deg_s.at[pl.ds(s * RPW, RPW)],
                        deg_hbm.at[set_, pl.ds(s * RPW, RPW)])
        plsc.subcore_barrier()


@functools.lru_cache(maxsize=None)
def _make_sc_agg(name):
    return pl.kernel(
        _sc_agg_body,
        out_type=jax.ShapeDtypeStruct((2, NPAD, DD), jnp.float32),
        mesh=plsc.VectorSubcoreMesh(**_SC_MESH),
        scratch_types=[
            pltpu.VMEM((2, K), jnp.int32),
            pltpu.VMEM((2, K), jnp.int32),
            pltpu.VMEM((2, K), jnp.int32),
            pltpu.VMEM((2, K), jnp.int32),
            pltpu.VMEM((K, DD), jnp.float32),
            pltpu.VMEM((K, DD), jnp.float32),
            pltpu.VMEM_SHARED((NPAD, DD), jnp.float32),
            pltpu.SemaphoreType.DMA,
            pltpu.SemaphoreType.DMA,
            pltpu.SemaphoreType.DMA,
        ],
        name=name,
    )


@functools.lru_cache(maxsize=None)
def _make_sc_deg():
    return pl.kernel(
        _sc_deg_body,
        out_type=jax.ShapeDtypeStruct((2, NPAD, DD), jnp.float32),
        mesh=plsc.VectorSubcoreMesh(**_SC_MESH),
        scratch_types=[
            pltpu.VMEM((KD,), jnp.int32),
            pltpu.VMEM((KD,), jnp.int32),
            pltpu.VMEM((KD, DD), jnp.float32),
            pltpu.VMEM((ZCH, DD), jnp.float32),
            pltpu.VMEM_SHARED((NPAD, DD), jnp.float32),
            pltpu.SemaphoreType.DMA,
        ],
        name="sc_deg",
    )


def _tanh_proj_body(x_ref, w_ref, o_ref):
    o_ref[...] = jnp.tanh(
        jnp.dot(x_ref[...], w_ref[...], preferred_element_type=jnp.float32))


def _layer_body(agg_ref, deg_ref, h_ref, w_ref, o_ref):
    a = agg_ref[0]
    d = deg_ref[0]
    invd = 1.0 / jnp.clip(d[:, :1], 1.0)
    out = jnp.dot(a * invd, w_ref[...], preferred_element_type=jnp.float32)
    o_ref[...] = jnp.maximum(out, 0.0) + h_ref[...]


def _layer_readout_body(agg_ref, deg_ref, h_ref, w_ref, b_ref, gsum_ref, cnt_ref):
    c = pl.program_id(0)
    i = pl.program_id(1)
    a = agg_ref[0]
    d = deg_ref[0]
    invd = 1.0 / jnp.clip(d[:, :1], 1.0)
    out = jnp.dot(a * invd, w_ref[...], preferred_element_type=jnp.float32)
    h2 = jnp.maximum(out, 0.0) + h_ref[...]

    b = b_ref[0]
    gid = lax.broadcasted_iota(jnp.int32, (GG, BLK), 0)
    onehot = (gid == b).astype(jnp.float32)
    gblk = jnp.dot(onehot, h2, preferred_element_type=jnp.float32)

    @pl.when(i == 0)
    def _():
        gsum_ref[0] = gblk

    @pl.when(i > 0)
    def _():
        gsum_ref[0] += gblk

    @pl.when(jnp.logical_and(c == 0, i == 0))
    def _():
        cnt_ref[...] = jnp.zeros_like(cnt_ref)

    @pl.when(c == 0)
    def _():
        cnt_ref[0, :] += jnp.sum(onehot, axis=1)


def _loss_body(gsum_ref, cnt_ref, o_ref):
    g = gsum_ref[...]
    cnt = jnp.clip(cnt_ref[0], 1.0)
    g1 = g[0] / cnt[:, None]
    g2 = g[1] / cnt[:, None]
    n1 = jnp.sqrt(jnp.sum(g1 * g1, axis=1, keepdims=True))
    n2 = jnp.sqrt(jnp.sum(g2 * g2, axis=1, keepdims=True))
    z1 = g1 / jnp.clip(n1, 1e-12)
    z2 = g2 / jnp.clip(n2, 1e-12)
    dn = (((1,), (1,)), ((), ()))
    s11 = lax.dot_general(z1, z1, dn, preferred_element_type=jnp.float32)
    s22 = lax.dot_general(z2, z2, dn, preferred_element_type=jnp.float32)
    s12 = lax.dot_general(z1, z2, dn, preferred_element_type=jnp.float32)
    e11 = jnp.exp(s11)
    e22 = jnp.exp(s22)
    e12 = jnp.exp(s12)
    r0 = lax.broadcasted_iota(jnp.int32, (GG, GG), 0)
    r1 = lax.broadcasted_iota(jnp.int32, (GG, GG), 1)
    eye = r0 == r1
    zeros = jnp.zeros((GG, GG), jnp.float32)
    d11 = jnp.sum(jnp.where(eye, e11, zeros), axis=1)
    d22 = jnp.sum(jnp.where(eye, e22, zeros), axis=1)
    d12 = jnp.sum(jnp.where(eye, s12, zeros), axis=1)
    x1 = jnp.sum(e11, axis=1) + jnp.sum(e12, axis=1) - d11
    x2 = jnp.sum(e22, axis=1) + jnp.sum(e12, axis=0) - d22
    loss = (jnp.log(x1) - d12) + (jnp.log(x2) - d12)
    o_ref[...] = jnp.mean(loss)[None, None]


_tanh_proj = pl.pallas_call(
    _tanh_proj_body,
    grid=(NBLK,),
    in_specs=[
        pl.BlockSpec((BLK, DD), lambda i: (i, 0)),
        pl.BlockSpec((DD, DD), lambda i: (0, 0)),
    ],
    out_specs=pl.BlockSpec((BLK, DD), lambda i: (i, 0)),
    out_shape=jax.ShapeDtypeStruct((NN, DD), jnp.float32),
)

_layer1 = pl.pallas_call(
    _layer_body,
    grid=(2, NBLK),
    in_specs=[
        pl.BlockSpec((1, BLK, DD), lambda c, i: (c, i, 0)),
        pl.BlockSpec((1, BLK, DD), lambda c, i: (c, i, 0)),
        pl.BlockSpec((BLK, DD), lambda c, i: (i, 0)),
        pl.BlockSpec((DD, DD), lambda c, i: (0, 0)),
    ],
    out_specs=pl.BlockSpec((BLK, DD), lambda c, i: (c * NBLK + i, 0)),
    out_shape=jax.ShapeDtypeStruct((2 * NN, DD), jnp.float32),
)

_layer2_readout = pl.pallas_call(
    _layer_readout_body,
    grid=(2, NBLK),
    in_specs=[
        pl.BlockSpec((1, BLK, DD), lambda c, i: (c, i, 0)),
        pl.BlockSpec((1, BLK, DD), lambda c, i: (c, i, 0)),
        pl.BlockSpec((BLK, DD), lambda c, i: (c * NBLK + i, 0)),
        pl.BlockSpec((DD, DD), lambda c, i: (0, 0)),
        pl.BlockSpec((1, 1, BLK), lambda c, i: (i, 0, 0)),
    ],
    out_specs=[
        pl.BlockSpec((1, GG, DD), lambda c, i: (c, 0, 0)),
        pl.BlockSpec((1, GG), lambda c, i: (0, 0)),
    ],
    out_shape=[
        jax.ShapeDtypeStruct((2, GG, DD), jnp.float32),
        jax.ShapeDtypeStruct((1, GG), jnp.float32),
    ],
)

_loss = pl.pallas_call(
    _loss_body,
    in_specs=[
        pl.BlockSpec((2, GG, DD), lambda: (0, 0, 0)),
        pl.BlockSpec((1, GG), lambda: (0, 0)),
    ],
    out_specs=pl.BlockSpec((1, 1), lambda: (0, 0)),
    out_shape=jax.ShapeDtypeStruct((1, 1), jnp.float32),
)


@jax.jit
def kernel(x, batch_vec, edge_index1, edge_index2, W_lm, W1, W2):
    src1 = edge_index1[0].astype(jnp.int32)
    dst1 = edge_index1[1].astype(jnp.int32)
    src2 = edge_index2[0].astype(jnp.int32)
    dst2 = edge_index2[1].astype(jnp.int32)
    npad_e = EPAD - EE
    pad0 = jnp.zeros((npad_e,), jnp.int32)
    padd = jnp.full((npad_e,), NPAD - 1, jnp.int32)
    srcs = jnp.stack([
        jnp.concatenate([src1, pad0]),
        jnp.concatenate([src2, pad0]),
    ])
    set_off = jnp.array([0, NN], jnp.int32)[:, None]
    dsts = jnp.stack([
        jnp.concatenate([dst1, padd]),
        jnp.concatenate([dst2, padd]),
    ])
    sd_a = jnp.stack([srcs.reshape(2, NSUB, CH, K),
                      dsts.reshape(2, NSUB, CH, K)], axis=3)
    sd_b = jnp.stack([(srcs + set_off).reshape(2, NSUB, CH, K),
                      dsts.reshape(2, NSUB, CH, K)], axis=3)
    dd = dsts.reshape(2, NSUB, CHD, KD)
    batch3d = batch_vec.astype(jnp.int32).reshape(NBLK, 1, BLK)

    deg = _make_sc_deg()(dd)
    h0 = _tanh_proj(x.astype(jnp.float32), W_lm)
    agg1 = _make_sc_agg("sc_agg_a")(h0, sd_a)
    h1 = _layer1(agg1, deg, h0, W1)
    agg2 = _make_sc_agg("sc_agg_b")(h1, sd_b)
    gsum, cnt = _layer2_readout(agg2, deg, h1, W2, batch3d)
    out = _loss(gsum, cnt)
    return out.reshape(())

# --- scband reference (transcript-rebuilt; emitter-appended) ---
"""Pipeline reference for scband-graph-cl-38714835206731 (READ-ONLY COPY).

The authoritative reference and input builder live on the scoring server;
editing this copy changes nothing except your own understanding.
"""

import jax, jax.numpy as jnp
import numpy as np

N = 10000
E = 320000
D = 128
H = 128
G = 256

def setup_inputs(seed: int = 0):
    key = jax.random.key(seed)
    ks = jax.random.split(key, 8)
    x = jax.random.normal(ks[0], (N, D), dtype=jnp.float32)
    batch_vec = jnp.sort(jax.random.randint(ks[1], (N,), 0, G))
    edge_index1 = jax.random.randint(ks[2], (2, E), 0, N)
    edge_index2 = jax.random.randint(ks[3], (2, E), 0, N)
    W_lm = jax.random.normal(ks[4], (D, D), dtype=jnp.float32) * 0.05
    W1 = jax.random.normal(ks[5], (D, H), dtype=jnp.float32) * 0.05
    W2 = jax.random.normal(ks[6], (H, H), dtype=jnp.float32) * 0.05
    return {"x": x, "batch_vec": batch_vec, "edge_index1": edge_index1, "edge_index2": edge_index2, "W_lm": W_lm, "W1": W1, "W2": W2}

def _gnn(h, edge_index, W1, W2):
    src = edge_index[0]
    dst = edge_index[1]
    n = h.shape[0]
    deg = jax.ops.segment_sum(jnp.ones((src.shape[0],), dtype=h.dtype), dst, num_segments=n)
    deg = jnp.clip(deg, 1.0)[:, None]
    for W in (W1, W2):
        agg = jax.ops.segment_sum(h[src], dst, num_segments=n) / deg
        out = jax.nn.relu(agg @ W)
        if out.shape == h.shape:
            out = out + h  # residual=True
        h = out
    return h

def _scatter_mean(v, seg, num_segments):
    s = jax.ops.segment_sum(v, seg, num_segments=num_segments)
    c = jax.ops.segment_sum(jnp.ones((v.shape[0],), dtype=v.dtype), seg, num_segments=num_segments)
    return s / jnp.clip(c, 1.0)[:, None]

def _sim(z1, z2):
    z1 = z1 / jnp.clip(jnp.linalg.norm(z1, axis=1, keepdims=True), 1e-12)
    z2 = z2 / jnp.clip(jnp.linalg.norm(z2, axis=1, keepdims=True), 1e-12)
    return z1 @ z2.T

def _contrastive(z1, z2):
    refl = jnp.exp(_sim(z1, z1))
    between = jnp.exp(_sim(z1, z2))
    x1 = refl.sum(1) + between.sum(1) - jnp.diag(refl)
    return -jnp.log(jnp.diag(between) / x1)

def reference(x, batch_vec, edge_index1, edge_index2, W_lm, W1, W2):
    # lm_model under torch.no_grad -> stop_gradient; modeled as frozen linear+tanh pooling
    token_emb = jax.lax.stop_gradient(jnp.tanh(x @ W_lm))
    gnn1 = _gnn(token_emb, edge_index1, W1, W2)
    g1 = _scatter_mean(gnn1, batch_vec, G)
    gnn2 = _gnn(token_emb, edge_index2, W1, W2)
    g2 = _scatter_mean(gnn2, batch_vec, G)
    loss1 = _contrastive(g1, g2)
    loss2 = _contrastive(g2, g1)
    return (loss1 + loss2).mean()

if __name__ == "__main__":
    import jax
    _d = setup_inputs()
    print(jax.jit(kernel)(*tuple(_d.values())))

</pallas_src>

<mosaic_0001>
#map = affine_map<(d0, d1) -> (0, 0)>
#map1 = affine_map<(d0, d1) -> (0, 0, 0, 0, 0)>
#map2 = affine_map<(d0, d1) -> (0, 0, 0)>
module attributes {stable_mosaic.version = 14 : i64} {
  func.func @sc_agg_b(%arg0: i32, %arg1: i32, %arg2: memref<20000x128xf32, #tpu.memory_space<hbm>>, %arg3: memref<2x16x160x2x128xi32, #tpu.memory_space<hbm>>, %arg4: memref<2x10240x128xf32, #tpu.memory_space<hbm>>, %arg5: memref<2x128xi32, #tpu.memory_space<vmem>>, %arg6: memref<2x128xi32, #tpu.memory_space<vmem>>, %arg7: memref<2x128xi32, #tpu.memory_space<vmem>>, %arg8: memref<2x128xi32, #tpu.memory_space<vmem>>, %arg9: memref<128x128xf32, #tpu.memory_space<vmem>>, %arg10: memref<128x128xf32, #tpu.memory_space<vmem>>, %arg11: memref<10240x128xf32, #tpu.memory_space<vmem_shared>>, %arg12: memref<!tpu.dma_semaphore, #tpu.memory_space<semaphore_mem>>, %arg13: memref<!tpu.dma_semaphore, #tpu.memory_space<semaphore_mem>>, %arg14: memref<!tpu.dma_semaphore, #tpu.memory_space<semaphore_mem>>) attributes {dimension_semantics = [#tpu.dimension_semantics<core_parallel>, #tpu.dimension_semantics<subcore_parallel>], iteration_bounds = array<i64: 1, 16>, scalar_prefetch = 0 : i64, scratch_operands = 10 : i64, tpu.core_type = #tpu.core_type<sc_vector_subcore>, window_params = [{transform_indices = #map}, {transform_indices = #map1}, {transform_indices = #map2}]} {
    %broadcast_in_dim3A = arith.constant 0.000000e+00 : f32
    %broadcast_in_dim3A_0 = vector.broadcast %broadcast_in_dim3A : f32 to vector<16xf32>
    %scan3A = arith.constant 0 : i32
    %scan3A_1 = arith.constant 0 : i32
    %scan3A_2 = arith.constant 128 : i32
    %scan3A_3 = arith.addi %scan3A_1, %scan3A_2 : i32
    %scan3A_4 = arith.constant 1 : i32
    %scan3A_5 = scf.for %scan3A_137 = %scan3A_1 to %scan3A_3 step %scan3A_4 iter_args(%scan3A_138 = %scan3A) -> (i32)  : i32 {
      %scan3A_139 = arith.constant 0 : i32
      %scan3A_140 = arith.constant 0 : i32
      %scan3A_141 = arith.constant 8 : i32
      %scan3A_142 = arith.addi %scan3A_140, %scan3A_141 : i32
      %scan3A_143 = arith.constant 1 : i32
      %scan3A_144 = scf.for %scan3A_146 = %scan3A_140 to %scan3A_142 step %scan3A_143 iter_args(%scan3A_147 = %scan3A_139) -> (i32)  : i32 {
        %mul3A_148 = arith.constant 16 : i32
        %mul3A_149 = arith.muli %scan3A_146, %mul3A_148 : i32
        %swap3A = arith.index_cast %scan3A_137 : i32 to index
        %swap3A_150 = arith.index_cast %mul3A_149 : i32 to index
        %swap3A_151 = tpu.vector_load %arg9[%swap3A, %swap3A_150] {strides = array<i32>} : memref<128x128xf32, #tpu.memory_space<vmem>>, vector<1x16xf32>,
        %swap3A_152 = vector.shape_cast %swap3A_151 : vector<1x16xf32> to vector<16xf32>
        %swap3A_153 = vector.shape_cast %broadcast_in_dim3A_0 : vector<16xf32> to vector<1x16xf32>
        tpu.vector_store %arg9[%swap3A, %swap3A_150], %swap3A_153 {strides = array<i32>} : memref<128x128xf32, #tpu.memory_space<vmem>>, vector<1x16xf32>,
        %scan3A_154 = arith.constant 0 : i32
        scf.yield %scan3A_154 : i32
      }
      %scan3A_145 = arith.constant 8 : i32
      scf.yield %scan3A_144 : i32
    }
    %scan3A_6 = arith.constant 128 : i32
    %mul3A = arith.constant 640 : i32
    %mul3A_7 = arith.muli %arg1, %mul3A : i32
    %add3A = arith.constant 0 : i32
    %add3A_8 = arith.addi %mul3A_7, %add3A : i32
    "tpu.region"() ({
      %run_scoped3A_137 = tpu.sem_alloc : memref<!tpu.dma_semaphore, #tpu.memory_space<semaphore_mem>>
      %dma_start3A_138 = arith.constant 0 : i32
      %dma_start3A_139 = tpu.memref_slice %arg11[%add3A_8, %dma_start3A_138] : memref<10240x128xf32, #tpu.memory_space<vmem_shared>> -> memref<128x128xf32, #tpu.memory_space<vmem_shared>>
      %dma_start3A_140 = arith.constant 0 : i32
      %dma_start3A_141 = tpu.memref_slice %arg11[%add3A_8, %dma_start3A_140] : memref<10240x128xf32, #tpu.memory_space<vmem_shared>> -> memref<128x128xf32, #tpu.memory_space<vmem_shared>>
      tpu.enqueue_dma source(%arg9 : memref<128x128xf32, #tpu.memory_space<vmem>>) target(%dma_start3A_141 : memref<128x128xf32, #tpu.memory_space<vmem_shared>>) target_semaphore(%run_scoped3A_137 : memref<!tpu.dma_semaphore, #tpu.memory_space<semaphore_mem>>)
      %dma_wait3A = arith.constant 0 : i32
      %dma_wait3A_142 = tpu.memref_slice %arg11[%add3A_8, %dma_wait3A] : memref<10240x128xf32, #tpu.memory_space<vmem_shared>> -> memref<128x128xf32, #tpu.memory_space<vmem_shared>>
      %dma_wait3A_143 = arith.constant 0 : i32
      %dma_wait3A_144 = tpu.memref_slice %arg11[%add3A_8, %dma_wait3A_143] : memref<10240x128xf32, #tpu.memory_space<vmem_shared>> -> memref<128x128xf32, #tpu.memory_space<vmem_shared>>
      tpu.wait_dma2 semaphore(%run_scoped3A_137 : memref<!tpu.dma_semaphore, #tpu.memory_space<semaphore_mem>>) src(%arg9 : memref<128x128xf32, #tpu.memory_space<vmem>>) dst(%dma_wait3A_144 : memref<128x128xf32, #tpu.memory_space<vmem_shared>>)
      tpu.yield
    }) : () -> ()
    %mul3A_9 = arith.constant 640 : i32
    %mul3A_10 = arith.muli %arg1, %mul3A_9 : i32
    %add3A_11 = arith.constant 128 : i32
    %add3A_12 = arith.addi %mul3A_10, %add3A_11 : i32
    "tpu.region"() ({
      %run_scoped3A_137 = tpu.sem_alloc : memref<!tpu.dma_semaphore, #tpu.memory_space<semaphore_mem>>
      %dma_start3A_138 = arith.constant 0 : i32
      %dma_start3A_139 = tpu.memref_slice %arg11[%add3A_12, %dma_start3A_138] : memref<10240x128xf32, #tpu.memory_space<vmem_shared>> -> memref<128x128xf32, #tpu.memory_space<vmem_shared>>
      %dma_start3A_140 = arith.constant 0 : i32
      %dma_start3A_141 = tpu.memref_slice %arg11[%add3A_12, %dma_start3A_140] : memref<10240x128xf32, #tpu.memory_space<vmem_shared>> -> memref<128x128xf32, #tpu.memory_space<vmem_shared>>
      tpu.enqueue_dma source(%arg9 : memref<128x128xf32, #tpu.memory_space<vmem>>) target(%dma_start3A_141 : memref<128x128xf32, #tpu.memory_space<vmem_shared>>) target_semaphore(%run_scoped3A_137 : memref<!tpu.dma_semaphore, #tpu.memory_space<semaphore_mem>>)
      %dma_wait3A = arith.constant 0 : i32
      %dma_wait3A_142 = tpu.memref_slice %arg11[%add3A_12, %dma_wait3A] : memref<10240x128xf32, #tpu.memory_space<vmem_shared>> -> memref<128x128xf32, #tpu.memory_space<vmem_shared>>
      %dma_wait3A_143 = arith.constant 0 : i32
      %dma_wait3A_144 = tpu.memref_slice %arg11[%add3A_12, %dma_wait3A_143] : memref<10240x128xf32, #tpu.memory_space<vmem_shared>> -> memref<128x128xf32, #tpu.memory_space<vmem_shared>>
      tpu.wait_dma2 semaphore(%run_scoped3A_137 : memref<!tpu.dma_semaphore, #tpu.memory_space<semaphore_mem>>) src(%arg9 : memref<128x128xf32, #tpu.memory_space<vmem>>) dst(%dma_wait3A_144 : memref<128x128xf32, #tpu.memory_space<vmem_shared>>)
      tpu.yield
    }) : () -> ()
    %mul3A_13 = arith.constant 640 : i32
    %mul3A_14 = arith.muli %arg1, %mul3A_13 : i32
    %add3A_15 = arith.constant 256 : i32
    %add3A_16 = arith.addi %mul3A_14, %add3A_15 : i32
    "tpu.region"() ({
      %run_scoped3A_137 = tpu.sem_alloc : memref<!tpu.dma_semaphore, #tpu.memory_space<semaphore_mem>>
      %dma_start3A_138 = arith.constant 0 : i32
      %dma_start3A_139 = tpu.memref_slice %arg11[%add3A_16, %dma_start3A_138] : memref<10240x128xf32, #tpu.memory_space<vmem_shared>> -> memref<128x128xf32, #tpu.memory_space<vmem_shared>>
      %dma_start3A_140 = arith.constant 0 : i32
      %dma_start3A_141 = tpu.memref_slice %arg11[%add3A_16, %dma_start3A_140] : memref<10240x128xf32, #tpu.memory_space<vmem_shared>> -> memref<128x128xf32, #tpu.memory_space<vmem_shared>>
      tpu.enqueue_dma source(%arg9 : memref<128x128xf32, #tpu.memory_space<vmem>>) target(%dma_start3A_141 : memref<128x128xf32, #tpu.memory_space<vmem_shared>>) target_semaphore(%run_scoped3A_137 : memref<!tpu.dma_semaphore, #tpu.memory_space<semaphore_mem>>)
      %dma_wait3A = arith.constant 0 : i32
      %dma_wait3A_142 = tpu.memref_slice %arg11[%add3A_16, %dma_wait3A] : memref<10240x128xf32, #tpu.memory_space<vmem_shared>> -> memref<128x128xf32, #tpu.memory_space<vmem_shared>>
      %dma_wait3A_143 = arith.constant 0 : i32
      %dma_wait3A_144 = tpu.memref_slice %arg11[%add3A_16, %dma_wait3A_143] : memref<10240x128xf32, #tpu.memory_space<vmem_shared>> -> memref<128x128xf32, #tpu.memory_space<vmem_shared>>
      tpu.wait_dma2 semaphore(%run_scoped3A_137 : memref<!tpu.dma_semaphore, #tpu.memory_space<semaphore_mem>>) src(%arg9 : memref<128x128xf32, #tpu.memory_space<vmem>>) dst(%dma_wait3A_144 : memref<128x128xf32, #tpu.memory_space<vmem_shared>>)
      tpu.yield
    }) : () -> ()
    %mul3A_17 = arith.constant 640 : i32
    %mul3A_18 = arith.muli %arg1, %mul3A_17 : i32
    %add3A_19 = arith.constant 384 : i32
    %add3A_20 = arith.addi %mul3A_18, %add3A_19 : i32
    "tpu.region"() ({
      %run_scoped3A_137 = tpu.sem_alloc : memref<!tpu.dma_semaphore, #tpu.memory_space<semaphore_mem>>
      %dma_start3A_138 = arith.constant 0 : i32
      %dma_start3A_139 = tpu.memref_slice %arg11[%add3A_20, %dma_start3A_138] : memref<10240x128xf32, #tpu.memory_space<vmem_shared>> -> memref<128x128xf32, #tpu.memory_space<vmem_shared>>
      %dma_start3A_140 = arith.constant 0 : i32
      %dma_start3A_141 = tpu.memref_slice %arg11[%add3A_20, %dma_start3A_140] : memref<10240x128xf32, #tpu.memory_space<vmem_shared>> -> memref<128x128xf32, #tpu.memory_space<vmem_shared>>
      tpu.enqueue_dma source(%arg9 : memref<128x128xf32, #tpu.memory_space<vmem>>) target(%dma_start3A_141 : memref<128x128xf32, #tpu.memory_space<vmem_shared>>) target_semaphore(%run_scoped3A_137 : memref<!tpu.dma_semaphore, #tpu.memory_space<semaphore_mem>>)
      %dma_wait3A = arith.constant 0 : i32
      %dma_wait3A_142 = tpu.memref_slice %arg11[%add3A_20, %dma_wait3A] : memref<10240x128xf32, #tpu.memory_space<vmem_shared>> -> memref<128x128xf32, #tpu.memory_space<vmem_shared>>
      %dma_wait3A_143 = arith.constant 0 : i32
      %dma_wait3A_144 = tpu.memref_slice %arg11[%add3A_20, %dma_wait3A_143] : memref<10240x128xf32, #tpu.memory_space<vmem_shared>> -> memref<128x128xf32, #tpu.memory_space<vmem_shared>>
      tpu.wait_dma2 semaphore(%run_scoped3A_137 : memref<!tpu.dma_semaphore, #tpu.memory_space<semaphore_mem>>) src(%arg9 : memref<128x128xf32, #tpu.memory_space<vmem>>) dst(%dma_wait3A_144 : memref<128x128xf32, #tpu.memory_space<vmem_shared>>)
      tpu.yield
    }) : () -> ()
    %mul3A_21 = arith.constant 640 : i32
    %mul3A_22 = arith.muli %arg1, %mul3A_21 : i32
    %add3A_23 = arith.constant 512 : i32
    %add3A_24 = arith.addi %mul3A_22, %add3A_23 : i32
    "tpu.region"() ({
      %run_scoped3A_137 = tpu.sem_alloc : memref<!tpu.dma_semaphore, #tpu.memory_space<semaphore_mem>>
      %dma_start3A_138 = arith.constant 0 : i32
      %dma_start3A_139 = tpu.memref_slice %arg11[%add3A_24, %dma_start3A_138] : memref<10240x128xf32, #tpu.memory_space<vmem_shared>> -> memref<128x128xf32, #tpu.memory_space<vmem_shared>>
      %dma_start3A_140 = arith.constant 0 : i32
      %dma_start3A_141 = tpu.memref_slice %arg11[%add3A_24, %dma_start3A_140] : memref<10240x128xf32, #tpu.memory_space<vmem_shared>> -> memref<128x128xf32, #tpu.memory_space<vmem_shared>>
      tpu.enqueue_dma source(%arg9 : memref<128x128xf32, #tpu.memory_space<vmem>>) target(%dma_start3A_141 : memref<128x128xf32, #tpu.memory_space<vmem_shared>>) target_semaphore(%run_scoped3A_137 : memref<!tpu.dma_semaphore, #tpu.memory_space<semaphore_mem>>)
      %dma_wait3A = arith.constant 0 : i32
      %dma_wait3A_142 = tpu.memref_slice %arg11[%add3A_24, %dma_wait3A] : memref<10240x128xf32, #tpu.memory_space<vmem_shared>> -> memref<128x128xf32, #tpu.memory_space<vmem_shared>>
      %dma_wait3A_143 = arith.constant 0 : i32
      %dma_wait3A_144 = tpu.memref_slice %arg11[%add3A_24, %dma_wait3A_143] : memref<10240x128xf32, #tpu.memory_space<vmem_shared>> -> memref<128x128xf32, #tpu.memory_space<vmem_shared>>
      tpu.wait_dma2 semaphore(%run_scoped3A_137 : memref<!tpu.dma_semaphore, #tpu.memory_space<semaphore_mem>>) src(%arg9 : memref<128x128xf32, #tpu.memory_space<vmem>>) dst(%dma_wait3A_144 : memref<128x128xf32, #tpu.memory_space<vmem_shared>>)
      tpu.yield
    }) : () -> ()
    %barrier3A = arith.constant 0 : index
    tpu.barrier barrier_id(%barrier3A)
    %run_scoped3A = arith.constant 0 : i32
    %run_scoped3A_25 = arith.constant 0 : i32
    "tpu.region"() ({
      %run_scoped3A_137 = tpu.sem_alloc : memref<!tpu.dma_semaphore, #tpu.memory_space<semaphore_mem>>
      %dma_start3A_138 = arith.constant 0 : i32
      %dma_start3A_139 = arith.constant 0 : i32
      %dma_start3A_140 = tpu.memref_slice %arg3[%run_scoped3A, %arg1, %run_scoped3A_25, %dma_start3A_138, %dma_start3A_139] : memref<2x16x160x2x128xi32, #tpu.memory_space<hbm>> -> memref<1x1x1x2x128xi32, #tpu.memory_space<hbm>>
      %dma_start3A_141 = tpu.memref_squeeze %dma_start3A_140 : memref<1x1x1x2x128xi32, #tpu.memory_space<hbm>> -> memref<2x128xi32, #tpu.memory_space<hbm>>
      %dma_start3A_142 = arith.constant 0 : i32
      %dma_start3A_143 = arith.constant 0 : i32
      %dma_start3A_144 = tpu.memref_slice %arg3[%run_scoped3A, %arg1, %run_scoped3A_25, %dma_start3A_142, %dma_start3A_143] : memref<2x16x160x2x128xi32, #tpu.memory_space<hbm>> -> memref<1x1x1x2x128xi32, #tpu.memory_space<hbm>>
      %dma_start3A_145 = tpu.memref_squeeze %dma_start3A_144 : memref<1x1x1x2x128xi32, #tpu.memory_space<hbm>> -> memref<2x128xi32, #tpu.memory_space<hbm>>
      tpu.enqueue_dma source(%dma_start3A_145 : memref<2x128xi32, #tpu.memory_space<hbm>>) target(%arg5 : memref<2x128xi32, #tpu.memory_space<vmem>>) target_semaphore(%run_scoped3A_137 : memref<!tpu.dma_semaphore, #tpu.memory_space<semaphore_mem>>)
      %dma_wait3A = arith.constant 0 : i32
      %dma_wait3A_146 = arith.constant 0 : i32
      %dma_wait3A_147 = tpu.memref_slice %arg3[%run_scoped3A, %arg1, %run_scoped3A_25, %dma_wait3A, %dma_wait3A_146] : memref<2x16x160x2x128xi32, #tpu.memory_space<hbm>> -> memref<1x1x1x2x128xi32, #tpu.memory_space<hbm>>
      %dma_wait3A_148 = tpu.memref_squeeze %dma_wait3A_147 : memref<1x1x1x2x128xi32, #tpu.memory_space<hbm>> -> memref<2x128xi32, #tpu.memory_space<hbm>>
      %dma_wait3A_149 = arith.constant 0 : i32
      %dma_wait3A_150 = arith.constant 0 : i32
      %dma_wait3A_151 = tpu.memref_slice %arg3[%run_scoped3A, %arg1, %run_scoped3A_25, %dma_wait3A_149, %dma_wait3A_150] : memref<2x16x160x2x128xi32, #tpu.memory_space<hbm>> -> memref<1x1x1x2x128xi32, #tpu.memory_space<hbm>>
      %dma_wait3A_152 = tpu.memref_squeeze %dma_wait3A_151 : memref<1x1x1x2x128xi32, #tpu.memory_space<hbm>> -> memref<2x128xi32, #tpu.memory_space<hbm>>
      tpu.wait_dma2 semaphore(%run_scoped3A_137 : memref<!tpu.dma_semaphore, #tpu.memory_space<semaphore_mem>>) src(%dma_wait3A_152 : memref<2x128xi32, #tpu.memory_space<hbm>>) dst(%arg5 : memref<2x128xi32, #tpu.memory_space<vmem>>)
      tpu.yield
    }) : () -> ()
    %run_scoped3A_26 = arith.constant 0 : i32
    %run_scoped3A_27 = arith.constant 1 : i32
    "tpu.region"() ({
      %run_scoped3A_137 = tpu.sem_alloc : memref<!tpu.dma_semaphore, #tpu.memory_space<semaphore_mem>>
      %dma_start3A_138 = arith.constant 0 : i32
      %dma_start3A_139 = arith.constant 0 : i32
      %dma_start3A_140 = tpu.memref_slice %arg3[%run_scoped3A_26, %arg1, %run_scoped3A_27, %dma_start3A_138, %dma_start3A_139] : memref<2x16x160x2x128xi32, #tpu.memory_space<hbm>> -> memref<1x1x1x2x128xi32, #tpu.memory_space<hbm>>
      %dma_start3A_141 = tpu.memref_squeeze %dma_start3A_140 : memref<1x1x1x2x128xi32, #tpu.memory_space<hbm>> -> memref<2x128xi32, #tpu.memory_space<hbm>>
      %dma_start3A_142 = arith.constant 0 : i32
      %dma_start3A_143 = arith.constant 0 : i32
      %dma_start3A_144 = tpu.memref_slice %arg3[%run_scoped3A_26, %arg1, %run_scoped3A_27, %dma_start3A_142, %dma_start3A_143] : memref<2x16x160x2x128xi32, #tpu.memory_space<hbm>> -> memref<1x1x1x2x128xi32, #tpu.memory_space<hbm>>
      %dma_start3A_145 = tpu.memref_squeeze %dma_start3A_144 : memref<1x1x1x2x128xi32, #tpu.memory_space<hbm>> -> memref<2x128xi32, #tpu.memory_space<hbm>>
      tpu.enqueue_dma source(%dma_start3A_145 : memref<2x128xi32, #tpu.memory_space<hbm>>) target(%arg6 : memref<2x128xi32, #tpu.memory_space<vmem>>) target_semaphore(%run_scoped3A_137 : memref<!tpu.dma_semaphore, #tpu.memory_space<semaphore_mem>>)
      %dma_wait3A = arith.constant 0 : i32
      %dma_wait3A_146 = arith.constant 0 : i32
      %dma_wait3A_147 = tpu.memref_slice %arg3[%run_scoped3A_26, %arg1, %run_scoped3A_27, %dma_wait3A, %dma_wait3A_146] : memref<2x16x160x2x128xi32, #tpu.memory_space<hbm>> -> memref<1x1x1x2x128xi32, #tpu.memory_space<hbm>>
      %dma_wait3A_148 = tpu.memref_squeeze %dma_wait3A_147 : memref<1x1x1x2x128xi32, #tpu.memory_space<hbm>> -> memref<2x128xi32, #tpu.memory_space<hbm>>
      %dma_wait3A_149 = arith.constant 0 : i32
      %dma_wait3A_150 = arith.constant 0 : i32
      %dma_wait3A_151 = tpu.memref_slice %arg3[%run_scoped3A_26, %arg1, %run_scoped3A_27, %dma_wait3A_149, %dma_wait3A_150] : memref<2x16x160x2x128xi32, #tpu.memory_space<hbm>> -> memref<1x1x1x2x128xi32, #tpu.memory_space<hbm>>
      %dma_wait3A_152 = tpu.memref_squeeze %dma_wait3A_151 : memref<1x1x1x2x128xi32, #tpu.memory_space<hbm>> -> memref<2x128xi32, #tpu.memory_space<hbm>>
      tpu.wait_dma2 semaphore(%run_scoped3A_137 : memref<!tpu.dma_semaphore, #tpu.memory_space<semaphore_mem>>) src(%dma_wait3A_152 : memref<2x128xi32, #tpu.memory_space<hbm>>) dst(%arg6 : memref<2x128xi32, #tpu.memory_space<vmem>>)
      tpu.yield
    }) : () -> ()
    %dma_start3A = arith.constant 0 : i32
    %dma_start3A_28 = arith.constant 2 : i32
    %dma_start3A_29 = arith.constant 0 : i32
    %dma_start3A_30 = arith.constant 0 : i32
    %dma_start3A_31 = tpu.memref_slice %arg3[%dma_start3A, %arg1, %dma_start3A_28, %dma_start3A_29, %dma_start3A_30] : memref<2x16x160x2x128xi32, #tpu.memory_space<hbm>> -> memref<1x1x1x2x128xi32, #tpu.memory_space<hbm>>
    %dma_start3A_32 = tpu.memref_squeeze %dma_start3A_31 : memref<1x1x1x2x128xi32, #tpu.memory_space<hbm>> -> memref<2x128xi32, #tpu.memory_space<hbm>>
    %dma_start3A_33 = arith.constant 0 : i32
    %dma_start3A_34 = arith.constant 0 : i32
    %dma_start3A_35 = tpu.memref_slice %arg3[%dma_start3A, %arg1, %dma_start3A_28, %dma_start3A_33, %dma_start3A_34] : memref<2x16x160x2x128xi32, #tpu.memory_space<hbm>> -> memref<1x1x1x2x128xi32, #tpu.memory_space<hbm>>
    %dma_start3A_36 = tpu.memref_squeeze %dma_start3A_35 : memref<1x1x1x2x128xi32, #tpu.memory_space<hbm>> -> memref<2x128xi32, #tpu.memory_space<hbm>>
    tpu.enqueue_dma source(%dma_start3A_36 : memref<2x128xi32, #tpu.memory_space<hbm>>) target(%arg7 : memref<2x128xi32, #tpu.memory_space<vmem>>) target_semaphore(%arg14 : memref<!tpu.dma_semaphore, #tpu.memory_space<semaphore_mem>>)
    %dma_start3A_37 = arith.constant 0 : i32
    %dma_start3A_38 = arith.constant 0 : i32
    %dma_start3A_39 = tpu.memref_slice %arg5[%dma_start3A_37, %dma_start3A_38] : memref<2x128xi32, #tpu.memory_space<vmem>> -> memref<1x128xi32, #tpu.memory_space<vmem>>
    %dma_start3A_40 = tpu.memref_squeeze %dma_start3A_39 : memref<1x128xi32, #tpu.memory_space<vmem>> -> memref<128xi32, #tpu.memory_space<vmem>>
    %dma_start3A_41 = arith.constant 0 : i32
    %dma_start3A_42 = arith.constant 0 : i32
    %dma_start3A_43 = tpu.memref_slice %arg2[%dma_start3A_41, %dma_start3A_42] : memref<20000x128xf32, #tpu.memory_space<hbm>> -> memref<20000x128xf32, #tpu.memory_space<hbm>>
    tpu.enqueue_indirect_dma source(%dma_start3A_43 : memref<20000x128xf32, #tpu.memory_space<hbm>>) target(%arg9 : memref<128x128xf32, #tpu.memory_space<vmem>>) offsets(%dma_start3A_40 : memref<128xi32, #tpu.memory_space<vmem>>) semaphore(%arg12 : memref<!tpu.dma_semaphore, #tpu.memory_space<semaphore_mem>>)
    %dma_start3A_44 = arith.constant 0 : i32
    %dma_start3A_45 = arith.constant 0 : i32
    %dma_start3A_46 = tpu.memref_slice %arg6[%dma_start3A_44, %dma_start3A_45] : memref<2x128xi32, #tpu.memory_space<vmem>> -> memref<1x128xi32, #tpu.memory_space<vmem>>
    %dma_start3A_47 = tpu.memref_squeeze %dma_start3A_46 : memref<1x128xi32, #tpu.memory_space<vmem>> -> memref<128xi32, #tpu.memory_space<vmem>>
    %dma_start3A_48 = arith.constant 0 : i32
    %dma_start3A_49 = arith.constant 0 : i32
    %dma_start3A_50 = tpu.memref_slice %arg2[%dma_start3A_48, %dma_start3A_49] : memref<20000x128xf32, #tpu.memory_space<hbm>> -> memref<20000x128xf32, #tpu.memory_space<hbm>>
    tpu.enqueue_indirect_dma source(%dma_start3A_50 : memref<20000x128xf32, #tpu.memory_space<hbm>>) target(%arg10 : memref<128x128xf32, #tpu.memory_space<vmem>>) offsets(%dma_start3A_47 : memref<128xi32, #tpu.memory_space<vmem>>) semaphore(%arg12 : memref<!tpu.dma_semaphore, #tpu.memory_space<semaphore_mem>>)
    %scan3A_51 = arith.constant 0 : i32
    %scan3A_52 = arith.constant 0 : i32
    %scan3A_53 = arith.constant 40 : i32
    %scan3A_54 = arith.addi %scan3A_52, %scan3A_53 : i32
    %scan3A_55 = arith.constant 1 : i32
    %scan3A_56 = scf.for %scan3A_137 = %scan3A_52 to %scan3A_54 step %scan3A_55 iter_args(%scan3A_138 = %scan3A_51) -> (i32)  : i32 {
      %mul3A_139 = arith.constant 4 : i32
      %mul3A_140 = arith.muli %mul3A_139, %scan3A_137 : i32
      %add3A_141 = arith.constant 0 : i32
      %add3A_142 = arith.addi %mul3A_140, %add3A_141 : i32
      %dma_wait3A = arith.constant 0 : i32
      %dma_wait3A_143 = arith.constant 0 : i32
      %dma_wait3A_144 = tpu.memref_slice %arg5[%dma_wait3A, %dma_wait3A_143] : memref<2x128xi32, #tpu.memory_space<vmem>> -> memref<1x128xi32, #tpu.memory_space<vmem>>
      %dma_wait3A_145 = tpu.memref_squeeze %dma_wait3A_144 : memref<1x128xi32, #tpu.memory_space<vmem>> -> memref<128xi32, #tpu.memory_space<vmem>>
      %dma_wait3A_146 = arith.constant 0 : i32
      %dma_wait3A_147 = arith.constant 0 : i32
      %dma_wait3A_148 = tpu.memref_slice %arg2[%dma_wait3A_146, %dma_wait3A_147] : memref<20000x128xf32, #tpu.memory_space<hbm>> -> memref<20000x128xf32, #tpu.memory_space<hbm>>
      tpu.wait_indirect_dma semaphore(%arg12 : memref<!tpu.dma_semaphore, #tpu.memory_space<semaphore_mem>>) src(%dma_wait3A_148 : memref<20000x128xf32, #tpu.memory_space<hbm>>) dst(%arg9 : memref<128x128xf32, #tpu.memory_space<vmem>>)
      %run_scoped3A_149 = arith.constant 1 : i32
      "tpu.region"() ({
        %run_scoped3A_240 = tpu.sem_alloc : memref<!tpu.dma_semaphore, #tpu.memory_space<semaphore_mem>>
        %dma_start3A_241 = arith.constant 0 : i32
        %dma_start3A_242 = tpu.memref_slice %arg5[%run_scoped3A_149, %dma_start3A_241] : memref<2x128xi32, #tpu.memory_space<vmem>> -> memref<1x128xi32, #tpu.memory_space<vmem>>
        %dma_start3A_243 = tpu.memref_squeeze %dma_start3A_242 : memref<1x128xi32, #tpu.memory_space<vmem>> -> memref<128xi32, #tpu.memory_space<vmem>>
        %dma_start3A_244 = arith.constant 0 : i32
        %dma_start3A_245 = arith.constant 0 : i32
        %dma_start3A_246 = tpu.memref_slice %arg11[%dma_start3A_244, %dma_start3A_245] : memref<10240x128xf32, #tpu.memory_space<vmem_shared>> -> memref<10240x128xf32, #tpu.memory_space<vmem_shared>>
        tpu.enqueue_indirect_dma source(%arg9 : memref<128x128xf32, #tpu.memory_space<vmem>>) target(%dma_start3A_246 : memref<10240x128xf32, #tpu.memory_space<vmem_shared>>) offsets(%dma_start3A_243 : memref<128xi32, #tpu.memory_space<vmem>>) semaphore(%run_scoped3A_240 : memref<!tpu.dma_semaphore, #tpu.memory_space<semaphore_mem>>) {add = true}
        %dma_wait3A_247 = arith.constant 0 : i32
        %dma_wait3A_248 = tpu.memref_slice %arg5[%run_scoped3A_149, %dma_wait3A_247] : memref<2x128xi32, #tpu.memory_space<vmem>> -> memref<1x128xi32, #tpu.memory_space<vmem>>
        %dma_wait3A_249 = tpu.memref_squeeze %dma_wait3A_248 : memref<1x128xi32, #tpu.memory_space<vmem>> -> memref<128xi32, #tpu.memory_space<vmem>>
        %dma_wait3A_250 = arith.constant 0 : i32
        %dma_wait3A_251 = arith.constant 0 : i32
        %dma_wait3A_252 = tpu.memref_slice %arg11[%dma_wait3A_250, %dma_wait3A_251] : memref<10240x128xf32, #tpu.memory_space<vmem_shared>> -> memref<10240x128xf32, #tpu.memory_space<vmem_shared>>
        tpu.wait_indirect_dma semaphore(%run_scoped3A_240 : memref<!tpu.dma_semaphore, #tpu.memory_space<semaphore_mem>>) src(%arg9 : memref<128x128xf32, #tpu.memory_space<vmem>>) dst(%dma_wait3A_252 : memref<10240x128xf32, #tpu.memory_space<vmem_shared>>)
        tpu.yield
      }) : () -> ()
      %add3A_150 = arith.constant 3 : i32
      %add3A_151 = arith.addi %add3A_142, %add3A_150 : i32
      %lt3A = arith.constant 160 : i32
      %lt3A_152 = arith.cmpi slt, %add3A_151, %lt3A : i32
      %convert_element_type3A = arith.extui %lt3A_152 : i1 to i32
      %cond3A = arith.constant 0 : i32
      %cond3A_153 = arith.cmpi ne, %convert_element_type3A, %cond3A : i32
      scf.if %cond3A_153 {
        %add3A_240 = arith.constant 3 : i32
        %add3A_241 = arith.addi %add3A_142, %add3A_240 : i32
        %dma_start3A_242 = arith.constant 0 : i32
        %dma_start3A_243 = arith.constant 0 : i32
        %dma_start3A_244 = arith.constant 0 : i32
        %dma_start3A_245 = tpu.memref_slice %arg3[%dma_start3A_242, %arg1, %add3A_241, %dma_start3A_243, %dma_start3A_244] : memref<2x16x160x2x128xi32, #tpu.memory_space<hbm>> -> memref<1x1x1x2x128xi32, #tpu.memory_space<hbm>>
        %dma_start3A_246 = tpu.memref_squeeze %dma_start3A_245 : memref<1x1x1x2x128xi32, #tpu.memory_space<hbm>> -> memref<2x128xi32, #tpu.memory_space<hbm>>
        %dma_start3A_247 = arith.constant 0 : i32
        %dma_start3A_248 = arith.constant 0 : i32
        %dma_start3A_249 = tpu.memref_slice %arg3[%dma_start3A_242, %arg1, %add3A_241, %dma_start3A_247, %dma_start3A_248] : memref<2x16x160x2x128xi32, #tpu.memory_space<hbm>> -> memref<1x1x1x2x128xi32, #tpu.memory_space<hbm>>
        %dma_start3A_250 = tpu.memref_squeeze %dma_start3A_249 : memref<1x1x1x2x128xi32, #tpu.memory_space<hbm>> -> memref<2x128xi32, #tpu.memory_space<hbm>>
        tpu.enqueue_dma source(%dma_start3A_250 : memref<2x128xi32, #tpu.memory_space<hbm>>) target(%arg8 : memref<2x128xi32, #tpu.memory_space<vmem>>) target_semaphore(%arg14 : memref<!tpu.dma_semaphore, #tpu.memory_space<semaphore_mem>>)
      } else {
      }
      %add3A_154 = arith.constant 2 : i32
      %add3A_155 = arith.addi %add3A_142, %add3A_154 : i32
      %lt3A_156 = arith.constant 160 : i32
      %lt3A_157 = arith.cmpi slt, %add3A_155, %lt3A_156 : i32
      %convert_element_type3A_158 = arith.extui %lt3A_157 : i1 to i32
      %cond3A_159 = arith.constant 0 : i32
      %cond3A_160 = arith.cmpi ne, %convert_element_type3A_158, %cond3A_159 : i32
      scf.if %cond3A_160 {
        %dma_wait3A_240 = arith.constant 0 : i32
        %dma_wait3A_241 = arith.constant 0 : i32
        %dma_wait3A_242 = arith.constant 0 : i32
        %dma_wait3A_243 = arith.constant 0 : i32
        %dma_wait3A_244 = tpu.memref_slice %arg3[%dma_wait3A_240, %arg1, %dma_wait3A_241, %dma_wait3A_242, %dma_wait3A_243] : memref<2x16x160x2x128xi32, #tpu.memory_space<hbm>> -> memref<1x1x1x2x128xi32, #tpu.memory_space<hbm>>
        %dma_wait3A_245 = tpu.memref_squeeze %dma_wait3A_244 : memref<1x1x1x2x128xi32, #tpu.memory_space<hbm>> -> memref<2x128xi32, #tpu.memory_space<hbm>>
        %dma_wait3A_246 = arith.constant 0 : i32
        %dma_wait3A_247 = arith.constant 0 : i32
        %dma_wait3A_248 = tpu.memref_slice %arg3[%dma_wait3A_240, %arg1, %dma_wait3A_241, %dma_wait3A_246, %dma_wait3A_247] : memref<2x16x160x2x128xi32, #tpu.memory_space<hbm>> -> memref<1x1x1x2x128xi32, #tpu.memory_space<hbm>>
        %dma_wait3A_249 = tpu.memref_squeeze %dma_wait3A_248 : memref<1x1x1x2x128xi32, #tpu.memory_space<hbm>> -> memref<2x128xi32, #tpu.memory_space<hbm>>
        tpu.wait_dma2 semaphore(%arg14 : memref<!tpu.dma_semaphore, #tpu.memory_space<semaphore_mem>>) src(%dma_wait3A_249 : memref<2x128xi32, #tpu.memory_space<hbm>>) dst(%arg7 : memref<2x128xi32, #tpu.memory_space<vmem>>)
        %dma_start3A_250 = arith.constant 0 : i32
        %dma_start3A_251 = arith.constant 0 : i32
        %dma_start3A_252 = tpu.memref_slice %arg7[%dma_start3A_250, %dma_start3A_251] : memref<2x128xi32, #tpu.memory_space<vmem>> -> memref<1x128xi32, #tpu.memory_space<vmem>>
        %dma_start3A_253 = tpu.memref_squeeze %dma_start3A_252 : memref<1x128xi32, #tpu.memory_space<vmem>> -> memref<128xi32, #tpu.memory_space<vmem>>
        %dma_start3A_254 = arith.constant 0 : i32
        %dma_start3A_255 = arith.constant 0 : i32
        %dma_start3A_256 = tpu.memref_slice %arg2[%dma_start3A_254, %dma_start3A_255] : memref<20000x128xf32, #tpu.memory_space<hbm>> -> memref<20000x128xf32, #tpu.memory_space<hbm>>
        tpu.enqueue_indirect_dma source(%dma_start3A_256 : memref<20000x128xf32, #tpu.memory_space<hbm>>) target(%arg9 : memref<128x128xf32, #tpu.memory_space<vmem>>) offsets(%dma_start3A_253 : memref<128xi32, #tpu.memory_space<vmem>>) semaphore(%arg12 : memref<!tpu.dma_semaphore, #tpu.memory_space<semaphore_mem>>)
      } else {
      }
      %mul3A_161 = arith.constant 4 : i32
      %mul3A_162 = arith.muli %mul3A_161, %scan3A_137 : i32
      %add3A_163 = arith.constant 1 : i32
      %add3A_164 = arith.addi %mul3A_162, %add3A_163 : i32
      %dma_wait3A_165 = arith.constant 0 : i32
      %dma_wait3A_166 = arith.constant 0 : i32
      %dma_wait3A_167 = tpu.memref_slice %arg6[%dma_wait3A_165, %dma_wait3A_166] : memref<2x128xi32, #tpu.memory_space<vmem>> -> memref<1x128xi32, #tpu.memory_space<vmem>>
      %dma_wait3A_168 = tpu.memref_squeeze %dma_wait3A_167 : memref<1x128xi32, #tpu.memory_space<vmem>> -> memref<128xi32, #tpu.memory_space<vmem>>
      %dma_wait3A_169 = arith.constant 0 : i32
      %dma_wait3A_170 = arith.constant 0 : i32
      %dma_wait3A_171 = tpu.memref_slice %arg2[%dma_wait3A_169, %dma_wait3A_170] : memref<20000x128xf32, #tpu.memory_space<hbm>> -> memref<20000x128xf32, #tpu.memory_space<hbm>>
      tpu.wait_indirect_dma semaphore(%arg12 : memref<!tpu.dma_semaphore, #tpu.memory_space<semaphore_mem>>) src(%dma_wait3A_171 : memref<20000x128xf32, #tpu.memory_space<hbm>>) dst(%arg10 : memref<128x128xf32, #tpu.memory_space<vmem>>)
      %run_scoped3A_172 = arith.constant 1 : i32
      "tpu.region"() ({
        %run_scoped3A_240 = tpu.sem_alloc : memref<!tpu.dma_semaphore, #tpu.memory_space<semaphore_mem>>
        %dma_start3A_241 = arith.constant 0 : i32
        %dma_start3A_242 = tpu.memref_slice %arg6[%run_scoped3A_172, %dma_start3A_241] : memref<2x128xi32, #tpu.memory_space<vmem>> -> memref<1x128xi32, #tpu.memory_space<vmem>>
        %dma_start3A_243 = tpu.memref_squeeze %dma_start3A_242 : memref<1x128xi32, #tpu.memory_space<vmem>> -> memref<128xi32, #tpu.memory_space<vmem>>
        %dma_start3A_244 = arith.constant 0 : i32
        %dma_start3A_245 = arith.constant 0 : i32
        %dma_start3A_246 = tpu.memref_slice %arg11[%dma_start3A_244, %dma_start3A_245] : memref<10240x128xf32, #tpu.memory_space<vmem_shared>> -> memref<10240x128xf32, #tpu.memory_space<vmem_shared>>
        tpu.enqueue_indirect_dma source(%arg10 : memref<128x128xf32, #tpu.memory_space<vmem>>) target(%dma_start3A_246 : memref<10240x128xf32, #tpu.memory_space<vmem_shared>>) offsets(%dma_start3A_243 : memref<128xi32, #tpu.memory_space<vmem>>) semaphore(%run_scoped3A_240 : memref<!tpu.dma_semaphore, #tpu.memory_space<semaphore_mem>>) {add = true}
        %dma_wait3A_247 = arith.constant 0 : i32
        %dma_wait3A_248 = tpu.memref_slice %arg6[%run_scoped3A_172, %dma_wait3A_247] : memref<2x128xi32, #tpu.memory_space<vmem>> -> memref<1x128xi32, #tpu.memory_space<vmem>>
        %dma_wait3A_249 = tpu.memref_squeeze %dma_wait3A_248 : memref<1x128xi32, #tpu.memory_space<vmem>> -> memref<128xi32, #tpu.memory_space<vmem>>
        %dma_wait3A_250 = arith.constant 0 : i32
        %dma_wait3A_251 = arith.constant 0 : i32
        %dma_wait3A_252 = tpu.memref_slice %arg11[%dma_wait3A_250, %dma_wait3A_251] : memref<10240x128xf32, #tpu.memory_space<vmem_shared>> -> memref<10240x128xf32, #tpu.memory_space<vmem_shared>>
        tpu.wait_indirect_dma semaphore(%run_scoped3A_240 : memref<!tpu.dma_semaphore, #tpu.memory_space<semaphore_mem>>) src(%arg10 : memref<128x128xf32, #tpu.memory_space<vmem>>) dst(%dma_wait3A_252 : memref<10240x128xf32, #tpu.memory_space<vmem_shared>>)
        tpu.yield
      }) : () -> ()
      %add3A_173 = arith.constant 3 : i32
      %add3A_174 = arith.addi %add3A_164, %add3A_173 : i32
      %lt3A_175 = arith.constant 160 : i32
      %lt3A_176 = arith.cmpi slt, %add3A_174, %lt3A_175 : i32
      %convert_element_type3A_177 = arith.extui %lt3A_176 : i1 to i32
      %cond3A_178 = arith.constant 0 : i32
      %cond3A_179 = arith.cmpi ne, %convert_element_type3A_177, %cond3A_178 : i32
      scf.if %cond3A_179 {
        %add3A_240 = arith.constant 3 : i32
        %add3A_241 = arith.addi %add3A_164, %add3A_240 : i32
        %dma_start3A_242 = arith.constant 0 : i32
        %dma_start3A_243 = arith.constant 0 : i32
        %dma_start3A_244 = arith.constant 0 : i32
        %dma_start3A_245 = tpu.memref_slice %arg3[%dma_start3A_242, %arg1, %add3A_241, %dma_start3A_243, %dma_start3A_244] : memref<2x16x160x2x128xi32, #tpu.memory_space<hbm>> -> memref<1x1x1x2x128xi32, #tpu.memory_space<hbm>>
        %dma_start3A_246 = tpu.memref_squeeze %dma_start3A_245 : memref<1x1x1x2x128xi32, #tpu.memory_space<hbm>> -> memref<2x128xi32, #tpu.memory_space<hbm>>
        %dma_start3A_247 = arith.constant 0 : i32
        %dma_start3A_248 = arith.constant 0 : i32
        %dma_start3A_249 = tpu.memref_slice %arg3[%dma_start3A_242, %arg1, %add3A_241, %dma_start3A_247, %dma_start3A_248] : memref<2x16x160x2x128xi32, #tpu.memory_space<hbm>> -> memref<1x1x1x2x128xi32, #tpu.memory_space<hbm>>
        %dma_start3A_250 = tpu.memref_squeeze %dma_start3A_249 : memref<1x1x1x2x128xi32, #tpu.memory_space<hbm>> -> memref<2x128xi32, #tpu.memory_space<hbm>>
        tpu.enqueue_dma source(%dma_start3A_250 : memref<2x128xi32, #tpu.memory_space<hbm>>) target(%arg5 : memref<2x128xi32, #tpu.memory_space<vmem>>) target_semaphore(%arg14 : memref<!tpu.dma_semaphore, #tpu.memory_space<semaphore_mem>>)
      } else {
      }
      %add3A_180 = arith.constant 2 : i32
      %add3A_181 = arith.addi %add3A_164, %add3A_180 : i32
      %lt3A_182 = arith.constant 160 : i32
      %lt3A_183 = arith.cmpi slt, %add3A_181, %lt3A_182 : i32
      %convert_element_type3A_184 = arith.extui %lt3A_183 : i1 to i32
      %cond3A_185 = arith.constant 0 : i32
      %cond3A_186 = arith.cmpi ne, %convert_element_type3A_184, %cond3A_185 : i32
      scf.if %cond3A_186 {
        %dma_wait3A_240 = arith.constant 0 : i32
        %dma_wait3A_241 = arith.constant 0 : i32
        %dma_wait3A_242 = arith.constant 0 : i32
        %dma_wait3A_243 = arith.constant 0 : i32
        %dma_wait3A_244 = tpu.memref_slice %arg3[%dma_wait3A_240, %arg1, %dma_wait3A_241, %dma_wait3A_242, %dma_wait3A_243] : memref<2x16x160x2x128xi32, #tpu.memory_space<hbm>> -> memref<1x1x1x2x128xi32, #tpu.memory_space<hbm>>
        %dma_wait3A_245 = tpu.memref_squeeze %dma_wait3A_244 : memref<1x1x1x2x128xi32, #tpu.memory_space<hbm>> -> memref<2x128xi32, #tpu.memory_space<hbm>>
        %dma_wait3A_246 = arith.constant 0 : i32
        %dma_wait3A_247 = arith.constant 0 : i32
        %dma_wait3A_248 = tpu.memref_slice %arg3[%dma_wait3A_240, %arg1, %dma_wait3A_241, %dma_wait3A_246, %dma_wait3A_247] : memref<2x16x160x2x128xi32, #tpu.memory_space<hbm>> -> memref<1x1x1x2x128xi32, #tpu.memory_space<hbm>>
        %dma_wait3A_249 = tpu.memref_squeeze %dma_wait3A_248 : memref<1x1x1x2x128xi32, #tpu.memory_space<hbm>> -> memref<2x128xi32, #tpu.memory_space<hbm>>
        tpu.wait_dma2 semaphore(%arg14 : memref<!tpu.dma_semaphore, #tpu.memory_space<semaphore_mem>>) src(%dma_wait3A_249 : memref<2x128xi32, #tpu.memory_space<hbm>>) dst(%arg8 : memref<2x128xi32, #tpu.memory_space<vmem>>)
        %dma_start3A_250 = arith.constant 0 : i32
        %dma_start3A_251 = arith.constant 0 : i32
        %dma_start3A_252 = tpu.memref_slice %arg8[%dma_start3A_250, %dma_start3A_251] : memref<2x128xi32, #tpu.memory_space<vmem>> -> memref<1x128xi32, #tpu.memory_space<vmem>>
        %dma_start3A_253 = tpu.memref_squeeze %dma_start3A_252 : memref<1x128xi32, #tpu.memory_space<vmem>> -> memref<128xi32, #tpu.memory_space<vmem>>
        %dma_start3A_254 = arith.constant 0 : i32
        %dma_start3A_255 = arith.constant 0 : i32
        %dma_start3A_256 = tpu.memref_slice %arg2[%dma_start3A_254, %dma_start3A_255] : memref<20000x128xf32, #tpu.memory_space<hbm>> -> memref<20000x128xf32, #tpu.memory_space<hbm>>
        tpu.enqueue_indirect_dma source(%dma_start3A_256 : memref<20000x128xf32, #tpu.memory_space<hbm>>) target(%arg10 : memref<128x128xf32, #tpu.memory_space<vmem>>) offsets(%dma_start3A_253 : memref<128xi32, #tpu.memory_space<vmem>>) semaphore(%arg12 : memref<!tpu.dma_semaphore, #tpu.memory_space<semaphore_mem>>)
      } else {
      }
      %mul3A_187 = arith.constant 4 : i32
      %mul3A_188 = arith.muli %mul3A_187, %scan3A_137 : i32
      %add3A_189 = arith.constant 2 : i32
      %add3A_190 = arith.addi %mul3A_188, %add3A_189 : i32
      %dma_wait3A_191 = arith.constant 0 : i32
      %dma_wait3A_192 = arith.constant 0 : i32
      %dma_wait3A_193 = tpu.memref_slice %arg7[%dma_wait3A_191, %dma_wait3A_192] : memref<2x128xi32, #tpu.memory_space<vmem>> -> memref<1x128xi32, #tpu.memory_space<vmem>>
      %dma_wait3A_194 = tpu.memref_squeeze %dma_wait3A_193 : memref<1x128xi32, #tpu.memory_space<vmem>> -> memref<128xi32, #tpu.memory_space<vmem>>
      %dma_wait3A_195 = arith.constant 0 : i32
      %dma_wait3A_196 = arith.constant 0 : i32
      %dma_wait3A_197 = tpu.memref_slice %arg2[%dma_wait3A_195, %dma_wait3A_196] : memref<20000x128xf32, #tpu.memory_space<hbm>> -> memref<20000x128xf32, #tpu.memory_space<hbm>>
      tpu.wait_indirect_dma semaphore(%arg12 : memref<!tpu.dma_semaphore, #tpu.memory_space<semaphore_mem>>) src(%dma_wait3A_197 : memref<20000x128xf32, #tpu.memory_space<hbm>>) dst(%arg9 : memref<128x128xf32, #tpu.memory_space<vmem>>)
      %run_scoped3A_198 = arith.constant 1 : i32
      "tpu.region"() ({
        %run_scoped3A_240 = tpu.sem_alloc : memref<!tpu.dma_semaphore, #tpu.memory_space<semaphore_mem>>
        %dma_start3A_241 = arith.constant 0 : i32
        %dma_start3A_242 = tpu.memref_slice %arg7[%run_scoped3A_198, %dma_start3A_241] : memref<2x128xi32, #tpu.memory_space<vmem>> -> memref<1x128xi32, #tpu.memory_space<vmem>>
        %dma_start3A_243 = tpu.memref_squeeze %dma_start3A_242 : memref<1x128xi32, #tpu.memory_space<vmem>> -> memref<128xi32, #tpu.memory_space<vmem>>
        %dma_start3A_244 = arith.constant 0 : i32
        %dma_start3A_245 = arith.constant 0 : i32
        %dma_start3A_246 = tpu.memref_slice %arg11[%dma_start3A_244, %dma_start3A_245] : memref<10240x128xf32, #tpu.memory_space<vmem_shared>> -> memref<10240x128xf32, #tpu.memory_space<vmem_shared>>
        tpu.enqueue_indirect_dma source(%arg9 : memref<128x128xf32, #tpu.memory_space<vmem>>) target(%dma_start3A_246 : memref<10240x128xf32, #tpu.memory_space<vmem_shared>>) offsets(%dma_start3A_243 : memref<128xi32, #tpu.memory_space<vmem>>) semaphore(%run_scoped3A_240 : memref<!tpu.dma_semaphore, #tpu.memory_space<semaphore_mem>>) {add = true}
        %dma_wait3A_247 = arith.constant 0 : i32
        %dma_wait3A_248 = tpu.memref_slice %arg7[%run_scoped3A_198, %dma_wait3A_247] : memref<2x128xi32, #tpu.memory_space<vmem>> -> memref<1x128xi32, #tpu.memory_space<vmem>>
        %dma_wait3A_249 = tpu.memref_squeeze %dma_wait3A_248 : memref<1x128xi32, #tpu.memory_space<vmem>> -> memref<128xi32, #tpu.memory_space<vmem>>
        %dma_wait3A_250 = arith.constant 0 : i32
        %dma_wait3A_251 = arith.constant 0 : i32
        %dma_wait3A_252 = tpu.memref_slice %arg11[%dma_wait3A_250, %dma_wait3A_251] : memref<10240x128xf32, #tpu.memory_space<vmem_shared>> -> memref<10240x128xf32, #tpu.memory_space<vmem_shared>>
        tpu.wait_indirect_dma semaphore(%run_scoped3A_240 : memref<!tpu.dma_semaphore, #tpu.memory_space<semaphore_mem>>) src(%arg9 : memref<128x128xf32, #tpu.memory_space<vmem>>) dst(%dma_wait3A_252 : memref<10240x128xf32, #tpu.memory_space<vmem_shared>>)
        tpu.yield
      }) : () -> ()
      %add3A_199 = arith.constant 3 : i32
      %add3A_200 = arith.addi %add3A_190, %add3A_199 : i32
      %lt3A_201 = arith.constant 160 : i32
      %lt3A_202 = arith.cmpi slt, %add3A_200, %lt3A_201 : i32
      %convert_element_type3A_203 = arith.extui %lt3A_202 : i1 to i32
      %cond3A_204 = arith.constant 0 : i32
      %cond3A_205 = arith.cmpi ne, %convert_element_type3A_203, %cond3A_204 : i32
      scf.if %cond3A_205 {
        %add3A_240 = arith.constant 3 : i32
        %add3A_241 = arith.addi %add3A_190, %add3A_240 : i32
        %dma_start3A_242 = arith.constant 0 : i32
        %dma_start3A_243 = arith.constant 0 : i32
        %dma_start3A_244 = arith.constant 0 : i32
        %dma_start3A_245 = tpu.memref_slice %arg3[%dma_start3A_242, %arg1, %add3A_241, %dma_start3A_243, %dma_start3A_244] : memref<2x16x160x2x128xi32, #tpu.memory_space<hbm>> -> memref<1x1x1x2x128xi32, #tpu.memory_space<hbm>>
        %dma_start3A_246 = tpu.memref_squeeze %dma_start3A_245 : memref<1x1x1x2x128xi32, #tpu.memory_space<hbm>> -> memref<2x128xi32, #tpu.memory_space<hbm>>
        %dma_start3A_247 = arith.constant 0 : i32
        %dma_start3A_248 = arith.constant 0 : i32
        %dma_start3A_249 = tpu.memref_slice %arg3[%dma_start3A_242, %arg1, %add3A_241, %dma_start3A_247, %dma_start3A_248] : memref<2x16x160x2x128xi32, #tpu.memory_space<hbm>> -> memref<1x1x1x2x128xi32, #tpu.memory_space<hbm>>
        %dma_start3A_250 = tpu.memref_squeeze %dma_start3A_249 : memref<1x1x1x2x128xi32, #tpu.memory_space<hbm>> -> memref<2x128xi32, #tpu.memory_space<hbm>>
        tpu.enqueue_dma source(%dma_start3A_250 : memref<2x128xi32, #tpu.memory_space<hbm>>) target(%arg6 : memref<2x128xi32, #tpu.memory_space<vmem>>) target_semaphore(%arg14 : memref<!tpu.dma_semaphore, #tpu.memory_space<semaphore_mem>>)
      } else {
      }
      %add3A_206 = arith.constant 2 : i32
      %add3A_207 = arith.addi %add3A_190, %add3A_206 : i32
      %lt3A_208 = arith.constant 160 : i32
      %lt3A_209 = arith.cmpi slt, %add3A_207, %lt3A_208 : i32
      %convert_element_type3A_210 = arith.extui %lt3A_209 : i1 to i32
      %cond3A_211 = arith.constant 0 : i32
      %cond3A_212 = arith.cmpi ne, %convert_element_type3A_210, %cond3A_211 : i32
      scf.if %cond3A_212 {
        %dma_wait3A_240 = arith.constant 0 : i32
        %dma_wait3A_241 = arith.constant 0 : i32
        %dma_wait3A_242 = arith.constant 0 : i32
        %dma_wait3A_243 = arith.constant 0 : i32
        %dma_wait3A_244 = tpu.memref_slice %arg3[%dma_wait3A_240, %arg1, %dma_wait3A_241, %dma_wait3A_242, %dma_wait3A_243] : memref<2x16x160x2x128xi32, #tpu.memory_space<hbm>> -> memref<1x1x1x2x128xi32, #tpu.memory_space<hbm>>
        %dma_wait3A_245 = tpu.memref_squeeze %dma_wait3A_244 : memref<1x1x1x2x128xi32, #tpu.memory_space<hbm>> -> memref<2x128xi32, #tpu.memory_space<hbm>>
        %dma_wait3A_246 = arith.constant 0 : i32
        %dma_wait3A_247 = arith.constant 0 : i32
        %dma_wait3A_248 = tpu.memref_slice %arg3[%dma_wait3A_240, %arg1, %dma_wait3A_241, %dma_wait3A_246, %dma_wait3A_247] : memref<2x16x160x2x128xi32, #tpu.memory_space<hbm>> -> memref<1x1x1x2x128xi32, #tpu.memory_space<hbm>>
        %dma_wait3A_249 = tpu.memref_squeeze %dma_wait3A_248 : memref<1x1x1x2x128xi32, #tpu.memory_space<hbm>> -> memref<2x128xi32, #tpu.memory_space<hbm>>
        tpu.wait_dma2 semaphore(%arg14 : memref<!tpu.dma_semaphore, #tpu.memory_space<semaphore_mem>>) src(%dma_wait3A_249 : memref<2x128xi32, #tpu.memory_space<hbm>>) dst(%arg5 : memref<2x128xi32, #tpu.memory_space<vmem>>)
        %dma_start3A_250 = arith.constant 0 : i32
        %dma_start3A_251 = arith.constant 0 : i32
        %dma_start3A_252 = tpu.memref_slice %arg5[%dma_start3A_250, %dma_start3A_251] : memref<2x128xi32, #tpu.memory_space<vmem>> -> memref<1x128xi32, #tpu.memory_space<vmem>>
        %dma_start3A_253 = tpu.memref_squeeze %dma_start3A_252 : memref<1x128xi32, #tpu.memory_space<vmem>> -> memref<128xi32, #tpu.memory_space<vmem>>
        %dma_start3A_254 = arith.constant 0 : i32
        %dma_start3A_255 = arith.constant 0 : i32
        %dma_start3A_256 = tpu.memref_slice %arg2[%dma_start3A_254, %dma_start3A_255] : memref<20000x128xf32, #tpu.memory_space<hbm>> -> memref<20000x128xf32, #tpu.memory_space<hbm>>
        tpu.enqueue_indirect_dma source(%dma_start3A_256 : memref<20000x128xf32, #tpu.memory_space<hbm>>) target(%arg9 : memref<128x128xf32, #tpu.memory_space<vmem>>) offsets(%dma_start3A_253 : memref<128xi32, #tpu.memory_space<vmem>>) semaphore(%arg12 : memref<!tpu.dma_semaphore, #tpu.memory_space<semaphore_mem>>)
      } else {
      }
      %mul3A_213 = arith.constant 4 : i32
      %mul3A_214 = arith.muli %mul3A_213, %scan3A_137 : i32
      %add3A_215 = arith.constant 3 : i32
      %add3A_216 = arith.addi %mul3A_214, %add3A_215 : i32
      %dma_wait3A_217 = arith.constant 0 : i32
      %dma_wait3A_218 = arith.constant 0 : i32
      %dma_wait3A_219 = tpu.memref_slice %arg8[%dma_wait3A_217, %dma_wait3A_218] : memref<2x128xi32, #tpu.memory_space<vmem>> -> memref<1x128xi32, #tpu.memory_space<vmem>>
      %dma_wait3A_220 = tpu.memref_squeeze %dma_wait3A_219 : memref<1x128xi32, #tpu.memory_space<vmem>> -> memref<128xi32, #tpu.memory_space<vmem>>
      %dma_wait3A_221 = arith.constant 0 : i32
      %dma_wait3A_222 = arith.constant 0 : i32
      %dma_wait3A_223 = tpu.memref_slice %arg2[%dma_wait3A_221, %dma_wait3A_222] : memref<20000x128xf32, #tpu.memory_space<hbm>> -> memref<20000x128xf32, #tpu.memory_space<hbm>>
      tpu.wait_indirect_dma semaphore(%arg12 : memref<!tpu.dma_semaphore, #tpu.memory_space<semaphore_mem>>) src(%dma_wait3A_223 : memref<20000x128xf32, #tpu.memory_space<hbm>>) dst(%arg10 : memref<128x128xf32, #tpu.memory_space<vmem>>)
      %run_scoped3A_224 = arith.constant 1 : i32
      "tpu.region"() ({
        %run_scoped3A_240 = tpu.sem_alloc : memref<!tpu.dma_semaphore, #tpu.memory_space<semaphore_mem>>
        %dma_start3A_241 = arith.constant 0 : i32
        %dma_start3A_242 = tpu.memref_slice %arg8[%run_scoped3A_224, %dma_start3A_241] : memref<2x128xi32, #tpu.memory_space<vmem>> -> memref<1x128xi32, #tpu.memory_space<vmem>>
        %dma_start3A_243 = tpu.memref_squeeze %dma_start3A_242 : memref<1x128xi32, #tpu.memory_space<vmem>> -> memref<128xi32, #tpu.memory_space<vmem>>
        %dma_start3A_244 = arith.constant 0 : i32
        %dma_start3A_245 = arith.constant 0 : i32
        %dma_start3A_246 = tpu.memref_slice %arg11[%dma_start3A_244, %dma_start3A_245] : memref<10240x128xf32, #tpu.memory_space<vmem_shared>> -> memref<10240x128xf32, #tpu.memory_space<vmem_shared>>
        tpu.enqueue_indirect_dma source(%arg10 : memref<128x128xf32, #tpu.memory_space<vmem>>) target(%dma_start3A_246 : memref<10240x128xf32, #tpu.memory_space<vmem_shared>>) offsets(%dma_start3A_243 : memref<128xi32, #tpu.memory_space<vmem>>) semaphore(%run_scoped3A_240 : memref<!tpu.dma_semaphore, #tpu.memory_space<semaphore_mem>>) {add = true}
        %dma_wait3A_247 = arith.constant 0 : i32
        %dma_wait3A_248 = tpu.memref_slice %arg8[%run_scoped3A_224, %dma_wait3A_247] : memref<2x128xi32, #tpu.memory_space<vmem>> -> memref<1x128xi32, #tpu.memory_space<vmem>>
        %dma_wait3A_249 = tpu.memref_squeeze %dma_wait3A_248 : memref<1x128xi32, #tpu.memory_space<vmem>> -> memref<128xi32, #tpu.memory_space<vmem>>
        %dma_wait3A_250 = arith.constant 0 : i32
        %dma_wait3A_251 = arith.constant 0 : i32
        %dma_wait3A_252 = tpu.memref_slice %arg11[%dma_wait3A_250, %dma_wait3A_251] : memref<10240x128xf32, #tpu.memory_space<vmem_shared>> -> memref<10240x128xf32, #tpu.memory_space<vmem_shared>>
        tpu.wait_indirect_dma semaphore(%run_scoped3A_240 : memref<!tpu.dma_semaphore, #tpu.memory_space<semaphore_mem>>) src(%arg10 : memref<128x128xf32, #tpu.memory_space<vmem>>) dst(%dma_wait3A_252 : memref<10240x128xf32, #tpu.memory_space<vmem_shared>>)
        tpu.yield
      }) : () -> ()
      %add3A_225 = arith.constant 3 : i32
      %add3A_226 = arith.addi %add3A_216, %add3A_225 : i32
      %lt3A_227 = arith.constant 160 : i32
      %lt3A_228 = arith.cmpi slt, %add3A_226, %lt3A_227 : i32
      %convert_element_type3A_229 = arith.extui %lt3A_228 : i1 to i32
      %cond3A_230 = arith.constant 0 : i32
      %cond3A_231 = arith.cmpi ne, %convert_element_type3A_229, %cond3A_230 : i32
      scf.if %cond3A_231 {
        %add3A_240 = arith.constant 3 : i32
        %add3A_241 = arith.addi %add3A_216, %add3A_240 : i32
        %dma_start3A_242 = arith.constant 0 : i32
        %dma_start3A_243 = arith.constant 0 : i32
        %dma_start3A_244 = arith.constant 0 : i32
        %dma_start3A_245 = tpu.memref_slice %arg3[%dma_start3A_242, %arg1, %add3A_241, %dma_start3A_243, %dma_start3A_244] : memref<2x16x160x2x128xi32, #tpu.memory_space<hbm>> -> memref<1x1x1x2x128xi32, #tpu.memory_space<hbm>>
        %dma_start3A_246 = tpu.memref_squeeze %dma_start3A_245 : memref<1x1x1x2x128xi32, #tpu.memory_space<hbm>> -> memref<2x128xi32, #tpu.memory_space<hbm>>
        %dma_start3A_247 = arith.constant 0 : i32
        %dma_start3A_248 = arith.constant 0 : i32
        %dma_start3A_249 = tpu.memref_slice %arg3[%dma_start3A_242, %arg1, %add3A_241, %dma_start3A_247, %dma_start3A_248] : memref<2x16x160x2x128xi32, #tpu.memory_space<hbm>> -> memref<1x1x1x2x128xi32, #tpu.memory_space<hbm>>
        %dma_start3A_250 = tpu.memref_squeeze %dma_start3A_249 : memref<1x1x1x2x128xi32, #tpu.memory_space<hbm>> -> memref<2x128xi32, #tpu.memory_space<hbm>>
        tpu.enqueue_dma source(%dma_start3A_250 : memref<2x128xi32, #tpu.memory_space<hbm>>) target(%arg7 : memref<2x128xi32, #tpu.memory_space<vmem>>) target_semaphore(%arg14 : memref<!tpu.dma_semaphore, #tpu.memory_space<semaphore_mem>>)
      } else {
      }
      %add3A_232 = arith.constant 2 : i32
      %add3A_233 = arith.addi %add3A_216, %add3A_232 : i32
      %lt3A_234 = arith.constant 160 : i32
      %lt3A_235 = arith.cmpi slt, %add3A_233, %lt3A_234 : i32
      %convert_element_type3A_236 = arith.extui %lt3A_235 : i1 to i32
      %cond3A_237 = arith.constant 0 : i32
      %cond3A_238 = arith.cmpi ne, %convert_element_type3A_236, %cond3A_237 : i32
      scf.if %cond3A_238 {
        %dma_wait3A_240 = arith.constant 0 : i32
        %dma_wait3A_241 = arith.constant 0 : i32
        %dma_wait3A_242 = arith.constant 0 : i32
        %dma_wait3A_243 = arith.constant 0 : i32
        %dma_wait3A_244 = tpu.memref_slice %arg3[%dma_wait3A_240, %arg1, %dma_wait3A_241, %dma_wait3A_242, %dma_wait3A_243] : memref<2x16x160x2x128xi32, #tpu.memory_space<hbm>> -> memref<1x1x1x2x128xi32, #tpu.memory_space<hbm>>
        %dma_wait3A_245 = tpu.memref_squeeze %dma_wait3A_244 : memref<1x1x1x2x128xi32, #tpu.memory_space<hbm>> -> memref<2x128xi32, #tpu.memory_space<hbm>>
        %dma_wait3A_246 = arith.constant 0 : i32
        %dma_wait3A_247 = arith.constant 0 : i32
        %dma_wait3A_248 = tpu.memref_slice %arg3[%dma_wait3A_240, %arg1, %dma_wait3A_241, %dma_wait3A_246, %dma_wait3A_247] : memref<2x16x160x2x128xi32, #tpu.memory_space<hbm>> -> memref<1x1x1x2x128xi32, #tpu.memory_space<hbm>>
        %dma_wait3A_249 = tpu.memref_squeeze %dma_wait3A_248 : memref<1x1x1x2x128xi32, #tpu.memory_space<hbm>> -> memref<2x128xi32, #tpu.memory_space<hbm>>
        tpu.wait_dma2 semaphore(%arg14 : memref<!tpu.dma_semaphore, #tpu.memory_space<semaphore_mem>>) src(%dma_wait3A_249 : memref<2x128xi32, #tpu.memory_space<hbm>>) dst(%arg6 : memref<2x128xi32, #tpu.memory_space<vmem>>)
        %dma_start3A_250 = arith.constant 0 : i32
        %dma_start3A_251 = arith.constant 0 : i32
        %dma_start3A_252 = tpu.memref_slice %arg6[%dma_start3A_250, %dma_start3A_251] : memref<2x128xi32, #tpu.memory_space<vmem>> -> memref<1x128xi32, #tpu.memory_space<vmem>>
        %dma_start3A_253 = tpu.memref_squeeze %dma_start3A_252 : memref<1x128xi32, #tpu.memory_space<vmem>> -> memref<128xi32, #tpu.memory_space<vmem>>
        %dma_start3A_254 = arith.constant 0 : i32
        %dma_start3A_255 = arith.constant 0 : i32
        %dma_start3A_256 = tpu.memref_slice %arg2[%dma_start3A_254, %dma_start3A_255] : memref<20000x128xf32, #tpu.memory_space<hbm>> -> memref<20000x128xf32, #tpu.memory_space<hbm>>
        tpu.enqueue_indirect_dma source(%dma_start3A_256 : memref<20000x128xf32, #tpu.memory_space<hbm>>) target(%arg10 : memref<128x128xf32, #tpu.memory_space<vmem>>) offsets(%dma_start3A_253 : memref<128xi32, #tpu.memory_space<vmem>>) semaphore(%arg12 : memref<!tpu.dma_semaphore, #tpu.memory_space<semaphore_mem>>)
      } else {
      }
      %scan3A_239 = arith.constant 0 : i32
      scf.yield %scan3A_239 : i32
    }
    %scan3A_57 = arith.constant 40 : i32
    %barrier3A_58 = arith.constant 0 : index
    tpu.barrier barrier_id(%barrier3A_58)
    %mul3A_59 = arith.constant 640 : i32
    %mul3A_60 = arith.muli %arg1, %mul3A_59 : i32
    %mul3A_61 = arith.constant 640 : i32
    %mul3A_62 = arith.muli %arg1, %mul3A_61 : i32
    %run_scoped3A_63 = arith.constant 0 : i32
    "tpu.region"() ({
      %run_scoped3A_137 = tpu.sem_alloc : memref<!tpu.dma_semaphore, #tpu.memory_space<semaphore_mem>>
      %dma_start3A_138 = arith.constant 0 : i32
      %dma_start3A_139 = tpu.memref_slice %arg4[%run_scoped3A_63, %mul3A_62, %dma_start3A_138] : memref<2x10240x128xf32, #tpu.memory_space<hbm>> -> memref<1x640x128xf32, #tpu.memory_space<hbm>>
      %dma_start3A_140 = tpu.memref_squeeze %dma_start3A_139 : memref<1x640x128xf32, #tpu.memory_space<hbm>> -> memref<640x128xf32, #tpu.memory_space<hbm>>
      %dma_start3A_141 = arith.constant 0 : i32
      %dma_start3A_142 = tpu.memref_slice %arg11[%mul3A_60, %dma_start3A_141] : memref<10240x128xf32, #tpu.memory_space<vmem_shared>> -> memref<640x128xf32, #tpu.memory_space<vmem_shared>>
      tpu.enqueue_dma source(%dma_start3A_142 : memref<640x128xf32, #tpu.memory_space<vmem_shared>>) target(%dma_start3A_140 : memref<640x128xf32, #tpu.memory_space<hbm>>) target_semaphore(%run_scoped3A_137 : memref<!tpu.dma_semaphore, #tpu.memory_space<semaphore_mem>>)
      %dma_wait3A = arith.constant 0 : i32
      %dma_wait3A_143 = tpu.memref_slice %arg4[%run_scoped3A_63, %mul3A_62, %dma_wait3A] : memref<2x10240x128xf32, #tpu.memory_space<hbm>> -> memref<1x640x128xf32, #tpu.memory_space<hbm>>
      %dma_wait3A_144 = tpu.memref_squeeze %dma_wait3A_143 : memref<1x640x128xf32, #tpu.memory_space<hbm>> -> memref<640x128xf32, #tpu.memory_space<hbm>>
      %dma_wait3A_145 = arith.constant 0 : i32
      %dma_wait3A_146 = tpu.memref_slice %arg11[%mul3A_60, %dma_wait3A_145] : memref<10240x128xf32, #tpu.memory_space<vmem_shared>> -> memref<640x128xf32, #tpu.memory_space<vmem_shared>>
      tpu.wait_dma2 semaphore(%run_scoped3A_137 : memref<!tpu.dma_semaphore, #tpu.memory_space<semaphore_mem>>) src(%dma_wait3A_146 : memref<640x128xf32, #tpu.memory_space<vmem_shared>>) dst(%dma_wait3A_144 : memref<640x128xf32, #tpu.memory_space<hbm>>)
      tpu.yield
    }) : () -> ()
    %barrier3A_64 = arith.constant 0 : index
    tpu.barrier barrier_id(%barrier3A_64)
    %broadcast_in_dim3A_65 = arith.constant 0.000000e+00 : f32
    %broadcast_in_dim3A_66 = vector.broadcast %broadcast_in_dim3A_65 : f32 to vector<16xf32>
    %scan3A_67 = arith.constant 0 : i32
    %scan3A_68 = arith.constant 0 : i32
    %scan3A_69 = arith.constant 128 : i32
    %scan3A_70 = arith.addi %scan3A_68, %scan3A_69 : i32
    %scan3A_71 = arith.constant 1 : i32
    %scan3A_72 = scf.for %scan3A_137 = %scan3A_68 to %scan3A_70 step %scan3A_71 iter_args(%scan3A_138 = %scan3A_67) -> (i32)  : i32 {
      %scan3A_139 = arith.constant 0 : i32
      %scan3A_140 = arith.constant 0 : i32
      %scan3A_141 = arith.constant 8 : i32
      %scan3A_142 = arith.addi %scan3A_140, %scan3A_141 : i32
      %scan3A_143 = arith.constant 1 : i32
      %scan3A_144 = scf.for %scan3A_146 = %scan3A_140 to %scan3A_142 step %scan3A_143 iter_args(%scan3A_147 = %scan3A_139) -> (i32)  : i32 {
        %mul3A_148 = arith.constant 16 : i32
        %mul3A_149 = arith.muli %scan3A_146, %mul3A_148 : i32
        %swap3A = arith.index_cast %scan3A_137 : i32 to index
        %swap3A_150 = arith.index_cast %mul3A_149 : i32 to index
        %swap3A_151 = tpu.vector_load %arg9[%swap3A, %swap3A_150] {strides = array<i32>} : memref<128x128xf32, #tpu.memory_space<vmem>>, vector<1x16xf32>,
        %swap3A_152 = vector.shape_cast %swap3A_151 : vector<1x16xf32> to vector<16xf32>
        %swap3A_153 = vector.shape_cast %broadcast_in_dim3A_66 : vector<16xf32> to vector<1x16xf32>
        tpu.vector_store %arg9[%swap3A, %swap3A_150], %swap3A_153 {strides = array<i32>} : memref<128x128xf32, #tpu.memory_space<vmem>>, vector<1x16xf32>,
        %scan3A_154 = arith.constant 0 : i32
        scf.yield %scan3A_154 : i32
      }
      %scan3A_145 = arith.constant 8 : i32
      scf.yield %scan3A_144 : i32
    }
    %scan3A_73 = arith.constant 128 : i32
    %mul3A_74 = arith.constant 640 : i32
    %mul3A_75 = arith.muli %arg1, %mul3A_74 : i32
    %add3A_76 = arith.constant 0 : i32
    %add3A_77 = arith.addi %mul3A_75, %add3A_76 : i32
    "tpu.region"() ({
      %run_scoped3A_137 = tpu.sem_alloc : memref<!tpu.dma_semaphore, #tpu.memory_space<semaphore_mem>>
      %dma_start3A_138 = arith.constant 0 : i32
      %dma_start3A_139 = tpu.memref_slice %arg11[%add3A_77, %dma_start3A_138] : memref<10240x128xf32, #tpu.memory_space<vmem_shared>> -> memref<128x128xf32, #tpu.memory_space<vmem_shared>>
      %dma_start3A_140 = arith.constant 0 : i32
      %dma_start3A_141 = tpu.memref_slice %arg11[%add3A_77, %dma_start3A_140] : memref<10240x128xf32, #tpu.memory_space<vmem_shared>> -> memref<128x128xf32, #tpu.memory_space<vmem_shared>>
      tpu.enqueue_dma source(%arg9 : memref<128x128xf32, #tpu.memory_space<vmem>>) target(%dma_start3A_141 : memref<128x128xf32, #tpu.memory_space<vmem_shared>>) target_semaphore(%run_scoped3A_137 : memref<!tpu.dma_semaphore, #tpu.memory_space<semaphore_mem>>)
      %dma_wait3A = arith.constant 0 : i32
      %dma_wait3A_142 = tpu.memref_slice %arg11[%add3A_77, %dma_wait3A] : memref<10240x128xf32, #tpu.memory_space<vmem_shared>> -> memref<128x128xf32, #tpu.memory_space<vmem_shared>>
      %dma_wait3A_143 = arith.constant 0 : i32
      %dma_wait3A_144 = tpu.memref_slice %arg11[%add3A_77, %dma_wait3A_143] : memref<10240x128xf32, #tpu.memory_space<vmem_shared>> -> memref<128x128xf32, #tpu.memory_space<vmem_shared>>
      tpu.wait_dma2 semaphore(%run_scoped3A_137 : memref<!tpu.dma_semaphore, #tpu.memory_space<semaphore_mem>>) src(%arg9 : memref<128x128xf32, #tpu.memory_space<vmem>>) dst(%dma_wait3A_144 : memref<128x128xf32, #tpu.memory_space<vmem_shared>>)
      tpu.yield
    }) : () -> ()
    %mul3A_78 = arith.constant 640 : i32
    %mul3A_79 = arith.muli %arg1, %mul3A_78 : i32
    %add3A_80 = arith.constant 128 : i32
    %add3A_81 = arith.addi %mul3A_79, %add3A_80 : i32
    "tpu.region"() ({
      %run_scoped3A_137 = tpu.sem_alloc : memref<!tpu.dma_semaphore, #tpu.memory_space<semaphore_mem>>
      %dma_start3A_138 = arith.constant 0 : i32
      %dma_start3A_139 = tpu.memref_slice %arg11[%add3A_81, %dma_start3A_138] : memref<10240x128xf32, #tpu.memory_space<vmem_shared>> -> memref<128x128xf32, #tpu.memory_space<vmem_shared>>
      %dma_start3A_140 = arith.constant 0 : i32
      %dma_start3A_141 = tpu.memref_slice %arg11[%add3A_81, %dma_start3A_140] : memref<10240x128xf32, #tpu.memory_space<vmem_shared>> -> memref<128x128xf32, #tpu.memory_space<vmem_shared>>
      tpu.enqueue_dma source(%arg9 : memref<128x128xf32, #tpu.memory_space<vmem>>) target(%dma_start3A_141 : memref<128x128xf32, #tpu.memory_space<vmem_shared>>) target_semaphore(%run_scoped3A_137 : memref<!tpu.dma_semaphore, #tpu.memory_space<semaphore_mem>>)
      %dma_wait3A = arith.constant 0 : i32
      %dma_wait3A_142 = tpu.memref_slice %arg11[%add3A_81, %dma_wait3A] : memref<10240x128xf32, #tpu.memory_space<vmem_shared>> -> memref<128x128xf32, #tpu.memory_space<vmem_shared>>
      %dma_wait3A_143 = arith.constant 0 : i32
      %dma_wait3A_144 = tpu.memref_slice %arg11[%add3A_81, %dma_wait3A_143] : memref<10240x128xf32, #tpu.memory_space<vmem_shared>> -> memref<128x128xf32, #tpu.memory_space<vmem_shared>>
      tpu.wait_dma2 semaphore(%run_scoped3A_137 : memref<!tpu.dma_semaphore, #tpu.memory_space<semaphore_mem>>) src(%arg9 : memref<128x128xf32, #tpu.memory_space<vmem>>) dst(%dma_wait3A_144 : memref<128x128xf32, #tpu.memory_space<vmem_shared>>)
      tpu.yield
    }) : () -> ()
    %mul3A_82 = arith.constant 640 : i32
    %mul3A_83 = arith.muli %arg1, %mul3A_82 : i32
    %add3A_84 = arith.constant 256 : i32
    %add3A_85 = arith.addi %mul3A_83, %add3A_84 : i32
    "tpu.region"() ({
      %run_scoped3A_137 = tpu.sem_alloc : memref<!tpu.dma_semaphore, #tpu.memory_space<semaphore_mem>>
      %dma_start3A_138 = arith.constant 0 : i32
      %dma_start3A_139 = tpu.memref_slice %arg11[%add3A_85, %dma_start3A_138] : memref<10240x128xf32, #tpu.memory_space<vmem_shared>> -> memref<128x128xf32, #tpu.memory_space<vmem_shared>>
      %dma_start3A_140 = arith.constant 0 : i32
      %dma_start3A_141 = tpu.memref_slice %arg11[%add3A_85, %dma_start3A_140] : memref<10240x128xf32, #tpu.memory_space<vmem_shared>> -> memref<128x128xf32, #tpu.memory_space<vmem_shared>>
      tpu.enqueue_dma source(%arg9 : memref<128x128xf32, #tpu.memory_space<vmem>>) target(%dma_start3A_141 : memref<128x128xf32, #tpu.memory_space<vmem_shared>>) target_semaphore(%run_scoped3A_137 : memref<!tpu.dma_semaphore, #tpu.memory_space<semaphore_mem>>)
      %dma_wait3A = arith.constant 0 : i32
      %dma_wait3A_142 = tpu.memref_slice %arg11[%add3A_85, %dma_wait3A] : memref<10240x128xf32, #tpu.memory_space<vmem_shared>> -> memref<128x128xf32, #tpu.memory_space<vmem_shared>>
      %dma_wait3A_143 = arith.constant 0 : i32
      %dma_wait3A_144 = tpu.memref_slice %arg11[%add3A_85, %dma_wait3A_143] : memref<10240x128xf32, #tpu.memory_space<vmem_shared>> -> memref<128x128xf32, #tpu.memory_space<vmem_shared>>
      tpu.wait_dma2 semaphore(%run_scoped3A_137 : memref<!tpu.dma_semaphore, #tpu.memory_space<semaphore_mem>>) src(%arg9 : memref<128x128xf32, #tpu.memory_space<vmem>>) dst(%dma_wait3A_144 : memref<128x128xf32, #tpu.memory_space<vmem_shared>>)
      tpu.yield
    }) : () -> ()
    %mul3A_86 = arith.constant 640 : i32
    %mul3A_87 = arith.muli %arg1, %mul3A_86 : i32
    %add3A_88 = arith.constant 384 : i32
    %add3A_89 = arith.addi %mul3A_87, %add3A_88 : i32
    "tpu.region"() ({
      %run_scoped3A_137 = tpu.sem_alloc : memref<!tpu.dma_semaphore, #tpu.memory_space<semaphore_mem>>
      %dma_start3A_138 = arith.constant 0 : i32
      %dma_start3A_139 = tpu.memref_slice %arg11[%add3A_89, %dma_start3A_138] : memref<10240x128xf32, #tpu.memory_space<vmem_shared>> -> memref<128x128xf32, #tpu.memory_space<vmem_shared>>
      %dma_start3A_140 = arith.constant 0 : i32
      %dma_start3A_141 = tpu.memref_slice %arg11[%add3A_89, %dma_start3A_140] : memref<10240x128xf32, #tpu.memory_space<vmem_shared>> -> memref<128x128xf32, #tpu.memory_space<vmem_shared>>
      tpu.enqueue_dma source(%arg9 : memref<128x128xf32, #tpu.memory_space<vmem>>) target(%dma_start3A_141 : memref<128x128xf32, #tpu.memory_space<vmem_shared>>) target_semaphore(%run_scoped3A_137 : memref<!tpu.dma_semaphore, #tpu.memory_space<semaphore_mem>>)
      %dma_wait3A = arith.constant 0 : i32
      %dma_wait3A_142 = tpu.memref_slice %arg11[%add3A_89, %dma_wait3A] : memref<10240x128xf32, #tpu.memory_space<vmem_shared>> -> memref<128x128xf32, #tpu.memory_space<vmem_shared>>
      %dma_wait3A_143 = arith.constant 0 : i32
      %dma_wait3A_144 = tpu.memref_slice %arg11[%add3A_89, %dma_wait3A_143] : memref<10240x128xf32, #tpu.memory_space<vmem_shared>> -> memref<128x128xf32, #tpu.memory_space<vmem_shared>>
      tpu.wait_dma2 semaphore(%run_scoped3A_137 : memref<!tpu.dma_semaphore, #tpu.memory_space<semaphore_mem>>) src(%arg9 : memref<128x128xf32, #tpu.memory_space<vmem>>) dst(%dma_wait3A_144 : memref<128x128xf32, #tpu.memory_space<vmem_shared>>)
      tpu.yield
    }) : () -> ()
    %mul3A_90 = arith.constant 640 : i32
    %mul3A_91 = arith.muli %arg1, %mul3A_90 : i32
    %add3A_92 = arith.constant 512 : i32
    %add3A_93 = arith.addi %mul3A_91, %add3A_92 : i32
    "tpu.region"() ({
      %run_scoped3A_137 = tpu.sem_alloc : memref<!tpu.dma_semaphore, #tpu.memory_space<semaphore_mem>>
      %dma_start3A_138 = arith.constant 0 : i32
      %dma_start3A_139 = tpu.memref_slice %arg11[%add3A_93, %dma_start3A_138] : memref<10240x128xf32, #tpu.memory_space<vmem_shared>> -> memref<128x128xf32, #tpu.memory_space<vmem_shared>>
      %dma_start3A_140 = arith.constant 0 : i32
      %dma_start3A_141 = tpu.memref_slice %arg11[%add3A_93, %dma_start3A_140] : memref<10240x128xf32, #tpu.memory_space<vmem_shared>> -> memref<128x128xf32, #tpu.memory_space<vmem_shared>>
      tpu.enqueue_dma source(%arg9 : memref<128x128xf32, #tpu.memory_space<vmem>>) target(%dma_start3A_141 : memref<128x128xf32, #tpu.memory_space<vmem_shared>>) target_semaphore(%run_scoped3A_137 : memref<!tpu.dma_semaphore, #tpu.memory_space<semaphore_mem>>)
      %dma_wait3A = arith.constant 0 : i32
      %dma_wait3A_142 = tpu.memref_slice %arg11[%add3A_93, %dma_wait3A] : memref<10240x128xf32, #tpu.memory_space<vmem_shared>> -> memref<128x128xf32, #tpu.memory_space<vmem_shared>>
      %dma_wait3A_143 = arith.constant 0 : i32
      %dma_wait3A_144 = tpu.memref_slice %arg11[%add3A_93, %dma_wait3A_143] : memref<10240x128xf32, #tpu.memory_space<vmem_shared>> -> memref<128x128xf32, #tpu.memory_space<vmem_shared>>
      tpu.wait_dma2 semaphore(%run_scoped3A_137 : memref<!tpu.dma_semaphore, #tpu.memory_space<semaphore_mem>>) src(%arg9 : memref<128x128xf32, #tpu.memory_space<vmem>>) dst(%dma_wait3A_144 : memref<128x128xf32, #tpu.memory_space<vmem_shared>>)
      tpu.yield
    }) : () -> ()
    %barrier3A_94 = arith.constant 0 : index
    tpu.barrier barrier_id(%barrier3A_94)
    %run_scoped3A_95 = arith.constant 1 : i32
    %run_scoped3A_96 = arith.constant 0 : i32
    "tpu.region"() ({
      %run_scoped3A_137 = tpu.sem_alloc : memref<!tpu.dma_semaphore, #tpu.memory_space<semaphore_mem>>
      %dma_start3A_138 = arith.constant 0 : i32
      %dma_start3A_139 = arith.constant 0 : i32
      %dma_start3A_140 = tpu.memref_slice %arg3[%run_scoped3A_95, %arg1, %run_scoped3A_96, %dma_start3A_138, %dma_start3A_139] : memref<2x16x160x2x128xi32, #tpu.memory_space<hbm>> -> memref<1x1x1x2x128xi32, #tpu.memory_space<hbm>>
      %dma_start3A_141 = tpu.memref_squeeze %dma_start3A_140 : memref<1x1x1x2x128xi32, #tpu.memory_space<hbm>> -> memref<2x128xi32, #tpu.memory_space<hbm>>
      %dma_start3A_142 = arith.constant 0 : i32
      %dma_start3A_143 = arith.constant 0 : i32
      %dma_start3A_144 = tpu.memref_slice %arg3[%run_scoped3A_95, %arg1, %run_scoped3A_96, %dma_start3A_142, %dma_start3A_143] : memref<2x16x160x2x128xi32, #tpu.memory_space<hbm>> -> memref<1x1x1x2x128xi32, #tpu.memory_space<hbm>>
      %dma_start3A_145 = tpu.memref_squeeze %dma_start3A_144 : memref<1x1x1x2x128xi32, #tpu.memory_space<hbm>> -> memref<2x128xi32, #tpu.memory_space<hbm>>
      tpu.enqueue_dma source(%dma_start3A_145 : memref<2x128xi32, #tpu.memory_space<hbm>>) target(%arg5 : memref<2x128xi32, #tpu.memory_space<vmem>>) target_semaphore(%run_scoped3A_137 : memref<!tpu.dma_semaphore, #tpu.memory_space<semaphore_mem>>)
      %dma_wait3A = arith.constant 0 : i32
      %dma_wait3A_146 = arith.constant 0 : i32
      %dma_wait3A_147 = tpu.memref_slice %arg3[%run_scoped3A_95, %arg1, %run_scoped3A_96, %dma_wait3A, %dma_wait3A_146] : memref<2x16x160x2x128xi32, #tpu.memory_space<hbm>> -> memref<1x1x1x2x128xi32, #tpu.memory_space<hbm>>
      %dma_wait3A_148 = tpu.memref_squeeze %dma_wait3A_147 : memref<1x1x1x2x128xi32, #tpu.memory_space<hbm>> -> memref<2x128xi32, #tpu.memory_space<hbm>>
      %dma_wait3A_149 = arith.constant 0 : i32
      %dma_wait3A_150 = arith.constant 0 : i32
      %dma_wait3A_151 = tpu.memref_slice %arg3[%run_scoped3A_95, %arg1, %run_scoped3A_96, %dma_wait3A_149, %dma_wait3A_150] : memref<2x16x160x2x128xi32, #tpu.memory_space<hbm>> -> memref<1x1x1x2x128xi32, #tpu.memory_space<hbm>>
      %dma_wait3A_152 = tpu.memref_squeeze %dma_wait3A_151 : memref<1x1x1x2x128xi32, #tpu.memory_space<hbm>> -> memref<2x128xi32, #tpu.memory_space<hbm>>
      tpu.wait_dma2 semaphore(%run_scoped3A_137 : memref<!tpu.dma_semaphore, #tpu.memory_space<semaphore_mem>>) src(%dma_wait3A_152 : memref<2x128xi32, #tpu.memory_space<hbm>>) dst(%arg5 : memref<2x128xi32, #tpu.memory_space<vmem>>)
      tpu.yield
    }) : () -> ()
    %run_scoped3A_97 = arith.constant 1 : i32
    %run_scoped3A_98 = arith.constant 1 : i32
    "tpu.region"() ({
      %run_scoped3A_137 = tpu.sem_alloc : memref<!tpu.dma_semaphore, #tpu.memory_space<semaphore_mem>>
      %dma_start3A_138 = arith.constant 0 : i32
      %dma_start3A_139 = arith.constant 0 : i32
      %dma_start3A_140 = tpu.memref_slice %arg3[%run_scoped3A_97, %arg1, %run_scoped3A_98, %dma_start3A_138, %dma_start3A_139] : memref<2x16x160x2x128xi32, #tpu.memory_space<hbm>> -> memref<1x1x1x2x128xi32, #tpu.memory_space<hbm>>
      %dma_start3A_141 = tpu.memref_squeeze %dma_start3A_140 : memref<1x1x1x2x128xi32, #tpu.memory_space<hbm>> -> memref<2x128xi32, #tpu.memory_space<hbm>>
      %dma_start3A_142 = arith.constant 0 : i32
      %dma_start3A_143 = arith.constant 0 : i32
      %dma_start3A_144 = tpu.memref_slice %arg3[%run_scoped3A_97, %arg1, %run_scoped3A_98, %dma_start3A_142, %dma_start3A_143] : memref<2x16x160x2x128xi32, #tpu.memory_space<hbm>> -> memref<1x1x1x2x128xi32, #tpu.memory_space<hbm>>
      %dma_start3A_145 = tpu.memref_squeeze %dma_start3A_144 : memref<1x1x1x2x128xi32, #tpu.memory_space<hbm>> -> memref<2x128xi32, #tpu.memory_space<hbm>>
      tpu.enqueue_dma source(%dma_start3A_145 : memref<2x128xi32, #tpu.memory_space<hbm>>) target(%arg6 : memref<2x128xi32, #tpu.memory_space<vmem>>) target_semaphore(%run_scoped3A_137 : memref<!tpu.dma_semaphore, #tpu.memory_space<semaphore_mem>>)
      %dma_wait3A = arith.constant 0 : i32
      %dma_wait3A_146 = arith.constant 0 : i32
      %dma_wait3A_147 = tpu.memref_slice %arg3[%run_scoped3A_97, %arg1, %run_scoped3A_98, %dma_wait3A, %dma_wait3A_146] : memref<2x16x160x2x128xi32, #tpu.memory_space<hbm>> -> memref<1x1x1x2x128xi32, #tpu.memory_space<hbm>>
      %dma_wait3A_148 = tpu.memref_squeeze %dma_wait3A_147 : memref<1x1x1x2x128xi32, #tpu.memory_space<hbm>> -> memref<2x128xi32, #tpu.memory_space<hbm>>
      %dma_wait3A_149 = arith.constant 0 : i32
      %dma_wait3A_150 = arith.constant 0 : i32
      %dma_wait3A_151 = tpu.memref_slice %arg3[%run_scoped3A_97, %arg1, %run_scoped3A_98, %dma_wait3A_149, %dma_wait3A_150] : memref<2x16x160x2x128xi32, #tpu.memory_space<hbm>> -> memref<1x1x1x2x128xi32, #tpu.memory_space<hbm>>
      %dma_wait3A_152 = tpu.memref_squeeze %dma_wait3A_151 : memref<1x1x1x2x128xi32, #tpu.memory_space<hbm>> -> memref<2x128xi32, #tpu.memory_space<hbm>>
      tpu.wait_dma2 semaphore(%run_scoped3A_137 : memref<!tpu.dma_semaphore, #tpu.memory_space<semaphore_mem>>) src(%dma_wait3A_152 : memref<2x128xi32, #tpu.memory_space<hbm>>) dst(%arg6 : memref<2x128xi32, #tpu.memory_space<vmem>>)
      tpu.yield
    }) : () -> ()
    %dma_start3A_99 = arith.constant 1 : i32
    %dma_start3A_100 = arith.constant 2 : i32
    %dma_start3A_101 = arith.constant 0 : i32
    %dma_start3A_102 = arith.constant 0 : i32
    %dma_start3A_103 = tpu.memref_slice %arg3[%dma_start3A_99, %arg1, %dma_start3A_100, %dma_start3A_101, %dma_start3A_102] : memref<2x16x160x2x128xi32, #tpu.memory_space<hbm>> -> memref<1x1x1x2x128xi32, #tpu.memory_space<hbm>>
    %dma_start3A_104 = tpu.memref_squeeze %dma_start3A_103 : memref<1x1x1x2x128xi32, #tpu.memory_space<hbm>> -> memref<2x128xi32, #tpu.memory_space<hbm>>
    %dma_start3A_105 = arith.constant 0 : i32
    %dma_start3A_106 = arith.constant 0 : i32
    %dma_start3A_107 = tpu.memref_slice %arg3[%dma_start3A_99, %arg1, %dma_start3A_100, %dma_start3A_105, %dma_start3A_106] : memref<2x16x160x2x128xi32, #tpu.memory_space<hbm>> -> memref<1x1x1x2x128xi32, #tpu.memory_space<hbm>>
    %dma_start3A_108 = tpu.memref_squeeze %dma_start3A_107 : memref<1x1x1x2x128xi32, #tpu.memory_space<hbm>> -> memref<2x128xi32, #tpu.memory_space<hbm>>
    tpu.enqueue_dma source(%dma_start3A_108 : memref<2x128xi32, #tpu.memory_space<hbm>>) target(%arg7 : memref<2x128xi32, #tpu.memory_space<vmem>>) target_semaphore(%arg14 : memref<!tpu.dma_semaphore, #tpu.memory_space<semaphore_mem>>)
    %dma_start3A_109 = arith.constant 0 : i32
    %dma_start3A_110 = arith.constant 0 : i32
    %dma_start3A_111 = tpu.memref_slice %arg5[%dma_start3A_109, %dma_start3A_110] : memref<2x128xi32, #tpu.memory_space<vmem>> -> memref<1x128xi32, #tpu.memory_space<vmem>>
    %dma_start3A_112 = tpu.memref_squeeze %dma_start3A_111 : memref<1x128xi32, #tpu.memory_space<vmem>> -> memref<128xi32, #tpu.memory_space<vmem>>
    %dma_start3A_113 = arith.constant 0 : i32
    %dma_start3A_114 = arith.constant 0 : i32
    %dma_start3A_115 = tpu.memref_slice %arg2[%dma_start3A_113, %dma_start3A_114] : memref<20000x128xf32, #tpu.memory_space<hbm>> -> memref<20000x128xf32, #tpu.memory_space<hbm>>
    tpu.enqueue_indirect_dma source(%dma_start3A_115 : memref<20000x128xf32, #tpu.memory_space<hbm>>) target(%arg9 : memref<128x128xf32, #tpu.memory_space<vmem>>) offsets(%dma_start3A_112 : memref<128xi32, #tpu.memory_space<vmem>>) semaphore(%arg12 : memref<!tpu.dma_semaphore, #tpu.memory_space<semaphore_mem>>)
    %dma_start3A_116 = arith.constant 0 : i32
    %dma_start3A_117 = arith.constant 0 : i32
    %dma_start3A_118 = tpu.memref_slice %arg6[%dma_start3A_116, %dma_start3A_117] : memref<2x128xi32, #tpu.memory_space<vmem>> -> memref<1x128xi32, #tpu.memory_space<vmem>>
    %dma_start3A_119 = tpu.memref_squeeze %dma_start3A_118 : memref<1x128xi32, #tpu.memory_space<vmem>> -> memref<128xi32, #tpu.memory_space<vmem>>
    %dma_start3A_120 = arith.constant 0 : i32
    %dma_start3A_121 = arith.constant 0 : i32
    %dma_start3A_122 = tpu.memref_slice %arg2[%dma_start3A_120, %dma_start3A_121] : memref<20000x128xf32, #tpu.memory_space<hbm>> -> memref<20000x128xf32, #tpu.memory_space<hbm>>
    tpu.enqueue_indirect_dma source(%dma_start3A_122 : memref<20000x128xf32, #tpu.memory_space<hbm>>) target(%arg10 : memref<128x128xf32, #tpu.memory_space<vmem>>) offsets(%dma_start3A_119 : memref<128xi32, #tpu.memory_space<vmem>>) semaphore(%arg12 : memref<!tpu.dma_semaphore, #tpu.memory_space<semaphore_mem>>)
    %scan3A_123 = arith.constant 0 : i32
    %scan3A_124 = arith.constant 0 : i32
    %scan3A_125 = arith.constant 40 : i32
    %scan3A_126 = arith.addi %scan3A_124, %scan3A_125 : i32
    %scan3A_127 = arith.constant 1 : i32
    %scan3A_128 = scf.for %scan3A_137 = %scan3A_124 to %scan3A_126 step %scan3A_127 iter_args(%scan3A_138 = %scan3A_123) -> (i32)  : i32 {
      %mul3A_139 = arith.constant 4 : i32
      %mul3A_140 = arith.muli %mul3A_139, %scan3A_137 : i32
      %add3A_141 = arith.constant 0 : i32
      %add3A_142 = arith.addi %mul3A_140, %add3A_141 : i32
      %dma_wait3A = arith.constant 0 : i32
      %dma_wait3A_143 = arith.constant 0 : i32
      %dma_wait3A_144 = tpu.memref_slice %arg5[%dma_wait3A, %dma_wait3A_143] : memref<2x128xi32, #tpu.memory_space<vmem>> -> memref<1x128xi32, #tpu.memory_space<vmem>>
      %dma_wait3A_145 = tpu.memref_squeeze %dma_wait3A_144 : memref<1x128xi32, #tpu.memory_space<vmem>> -> memref<128xi32, #tpu.memory_space<vmem>>
      %dma_wait3A_146 = arith.constant 0 : i32
      %dma_wait3A_147 = arith.constant 0 : i32
      %dma_wait3A_148 = tpu.memref_slice %arg2[%dma_wait3A_146, %dma_wait3A_147] : memref<20000x128xf32, #tpu.memory_space<hbm>> -> memref<20000x128xf32, #tpu.memory_space<hbm>>
      tpu.wait_indirect_dma semaphore(%arg12 : memref<!tpu.dma_semaphore, #tpu.memory_space<semaphore_mem>>) src(%dma_wait3A_148 : memref<20000x128xf32, #tpu.memory_space<hbm>>) dst(%arg9 : memref<128x128xf32, #tpu.memory_space<vmem>>)
      %run_scoped3A_149 = arith.constant 1 : i32
      "tpu.region"() ({
        %run_scoped3A_240 = tpu.sem_alloc : memref<!tpu.dma_semaphore, #tpu.memory_space<semaphore_mem>>
        %dma_start3A_241 = arith.constant 0 : i32
        %dma_start3A_242 = tpu.memref_slice %arg5[%run_scoped3A_149, %dma_start3A_241] : memref<2x128xi32, #tpu.memory_space<vmem>> -> memref<1x128xi32, #tpu.memory_space<vmem>>
        %dma_start3A_243 = tpu.memref_squeeze %dma_start3A_242 : memref<1x128xi32, #tpu.memory_space<vmem>> -> memref<128xi32, #tpu.memory_space<vmem>>
        %dma_start3A_244 = arith.constant 0 : i32
        %dma_start3A_245 = arith.constant 0 : i32
        %dma_start3A_246 = tpu.memref_slice %arg11[%dma_start3A_244, %dma_start3A_245] : memref<10240x128xf32, #tpu.memory_space<vmem_shared>> -> memref<10240x128xf32, #tpu.memory_space<vmem_shared>>
        tpu.enqueue_indirect_dma source(%arg9 : memref<128x128xf32, #tpu.memory_space<vmem>>) target(%dma_start3A_246 : memref<10240x128xf32, #tpu.memory_space<vmem_shared>>) offsets(%dma_start3A_243 : memref<128xi32, #tpu.memory_space<vmem>>) semaphore(%run_scoped3A_240 : memref<!tpu.dma_semaphore, #tpu.memory_space<semaphore_mem>>) {add = true}
        %dma_wait3A_247 = arith.constant 0 : i32
        %dma_wait3A_248 = tpu.memref_slice %arg5[%run_scoped3A_149, %dma_wait3A_247] : memref<2x128xi32, #tpu.memory_space<vmem>> -> memref<1x128xi32, #tpu.memory_space<vmem>>
        %dma_wait3A_249 = tpu.memref_squeeze %dma_wait3A_248 : memref<1x128xi32, #tpu.memory_space<vmem>> -> memref<128xi32, #tpu.memory_space<vmem>>
        %dma_wait3A_250 = arith.constant 0 : i32
        %dma_wait3A_251 = arith.constant 0 : i32
        %dma_wait3A_252 = tpu.memref_slice %arg11[%dma_wait3A_250, %dma_wait3A_251] : memref<10240x128xf32, #tpu.memory_space<vmem_shared>> -> memref<10240x128xf32, #tpu.memory_space<vmem_shared>>
        tpu.wait_indirect_dma semaphore(%run_scoped3A_240 : memref<!tpu.dma_semaphore, #tpu.memory_space<semaphore_mem>>) src(%arg9 : memref<128x128xf32, #tpu.memory_space<vmem>>) dst(%dma_wait3A_252 : memref<10240x128xf32, #tpu.memory_space<vmem_shared>>)
        tpu.yield
      }) : () -> ()
      %add3A_150 = arith.constant 3 : i32
      %add3A_151 = arith.addi %add3A_142, %add3A_150 : i32
      %lt3A = arith.constant 160 : i32
      %lt3A_152 = arith.cmpi slt, %add3A_151, %lt3A : i32
      %convert_element_type3A = arith.extui %lt3A_152 : i1 to i32
      %cond3A = arith.constant 0 : i32
      %cond3A_153 = arith.cmpi ne, %convert_element_type3A, %cond3A : i32
      scf.if %cond3A_153 {
        %add3A_240 = arith.constant 3 : i32
        %add3A_241 = arith.addi %add3A_142, %add3A_240 : i32
        %dma_start3A_242 = arith.constant 1 : i32
        %dma_start3A_243 = arith.constant 0 : i32
        %dma_start3A_244 = arith.constant 0 : i32
        %dma_start3A_245 = tpu.memref_slice %arg3[%dma_start3A_242, %arg1, %add3A_241, %dma_start3A_243, %dma_start3A_244] : memref<2x16x160x2x128xi32, #tpu.memory_space<hbm>> -> memref<1x1x1x2x128xi32, #tpu.memory_space<hbm>>
        %dma_start3A_246 = tpu.memref_squeeze %dma_start3A_245 : memref<1x1x1x2x128xi32, #tpu.memory_space<hbm>> -> memref<2x128xi32, #tpu.memory_space<hbm>>
        %dma_start3A_247 = arith.constant 0 : i32
        %dma_start3A_248 = arith.constant 0 : i32
        %dma_start3A_249 = tpu.memref_slice %arg3[%dma_start3A_242, %arg1, %add3A_241, %dma_start3A_247, %dma_start3A_248] : memref<2x16x160x2x128xi32, #tpu.memory_space<hbm>> -> memref<1x1x1x2x128xi32, #tpu.memory_space<hbm>>
        %dma_start3A_250 = tpu.memref_squeeze %dma_start3A_249 : memref<1x1x1x2x128xi32, #tpu.memory_space<hbm>> -> memref<2x128xi32, #tpu.memory_space<hbm>>
        tpu.enqueue_dma source(%dma_start3A_250 : memref<2x128xi32, #tpu.memory_space<hbm>>) target(%arg8 : memref<2x128xi32, #tpu.memory_space<vmem>>) target_semaphore(%arg14 : memref<!tpu.dma_semaphore, #tpu.memory_space<semaphore_mem>>)
      } else {
      }
      %add3A_154 = arith.constant 2 : i32
      %add3A_155 = arith.addi %add3A_142, %add3A_154 : i32
      %lt3A_156 = arith.constant 160 : i32
      %lt3A_157 = arith.cmpi slt, %add3A_155, %lt3A_156 : i32
      %convert_element_type3A_158 = arith.extui %lt3A_157 : i1 to i32
      %cond3A_159 = arith.constant 0 : i32
      %cond3A_160 = arith.cmpi ne, %convert_element_type3A_158, %cond3A_159 : i32
      scf.if %cond3A_160 {
        %dma_wait3A_240 = arith.constant 1 : i32
        %dma_wait3A_241 = arith.constant 0 : i32
        %dma_wait3A_242 = arith.constant 0 : i32
        %dma_wait3A_243 = arith.constant 0 : i32
        %dma_wait3A_244 = tpu.memref_slice %arg3[%dma_wait3A_240, %arg1, %dma_wait3A_241, %dma_wait3A_242, %dma_wait3A_243] : memref<2x16x160x2x128xi32, #tpu.memory_space<hbm>> -> memref<1x1x1x2x128xi32, #tpu.memory_space<hbm>>
        %dma_wait3A_245 = tpu.memref_squeeze %dma_wait3A_244 : memref<1x1x1x2x128xi32, #tpu.memory_space<hbm>> -> memref<2x128xi32, #tpu.memory_space<hbm>>
        %dma_wait3A_246 = arith.constant 0 : i32
        %dma_wait3A_247 = arith.constant 0 : i32
        %dma_wait3A_248 = tpu.memref_slice %arg3[%dma_wait3A_240, %arg1, %dma_wait3A_241, %dma_wait3A_246, %dma_wait3A_247] : memref<2x16x160x2x128xi32, #tpu.memory_space<hbm>> -> memref<1x1x1x2x128xi32, #tpu.memory_space<hbm>>
        %dma_wait3A_249 = tpu.memref_squeeze %dma_wait3A_248 : memref<1x1x1x2x128xi32, #tpu.memory_space<hbm>> -> memref<2x128xi32, #tpu.memory_space<hbm>>
        tpu.wait_dma2 semaphore(%arg14 : memref<!tpu.dma_semaphore, #tpu.memory_space<semaphore_mem>>) src(%dma_wait3A_249 : memref<2x128xi32, #tpu.memory_space<hbm>>) dst(%arg7 : memref<2x128xi32, #tpu.memory_space<vmem>>)
        %dma_start3A_250 = arith.constant 0 : i32
        %dma_start3A_251 = arith.constant 0 : i32
        %dma_start3A_252 = tpu.memref_slice %arg7[%dma_start3A_250, %dma_start3A_251] : memref<2x128xi32, #tpu.memory_space<vmem>> -> memref<1x128xi32, #tpu.memory_space<vmem>>
        %dma_start3A_253 = tpu.memref_squeeze %dma_start3A_252 : memref<1x128xi32, #tpu.memory_space<vmem>> -> memref<128xi32, #tpu.memory_space<vmem>>
        %dma_start3A_254 = arith.constant 0 : i32
        %dma_start3A_255 = arith.constant 0 : i32
        %dma_start3A_256 = tpu.memref_slice %arg2[%dma_start3A_254, %dma_start3A_255] : memref<20000x128xf32, #tpu.memory_space<hbm>> -> memref<20000x128xf32, #tpu.memory_space<hbm>>
        tpu.enqueue_indirect_dma source(%dma_start3A_256 : memref<20000x128xf32, #tpu.memory_space<hbm>>) target(%arg9 : memref<128x128xf32, #tpu.memory_space<vmem>>) offsets(%dma_start3A_253 : memref<128xi32, #tpu.memory_space<vmem>>) semaphore(%arg12 : memref<!tpu.dma_semaphore, #tpu.memory_space<semaphore_mem>>)
      } else {
      }
      %mul3A_161 = arith.constant 4 : i32
      %mul3A_162 = arith.muli %mul3A_161, %scan3A_137 : i32
      %add3A_163 = arith.constant 1 : i32
      %add3A_164 = arith.addi %mul3A_162, %add3A_163 : i32
      %dma_wait3A_165 = arith.constant 0 : i32
      %dma_wait3A_166 = arith.constant 0 : i32
      %dma_wait3A_167 = tpu.memref_slice %arg6[%dma_wait3A_165, %dma_wait3A_166] : memref<2x128xi32, #tpu.memory_space<vmem>> -> memref<1x128xi32, #tpu.memory_space<vmem>>
      %dma_wait3A_168 = tpu.memref_squeeze %dma_wait3A_167 : memref<1x128xi32, #tpu.memory_space<vmem>> -> memref<128xi32, #tpu.memory_space<vmem>>
      %dma_wait3A_169 = arith.constant 0 : i32
      %dma_wait3A_170 = arith.constant 0 : i32
      %dma_wait3A_171 = tpu.memref_slice %arg2[%dma_wait3A_169, %dma_wait3A_170] : memref<20000x128xf32, #tpu.memory_space<hbm>> -> memref<20000x128xf32, #tpu.memory_space<hbm>>
      tpu.wait_indirect_dma semaphore(%arg12 : memref<!tpu.dma_semaphore, #tpu.memory_space<semaphore_mem>>) src(%dma_wait3A_171 : memref<20000x128xf32, #tpu.memory_space<hbm>>) dst(%arg10 : memref<128x128xf32, #tpu.memory_space<vmem>>)
      %run_scoped3A_172 = arith.constant 1 : i32
      "tpu.region"() ({
        %run_scoped3A_240 = tpu.sem_alloc : memref<!tpu.dma_semaphore, #tpu.memory_space<semaphore_mem>>
        %dma_start3A_241 = arith.constant 0 : i32
        %dma_start3A_242 = tpu.memref_slice %arg6[%run_scoped3A_172, %dma_start3A_241] : memref<2x128xi32, #tpu.memory_space<vmem>> -> memref<1x128xi32, #tpu.memory_space<vmem>>
        %dma_start3A_243 = tpu.memref_squeeze %dma_start3A_242 : memref<1x128xi32, #tpu.memory_space<vmem>> -> memref<128xi32, #tpu.memory_space<vmem>>
        %dma_start3A_244 = arith.constant 0 : i32
        %dma_start3A_245 = arith.constant 0 : i32
        %dma_start3A_246 = tpu.memref_slice %arg11[%dma_start3A_244, %dma_start3A_245] : memref<10240x128xf32, #tpu.memory_space<vmem_shared>> -> memref<10240x128xf32, #tpu.memory_space<vmem_shared>>
        tpu.enqueue_indirect_dma source(%arg10 : memref<128x128xf32, #tpu.memory_space<vmem>>) target(%dma_start3A_246 : memref<10240x128xf32, #tpu.memory_space<vmem_shared>>) offsets(%dma_start3A_243 : memref<128xi32, #tpu.memory_space<vmem>>) semaphore(%run_scoped3A_240 : memref<!tpu.dma_semaphore, #tpu.memory_space<semaphore_mem>>) {add = true}
        %dma_wait3A_247 = arith.constant 0 : i32
        %dma_wait3A_248 = tpu.memref_slice %arg6[%run_scoped3A_172, %dma_wait3A_247] : memref<2x128xi32, #tpu.memory_space<vmem>> -> memref<1x128xi32, #tpu.memory_space<vmem>>
        %dma_wait3A_249 = tpu.memref_squeeze %dma_wait3A_248 : memref<1x128xi32, #tpu.memory_space<vmem>> -> memref<128xi32, #tpu.memory_space<vmem>>
        %dma_wait3A_250 = arith.constant 0 : i32
        %dma_wait3A_251 = arith.constant 0 : i32
        %dma_wait3A_252 = tpu.memref_slice %arg11[%dma_wait3A_250, %dma_wait3A_251] : memref<10240x128xf32, #tpu.memory_space<vmem_shared>> -> memref<10240x128xf32, #tpu.memory_space<vmem_shared>>
        tpu.wait_indirect_dma semaphore(%run_scoped3A_240 : memref<!tpu.dma_semaphore, #tpu.memory_space<semaphore_mem>>) src(%arg10 : memref<128x128xf32, #tpu.memory_space<vmem>>) dst(%dma_wait3A_252 : memref<10240x128xf32, #tpu.memory_space<vmem_shared>>)
        tpu.yield
      }) : () -> ()
      %add3A_173 = arith.constant 3 : i32
      %add3A_174 = arith.addi %add3A_164, %add3A_173 : i32
      %lt3A_175 = arith.constant 160 : i32
      %lt3A_176 = arith.cmpi slt, %add3A_174, %lt3A_175 : i32
      %convert_element_type3A_177 = arith.extui %lt3A_176 : i1 to i32
      %cond3A_178 = arith.constant 0 : i32
      %cond3A_179 = arith.cmpi ne, %convert_element_type3A_177, %cond3A_178 : i32
      scf.if %cond3A_179 {
        %add3A_240 = arith.constant 3 : i32
        %add3A_241 = arith.addi %add3A_164, %add3A_240 : i32
        %dma_start3A_242 = arith.constant 1 : i32
        %dma_start3A_243 = arith.constant 0 : i32
        %dma_start3A_244 = arith.constant 0 : i32
        %dma_start3A_245 = tpu.memref_slice %arg3[%dma_start3A_242, %arg1, %add3A_241, %dma_start3A_243, %dma_start3A_244] : memref<2x16x160x2x128xi32, #tpu.memory_space<hbm>> -> memref<1x1x1x2x128xi32, #tpu.memory_space<hbm>>
        %dma_start3A_246 = tpu.memref_squeeze %dma_start3A_245 : memref<1x1x1x2x128xi32, #tpu.memory_space<hbm>> -> memref<2x128xi32, #tpu.memory_space<hbm>>
        %dma_start3A_247 = arith.constant 0 : i32
        %dma_start3A_248 = arith.constant 0 : i32
        %dma_start3A_249 = tpu.memref_slice %arg3[%dma_start3A_242, %arg1, %add3A_241, %dma_start3A_247, %dma_start3A_248] : memref<2x16x160x2x128xi32, #tpu.memory_space<hbm>> -> memref<1x1x1x2x128xi32, #tpu.memory_space<hbm>>
        %dma_start3A_250 = tpu.memref_squeeze %dma_start3A_249 : memref<1x1x1x2x128xi32, #tpu.memory_space<hbm>> -> memref<2x128xi32, #tpu.memory_space<hbm>>
        tpu.enqueue_dma source(%dma_start3A_250 : memref<2x128xi32, #tpu.memory_space<hbm>>) target(%arg5 : memref<2x128xi32, #tpu.memory_space<vmem>>) target_semaphore(%arg14 : memref<!tpu.dma_semaphore, #tpu.memory_space<semaphore_mem>>)
      } else {
      }
      %add3A_180 = arith.constant 2 : i32
      %add3A_181 = arith.addi %add3A_164, %add3A_180 : i32
      %lt3A_182 = arith.constant 160 : i32
      %lt3A_183 = arith.cmpi slt, %add3A_181, %lt3A_182 : i32
      %convert_element_type3A_184 = arith.extui %lt3A_183 : i1 to i32
      %cond3A_185 = arith.constant 0 : i32
      %cond3A_186 = arith.cmpi ne, %convert_element_type3A_184, %cond3A_185 : i32
      scf.if %cond3A_186 {
        %dma_wait3A_240 = arith.constant 1 : i32
        %dma_wait3A_241 = arith.constant 0 : i32
        %dma_wait3A_242 = arith.constant 0 : i32
        %dma_wait3A_243 = arith.constant 0 : i32
        %dma_wait3A_244 = tpu.memref_slice %arg3[%dma_wait3A_240, %arg1, %dma_wait3A_241, %dma_wait3A_242, %dma_wait3A_243] : memref<2x16x160x2x128xi32, #tpu.memory_space<hbm>> -> memref<1x1x1x2x128xi32, #tpu.memory_space<hbm>>
        %dma_wait3A_245 = tpu.memref_squeeze %dma_wait3A_244 : memref<1x1x1x2x128xi32, #tpu.memory_space<hbm>> -> memref<2x128xi32, #tpu.memory_space<hbm>>
        %dma_wait3A_246 = arith.constant 0 : i32
        %dma_wait3A_247 = arith.constant 0 : i32
        %dma_wait3A_248 = tpu.memref_slice %arg3[%dma_wait3A_240, %arg1, %dma_wait3A_241, %dma_wait3A_246, %dma_wait3A_247] : memref<2x16x160x2x128xi32, #tpu.memory_space<hbm>> -> memref<1x1x1x2x128xi32, #tpu.memory_space<hbm>>
        %dma_wait3A_249 = tpu.memref_squeeze %dma_wait3A_248 : memref<1x1x1x2x128xi32, #tpu.memory_space<hbm>> -> memref<2x128xi32, #tpu.memory_space<hbm>>
        tpu.wait_dma2 semaphore(%arg14 : memref<!tpu.dma_semaphore, #tpu.memory_space<semaphore_mem>>) src(%dma_wait3A_249 : memref<2x128xi32, #tpu.memory_space<hbm>>) dst(%arg8 : memref<2x128xi32, #tpu.memory_space<vmem>>)
        %dma_start3A_250 = arith.constant 0 : i32
        %dma_start3A_251 = arith.constant 0 : i32
        %dma_start3A_252 = tpu.memref_slice %arg8[%dma_start3A_250, %dma_start3A_251] : memref<2x128xi32, #tpu.memory_space<vmem>> -> memref<1x128xi32, #tpu.memory_space<vmem>>
        %dma_start3A_253 = tpu.memref_squeeze %dma_start3A_252 : memref<1x128xi32, #tpu.memory_space<vmem>> -> memref<128xi32, #tpu.memory_space<vmem>>
        %dma_start3A_254 = arith.constant 0 : i32
        %dma_start3A_255 = arith.constant 0 : i32
        %dma_start3A_256 = tpu.memref_slice %arg2[%dma_start3A_254, %dma_start3A_255] : memref<20000x128xf32, #tpu.memory_space<hbm>> -> memref<20000x128xf32, #tpu.memory_space<hbm>>
        tpu.enqueue_indirect_dma source(%dma_start3A_256 : memref<20000x128xf32, #tpu.memory_space<hbm>>) target(%arg10 : memref<128x128xf32, #tpu.memory_space<vmem>>) offsets(%dma_start3A_253 : memref<128xi32, #tpu.memory_space<vmem>>) semaphore(%arg12 : memref<!tpu.dma_semaphore, #tpu.memory_space<semaphore_mem>>)
      } else {
      }
      %mul3A_187 = arith.constant 4 : i32
      %mul3A_188 = arith.muli %mul3A_187, %scan3A_137 : i32
      %add3A_189 = arith.constant 2 : i32
      %add3A_190 = arith.addi %mul3A_188, %add3A_189 : i32
      %dma_wait3A_191 = arith.constant 0 : i32
      %dma_wait3A_192 = arith.constant 0 : i32
      %dma_wait3A_193 = tpu.memref_slice %arg7[%dma_wait3A_191, %dma_wait3A_192] : memref<2x128xi32, #tpu.memory_space<vmem>> -> memref<1x128xi32, #tpu.memory_space<vmem>>
      %dma_wait3A_194 = tpu.memref_squeeze %dma_wait3A_193 : memref<1x128xi32, #tpu.memory_space<vmem>> -> memref<128xi32, #tpu.memory_space<vmem>>
      %dma_wait3A_195 = arith.constant 0 : i32
      %dma_wait3A_196 = arith.constant 0 : i32
      %dma_wait3A_197 = tpu.memref_slice %arg2[%dma_wait3A_195, %dma_wait3A_196] : memref<20000x128xf32, #tpu.memory_space<hbm>> -> memref<20000x128xf32, #tpu.memory_space<hbm>>
      tpu.wait_indirect_dma semaphore(%arg12 : memref<!tpu.dma_semaphore, #tpu.memory_space<semaphore_mem>>) src(%dma_wait3A_197 : memref<20000x128xf32, #tpu.memory_space<hbm>>) dst(%arg9 : memref<128x128xf32, #tpu.memory_space<vmem>>)
      %run_scoped3A_198 = arith.constant 1 : i32
      "tpu.region"() ({
        %run_scoped3A_240 = tpu.sem_alloc : memref<!tpu.dma_semaphore, #tpu.memory_space<semaphore_mem>>
        %dma_start3A_241 = arith.constant 0 : i32
        %dma_start3A_242 = tpu.memref_slice %arg7[%run_scoped3A_198, %dma_start3A_241] : memref<2x128xi32, #tpu.memory_space<vmem>> -> memref<1x128xi32, #tpu.memory_space<vmem>>
        %dma_start3A_243 = tpu.memref_squeeze %dma_start3A_242 : memref<1x128xi32, #tpu.memory_space<vmem>> -> memref<128xi32, #tpu.memory_space<vmem>>
        %dma_start3A_244 = arith.constant 0 : i32
        %dma_start3A_245 = arith.constant 0 : i32
        %dma_start3A_246 = tpu.memref_slice %arg11[%dma_start3A_244, %dma_start3A_245] : memref<10240x128xf32, #tpu.memory_space<vmem_shared>> -> memref<10240x128xf32, #tpu.memory_space<vmem_shared>>
        tpu.enqueue_indirect_dma source(%arg9 : memref<128x128xf32, #tpu.memory_space<vmem>>) target(%dma_start3A_246 : memref<10240x128xf32, #tpu.memory_space<vmem_shared>>) offsets(%dma_start3A_243 : memref<128xi32, #tpu.memory_space<vmem>>) semaphore(%run_scoped3A_240 : memref<!tpu.dma_semaphore, #tpu.memory_space<semaphore_mem>>) {add = true}
        %dma_wait3A_247 = arith.constant 0 : i32
        %dma_wait3A_248 = tpu.memref_slice %arg7[%run_scoped3A_198, %dma_wait3A_247] : memref<2x128xi32, #tpu.memory_space<vmem>> -> memref<1x128xi32, #tpu.memory_space<vmem>>
        %dma_wait3A_249 = tpu.memref_squeeze %dma_wait3A_248 : memref<1x128xi32, #tpu.memory_space<vmem>> -> memref<128xi32, #tpu.memory_space<vmem>>
        %dma_wait3A_250 = arith.constant 0 : i32
        %dma_wait3A_251 = arith.constant 0 : i32
        %dma_wait3A_252 = tpu.memref_slice %arg11[%dma_wait3A_250, %dma_wait3A_251] : memref<10240x128xf32, #tpu.memory_space<vmem_shared>> -> memref<10240x128xf32, #tpu.memory_space<vmem_shared>>
        tpu.wait_indirect_dma semaphore(%run_scoped3A_240 : memref<!tpu.dma_semaphore, #tpu.memory_space<semaphore_mem>>) src(%arg9 : memref<128x128xf32, #tpu.memory_space<vmem>>) dst(%dma_wait3A_252 : memref<10240x128xf32, #tpu.memory_space<vmem_shared>>)
        tpu.yield
      }) : () -> ()
      %add3A_199 = arith.constant 3 : i32
      %add3A_200 = arith.addi %add3A_190, %add3A_199 : i32
      %lt3A_201 = arith.constant 160 : i32
      %lt3A_202 = arith.cmpi slt, %add3A_200, %lt3A_201 : i32
      %convert_element_type3A_203 = arith.extui %lt3A_202 : i1 to i32
      %cond3A_204 = arith.constant 0 : i32
      %cond3A_205 = arith.cmpi ne, %convert_element_type3A_203, %cond3A_204 : i32
      scf.if %cond3A_205 {
        %add3A_240 = arith.constant 3 : i32
        %add3A_241 = arith.addi %add3A_190, %add3A_240 : i32
        %dma_start3A_242 = arith.constant 1 : i32
        %dma_start3A_243 = arith.constant 0 : i32
        %dma_start3A_244 = arith.constant 0 : i32
        %dma_start3A_245 = tpu.memref_slice %arg3[%dma_start3A_242, %arg1, %add3A_241, %dma_start3A_243, %dma_start3A_244] : memref<2x16x160x2x128xi32, #tpu.memory_space<hbm>> -> memref<1x1x1x2x128xi32, #tpu.memory_space<hbm>>
        %dma_start3A_246 = tpu.memref_squeeze %dma_start3A_245 : memref<1x1x1x2x128xi32, #tpu.memory_space<hbm>> -> memref<2x128xi32, #tpu.memory_space<hbm>>
        %dma_start3A_247 = arith.constant 0 : i32
        %dma_start3A_248 = arith.constant 0 : i32
        %dma_start3A_249 = tpu.memref_slice %arg3[%dma_start3A_242, %arg1, %add3A_241, %dma_start3A_247, %dma_start3A_248] : memref<2x16x160x2x128xi32, #tpu.memory_space<hbm>> -> memref<1x1x1x2x128xi32, #tpu.memory_space<hbm>>
        %dma_start3A_250 = tpu.memref_squeeze %dma_start3A_249 : memref<1x1x1x2x128xi32, #tpu.memory_space<hbm>> -> memref<2x128xi32, #tpu.memory_space<hbm>>
        tpu.enqueue_dma source(%dma_start3A_250 : memref<2x128xi32, #tpu.memory_space<hbm>>) target(%arg6 : memref<2x128xi32, #tpu.memory_space<vmem>>) target_semaphore(%arg14 : memref<!tpu.dma_semaphore, #tpu.memory_space<semaphore_mem>>)
      } else {
      }
      %add3A_206 = arith.constant 2 : i32
      %add3A_207 = arith.addi %add3A_190, %add3A_206 : i32
      %lt3A_208 = arith.constant 160 : i32
      %lt3A_209 = arith.cmpi slt, %add3A_207, %lt3A_208 : i32
      %convert_element_type3A_210 = arith.extui %lt3A_209 : i1 to i32
      %cond3A_211 = arith.constant 0 : i32
      %cond3A_212 = arith.cmpi ne, %convert_element_type3A_210, %cond3A_211 : i32
      scf.if %cond3A_212 {
        %dma_wait3A_240 = arith.constant 1 : i32
        %dma_wait3A_241 = arith.constant 0 : i32
        %dma_wait3A_242 = arith.constant 0 : i32
        %dma_wait3A_243 = arith.constant 0 : i32
        %dma_wait3A_244 = tpu.memref_slice %arg3[%dma_wait3A_240, %arg1, %dma_wait3A_241, %dma_wait3A_242, %dma_wait3A_243] : memref<2x16x160x2x128xi32, #tpu.memory_space<hbm>> -> memref<1x1x1x2x128xi32, #tpu.memory_space<hbm>>
        %dma_wait3A_245 = tpu.memref_squeeze %dma_wait3A_244 : memref<1x1x1x2x128xi32, #tpu.memory_space<hbm>> -> memref<2x128xi32, #tpu.memory_space<hbm>>
        %dma_wait3A_246 = arith.constant 0 : i32
        %dma_wait3A_247 = arith.constant 0 : i32
        %dma_wait3A_248 = tpu.memref_slice %arg3[%dma_wait3A_240, %arg1, %dma_wait3A_241, %dma_wait3A_246, %dma_wait3A_247] : memref<2x16x160x2x128xi32, #tpu.memory_space<hbm>> -> memref<1x1x1x2x128xi32, #tpu.memory_space<hbm>>
        %dma_wait3A_249 = tpu.memref_squeeze %dma_wait3A_248 : memref<1x1x1x2x128xi32, #tpu.memory_space<hbm>> -> memref<2x128xi32, #tpu.memory_space<hbm>>
        tpu.wait_dma2 semaphore(%arg14 : memref<!tpu.dma_semaphore, #tpu.memory_space<semaphore_mem>>) src(%dma_wait3A_249 : memref<2x128xi32, #tpu.memory_space<hbm>>) dst(%arg5 : memref<2x128xi32, #tpu.memory_space<vmem>>)
        %dma_start3A_250 = arith.constant 0 : i32
        %dma_start3A_251 = arith.constant 0 : i32
        %dma_start3A_252 = tpu.memref_slice %arg5[%dma_start3A_250, %dma_start3A_251] : memref<2x128xi32, #tpu.memory_space<vmem>> -> memref<1x128xi32, #tpu.memory_space<vmem>>
        %dma_start3A_253 = tpu.memref_squeeze %dma_start3A_252 : memref<1x128xi32, #tpu.memory_space<vmem>> -> memref<128xi32, #tpu.memory_space<vmem>>
        %dma_start3A_254 = arith.constant 0 : i32
        %dma_start3A_255 = arith.constant 0 : i32
        %dma_start3A_256 = tpu.memref_slice %arg2[%dma_start3A_254, %dma_start3A_255] : memref<20000x128xf32, #tpu.memory_space<hbm>> -> memref<20000x128xf32, #tpu.memory_space<hbm>>
        tpu.enqueue_indirect_dma source(%dma_start3A_256 : memref<20000x128xf32, #tpu.memory_space<hbm>>) target(%arg9 : memref<128x128xf32, #tpu.memory_space<vmem>>) offsets(%dma_start3A_253 : memref<128xi32, #tpu.memory_space<vmem>>) semaphore(%arg12 : memref<!tpu.dma_semaphore, #tpu.memory_space<semaphore_mem>>)
      } else {
      }
      %mul3A_213 = arith.constant 4 : i32
      %mul3A_214 = arith.muli %mul3A_213, %scan3A_137 : i32
      %add3A_215 = arith.constant 3 : i32
      %add3A_216 = arith.addi %mul3A_214, %add3A_215 : i32
      %dma_wait3A_217 = arith.constant 0 : i32
      %dma_wait3A_218 = arith.constant 0 : i32
      %dma_wait3A_219 = tpu.memref_slice %arg8[%dma_wait3A_217, %dma_wait3A_218] : memref<2x128xi32, #tpu.memory_space<vmem>> -> memref<1x128xi32, #tpu.memory_space<vmem>>
      %dma_wait3A_220 = tpu.memref_squeeze %dma_wait3A_219 : memref<1x128xi32, #tpu.memory_space<vmem>> -> memref<128xi32, #tpu.memory_space<vmem>>
      %dma_wait3A_221 = arith.constant 0 : i32
      %dma_wait3A_222 = arith.constant 0 : i32
      %dma_wait3A_223 = tpu.memref_slice %arg2[%dma_wait3A_221, %dma_wait3A_222] : memref<20000x128xf32, #tpu.memory_space<hbm>> -> memref<20000x128xf32, #tpu.memory_space<hbm>>
      tpu.wait_indirect_dma semaphore(%arg12 : memref<!tpu.dma_semaphore, #tpu.memory_space<semaphore_mem>>) src(%dma_wait3A_223 : memref<20000x128xf32, #tpu.memory_space<hbm>>) dst(%arg10 : memref<128x128xf32, #tpu.memory_space<vmem>>)
      %run_scoped3A_224 = arith.constant 1 : i32
      "tpu.region"() ({
        %run_scoped3A_240 = tpu.sem_alloc : memref<!tpu.dma_semaphore, #tpu.memory_space<semaphore_mem>>
        %dma_start3A_241 = arith.constant 0 : i32
        %dma_start3A_242 = tpu.memref_slice %arg8[%run_scoped3A_224, %dma_start3A_241] : memref<2x128xi32, #tpu.memory_space<vmem>> -> memref<1x128xi32, #tpu.memory_space<vmem>>
        %dma_start3A_243 = tpu.memref_squeeze %dma_start3A_242 : memref<1x128xi32, #tpu.memory_space<vmem>> -> memref<128xi32, #tpu.memory_space<vmem>>
        %dma_start3A_244 = arith.constant 0 : i32
        %dma_start3A_245 = arith.constant 0 : i32
        %dma_start3A_246 = tpu.memref_slice %arg11[%dma_start3A_244, %dma_start3A_245] : memref<10240x128xf32, #tpu.memory_space<vmem_shared>> -> memref<10240x128xf32, #tpu.memory_space<vmem_shared>>
        tpu.enqueue_indirect_dma source(%arg10 : memref<128x128xf32, #tpu.memory_space<vmem>>) target(%dma_start3A_246 : memref<10240x128xf32, #tpu.memory_space<vmem_shared>>) offsets(%dma_start3A_243 : memref<128xi32, #tpu.memory_space<vmem>>) semaphore(%run_scoped3A_240 : memref<!tpu.dma_semaphore, #tpu.memory_space<semaphore_mem>>) {add = true}
        %dma_wait3A_247 = arith.constant 0 : i32
        %dma_wait3A_248 = tpu.memref_slice %arg8[%run_scoped3A_224, %dma_wait3A_247] : memref<2x128xi32, #tpu.memory_space<vmem>> -> memref<1x128xi32, #tpu.memory_space<vmem>>
        %dma_wait3A_249 = tpu.memref_squeeze %dma_wait3A_248 : memref<1x128xi32, #tpu.memory_space<vmem>> -> memref<128xi32, #tpu.memory_space<vmem>>
        %dma_wait3A_250 = arith.constant 0 : i32
        %dma_wait3A_251 = arith.constant 0 : i32
        %dma_wait3A_252 = tpu.memref_slice %arg11[%dma_wait3A_250, %dma_wait3A_251] : memref<10240x128xf32, #tpu.memory_space<vmem_shared>> -> memref<10240x128xf32, #tpu.memory_space<vmem_shared>>
        tpu.wait_indirect_dma semaphore(%run_scoped3A_240 : memref<!tpu.dma_semaphore, #tpu.memory_space<semaphore_mem>>) src(%arg10 : memref<128x128xf32, #tpu.memory_space<vmem>>) dst(%dma_wait3A_252 : memref<10240x128xf32, #tpu.memory_space<vmem_shared>>)
        tpu.yield
      }) : () -> ()
      %add3A_225 = arith.constant 3 : i32
      %add3A_226 = arith.addi %add3A_216, %add3A_225 : i32
      %lt3A_227 = arith.constant 160 : i32
      %lt3A_228 = arith.cmpi slt, %add3A_226, %lt3A_227 : i32
      %convert_element_type3A_229 = arith.extui %lt3A_228 : i1 to i32
      %cond3A_230 = arith.constant 0 : i32
      %cond3A_231 = arith.cmpi ne, %convert_element_type3A_229, %cond3A_230 : i32
      scf.if %cond3A_231 {
        %add3A_240 = arith.constant 3 : i32
        %add3A_241 = arith.addi %add3A_216, %add3A_240 : i32
        %dma_start3A_242 = arith.constant 1 : i32
        %dma_start3A_243 = arith.constant 0 : i32
        %dma_start3A_244 = arith.constant 0 : i32
        %dma_start3A_245 = tpu.memref_slice %arg3[%dma_start3A_242, %arg1, %add3A_241, %dma_start3A_243, %dma_start3A_244] : memref<2x16x160x2x128xi32, #tpu.memory_space<hbm>> -> memref<1x1x1x2x128xi32, #tpu.memory_space<hbm>>
        %dma_start3A_246 = tpu.memref_squeeze %dma_start3A_245 : memref<1x1x1x2x128xi32, #tpu.memory_space<hbm>> -> memref<2x128xi32, #tpu.memory_space<hbm>>
        %dma_start3A_247 = arith.constant 0 : i32
        %dma_start3A_248 = arith.constant 0 : i32
        %dma_start3A_249 = tpu.memref_slice %arg3[%dma_start3A_242, %arg1, %add3A_241, %dma_start3A_247, %dma_start3A_248] : memref<2x16x160x2x128xi32, #tpu.memory_space<hbm>> -> memref<1x1x1x2x128xi32, #tpu.memory_space<hbm>>
        %dma_start3A_250 = tpu.memref_squeeze %dma_start3A_249 : memref<1x1x1x2x128xi32, #tpu.memory_space<hbm>> -> memref<2x128xi32, #tpu.memory_space<hbm>>
        tpu.enqueue_dma source(%dma_start3A_250 : memref<2x128xi32, #tpu.memory_space<hbm>>) target(%arg7 : memref<2x128xi32, #tpu.memory_space<vmem>>) target_semaphore(%arg14 : memref<!tpu.dma_semaphore, #tpu.memory_space<semaphore_mem>>)
      } else {
      }
      %add3A_232 = arith.constant 2 : i32
      %add3A_233 = arith.addi %add3A_216, %add3A_232 : i32
      %lt3A_234 = arith.constant 160 : i32
      %lt3A_235 = arith.cmpi slt, %add3A_233, %lt3A_234 : i32
      %convert_element_type3A_236 = arith.extui %lt3A_235 : i1 to i32
      %cond3A_237 = arith.constant 0 : i32
      %cond3A_238 = arith.cmpi ne, %convert_element_type3A_236, %cond3A_237 : i32
      scf.if %cond3A_238 {
        %dma_wait3A_240 = arith.constant 1 : i32
        %dma_wait3A_241 = arith.constant 0 : i32
        %dma_wait3A_242 = arith.constant 0 : i32
        %dma_wait3A_243 = arith.constant 0 : i32
        %dma_wait3A_244 = tpu.memref_slice %arg3[%dma_wait3A_240, %arg1, %dma_wait3A_241, %dma_wait3A_242, %dma_wait3A_243] : memref<2x16x160x2x128xi32, #tpu.memory_space<hbm>> -> memref<1x1x1x2x128xi32, #tpu.memory_space<hbm>>
        %dma_wait3A_245 = tpu.memref_squeeze %dma_wait3A_244 : memref<1x1x1x2x128xi32, #tpu.memory_space<hbm>> -> memref<2x128xi32, #tpu.memory_space<hbm>>
        %dma_wait3A_246 = arith.constant 0 : i32
        %dma_wait3A_247 = arith.constant 0 : i32
        %dma_wait3A_248 = tpu.memref_slice %arg3[%dma_wait3A_240, %arg1, %dma_wait3A_241, %dma_wait3A_246, %dma_wait3A_247] : memref<2x16x160x2x128xi32, #tpu.memory_space<hbm>> -> memref<1x1x1x2x128xi32, #tpu.memory_space<hbm>>
        %dma_wait3A_249 = tpu.memref_squeeze %dma_wait3A_248 : memref<1x1x1x2x128xi32, #tpu.memory_space<hbm>> -> memref<2x128xi32, #tpu.memory_space<hbm>>
        tpu.wait_dma2 semaphore(%arg14 : memref<!tpu.dma_semaphore, #tpu.memory_space<semaphore_mem>>) src(%dma_wait3A_249 : memref<2x128xi32, #tpu.memory_space<hbm>>) dst(%arg6 : memref<2x128xi32, #tpu.memory_space<vmem>>)
        %dma_start3A_250 = arith.constant 0 : i32
        %dma_start3A_251 = arith.constant 0 : i32
        %dma_start3A_252 = tpu.memref_slice %arg6[%dma_start3A_250, %dma_start3A_251] : memref<2x128xi32, #tpu.memory_space<vmem>> -> memref<1x128xi32, #tpu.memory_space<vmem>>
        %dma_start3A_253 = tpu.memref_squeeze %dma_start3A_252 : memref<1x128xi32, #tpu.memory_space<vmem>> -> memref<128xi32, #tpu.memory_space<vmem>>
        %dma_start3A_254 = arith.constant 0 : i32
        %dma_start3A_255 = arith.constant 0 : i32
        %dma_start3A_256 = tpu.memref_slice %arg2[%dma_start3A_254, %dma_start3A_255] : memref<20000x128xf32, #tpu.memory_space<hbm>> -> memref<20000x128xf32, #tpu.memory_space<hbm>>
        tpu.enqueue_indirect_dma source(%dma_start3A_256 : memref<20000x128xf32, #tpu.memory_space<hbm>>) target(%arg10 : memref<128x128xf32, #tpu.memory_space<vmem>>) offsets(%dma_start3A_253 : memref<128xi32, #tpu.memory_space<vmem>>) semaphore(%arg12 : memref<!tpu.dma_semaphore, #tpu.memory_space<semaphore_mem>>)
      } else {
      }
      %scan3A_239 = arith.constant 0 : i32
      scf.yield %scan3A_239 : i32
    }
    %scan3A_129 = arith.constant 40 : i32
    %barrier3A_130 = arith.constant 0 : index
    tpu.barrier barrier_id(%barrier3A_130)
    %mul3A_131 = arith.constant 640 : i32
    %mul3A_132 = arith.muli %arg1, %mul3A_131 : i32
    %mul3A_133 = arith.constant 640 : i32
    %mul3A_134 = arith.muli %arg1, %mul3A_133 : i32
    %run_scoped3A_135 = arith.constant 1 : i32
    "tpu.region"() ({
      %run_scoped3A_137 = tpu.sem_alloc : memref<!tpu.dma_semaphore, #tpu.memory_space<semaphore_mem>>
      %dma_start3A_138 = arith.constant 0 : i32
      %dma_start3A_139 = tpu.memref_slice %arg4[%run_scoped3A_135, %mul3A_134, %dma_start3A_138] : memref<2x10240x128xf32, #tpu.memory_space<hbm>> -> memref<1x640x128xf32, #tpu.memory_space<hbm>>
      %dma_start3A_140 = tpu.memref_squeeze %dma_start3A_139 : memref<1x640x128xf32, #tpu.memory_space<hbm>> -> memref<640x128xf32, #tpu.memory_space<hbm>>
      %dma_start3A_141 = arith.constant 0 : i32
      %dma_start3A_142 = tpu.memref_slice %arg11[%mul3A_132, %dma_start3A_141] : memref<10240x128xf32, #tpu.memory_space<vmem_shared>> -> memref<640x128xf32, #tpu.memory_space<vmem_shared>>
      tpu.enqueue_dma source(%dma_start3A_142 : memref<640x128xf32, #tpu.memory_space<vmem_shared>>) target(%dma_start3A_140 : memref<640x128xf32, #tpu.memory_space<hbm>>) target_semaphore(%run_scoped3A_137 : memref<!tpu.dma_semaphore, #tpu.memory_space<semaphore_mem>>)
      %dma_wait3A = arith.constant 0 : i32
      %dma_wait3A_143 = tpu.memref_slice %arg4[%run_scoped3A_135, %mul3A_134, %dma_wait3A] : memref<2x10240x128xf32, #tpu.memory_space<hbm>> -> memref<1x640x128xf32, #tpu.memory_space<hbm>>
      %dma_wait3A_144 = tpu.memref_squeeze %dma_wait3A_143 : memref<1x640x128xf32, #tpu.memory_space<hbm>> -> memref<640x128xf32, #tpu.memory_space<hbm>>
      %dma_wait3A_145 = arith.constant 0 : i32
      %dma_wait3A_146 = tpu.memref_slice %arg11[%mul3A_132, %dma_wait3A_145] : memref<10240x128xf32, #tpu.memory_space<vmem_shared>> -> memref<640x128xf32, #tpu.memory_space<vmem_shared>>
      tpu.wait_dma2 semaphore(%run_scoped3A_137 : memref<!tpu.dma_semaphore, #tpu.memory_space<semaphore_mem>>) src(%dma_wait3A_146 : memref<640x128xf32, #tpu.memory_space<vmem_shared>>) dst(%dma_wait3A_144 : memref<640x128xf32, #tpu.memory_space<hbm>>)
      tpu.yield
    }) : () -> ()
    %barrier3A_136 = arith.constant 0 : index
    tpu.barrier barrier_id(%barrier3A_136)
    return
  }
}

#map = affine_map<(d0, d1) -> (0, 0)>
#map1 = affine_map<(d0, d1) -> (0, 0, 0, 0, 0)>
#map2 = affine_map<(d0, d1) -> (0, 0, 0)>
module attributes {stable_mosaic.version = 14 : i64} {
  func.func @sc_agg_a(%arg0: i32, %arg1: i32, %arg2: memref<10000x128xf32, #tpu.memory_space<hbm>>, %arg3: memref<2x16x160x2x128xi32, #tpu.memory_space<hbm>>, %arg4: memref<2x10240x128xf32, #tpu.memory_space<hbm>>, %arg5: memref<2x128xi32, #tpu.memory_space<vmem>>, %arg6: memref<2x128xi32, #tpu.memory_space<vmem>>, %arg7: memref<2x128xi32, #tpu.memory_space<vmem>>, %arg8: memref<2x128xi32, #tpu.memory_space<vmem>>, %arg9: memref<128x128xf32, #tpu.memory_space<vmem>>, %arg10: memref<128x128xf32, #tpu.memory_space<vmem>>, %arg11: memref<10240x128xf32, #tpu.memory_space<vmem_shared>>, %arg12: memref<!tpu.dma_semaphore, #tpu.memory_space<semaphore_mem>>, %arg13: memref<!tpu.dma_semaphore, #tpu.memory_space<semaphore_mem>>, %arg14: memref<!tpu.dma_semaphore, #tpu.memory_space<semaphore_mem>>) attributes {dimension_semantics = [#tpu.dimension_semantics<core_parallel>, #tpu.dimension_semantics<subcore_parallel>], iteration_bounds = array<i64: 1, 16>, scalar_prefetch = 0 : i64, scratch_operands = 10 : i64, tpu.core_type = #tpu.core_type<sc_vector_subcore>, window_params = [{transform_indices = #map}, {transform_indices = #map1}, {transform_indices = #map2}]} {
    %broadcast_in_dim3A = arith.constant 0.000000e+00 : f32
    %broadcast_in_dim3A_0 = vector.broadcast %broadcast_in_dim3A : f32 to vector<16xf32>
    %scan3A = arith.constant 0 : i32
    %scan3A_1 = arith.constant 0 : i32
    %scan3A_2 = arith.constant 128 : i32
    %scan3A_3 = arith.addi %scan3A_1, %scan3A_2 : i32
    %scan3A_4 = arith.constant 1 : i32
    %scan3A_5 = scf.for %scan3A_137 = %scan3A_1 to %scan3A_3 step %scan3A_4 iter_args(%scan3A_138 = %scan3A) -> (i32)  : i32 {
      %scan3A_139 = arith.constant 0 : i32
      %scan3A_140 = arith.constant 0 : i32
      %scan3A_141 = arith.constant 8 : i32
      %scan3A_142 = arith.addi %scan3A_140, %scan3A_141 : i32
      %scan3A_143 = arith.constant 1 : i32
      %scan3A_144 = scf.for %scan3A_146 = %scan3A_140 to %scan3A_142 step %scan3A_143 iter_args(%scan3A_147 = %scan3A_139) -> (i32)  : i32 {
        %mul3A_148 = arith.constant 16 : i32
        %mul3A_149 = arith.muli %scan3A_146, %mul3A_148 : i32
        %swap3A = arith.index_cast %scan3A_137 : i32 to index
        %swap3A_150 = arith.index_cast %mul3A_149 : i32 to index
        %swap3A_151 = tpu.vector_load %arg9[%swap3A, %swap3A_150] {strides = array<i32>} : memref<128x128xf32, #tpu.memory_space<vmem>>, vector<1x16xf32>,
        %swap3A_152 = vector.shape_cast %swap3A_151 : vector<1x16xf32> to vector<16xf32>
        %swap3A_153 = vector.shape_cast %broadcast_in_dim3A_0 : vector<16xf32> to vector<1x16xf32>
        tpu.vector_store %arg9[%swap3A, %swap3A_150], %swap3A_153 {strides = array<i32>} : memref<128x128xf32, #tpu.memory_space<vmem>>, vector<1x16xf32>,
        %scan3A_154 = arith.constant 0 : i32
        scf.yield %scan3A_154 : i32
      }
      %scan3A_145 = arith.constant 8 : i32
      scf.yield %scan3A_144 : i32
    }
    %scan3A_6 = arith.constant 128 : i32
    %mul3A = arith.constant 640 : i32
    %mul3A_7 = arith.muli %arg1, %mul3A : i32
    %add3A = arith.constant 0 : i32
    %add3A_8 = arith.addi %mul3A_7, %add3A : i32
    "tpu.region"() ({
      %run_scoped3A_137 = tpu.sem_alloc : memref<!tpu.dma_semaphore, #tpu.memory_space<semaphore_mem>>
      %dma_start3A_138 = arith.constant 0 : i32
      %dma_start3A_139 = tpu.memref_slice %arg11[%add3A_8, %dma_start3A_138] : memref<10240x128xf32, #tpu.memory_space<vmem_shared>> -> memref<128x128xf32, #tpu.memory_space<vmem_shared>>
      %dma_start3A_140 = arith.constant 0 : i32
      %dma_start3A_141 = tpu.memref_slice %arg11[%add3A_8, %dma_start3A_140] : memref<10240x128xf32, #tpu.memory_space<vmem_shared>> -> memref<128x128xf32, #tpu.memory_space<vmem_shared>>
      tpu.enqueue_dma source(%arg9 : memref<128x128xf32, #tpu.memory_space<vmem>>) target(%dma_start3A_141 : memref<128x128xf32, #tpu.memory_space<vmem_shared>>) target_semaphore(%run_scoped3A_137 : memref<!tpu.dma_semaphore, #tpu.memory_space<semaphore_mem>>)
      %dma_wait3A = arith.constant 0 : i32
      %dma_wait3A_142 = tpu.memref_slice %arg11[%add3A_8, %dma_wait3A] : memref<10240x128xf32, #tpu.memory_space<vmem_shared>> -> memref<128x128xf32, #tpu.memory_space<vmem_shared>>
      %dma_wait3A_143 = arith.constant 0 : i32
      %dma_wait3A_144 = tpu.memref_slice %arg11[%add3A_8, %dma_wait3A_143] : memref<10240x128xf32, #tpu.memory_space<vmem_shared>> -> memref<128x128xf32, #tpu.memory_space<vmem_shared>>
      tpu.wait_dma2 semaphore(%run_scoped3A_137 : memref<!tpu.dma_semaphore, #tpu.memory_space<semaphore_mem>>) src(%arg9 : memref<128x128xf32, #tpu.memory_space<vmem>>) dst(%dma_wait3A_144 : memref<128x128xf32, #tpu.memory_space<vmem_shared>>)
      tpu.yield
    }) : () -> ()
    %mul3A_9 = arith.constant 640 : i32
    %mul3A_10 = arith.muli %arg1, %mul3A_9 : i32
    %add3A_11 = arith.constant 128 : i32
    %add3A_12 = arith.addi %mul3A_10, %add3A_11 : i32
    "tpu.region"() ({
      %run_scoped3A_137 = tpu.sem_alloc : memref<!tpu.dma_semaphore, #tpu.memory_space<semaphore_mem>>
      %dma_start3A_138 = arith.constant 0 : i32
      %dma_start3A_139 = tpu.memref_slice %arg11[%add3A_12, %dma_start3A_138] : memref<10240x128xf32, #tpu.memory_space<vmem_shared>> -> memref<128x128xf32, #tpu.memory_space<vmem_shared>>
      %dma_start3A_140 = arith.constant 0 : i32
      %dma_start3A_141 = tpu.memref_slice %arg11[%add3A_12, %dma_start3A_140] : memref<10240x128xf32, #tpu.memory_space<vmem_shared>> -> memref<128x128xf32, #tpu.memory_space<vmem_shared>>
      tpu.enqueue_dma source(%arg9 : memref<128x128xf32, #tpu.memory_space<vmem>>) target(%dma_start3A_141 : memref<128x128xf32, #tpu.memory_space<vmem_shared>>) target_semaphore(%run_scoped3A_137 : memref<!tpu.dma_semaphore, #tpu.memory_space<semaphore_mem>>)
      %dma_wait3A = arith.constant 0 : i32
      %dma_wait3A_142 = tpu.memref_slice %arg11[%add3A_12, %dma_wait3A] : memref<10240x128xf32, #tpu.memory_space<vmem_shared>> -> memref<128x128xf32, #tpu.memory_space<vmem_shared>>
      %dma_wait3A_143 = arith.constant 0 : i32
      %dma_wait3A_144 = tpu.memref_slice %arg11[%add3A_12, %dma_wait3A_143] : memref<10240x128xf32, #tpu.memory_space<vmem_shared>> -> memref<128x128xf32, #tpu.memory_space<vmem_shared>>
      tpu.wait_dma2 semaphore(%run_scoped3A_137 : memref<!tpu.dma_semaphore, #tpu.memory_space<semaphore_mem>>) src(%arg9 : memref<128x128xf32, #tpu.memory_space<vmem>>) dst(%dma_wait3A_144 : memref<128x128xf32, #tpu.memory_space<vmem_shared>>)
      tpu.yield
    }) : () -> ()
    %mul3A_13 = arith.constant 640 : i32
    %mul3A_14 = arith.muli %arg1, %mul3A_13 : i32
    %add3A_15 = arith.constant 256 : i32
    %add3A_16 = arith.addi %mul3A_14, %add3A_15 : i32
    "tpu.region"() ({
      %run_scoped3A_137 = tpu.sem_alloc : memref<!tpu.dma_semaphore, #tpu.memory_space<semaphore_mem>>
      %dma_start3A_138 = arith.constant 0 : i32
      %dma_start3A_139 = tpu.memref_slice %arg11[%add3A_16, %dma_start3A_138] : memref<10240x128xf32, #tpu.memory_space<vmem_shared>> -> memref<128x128xf32, #tpu.memory_space<vmem_shared>>
      %dma_start3A_140 = arith.constant 0 : i32
      %dma_start3A_141 = tpu.memref_slice %arg11[%add3A_16, %dma_start3A_140] : memref<10240x128xf32, #tpu.memory_space<vmem_shared>> -> memref<128x128xf32, #tpu.memory_space<vmem_shared>>
      tpu.enqueue_dma source(%arg9 : memref<128x128xf32, #tpu.memory_space<vmem>>) target(%dma_start3A_141 : memref<128x128xf32, #tpu.memory_space<vmem_shared>>) target_semaphore(%run_scoped3A_137 : memref<!tpu.dma_semaphore, #tpu.memory_space<semaphore_mem>>)
      %dma_wait3A = arith.constant 0 : i32
      %dma_wait3A_142 = tpu.memref_slice %arg11[%add3A_16, %dma_wait3A] : memref<10240x128xf32, #tpu.memory_space<vmem_shared>> -> memref<128x128xf32, #tpu.memory_space<vmem_shared>>
      %dma_wait3A_143 = arith.constant 0 : i32
      %dma_wait3A_144 = tpu.memref_slice %arg11[%add3A_16, %dma_wait3A_143] : memref<10240x128xf32, #tpu.memory_space<vmem_shared>> -> memref<128x128xf32, #tpu.memory_space<vmem_shared>>
      tpu.wait_dma2 semaphore(%run_scoped3A_137 : memref<!tpu.dma_semaphore, #tpu.memory_space<semaphore_mem>>) src(%arg9 : memref<128x128xf32, #tpu.memory_space<vmem>>) dst(%dma_wait3A_144 : memref<128x128xf32, #tpu.memory_space<vmem_shared>>)
      tpu.yield
    }) : () -> ()
    %mul3A_17 = arith.constant 640 : i32
    %mul3A_18 = arith.muli %arg1, %mul3A_17 : i32
    %add3A_19 = arith.constant 384 : i32
    %add3A_20 = arith.addi %mul3A_18, %add3A_19 : i32
    "tpu.region"() ({
      %run_scoped3A_137 = tpu.sem_alloc : memref<!tpu.dma_semaphore, #tpu.memory_space<semaphore_mem>>
      %dma_start3A_138 = arith.constant 0 : i32
      %dma_start3A_139 = tpu.memref_slice %arg11[%add3A_20, %dma_start3A_138] : memref<10240x128xf32, #tpu.memory_space<vmem_shared>> -> memref<128x128xf32, #tpu.memory_space<vmem_shared>>
      %dma_start3A_140 = arith.constant 0 : i32
      %dma_start3A_141 = tpu.memref_slice %arg11[%add3A_20, %dma_start3A_140] : memref<10240x128xf32, #tpu.memory_space<vmem_shared>> -> memref<128x128xf32, #tpu.memory_space<vmem_shared>>
      tpu.enqueue_dma source(%arg9 : memref<128x128xf32, #tpu.memory_space<vmem>>) target(%dma_start3A_141 : memref<128x128xf32, #tpu.memory_space<vmem_shared>>) target_semaphore(%run_scoped3A_137 : memref<!tpu.dma_semaphore, #tpu.memory_space<semaphore_mem>>)
      %dma_wait3A = arith.constant 0 : i32
      %dma_wait3A_142 = tpu.memref_slice %arg11[%add3A_20, %dma_wait3A] : memref<10240x128xf32, #tpu.memory_space<vmem_shared>> -> memref<128x128xf32, #tpu.memory_space<vmem_shared>>
      %dma_wait3A_143 = arith.constant 0 : i32
      %dma_wait3A_144 = tpu.memref_slice %arg11[%add3A_20, %dma_wait3A_143] : memref<10240x128xf32, #tpu.memory_space<vmem_shared>> -> memref<128x128xf32, #tpu.memory_space<vmem_shared>>
      tpu.wait_dma2 semaphore(%run_scoped3A_137 : memref<!tpu.dma_semaphore, #tpu.memory_space<semaphore_mem>>) src(%arg9 : memref<128x128xf32, #tpu.memory_space<vmem>>) dst(%dma_wait3A_144 : memref<128x128xf32, #tpu.memory_space<vmem_shared>>)
      tpu.yield
    }) : () -> ()
    %mul3A_21 = arith.constant 640 : i32
    %mul3A_22 = arith.muli %arg1, %mul3A_21 : i32
    %add3A_23 = arith.constant 512 : i32
    %add3A_24 = arith.addi %mul3A_22, %add3A_23 : i32
    "tpu.region"() ({
      %run_scoped3A_137 = tpu.sem_alloc : memref<!tpu.dma_semaphore, #tpu.memory_space<semaphore_mem>>
      %dma_start3A_138 = arith.constant 0 : i32
      %dma_start3A_139 = tpu.memref_slice %arg11[%add3A_24, %dma_start3A_138] : memref<10240x128xf32, #tpu.memory_space<vmem_shared>> -> memref<128x128xf32, #tpu.memory_space<vmem_shared>>
      %dma_start3A_140 = arith.constant 0 : i32
      %dma_start3A_141 = tpu.memref_slice %arg11[%add3A_24, %dma_start3A_140] : memref<10240x128xf32, #tpu.memory_space<vmem_shared>> -> memref<128x128xf32, #tpu.memory_space<vmem_shared>>
      tpu.enqueue_dma source(%arg9 : memref<128x128xf32, #tpu.memory_space<vmem>>) target(%dma_start3A_141 : memref<128x128xf32, #tpu.memory_space<vmem_shared>>) target_semaphore(%run_scoped3A_137 : memref<!tpu.dma_semaphore, #tpu.memory_space<semaphore_mem>>)
      %dma_wait3A = arith.constant 0 : i32
      %dma_wait3A_142 = tpu.memref_slice %arg11[%add3A_24, %dma_wait3A] : memref<10240x128xf32, #tpu.memory_space<vmem_shared>> -> memref<128x128xf32, #tpu.memory_space<vmem_shared>>
      %dma_wait3A_143 = arith.constant 0 : i32
      %dma_wait3A_144 = tpu.memref_slice %arg11[%add3A_24, %dma_wait3A_143] : memref<10240x128xf32, #tpu.memory_space<vmem_shared>> -> memref<128x128xf32, #tpu.memory_space<vmem_shared>>
      tpu.wait_dma2 semaphore(%run_scoped3A_137 : memref<!tpu.dma_semaphore, #tpu.memory_space<semaphore_mem>>) src(%arg9 : memref<128x128xf32, #tpu.memory_space<vmem>>) dst(%dma_wait3A_144 : memref<128x128xf32, #tpu.memory_space<vmem_shared>>)
      tpu.yield
    }) : () -> ()
    %barrier3A = arith.constant 0 : index
    tpu.barrier barrier_id(%barrier3A)
    %run_scoped3A = arith.constant 0 : i32
    %run_scoped3A_25 = arith.constant 0 : i32
    "tpu.region"() ({
      %run_scoped3A_137 = tpu.sem_alloc : memref<!tpu.dma_semaphore, #tpu.memory_space<semaphore_mem>>
      %dma_start3A_138 = arith.constant 0 : i32
      %dma_start3A_139 = arith.constant 0 : i32
      %dma_start3A_140 = tpu.memref_slice %arg3[%run_scoped3A, %arg1, %run_scoped3A_25, %dma_start3A_138, %dma_start3A_139] : memref<2x16x160x2x128xi32, #tpu.memory_space<hbm>> -> memref<1x1x1x2x128xi32, #tpu.memory_space<hbm>>
      %dma_start3A_141 = tpu.memref_squeeze %dma_start3A_140 : memref<1x1x1x2x128xi32, #tpu.memory_space<hbm>> -> memref<2x128xi32, #tpu.memory_space<hbm>>
      %dma_start3A_142 = arith.constant 0 : i32
      %dma_start3A_143 = arith.constant 0 : i32
      %dma_start3A_144 = tpu.memref_slice %arg3[%run_scoped3A, %arg1, %run_scoped3A_25, %dma_start3A_142, %dma_start3A_143] : memref<2x16x160x2x128xi32, #tpu.memory_space<hbm>> -> memref<1x1x1x2x128xi32, #tpu.memory_space<hbm>>
      %dma_start3A_145 = tpu.memref_squeeze %dma_start3A_144 : memref<1x1x1x2x128xi32, #tpu.memory_space<hbm>> -> memref<2x128xi32, #tpu.memory_space<hbm>>
      tpu.enqueue_dma source(%dma_start3A_145 : memref<2x128xi32, #tpu.memory_space<hbm>>) target(%arg5 : memref<2x128xi32, #tpu.memory_space<vmem>>) target_semaphore(%run_scoped3A_137 : memref<!tpu.dma_semaphore, #tpu.memory_space<semaphore_mem>>)
      %dma_wait3A = arith.constant 0 : i32
      %dma_wait3A_146 = arith.constant 0 : i32
      %dma_wait3A_147 = tpu.memref_slice %arg3[%run_scoped3A, %arg1, %run_scoped3A_25, %dma_wait3A, %dma_wait3A_146] : memref<2x16x160x2x128xi32, #tpu.memory_space<hbm>> -> memref<1x1x1x2x128xi32, #tpu.memory_space<hbm>>
      %dma_wait3A_148 = tpu.memref_squeeze %dma_wait3A_147 : memref<1x1x1x2x128xi32, #tpu.memory_space<hbm>> -> memref<2x128xi32, #tpu.memory_space<hbm>>
      %dma_wait3A_149 = arith.constant 0 : i32
      %dma_wait3A_150 = arith.constant 0 : i32
      %dma_wait3A_151 = tpu.memref_slice %arg3[%run_scoped3A, %arg1, %run_scoped3A_25, %dma_wait3A_149, %dma_wait3A_150] : memref<2x16x160x2x128xi32, #tpu.memory_space<hbm>> -> memref<1x1x1x2x128xi32, #tpu.memory_space<hbm>>
      %dma_wait3A_152 = tpu.memref_squeeze %dma_wait3A_151 : memref<1x1x1x2x128xi32, #tpu.memory_space<hbm>> -> memref<2x128xi32, #tpu.memory_space<hbm>>
      tpu.wait_dma2 semaphore(%run_scoped3A_137 : memref<!tpu.dma_semaphore, #tpu.memory_space<semaphore_mem>>) src(%dma_wait3A_152 : memref<2x128xi32, #tpu.memory_space<hbm>>) dst(%arg5 : memref<2x128xi32, #tpu.memory_space<vmem>>)
      tpu.yield
    }) : () -> ()
    %run_scoped3A_26 = arith.constant 0 : i32
    %run_scoped3A_27 = arith.constant 1 : i32
    "tpu.region"() ({
      %run_scoped3A_137 = tpu.sem_alloc : memref<!tpu.dma_semaphore, #tpu.memory_space<semaphore_mem>>
      %dma_start3A_138 = arith.constant 0 : i32
      %dma_start3A_139 = arith.constant 0 : i32
      %dma_start3A_140 = tpu.memref_slice %arg3[%run_scoped3A_26, %arg1, %run_scoped3A_27, %dma_start3A_138, %dma_start3A_139] : memref<2x16x160x2x128xi32, #tpu.memory_space<hbm>> -> memref<1x1x1x2x128xi32, #tpu.memory_space<hbm>>
      %dma_start3A_141 = tpu.memref_squeeze %dma_start3A_140 : memref<1x1x1x2x128xi32, #tpu.memory_space<hbm>> -> memref<2x128xi32, #tpu.memory_space<hbm>>
      %dma_start3A_142 = arith.constant 0 : i32
      %dma_start3A_143 = arith.constant 0 : i32
      %dma_start3A_144 = tpu.memref_slice %arg3[%run_scoped3A_26, %arg1, %run_scoped3A_27, %dma_start3A_142, %dma_start3A_143] : memref<2x16x160x2x128xi32, #tpu.memory_space<hbm>> -> memref<1x1x1x2x128xi32, #tpu.memory_space<hbm>>
      %dma_start3A_145 = tpu.memref_squeeze %dma_start3A_144 : memref<1x1x1x2x128xi32, #tpu.memory_space<hbm>> -> memref<2x128xi32, #tpu.memory_space<hbm>>
      tpu.enqueue_dma source(%dma_start3A_145 : memref<2x128xi32, #tpu.memory_space<hbm>>) target(%arg6 : memref<2x128xi32, #tpu.memory_space<vmem>>) target_semaphore(%run_scoped3A_137 : memref<!tpu.dma_semaphore, #tpu.memory_space<semaphore_mem>>)
      %dma_wait3A = arith.constant 0 : i32
      %dma_wait3A_146 = arith.constant 0 : i32
      %dma_wait3A_147 = tpu.memref_slice %arg3[%run_scoped3A_26, %arg1, %run_scoped3A_27, %dma_wait3A, %dma_wait3A_146] : memref<2x16x160x2x128xi32, #tpu.memory_space<hbm>> -> memref<1x1x1x2x128xi32, #tpu.memory_space<hbm>>
      %dma_wait3A_148 = tpu.memref_squeeze %dma_wait3A_147 : memref<1x1x1x2x128xi32, #tpu.memory_space<hbm>> -> memref<2x128xi32, #tpu.memory_space<hbm>>
      %dma_wait3A_149 = arith.constant 0 : i32
      %dma_wait3A_150 = arith.constant 0 : i32
      %dma_wait3A_151 = tpu.memref_slice %arg3[%run_scoped3A_26, %arg1, %run_scoped3A_27, %dma_wait3A_149, %dma_wait3A_150] : memref<2x16x160x2x128xi32, #tpu.memory_space<hbm>> -> memref<1x1x1x2x128xi32, #tpu.memory_space<hbm>>
      %dma_wait3A_152 = tpu.memref_squeeze %dma_wait3A_151 : memref<1x1x1x2x128xi32, #tpu.memory_space<hbm>> -> memref<2x128xi32, #tpu.memory_space<hbm>>
      tpu.wait_dma2 semaphore(%run_scoped3A_137 : memref<!tpu.dma_semaphore, #tpu.memory_space<semaphore_mem>>) src(%dma_wait3A_152 : memref<2x128xi32, #tpu.memory_space<hbm>>) dst(%arg6 : memref<2x128xi32, #tpu.memory_space<vmem>>)
      tpu.yield
    }) : () -> ()
    %dma_start3A = arith.constant 0 : i32
    %dma_start3A_28 = arith.constant 2 : i32
    %dma_start3A_29 = arith.constant 0 : i32
    %dma_start3A_30 = arith.constant 0 : i32
    %dma_start3A_31 = tpu.memref_slice %arg3[%dma_start3A, %arg1, %dma_start3A_28, %dma_start3A_29, %dma_start3A_30] : memref<2x16x160x2x128xi32, #tpu.memory_space<hbm>> -> memref<1x1x1x2x128xi32, #tpu.memory_space<hbm>>
    %dma_start3A_32 = tpu.memref_squeeze %dma_start3A_31 : memref<1x1x1x2x128xi32, #tpu.memory_space<hbm>> -> memref<2x128xi32, #tpu.memory_space<hbm>>
    %dma_start3A_33 = arith.constant 0 : i32
    %dma_start3A_34 = arith.constant 0 : i32
    %dma_start3A_35 = tpu.memref_slice %arg3[%dma_start3A, %arg1, %dma_start3A_28, %dma_start3A_33, %dma_start3A_34] : memref<2x16x160x2x128xi32, #tpu.memory_space<hbm>> -> memref<1x1x1x2x128xi32, #tpu.memory_space<hbm>>
    %dma_start3A_36 = tpu.memref_squeeze %dma_start3A_35 : memref<1x1x1x2x128xi32, #tpu.memory_space<hbm>> -> memref<2x128xi32, #tpu.memory_space<hbm>>
    tpu.enqueue_dma source(%dma_start3A_36 : memref<2x128xi32, #tpu.memory_space<hbm>>) target(%arg7 : memref<2x128xi32, #tpu.memory_space<vmem>>) target_semaphore(%arg14 : memref<!tpu.dma_semaphore, #tpu.memory_space<semaphore_mem>>)
    %dma_start3A_37 = arith.constant 0 : i32
    %dma_start3A_38 = arith.constant 0 : i32
    %dma_start3A_39 = tpu.memref_slice %arg5[%dma_start3A_37, %dma_start3A_38] : memref<2x128xi32, #tpu.memory_space<vmem>> -> memref<1x128xi32, #tpu.memory_space<vmem>>
    %dma_start3A_40 = tpu.memref_squeeze %dma_start3A_39 : memref<1x128xi32, #tpu.memory_space<vmem>> -> memref<128xi32, #tpu.memory_space<vmem>>
    %dma_start3A_41 = arith.constant 0 : i32
    %dma_start3A_42 = arith.constant 0 : i32
    %dma_start3A_43 = tpu.memref_slice %arg2[%dma_start3A_41, %dma_start3A_42] : memref<10000x128xf32, #tpu.memory_space<hbm>> -> memref<10000x128xf32, #tpu.memory_space<hbm>>
    tpu.enqueue_indirect_dma source(%dma_start3A_43 : memref<10000x128xf32, #tpu.memory_space<hbm>>) target(%arg9 : memref<128x128xf32, #tpu.memory_space<vmem>>) offsets(%dma_start3A_40 : memref<128xi32, #tpu.memory_space<vmem>>) semaphore(%arg12 : memref<!tpu.dma_semaphore, #tpu.memory_space<semaphore_mem>>)
    %dma_start3A_44 = arith.constant 0 : i32
    %dma_start3A_45 = arith.constant 0 : i32
    %dma_start3A_46 = tpu.memref_slice %arg6[%dma_start3A_44, %dma_start3A_45] : memref<2x128xi32, #tpu.memory_space<vmem>> -> memref<1x128xi32, #tpu.memory_space<vmem>>
    %dma_start3A_47 = tpu.memref_squeeze %dma_start3A_46 : memref<1x128xi32, #tpu.memory_space<vmem>> -> memref<128xi32, #tpu.memory_space<vmem>>
    %dma_start3A_48 = arith.constant 0 : i32
    %dma_start3A_49 = arith.constant 0 : i32
    %dma_start3A_50 = tpu.memref_slice %arg2[%dma_start3A_48, %dma_start3A_49] : memref<10000x128xf32, #tpu.memory_space<hbm>> -> memref<10000x128xf32, #tpu.memory_space<hbm>>
    tpu.enqueue_indirect_dma source(%dma_start3A_50 : memref<10000x128xf32, #tpu.memory_space<hbm>>) target(%arg10 : memref<128x128xf32, #tpu.memory_space<vmem>>) offsets(%dma_start3A_47 : memref<128xi32, #tpu.memory_space<vmem>>) semaphore(%arg12 : memref<!tpu.dma_semaphore, #tpu.memory_space<semaphore_mem>>)
    %scan3A_51 = arith.constant 0 : i32
    %scan3A_52 = arith.constant 0 : i32
    %scan3A_53 = arith.constant 40 : i32
    %scan3A_54 = arith.addi %scan3A_52, %scan3A_53 : i32
    %scan3A_55 = arith.constant 1 : i32
    %scan3A_56 = scf.for %scan3A_137 = %scan3A_52 to %scan3A_54 step %scan3A_55 iter_args(%scan3A_138 = %scan3A_51) -> (i32)  : i32 {
      %mul3A_139 = arith.constant 4 : i32
      %mul3A_140 = arith.muli %mul3A_139, %scan3A_137 : i32
      %add3A_141 = arith.constant 0 : i32
      %add3A_142 = arith.addi %mul3A_140, %add3A_141 : i32
      %dma_wait3A = arith.constant 0 : i32
      %dma_wait3A_143 = arith.constant 0 : i32
      %dma_wait3A_144 = tpu.memref_slice %arg5[%dma_wait3A, %dma_wait3A_143] : memref<2x128xi32, #tpu.memory_space<vmem>> -> memref<1x128xi32, #tpu.memory_space<vmem>>
      %dma_wait3A_145 = tpu.memref_squeeze %dma_wait3A_144 : memref<1x128xi32, #tpu.memory_space<vmem>> -> memref<128xi32, #tpu.memory_space<vmem>>
      %dma_wait3A_146 = arith.constant 0 : i32
      %dma_wait3A_147 = arith.constant 0 : i32
      %dma_wait3A_148 = tpu.memref_slice %arg2[%dma_wait3A_146, %dma_wait3A_147] : memref<10000x128xf32, #tpu.memory_space<hbm>> -> memref<10000x128xf32, #tpu.memory_space<hbm>>
      tpu.wait_indirect_dma semaphore(%arg12 : memref<!tpu.dma_semaphore, #tpu.memory_space<semaphore_mem>>) src(%dma_wait3A_148 : memref<10000x128xf32, #tpu.memory_space<hbm>>) dst(%arg9 : memref<128x128xf32, #tpu.memory_space<vmem>>)
      %run_scoped3A_149 = arith.constant 1 : i32
      "tpu.region"() ({
        %run_scoped3A_240 = tpu.sem_alloc : memref<!tpu.dma_semaphore, #tpu.memory_space<semaphore_mem>>
        %dma_start3A_241 = arith.constant 0 : i32
        %dma_start3A_242 = tpu.memref_slice %arg5[%run_scoped3A_149, %dma_start3A_241] : memref<2x128xi32, #tpu.memory_space<vmem>> -> memref<1x128xi32, #tpu.memory_space<vmem>>
        %dma_start3A_243 = tpu.memref_squeeze %dma_start3A_242 : memref<1x128xi32, #tpu.memory_space<vmem>> -> memref<128xi32, #tpu.memory_space<vmem>>
        %dma_start3A_244 = arith.constant 0 : i32
        %dma_start3A_245 = arith.constant 0 : i32
        %dma_start3A_246 = tpu.memref_slice %arg11[%dma_start3A_244, %dma_start3A_245] : memref<10240x128xf32, #tpu.memory_space<vmem_shared>> -> memref<10240x128xf32, #tpu.memory_space<vmem_shared>>
        tpu.enqueue_indirect_dma source(%arg9 : memref<128x128xf32, #tpu.memory_space<vmem>>) target(%dma_start3A_246 : memref<10240x128xf32, #tpu.memory_space<vmem_shared>>) offsets(%dma_start3A_243 : memref<128xi32, #tpu.memory_space<vmem>>) semaphore(%run_scoped3A_240 : memref<!tpu.dma_semaphore, #tpu.memory_space<semaphore_mem>>) {add = true}
        %dma_wait3A_247 = arith.constant 0 : i32
        %dma_wait3A_248 = tpu.memref_slice %arg5[%run_scoped3A_149, %dma_wait3A_247] : memref<2x128xi32, #tpu.memory_space<vmem>> -> memref<1x128xi32, #tpu.memory_space<vmem>>
        %dma_wait3A_249 = tpu.memref_squeeze %dma_wait3A_248 : memref<1x128xi32, #tpu.memory_space<vmem>> -> memref<128xi32, #tpu.memory_space<vmem>>
        %dma_wait3A_250 = arith.constant 0 : i32
        %dma_wait3A_251 = arith.constant 0 : i32
        %dma_wait3A_252 = tpu.memref_slice %arg11[%dma_wait3A_250, %dma_wait3A_251] : memref<10240x128xf32, #tpu.memory_space<vmem_shared>> -> memref<10240x128xf32, #tpu.memory_space<vmem_shared>>
        tpu.wait_indirect_dma semaphore(%run_scoped3A_240 : memref<!tpu.dma_semaphore, #tpu.memory_space<semaphore_mem>>) src(%arg9 : memref<128x128xf32, #tpu.memory_space<vmem>>) dst(%dma_wait3A_252 : memref<10240x128xf32, #tpu.memory_space<vmem_shared>>)
        tpu.yield
      }) : () -> ()
      %add3A_150 = arith.constant 3 : i32
      %add3A_151 = arith.addi %add3A_142, %add3A_150 : i32
      %lt3A = arith.constant 160 : i32
      %lt3A_152 = arith.cmpi slt, %add3A_151, %lt3A : i32
      %convert_element_type3A = arith.extui %lt3A_152 : i1 to i32
      %cond3A = arith.constant 0 : i32
      %cond3A_153 = arith.cmpi ne, %convert_element_type3A, %cond3A : i32
      scf.if %cond3A_153 {
        %add3A_240 = arith.constant 3 : i32
        %add3A_241 = arith.addi %add3A_142, %add3A_240 : i32
        %dma_start3A_242 = arith.constant 0 : i32
        %dma_start3A_243 = arith.constant 0 : i32
        %dma_start3A_244 = arith.constant 0 : i32
        %dma_start3A_245 = tpu.memref_slice %arg3[%dma_start3A_242, %arg1, %add3A_241, %dma_start3A_243, %dma_start3A_244] : memref<2x16x160x2x128xi32, #tpu.memory_space<hbm>> -> memref<1x1x1x2x128xi32, #tpu.memory_space<hbm>>
        %dma_start3A_246 = tpu.memref_squeeze %dma_start3A_245 : memref<1x1x1x2x128xi32, #tpu.memory_space<hbm>> -> memref<2x128xi32, #tpu.memory_space<hbm>>
        %dma_start3A_247 = arith.constant 0 : i32
        %dma_start3A_248 = arith.constant 0 : i32
        %dma_start3A_249 = tpu.memref_slice %arg3[%dma_start3A_242, %arg1, %add3A_241, %dma_start3A_247, %dma_start3A_248] : memref<2x16x160x2x128xi32, #tpu.memory_space<hbm>> -> memref<1x1x1x2x128xi32, #tpu.memory_space<hbm>>
        %dma_start3A_250 = tpu.memref_squeeze %dma_start3A_249 : memref<1x1x1x2x128xi32, #tpu.memory_space<hbm>> -> memref<2x128xi32, #tpu.memory_space<hbm>>
        tpu.enqueue_dma source(%dma_start3A_250 : memref<2x128xi32, #tpu.memory_space<hbm>>) target(%arg8 : memref<2x128xi32, #tpu.memory_space<vmem>>) target_semaphore(%arg14 : memref<!tpu.dma_semaphore, #tpu.memory_space<semaphore_mem>>)
      } else {
      }
      %add3A_154 = arith.constant 2 : i32
      %add3A_155 = arith.addi %add3A_142, %add3A_154 : i32
      %lt3A_156 = arith.constant 160 : i32
      %lt3A_157 = arith.cmpi slt, %add3A_155, %lt3A_156 : i32
      %convert_element_type3A_158 = arith.extui %lt3A_157 : i1 to i32
      %cond3A_159 = arith.constant 0 : i32
      %cond3A_160 = arith.cmpi ne, %convert_element_type3A_158, %cond3A_159 : i32
      scf.if %cond3A_160 {
        %dma_wait3A_240 = arith.constant 0 : i32
        %dma_wait3A_241 = arith.constant 0 : i32
        %dma_wait3A_242 = arith.constant 0 : i32
        %dma_wait3A_243 = arith.constant 0 : i32
        %dma_wait3A_244 = tpu.memref_slice %arg3[%dma_wait3A_240, %arg1, %dma_wait3A_241, %dma_wait3A_242, %dma_wait3A_243] : memref<2x16x160x2x128xi32, #tpu.memory_space<hbm>> -> memref<1x1x1x2x128xi32, #tpu.memory_space<hbm>>
        %dma_wait3A_245 = tpu.memref_squeeze %dma_wait3A_244 : memref<1x1x1x2x128xi32, #tpu.memory_space<hbm>> -> memref<2x128xi32, #tpu.memory_space<hbm>>
        %dma_wait3A_246 = arith.constant 0 : i32
        %dma_wait3A_247 = arith.constant 0 : i32
        %dma_wait3A_248 = tpu.memref_slice %arg3[%dma_wait3A_240, %arg1, %dma_wait3A_241, %dma_wait3A_246, %dma_wait3A_247] : memref<2x16x160x2x128xi32, #tpu.memory_space<hbm>> -> memref<1x1x1x2x128xi32, #tpu.memory_space<hbm>>
        %dma_wait3A_249 = tpu.memref_squeeze %dma_wait3A_248 : memref<1x1x1x2x128xi32, #tpu.memory_space<hbm>> -> memref<2x128xi32, #tpu.memory_space<hbm>>
        tpu.wait_dma2 semaphore(%arg14 : memref<!tpu.dma_semaphore, #tpu.memory_space<semaphore_mem>>) src(%dma_wait3A_249 : memref<2x128xi32, #tpu.memory_space<hbm>>) dst(%arg7 : memref<2x128xi32, #tpu.memory_space<vmem>>)
        %dma_start3A_250 = arith.constant 0 : i32
        %dma_start3A_251 = arith.constant 0 : i32
        %dma_start3A_252 = tpu.memref_slice %arg7[%dma_start3A_250, %dma_start3A_251] : memref<2x128xi32, #tpu.memory_space<vmem>> -> memref<1x128xi32, #tpu.memory_space<vmem>>
        %dma_start3A_253 = tpu.memref_squeeze %dma_start3A_252 : memref<1x128xi32, #tpu.memory_space<vmem>> -> memref<128xi32, #tpu.memory_space<vmem>>
        %dma_start3A_254 = arith.constant 0 : i32
        %dma_start3A_255 = arith.constant 0 : i32
        %dma_start3A_256 = tpu.memref_slice %arg2[%dma_start3A_254, %dma_start3A_255] : memref<10000x128xf32, #tpu.memory_space<hbm>> -> memref<10000x128xf32, #tpu.memory_space<hbm>>
        tpu.enqueue_indirect_dma source(%dma_start3A_256 : memref<10000x128xf32, #tpu.memory_space<hbm>>) target(%arg9 : memref<128x128xf32, #tpu.memory_space<vmem>>) offsets(%dma_start3A_253 : memref<128xi32, #tpu.memory_space<vmem>>) semaphore(%arg12 : memref<!tpu.dma_semaphore, #tpu.memory_space<semaphore_mem>>)
      } else {
      }
      %mul3A_161 = arith.constant 4 : i32
      %mul3A_162 = arith.muli %mul3A_161, %scan3A_137 : i32
      %add3A_163 = arith.constant 1 : i32
      %add3A_164 = arith.addi %mul3A_162, %add3A_163 : i32
      %dma_wait3A_165 = arith.constant 0 : i32
      %dma_wait3A_166 = arith.constant 0 : i32
      %dma_wait3A_167 = tpu.memref_slice %arg6[%dma_wait3A_165, %dma_wait3A_166] : memref<2x128xi32, #tpu.memory_space<vmem>> -> memref<1x128xi32, #tpu.memory_space<vmem>>
      %dma_wait3A_168 = tpu.memref_squeeze %dma_wait3A_167 : memref<1x128xi32, #tpu.memory_space<vmem>> -> memref<128xi32, #tpu.memory_space<vmem>>
      %dma_wait3A_169 = arith.constant 0 : i32
      %dma_wait3A_170 = arith.constant 0 : i32
      %dma_wait3A_171 = tpu.memref_slice %arg2[%dma_wait3A_169, %dma_wait3A_170] : memref<10000x128xf32, #tpu.memory_space<hbm>> -> memref<10000x128xf32, #tpu.memory_space<hbm>>
      tpu.wait_indirect_dma semaphore(%arg12 : memref<!tpu.dma_semaphore, #tpu.memory_space<semaphore_mem>>) src(%dma_wait3A_171 : memref<10000x128xf32, #tpu.memory_space<hbm>>) dst(%arg10 : memref<128x128xf32, #tpu.memory_space<vmem>>)
      %run_scoped3A_172 = arith.constant 1 : i32
      "tpu.region"() ({
        %run_scoped3A_240 = tpu.sem_alloc : memref<!tpu.dma_semaphore, #tpu.memory_space<semaphore_mem>>
        %dma_start3A_241 = arith.constant 0 : i32
        %dma_start3A_242 = tpu.memref_slice %arg6[%run_scoped3A_172, %dma_start3A_241] : memref<2x128xi32, #tpu.memory_space<vmem>> -> memref<1x128xi32, #tpu.memory_space<vmem>>
        %dma_start3A_243 = tpu.memref_squeeze %dma_start3A_242 : memref<1x128xi32, #tpu.memory_space<vmem>> -> memref<128xi32, #tpu.memory_space<vmem>>
        %dma_start3A_244 = arith.constant 0 : i32
        %dma_start3A_245 = arith.constant 0 : i32
        %dma_start3A_246 = tpu.memref_slice %arg11[%dma_start3A_244, %dma_start3A_245] : memref<10240x128xf32, #tpu.memory_space<vmem_shared>> -> memref<10240x128xf32, #tpu.memory_space<vmem_shared>>
        tpu.enqueue_indirect_dma source(%arg10 : memref<128x128xf32, #tpu.memory_space<vmem>>) target(%dma_start3A_246 : memref<10240x128xf32, #tpu.memory_space<vmem_shared>>) offsets(%dma_start3A_243 : memref<128xi32, #tpu.memory_space<vmem>>) semaphore(%run_scoped3A_240 : memref<!tpu.dma_semaphore, #tpu.memory_space<semaphore_mem>>) {add = true}
        %dma_wait3A_247 = arith.constant 0 : i32
        %dma_wait3A_248 = tpu.memref_slice %arg6[%run_scoped3A_172, %dma_wait3A_247] : memref<2x128xi32, #tpu.memory_space<vmem>> -> memref<1x128xi32, #tpu.memory_space<vmem>>
        %dma_wait3A_249 = tpu.memref_squeeze %dma_wait3A_248 : memref<1x128xi32, #tpu.memory_space<vmem>> -> memref<128xi32, #tpu.memory_space<vmem>>
        %dma_wait3A_250 = arith.constant 0 : i32
        %dma_wait3A_251 = arith.constant 0 : i32
        %dma_wait3A_252 = tpu.memref_slice %arg11[%dma_wait3A_250, %dma_wait3A_251] : memref<10240x128xf32, #tpu.memory_space<vmem_shared>> -> memref<10240x128xf32, #tpu.memory_space<vmem_shared>>
        tpu.wait_indirect_dma semaphore(%run_scoped3A_240 : memref<!tpu.dma_semaphore, #tpu.memory_space<semaphore_mem>>) src(%arg10 : memref<128x128xf32, #tpu.memory_space<vmem>>) dst(%dma_wait3A_252 : memref<10240x128xf32, #tpu.memory_space<vmem_shared>>)
        tpu.yield
      }) : () -> ()
      %add3A_173 = arith.constant 3 : i32
      %add3A_174 = arith.addi %add3A_164, %add3A_173 : i32
      %lt3A_175 = arith.constant 160 : i32
      %lt3A_176 = arith.cmpi slt, %add3A_174, %lt3A_175 : i32
      %convert_element_type3A_177 = arith.extui %lt3A_176 : i1 to i32
      %cond3A_178 = arith.constant 0 : i32
      %cond3A_179 = arith.cmpi ne, %convert_element_type3A_177, %cond3A_178 : i32
      scf.if %cond3A_179 {
        %add3A_240 = arith.constant 3 : i32
        %add3A_241 = arith.addi %add3A_164, %add3A_240 : i32
        %dma_start3A_242 = arith.constant 0 : i32
        %dma_start3A_243 = arith.constant 0 : i32
        %dma_start3A_244 = arith.constant 0 : i32
        %dma_start3A_245 = tpu.memref_slice %arg3[%dma_start3A_242, %arg1, %add3A_241, %dma_start3A_243, %dma_start3A_244] : memref<2x16x160x2x128xi32, #tpu.memory_space<hbm>> -> memref<1x1x1x2x128xi32, #tpu.memory_space<hbm>>
        %dma_start3A_246 = tpu.memref_squeeze %dma_start3A_245 : memref<1x1x1x2x128xi32, #tpu.memory_space<hbm>> -> memref<2x128xi32, #tpu.memory_space<hbm>>
        %dma_start3A_247 = arith.constant 0 : i32
        %dma_start3A_248 = arith.constant 0 : i32
        %dma_start3A_249 = tpu.memref_slice %arg3[%dma_start3A_242, %arg1, %add3A_241, %dma_start3A_247, %dma_start3A_248] : memref<2x16x160x2x128xi32, #tpu.memory_space<hbm>> -> memref<1x1x1x2x128xi32, #tpu.memory_space<hbm>>
        %dma_start3A_250 = tpu.memref_squeeze %dma_start3A_249 : memref<1x1x1x2x128xi32, #tpu.memory_space<hbm>> -> memref<2x128xi32, #tpu.memory_space<hbm>>
        tpu.enqueue_dma source(%dma_start3A_250 : memref<2x128xi32, #tpu.memory_space<hbm>>) target(%arg5 : memref<2x128xi32, #tpu.memory_space<vmem>>) target_semaphore(%arg14 : memref<!tpu.dma_semaphore, #tpu.memory_space<semaphore_mem>>)
      } else {
      }
      %add3A_180 = arith.constant 2 : i32
      %add3A_181 = arith.addi %add3A_164, %add3A_180 : i32
      %lt3A_182 = arith.constant 160 : i32
      %lt3A_183 = arith.cmpi slt, %add3A_181, %lt3A_182 : i32
      %convert_element_type3A_184 = arith.extui %lt3A_183 : i1 to i32
      %cond3A_185 = arith.constant 0 : i32
      %cond3A_186 = arith.cmpi ne, %convert_element_type3A_184, %cond3A_185 : i32
      scf.if %cond3A_186 {
        %dma_wait3A_240 = arith.constant 0 : i32
        %dma_wait3A_241 = arith.constant 0 : i32
        %dma_wait3A_242 = arith.constant 0 : i32
        %dma_wait3A_243 = arith.constant 0 : i32
        %dma_wait3A_244 = tpu.memref_slice %arg3[%dma_wait3A_240, %arg1, %dma_wait3A_241, %dma_wait3A_242, %dma_wait3A_243] : memref<2x16x160x2x128xi32, #tpu.memory_space<hbm>> -> memref<1x1x1x2x128xi32, #tpu.memory_space<hbm>>
        %dma_wait3A_245 = tpu.memref_squeeze %dma_wait3A_244 : memref<1x1x1x2x128xi32, #tpu.memory_space<hbm>> -> memref<2x128xi32, #tpu.memory_space<hbm>>
        %dma_wait3A_246 = arith.constant 0 : i32
        %dma_wait3A_247 = arith.constant 0 : i32
        %dma_wait3A_248 = tpu.memref_slice %arg3[%dma_wait3A_240, %arg1, %dma_wait3A_241, %dma_wait3A_246, %dma_wait3A_247] : memref<2x16x160x2x128xi32, #tpu.memory_space<hbm>> -> memref<1x1x1x2x128xi32, #tpu.memory_space<hbm>>
        %dma_wait3A_249 = tpu.memref_squeeze %dma_wait3A_248 : memref<1x1x1x2x128xi32, #tpu.memory_space<hbm>> -> memref<2x128xi32, #tpu.memory_space<hbm>>
        tpu.wait_dma2 semaphore(%arg14 : memref<!tpu.dma_semaphore, #tpu.memory_space<semaphore_mem>>) src(%dma_wait3A_249 : memref<2x128xi32, #tpu.memory_space<hbm>>) dst(%arg8 : memref<2x128xi32, #tpu.memory_space<vmem>>)
        %dma_start3A_250 = arith.constant 0 : i32
        %dma_start3A_251 = arith.constant 0 : i32
        %dma_start3A_252 = tpu.memref_slice %arg8[%dma_start3A_250, %dma_start3A_251] : memref<2x128xi32, #tpu.memory_space<vmem>> -> memref<1x128xi32, #tpu.memory_space<vmem>>
        %dma_start3A_253 = tpu.memref_squeeze %dma_start3A_252 : memref<1x128xi32, #tpu.memory_space<vmem>> -> memref<128xi32, #tpu.memory_space<vmem>>
        %dma_start3A_254 = arith.constant 0 : i32
        %dma_start3A_255 = arith.constant 0 : i32
        %dma_start3A_256 = tpu.memref_slice %arg2[%dma_start3A_254, %dma_start3A_255] : memref<10000x128xf32, #tpu.memory_space<hbm>> -> memref<10000x128xf32, #tpu.memory_space<hbm>>
        tpu.enqueue_indirect_dma source(%dma_start3A_256 : memref<10000x128xf32, #tpu.memory_space<hbm>>) target(%arg10 : memref<128x128xf32, #tpu.memory_space<vmem>>) offsets(%dma_start3A_253 : memref<128xi32, #tpu.memory_space<vmem>>) semaphore(%arg12 : memref<!tpu.dma_semaphore, #tpu.memory_space<semaphore_mem>>)
      } else {
      }
      %mul3A_187 = arith.constant 4 : i32
      %mul3A_188 = arith.muli %mul3A_187, %scan3A_137 : i32
      %add3A_189 = arith.constant 2 : i32
      %add3A_190 = arith.addi %mul3A_188, %add3A_189 : i32
      %dma_wait3A_191 = arith.constant 0 : i32
      %dma_wait3A_192 = arith.constant 0 : i32
      %dma_wait3A_193 = tpu.memref_slice %arg7[%dma_wait3A_191, %dma_wait3A_192] : memref<2x128xi32, #tpu.memory_space<vmem>> -> memref<1x128xi32, #tpu.memory_space<vmem>>
      %dma_wait3A_194 = tpu.memref_squeeze %dma_wait3A_193 : memref<1x128xi32, #tpu.memory_space<vmem>> -> memref<128xi32, #tpu.memory_space<vmem>>
      %dma_wait3A_195 = arith.constant 0 : i32
      %dma_wait3A_196 = arith.constant 0 : i32
      %dma_wait3A_197 = tpu.memref_slice %arg2[%dma_wait3A_195, %dma_wait3A_196] : memref<10000x128xf32, #tpu.memory_space<hbm>> -> memref<10000x128xf32, #tpu.memory_space<hbm>>
      tpu.wait_indirect_dma semaphore(%arg12 : memref<!tpu.dma_semaphore, #tpu.memory_space<semaphore_mem>>) src(%dma_wait3A_197 : memref<10000x128xf32, #tpu.memory_space<hbm>>) dst(%arg9 : memref<128x128xf32, #tpu.memory_space<vmem>>)
      %run_scoped3A_198 = arith.constant 1 : i32
      "tpu.region"() ({
        %run_scoped3A_240 = tpu.sem_alloc : memref<!tpu.dma_semaphore, #tpu.memory_space<semaphore_mem>>
        %dma_start3A_241 = arith.constant 0 : i32
        %dma_start3A_242 = tpu.memref_slice %arg7[%run_scoped3A_198, %dma_start3A_241] : memref<2x128xi32, #tpu.memory_space<vmem>> -> memref<1x128xi32, #tpu.memory_space<vmem>>
        %dma_start3A_243 = tpu.memref_squeeze %dma_start3A_242 : memref<1x128xi32, #tpu.memory_space<vmem>> -> memref<128xi32, #tpu.memory_space<vmem>>
        %dma_start3A_244 = arith.constant 0 : i32
        %dma_start3A_245 = arith.constant 0 : i32
        %dma_start3A_246 = tpu.memref_slice %arg11[%dma_start3A_244, %dma_start3A_245] : memref<10240x128xf32, #tpu.memory_space<vmem_shared>> -> memref<10240x128xf32, #tpu.memory_space<vmem_shared>>
        tpu.enqueue_indirect_dma source(%arg9 : memref<128x128xf32, #tpu.memory_space<vmem>>) target(%dma_start3A_246 : memref<10240x128xf32, #tpu.memory_space<vmem_shared>>) offsets(%dma_start3A_243 : memref<128xi32, #tpu.memory_space<vmem>>) semaphore(%run_scoped3A_240 : memref<!tpu.dma_semaphore, #tpu.memory_space<semaphore_mem>>) {add = true}
        %dma_wait3A_247 = arith.constant 0 : i32
        %dma_wait3A_248 = tpu.memref_slice %arg7[%run_scoped3A_198, %dma_wait3A_247] : memref<2x128xi32, #tpu.memory_space<vmem>> -> memref<1x128xi32, #tpu.memory_space<vmem>>
        %dma_wait3A_249 = tpu.memref_squeeze %dma_wait3A_248 : memref<1x128xi32, #tpu.memory_space<vmem>> -> memref<128xi32, #tpu.memory_space<vmem>>
        %dma_wait3A_250 = arith.constant 0 : i32
        %dma_wait3A_251 = arith.constant 0 : i32
        %dma_wait3A_252 = tpu.memref_slice %arg11[%dma_wait3A_250, %dma_wait3A_251] : memref<10240x128xf32, #tpu.memory_space<vmem_shared>> -> memref<10240x128xf32, #tpu.memory_space<vmem_shared>>
        tpu.wait_indirect_dma semaphore(%run_scoped3A_240 : memref<!tpu.dma_semaphore, #tpu.memory_space<semaphore_mem>>) src(%arg9 : memref<128x128xf32, #tpu.memory_space<vmem>>) dst(%dma_wait3A_252 : memref<10240x128xf32, #tpu.memory_space<vmem_shared>>)
        tpu.yield
      }) : () -> ()
      %add3A_199 = arith.constant 3 : i32
      %add3A_200 = arith.addi %add3A_190, %add3A_199 : i32
      %lt3A_201 = arith.constant 160 : i32
      %lt3A_202 = arith.cmpi slt, %add3A_200, %lt3A_201 : i32
      %convert_element_type3A_203 = arith.extui %lt3A_202 : i1 to i32
      %cond3A_204 = arith.constant 0 : i32
      %cond3A_205 = arith.cmpi ne, %convert_element_type3A_203, %cond3A_204 : i32
      scf.if %cond3A_205 {
        %add3A_240 = arith.constant 3 : i32
        %add3A_241 = arith.addi %add3A_190, %add3A_240 : i32
        %dma_start3A_242 = arith.constant 0 : i32
        %dma_start3A_243 = arith.constant 0 : i32
        %dma_start3A_244 = arith.constant 0 : i32
        %dma_start3A_245 = tpu.memref_slice %arg3[%dma_start3A_242, %arg1, %add3A_241, %dma_start3A_243, %dma_start3A_244] : memref<2x16x160x2x128xi32, #tpu.memory_space<hbm>> -> memref<1x1x1x2x128xi32, #tpu.memory_space<hbm>>
        %dma_start3A_246 = tpu.memref_squeeze %dma_start3A_245 : memref<1x1x1x2x128xi32, #tpu.memory_space<hbm>> -> memref<2x128xi32, #tpu.memory_space<hbm>>
        %dma_start3A_247 = arith.constant 0 : i32
        %dma_start3A_248 = arith.constant 0 : i32
        %dma_start3A_249 = tpu.memref_slice %arg3[%dma_start3A_242, %arg1, %add3A_241, %dma_start3A_247, %dma_start3A_248] : memref<2x16x160x2x128xi32, #tpu.memory_space<hbm>> -> memref<1x1x1x2x128xi32, #tpu.memory_space<hbm>>
        %dma_start3A_250 = tpu.memref_squeeze %dma_start3A_249 : memref<1x1x1x2x128xi32, #tpu.memory_space<hbm>> -> memref<2x128xi32, #tpu.memory_space<hbm>>
        tpu.enqueue_dma source(%dma_start3A_250 : memref<2x128xi32, #tpu.memory_space<hbm>>) target(%arg6 : memref<2x128xi32, #tpu.memory_space<vmem>>) target_semaphore(%arg14 : memref<!tpu.dma_semaphore, #tpu.memory_space<semaphore_mem>>)
      } else {
      }
      %add3A_206 = arith.constant 2 : i32
      %add3A_207 = arith.addi %add3A_190, %add3A_206 : i32
      %lt3A_208 = arith.constant 160 : i32
      %lt3A_209 = arith.cmpi slt, %add3A_207, %lt3A_208 : i32
      %convert_element_type3A_210 = arith.extui %lt3A_209 : i1 to i32
      %cond3A_211 = arith.constant 0 : i32
      %cond3A_212 = arith.cmpi ne, %convert_element_type3A_210, %cond3A_211 : i32
      scf.if %cond3A_212 {
        %dma_wait3A_240 = arith.constant 0 : i32
        %dma_wait3A_241 = arith.constant 0 : i32
        %dma_wait3A_242 = arith.constant 0 : i32
        %dma_wait3A_243 = arith.constant 0 : i32
        %dma_wait3A_244 = tpu.memref_slice %arg3[%dma_wait3A_240, %arg1, %dma_wait3A_241, %dma_wait3A_242, %dma_wait3A_243] : memref<2x16x160x2x128xi32, #tpu.memory_space<hbm>> -> memref<1x1x1x2x128xi32, #tpu.memory_space<hbm>>
        %dma_wait3A_245 = tpu.memref_squeeze %dma_wait3A_244 : memref<1x1x1x2x128xi32, #tpu.memory_space<hbm>> -> memref<2x128xi32, #tpu.memory_space<hbm>>
        %dma_wait3A_246 = arith.constant 0 : i32
        %dma_wait3A_247 = arith.constant 0 : i32
        %dma_wait3A_248 = tpu.memref_slice %arg3[%dma_wait3A_240, %arg1, %dma_wait3A_241, %dma_wait3A_246, %dma_wait3A_247] : memref<2x16x160x2x128xi32, #tpu.memory_space<hbm>> -> memref<1x1x1x2x128xi32, #tpu.memory_space<hbm>>
        %dma_wait3A_249 = tpu.memref_squeeze %dma_wait3A_248 : memref<1x1x1x2x128xi32, #tpu.memory_space<hbm>> -> memref<2x128xi32, #tpu.memory_space<hbm>>
        tpu.wait_dma2 semaphore(%arg14 : memref<!tpu.dma_semaphore, #tpu.memory_space<semaphore_mem>>) src(%dma_wait3A_249 : memref<2x128xi32, #tpu.memory_space<hbm>>) dst(%arg5 : memref<2x128xi32, #tpu.memory_space<vmem>>)
        %dma_start3A_250 = arith.constant 0 : i32
        %dma_start3A_251 = arith.constant 0 : i32
        %dma_start3A_252 = tpu.memref_slice %arg5[%dma_start3A_250, %dma_start3A_251] : memref<2x128xi32, #tpu.memory_space<vmem>> -> memref<1x128xi32, #tpu.memory_space<vmem>>
        %dma_start3A_253 = tpu.memref_squeeze %dma_start3A_252 : memref<1x128xi32, #tpu.memory_space<vmem>> -> memref<128xi32, #tpu.memory_space<vmem>>
        %dma_start3A_254 = arith.constant 0 : i32
        %dma_start3A_255 = arith.constant 0 : i32
        %dma_start3A_256 = tpu.memref_slice %arg2[%dma_start3A_254, %dma_start3A_255] : memref<10000x128xf32, #tpu.memory_space<hbm>> -> memref<10000x128xf32, #tpu.memory_space<hbm>>
        tpu.enqueue_indirect_dma source(%dma_start3A_256 : memref<10000x128xf32, #tpu.memory_space<hbm>>) target(%arg9 : memref<128x128xf32, #tpu.memory_space<vmem>>) offsets(%dma_start3A_253 : memref<128xi32, #tpu.memory_space<vmem>>) semaphore(%arg12 : memref<!tpu.dma_semaphore, #tpu.memory_space<semaphore_mem>>)
      } else {
      }
      %mul3A_213 = arith.constant 4 : i32
      %mul3A_214 = arith.muli %mul3A_213, %scan3A_137 : i32
      %add3A_215 = arith.constant 3 : i32
      %add3A_216 = arith.addi %mul3A_214, %add3A_215 : i32
      %dma_wait3A_217 = arith.constant 0 : i32
      %dma_wait3A_218 = arith.constant 0 : i32
      %dma_wait3A_219 = tpu.memref_slice %arg8[%dma_wait3A_217, %dma_wait3A_218] : memref<2x128xi32, #tpu.memory_space<vmem>> -> memref<1x128xi32, #tpu.memory_space<vmem>>
      %dma_wait3A_220 = tpu.memref_squeeze %dma_wait3A_219 : memref<1x128xi32, #tpu.memory_space<vmem>> -> memref<128xi32, #tpu.memory_space<vmem>>
      %dma_wait3A_221 = arith.constant 0 : i32
      %dma_wait3A_222 = arith.constant 0 : i32
      %dma_wait3A_223 = tpu.memref_slice %arg2[%dma_wait3A_221, %dma_wait3A_222] : memref<10000x128xf32, #tpu.memory_space<hbm>> -> memref<10000x128xf32, #tpu.memory_space<hbm>>
      tpu.wait_indirect_dma semaphore(%arg12 : memref<!tpu.dma_semaphore, #tpu.memory_space<semaphore_mem>>) src(%dma_wait3A_223 : memref<10000x128xf32, #tpu.memory_space<hbm>>) dst(%arg10 : memref<128x128xf32, #tpu.memory_space<vmem>>)
      %run_scoped3A_224 = arith.constant 1 : i32
      "tpu.region"() ({
        %run_scoped3A_240 = tpu.sem_alloc : memref<!tpu.dma_semaphore, #tpu.memory_space<semaphore_mem>>
        %dma_start3A_241 = arith.constant 0 : i32
        %dma_start3A_242 = tpu.memref_slice %arg8[%run_scoped3A_224, %dma_start3A_241] : memref<2x128xi32, #tpu.memory_space<vmem>> -> memref<1x128xi32, #tpu.memory_space<vmem>>
        %dma_start3A_243 = tpu.memref_squeeze %dma_start3A_242 : memref<1x128xi32, #tpu.memory_space<vmem>> -> memref<128xi32, #tpu.memory_space<vmem>>
        %dma_start3A_244 = arith.constant 0 : i32
        %dma_start3A_245 = arith.constant 0 : i32
        %dma_start3A_246 = tpu.memref_slice %arg11[%dma_start3A_244, %dma_start3A_245] : memref<10240x128xf32, #tpu.memory_space<vmem_shared>> -> memref<10240x128xf32, #tpu.memory_space<vmem_shared>>
        tpu.enqueue_indirect_dma source(%arg10 : memref<128x128xf32, #tpu.memory_space<vmem>>) target(%dma_start3A_246 : memref<10240x128xf32, #tpu.memory_space<vmem_shared>>) offsets(%dma_start3A_243 : memref<128xi32, #tpu.memory_space<vmem>>) semaphore(%run_scoped3A_240 : memref<!tpu.dma_semaphore, #tpu.memory_space<semaphore_mem>>) {add = true}
        %dma_wait3A_247 = arith.constant 0 : i32
        %dma_wait3A_248 = tpu.memref_slice %arg8[%run_scoped3A_224, %dma_wait3A_247] : memref<2x128xi32, #tpu.memory_space<vmem>> -> memref<1x128xi32, #tpu.memory_space<vmem>>
        %dma_wait3A_249 = tpu.memref_squeeze %dma_wait3A_248 : memref<1x128xi32, #tpu.memory_space<vmem>> -> memref<128xi32, #tpu.memory_space<vmem>>
        %dma_wait3A_250 = arith.constant 0 : i32
        %dma_wait3A_251 = arith.constant 0 : i32
        %dma_wait3A_252 = tpu.memref_slice %arg11[%dma_wait3A_250, %dma_wait3A_251] : memref<10240x128xf32, #tpu.memory_space<vmem_shared>> -> memref<10240x128xf32, #tpu.memory_space<vmem_shared>>
        tpu.wait_indirect_dma semaphore(%run_scoped3A_240 : memref<!tpu.dma_semaphore, #tpu.memory_space<semaphore_mem>>) src(%arg10 : memref<128x128xf32, #tpu.memory_space<vmem>>) dst(%dma_wait3A_252 : memref<10240x128xf32, #tpu.memory_space<vmem_shared>>)
        tpu.yield
      }) : () -> ()
      %add3A_225 = arith.constant 3 : i32
      %add3A_226 = arith.addi %add3A_216, %add3A_225 : i32
      %lt3A_227 = arith.constant 160 : i32
      %lt3A_228 = arith.cmpi slt, %add3A_226, %lt3A_227 : i32
      %convert_element_type3A_229 = arith.extui %lt3A_228 : i1 to i32
      %cond3A_230 = arith.constant 0 : i32
      %cond3A_231 = arith.cmpi ne, %convert_element_type3A_229, %cond3A_230 : i32
      scf.if %cond3A_231 {
        %add3A_240 = arith.constant 3 : i32
        %add3A_241 = arith.addi %add3A_216, %add3A_240 : i32
        %dma_start3A_242 = arith.constant 0 : i32
        %dma_start3A_243 = arith.constant 0 : i32
        %dma_start3A_244 = arith.constant 0 : i32
        %dma_start3A_245 = tpu.memref_slice %arg3[%dma_start3A_242, %arg1, %add3A_241, %dma_start3A_243, %dma_start3A_244] : memref<2x16x160x2x128xi32, #tpu.memory_space<hbm>> -> memref<1x1x1x2x128xi32, #tpu.memory_space<hbm>>
        %dma_start3A_246 = tpu.memref_squeeze %dma_start3A_245 : memref<1x1x1x2x128xi32, #tpu.memory_space<hbm>> -> memref<2x128xi32, #tpu.memory_space<hbm>>
        %dma_start3A_247 = arith.constant 0 : i32
        %dma_start3A_248 = arith.constant 0 : i32
        %dma_start3A_249 = tpu.memref_slice %arg3[%dma_start3A_242, %arg1, %add3A_241, %dma_start3A_247, %dma_start3A_248] : memref<2x16x160x2x128xi32, #tpu.memory_space<hbm>> -> memref<1x1x1x2x128xi32, #tpu.memory_space<hbm>>
        %dma_start3A_250 = tpu.memref_squeeze %dma_start3A_249 : memref<1x1x1x2x128xi32, #tpu.memory_space<hbm>> -> memref<2x128xi32, #tpu.memory_space<hbm>>
        tpu.enqueue_dma source(%dma_start3A_250 : memref<2x128xi32, #tpu.memory_space<hbm>>) target(%arg7 : memref<2x128xi32, #tpu.memory_space<vmem>>) target_semaphore(%arg14 : memref<!tpu.dma_semaphore, #tpu.memory_space<semaphore_mem>>)
      } else {
      }
      %add3A_232 = arith.constant 2 : i32
      %add3A_233 = arith.addi %add3A_216, %add3A_232 : i32
      %lt3A_234 = arith.constant 160 : i32
      %lt3A_235 = arith.cmpi slt, %add3A_233, %lt3A_234 : i32
      %convert_element_type3A_236 = arith.extui %lt3A_235 : i1 to i32
      %cond3A_237 = arith.constant 0 : i32
      %cond3A_238 = arith.cmpi ne, %convert_element_type3A_236, %cond3A_237 : i32
      scf.if %cond3A_238 {
        %dma_wait3A_240 = arith.constant 0 : i32
        %dma_wait3A_241 = arith.constant 0 : i32
        %dma_wait3A_242 = arith.constant 0 : i32
        %dma_wait3A_243 = arith.constant 0 : i32
        %dma_wait3A_244 = tpu.memref_slice %arg3[%dma_wait3A_240, %arg1, %dma_wait3A_241, %dma_wait3A_242, %dma_wait3A_243] : memref<2x16x160x2x128xi32, #tpu.memory_space<hbm>> -> memref<1x1x1x2x128xi32, #tpu.memory_space<hbm>>
        %dma_wait3A_245 = tpu.memref_squeeze %dma_wait3A_244 : memref<1x1x1x2x128xi32, #tpu.memory_space<hbm>> -> memref<2x128xi32, #tpu.memory_space<hbm>>
        %dma_wait3A_246 = arith.constant 0 : i32
        %dma_wait3A_247 = arith.constant 0 : i32
        %dma_wait3A_248 = tpu.memref_slice %arg3[%dma_wait3A_240, %arg1, %dma_wait3A_241, %dma_wait3A_246, %dma_wait3A_247] : memref<2x16x160x2x128xi32, #tpu.memory_space<hbm>> -> memref<1x1x1x2x128xi32, #tpu.memory_space<hbm>>
        %dma_wait3A_249 = tpu.memref_squeeze %dma_wait3A_248 : memref<1x1x1x2x128xi32, #tpu.memory_space<hbm>> -> memref<2x128xi32, #tpu.memory_space<hbm>>
        tpu.wait_dma2 semaphore(%arg14 : memref<!tpu.dma_semaphore, #tpu.memory_space<semaphore_mem>>) src(%dma_wait3A_249 : memref<2x128xi32, #tpu.memory_space<hbm>>) dst(%arg6 : memref<2x128xi32, #tpu.memory_space<vmem>>)
        %dma_start3A_250 = arith.constant 0 : i32
        %dma_start3A_251 = arith.constant 0 : i32
        %dma_start3A_252 = tpu.memref_slice %arg6[%dma_start3A_250, %dma_start3A_251] : memref<2x128xi32, #tpu.memory_space<vmem>> -> memref<1x128xi32, #tpu.memory_space<vmem>>
        %dma_start3A_253 = tpu.memref_squeeze %dma_start3A_252 : memref<1x128xi32, #tpu.memory_space<vmem>> -> memref<128xi32, #tpu.memory_space<vmem>>
        %dma_start3A_254 = arith.constant 0 : i32
        %dma_start3A_255 = arith.constant 0 : i32
        %dma_start3A_256 = tpu.memref_slice %arg2[%dma_start3A_254, %dma_start3A_255] : memref<10000x128xf32, #tpu.memory_space<hbm>> -> memref<10000x128xf32, #tpu.memory_space<hbm>>
        tpu.enqueue_indirect_dma source(%dma_start3A_256 : memref<10000x128xf32, #tpu.memory_space<hbm>>) target(%arg10 : memref<128x128xf32, #tpu.memory_space<vmem>>) offsets(%dma_start3A_253 : memref<128xi32, #tpu.memory_space<vmem>>) semaphore(%arg12 : memref<!tpu.dma_semaphore, #tpu.memory_space<semaphore_mem>>)
      } else {
      }
      %scan3A_239 = arith.constant 0 : i32
      scf.yield %scan3A_239 : i32
    }
    %scan3A_57 = arith.constant 40 : i32
    %barrier3A_58 = arith.constant 0 : index
    tpu.barrier barrier_id(%barrier3A_58)
    %mul3A_59 = arith.constant 640 : i32
    %mul3A_60 = arith.muli %arg1, %mul3A_59 : i32
    %mul3A_61 = arith.constant 640 : i32
    %mul3A_62 = arith.muli %arg1, %mul3A_61 : i32
    %run_scoped3A_63 = arith.constant 0 : i32
    "tpu.region"() ({
      %run_scoped3A_137 = tpu.sem_alloc : memref<!tpu.dma_semaphore, #tpu.memory_space<semaphore_mem>>
      %dma_start3A_138 = arith.constant 0 : i32
      %dma_start3A_139 = tpu.memref_slice %arg4[%run_scoped3A_63, %mul3A_62, %dma_start3A_138] : memref<2x10240x128xf32, #tpu.memory_space<hbm>> -> memref<1x640x128xf32, #tpu.memory_space<hbm>>
      %dma_start3A_140 = tpu.memref_squeeze %dma_start3A_139 : memref<1x640x128xf32, #tpu.memory_space<hbm>> -> memref<640x128xf32, #tpu.memory_space<hbm>>
      %dma_start3A_141 = arith.constant 0 : i32
      %dma_start3A_142 = tpu.memref_slice %arg11[%mul3A_60, %dma_start3A_141] : memref<10240x128xf32, #tpu.memory_space<vmem_shared>> -> memref<640x128xf32, #tpu.memory_space<vmem_shared>>
      tpu.enqueue_dma source(%dma_start3A_142 : memref<640x128xf32, #tpu.memory_space<vmem_shared>>) target(%dma_start3A_140 : memref<640x128xf32, #tpu.memory_space<hbm>>) target_semaphore(%run_scoped3A_137 : memref<!tpu.dma_semaphore, #tpu.memory_space<semaphore_mem>>)
      %dma_wait3A = arith.constant 0 : i32
      %dma_wait3A_143 = tpu.memref_slice %arg4[%run_scoped3A_63, %mul3A_62, %dma_wait3A] : memref<2x10240x128xf32, #tpu.memory_space<hbm>> -> memref<1x640x128xf32, #tpu.memory_space<hbm>>
      %dma_wait3A_144 = tpu.memref_squeeze %dma_wait3A_143 : memref<1x640x128xf32, #tpu.memory_space<hbm>> -> memref<640x128xf32, #tpu.memory_space<hbm>>
      %dma_wait3A_145 = arith.constant 0 : i32
      %dma_wait3A_146 = tpu.memref_slice %arg11[%mul3A_60, %dma_wait3A_145] : memref<10240x128xf32, #tpu.memory_space<vmem_shared>> -> memref<640x128xf32, #tpu.memory_space<vmem_shared>>
      tpu.wait_dma2 semaphore(%run_scoped3A_137 : memref<!tpu.dma_semaphore, #tpu.memory_space<semaphore_mem>>) src(%dma_wait3A_146 : memref<640x128xf32, #tpu.memory_space<vmem_shared>>) dst(%dma_wait3A_144 : memref<640x128xf32, #tpu.memory_space<hbm>>)
      tpu.yield
    }) : () -> ()
    %barrier3A_64 = arith.constant 0 : index
    tpu.barrier barrier_id(%barrier3A_64)
    %broadcast_in_dim3A_65 = arith.constant 0.000000e+00 : f32
    %broadcast_in_dim3A_66 = vector.broadcast %broadcast_in_dim3A_65 : f32 to vector<16xf32>
    %scan3A_67 = arith.constant 0 : i32
    %scan3A_68 = arith.constant 0 : i32
    %scan3A_69 = arith.constant 128 : i32
    %scan3A_70 = arith.addi %scan3A_68, %scan3A_69 : i32
    %scan3A_71 = arith.constant 1 : i32
    %scan3A_72 = scf.for %scan3A_137 = %scan3A_68 to %scan3A_70 step %scan3A_71 iter_args(%scan3A_138 = %scan3A_67) -> (i32)  : i32 {
      %scan3A_139 = arith.constant 0 : i32
      %scan3A_140 = arith.constant 0 : i32
      %scan3A_141 = arith.constant 8 : i32
      %scan3A_142 = arith.addi %scan3A_140, %scan3A_141 : i32
      %scan3A_143 = arith.constant 1 : i32
      %scan3A_144 = scf.for %scan3A_146 = %scan3A_140 to %scan3A_142 step %scan3A_143 iter_args(%scan3A_147 = %scan3A_139) -> (i32)  : i32 {
        %mul3A_148 = arith.constant 16 : i32
        %mul3A_149 = arith.muli %scan3A_146, %mul3A_148 : i32
        %swap3A = arith.index_cast %scan3A_137 : i32 to index
        %swap3A_150 = arith.index_cast %mul3A_149 : i32 to index
        %swap3A_151 = tpu.vector_load %arg9[%swap3A, %swap3A_150] {strides = array<i32>} : memref<128x128xf32, #tpu.memory_space<vmem>>, vector<1x16xf32>,
        %swap3A_152 = vector.shape_cast %swap3A_151 : vector<1x16xf32> to vector<16xf32>
        %swap3A_153 = vector.shape_cast %broadcast_in_dim3A_66 : vector<16xf32> to vector<1x16xf32>
        tpu.vector_store %arg9[%swap3A, %swap3A_150], %swap3A_153 {strides = array<i32>} : memref<128x128xf32, #tpu.memory_space<vmem>>, vector<1x16xf32>,
        %scan3A_154 = arith.constant 0 : i32
        scf.yield %scan3A_154 : i32
      }
      %scan3A_145 = arith.constant 8 : i32
      scf.yield %scan3A_144 : i32
    }
    %scan3A_73 = arith.constant 128 : i32
    %mul3A_74 = arith.constant 640 : i32
    %mul3A_75 = arith.muli %arg1, %mul3A_74 : i32
    %add3A_76 = arith.constant 0 : i32
    %add3A_77 = arith.addi %mul3A_75, %add3A_76 : i32
    "tpu.region"() ({
      %run_scoped3A_137 = tpu.sem_alloc : memref<!tpu.dma_semaphore, #tpu.memory_space<semaphore_mem>>
      %dma_start3A_138 = arith.constant 0 : i32
      %dma_start3A_139 = tpu.memref_slice %arg11[%add3A_77, %dma_start3A_138] : memref<10240x128xf32, #tpu.memory_space<vmem_shared>> -> memref<128x128xf32, #tpu.memory_space<vmem_shared>>
      %dma_start3A_140 = arith.constant 0 : i32
      %dma_start3A_141 = tpu.memref_slice %arg11[%add3A_77, %dma_start3A_140] : memref<10240x128xf32, #tpu.memory_space<vmem_shared>> -> memref<128x128xf32, #tpu.memory_space<vmem_shared>>
      tpu.enqueue_dma source(%arg9 : memref<128x128xf32, #tpu.memory_space<vmem>>) target(%dma_start3A_141 : memref<128x128xf32, #tpu.memory_space<vmem_shared>>) target_semaphore(%run_scoped3A_137 : memref<!tpu.dma_semaphore, #tpu.memory_space<semaphore_mem>>)
      %dma_wait3A = arith.constant 0 : i32
      %dma_wait3A_142 = tpu.memref_slice %arg11[%add3A_77, %dma_wait3A] : memref<10240x128xf32, #tpu.memory_space<vmem_shared>> -> memref<128x128xf32, #tpu.memory_space<vmem_shared>>
      %dma_wait3A_143 = arith.constant 0 : i32
      %dma_wait3A_144 = tpu.memref_slice %arg11[%add3A_77, %dma_wait3A_143] : memref<10240x128xf32, #tpu.memory_space<vmem_shared>> -> memref<128x128xf32, #tpu.memory_space<vmem_shared>>
      tpu.wait_dma2 semaphore(%run_scoped3A_137 : memref<!tpu.dma_semaphore, #tpu.memory_space<semaphore_mem>>) src(%arg9 : memref<128x128xf32, #tpu.memory_space<vmem>>) dst(%dma_wait3A_144 : memref<128x128xf32, #tpu.memory_space<vmem_shared>>)
      tpu.yield
    }) : () -> ()
    %mul3A_78 = arith.constant 640 : i32
    %mul3A_79 = arith.muli %arg1, %mul3A_78 : i32
    %add3A_80 = arith.constant 128 : i32
    %add3A_81 = arith.addi %mul3A_79, %add3A_80 : i32
    "tpu.region"() ({
      %run_scoped3A_137 = tpu.sem_alloc : memref<!tpu.dma_semaphore, #tpu.memory_space<semaphore_mem>>
      %dma_start3A_138 = arith.constant 0 : i32
      %dma_start3A_139 = tpu.memref_slice %arg11[%add3A_81, %dma_start3A_138] : memref<10240x128xf32, #tpu.memory_space<vmem_shared>> -> memref<128x128xf32, #tpu.memory_space<vmem_shared>>
      %dma_start3A_140 = arith.constant 0 : i32
      %dma_start3A_141 = tpu.memref_slice %arg11[%add3A_81, %dma_start3A_140] : memref<10240x128xf32, #tpu.memory_space<vmem_shared>> -> memref<128x128xf32, #tpu.memory_space<vmem_shared>>
      tpu.enqueue_dma source(%arg9 : memref<128x128xf32, #tpu.memory_space<vmem>>) target(%dma_start3A_141 : memref<128x128xf32, #tpu.memory_space<vmem_shared>>) target_semaphore(%run_scoped3A_137 : memref<!tpu.dma_semaphore, #tpu.memory_space<semaphore_mem>>)
      %dma_wait3A = arith.constant 0 : i32
      %dma_wait3A_142 = tpu.memref_slice %arg11[%add3A_81, %dma_wait3A] : memref<10240x128xf32, #tpu.memory_space<vmem_shared>> -> memref<128x128xf32, #tpu.memory_space<vmem_shared>>
      %dma_wait3A_143 = arith.constant 0 : i32
      %dma_wait3A_144 = tpu.memref_slice %arg11[%add3A_81, %dma_wait3A_143] : memref<10240x128xf32, #tpu.memory_space<vmem_shared>> -> memref<128x128xf32, #tpu.memory_space<vmem_shared>>
      tpu.wait_dma2 semaphore(%run_scoped3A_137 : memref<!tpu.dma_semaphore, #tpu.memory_space<semaphore_mem>>) src(%arg9 : memref<128x128xf32, #tpu.memory_space<vmem>>) dst(%dma_wait3A_144 : memref<128x128xf32, #tpu.memory_space<vmem_shared>>)
      tpu.yield
    }) : () -> ()
    %mul3A_82 = arith.constant 640 : i32
    %mul3A_83 = arith.muli %arg1, %mul3A_82 : i32
    %add3A_84 = arith.constant 256 : i32
    %add3A_85 = arith.addi %mul3A_83, %add3A_84 : i32
    "tpu.region"() ({
      %run_scoped3A_137 = tpu.sem_alloc : memref<!tpu.dma_semaphore, #tpu.memory_space<semaphore_mem>>
      %dma_start3A_138 = arith.constant 0 : i32
      %dma_start3A_139 = tpu.memref_slice %arg11[%add3A_85, %dma_start3A_138] : memref<10240x128xf32, #tpu.memory_space<vmem_shared>> -> memref<128x128xf32, #tpu.memory_space<vmem_shared>>
      %dma_start3A_140 = arith.constant 0 : i32
      %dma_start3A_141 = tpu.memref_slice %arg11[%add3A_85, %dma_start3A_140] : memref<10240x128xf32, #tpu.memory_space<vmem_shared>> -> memref<128x128xf32, #tpu.memory_space<vmem_shared>>
      tpu.enqueue_dma source(%arg9 : memref<128x128xf32, #tpu.memory_space<vmem>>) target(%dma_start3A_141 : memref<128x128xf32, #tpu.memory_space<vmem_shared>>) target_semaphore(%run_scoped3A_137 : memref<!tpu.dma_semaphore, #tpu.memory_space<semaphore_mem>>)
      %dma_wait3A = arith.constant 0 : i32
      %dma_wait3A_142 = tpu.memref_slice %arg11[%add3A_85, %dma_wait3A] : memref<10240x128xf32, #tpu.memory_space<vmem_shared>> -> memref<128x128xf32, #tpu.memory_space<vmem_shared>>
      %dma_wait3A_143 = arith.constant 0 : i32
      %dma_wait3A_144 = tpu.memref_slice %arg11[%add3A_85, %dma_wait3A_143] : memref<10240x128xf32, #tpu.memory_space<vmem_shared>> -> memref<128x128xf32, #tpu.memory_space<vmem_shared>>
      tpu.wait_dma2 semaphore(%run_scoped3A_137 : memref<!tpu.dma_semaphore, #tpu.memory_space<semaphore_mem>>) src(%arg9 : memref<128x128xf32, #tpu.memory_space<vmem>>) dst(%dma_wait3A_144 : memref<128x128xf32, #tpu.memory_space<vmem_shared>>)
      tpu.yield
    }) : () -> ()
    %mul3A_86 = arith.constant 640 : i32
    %mul3A_87 = arith.muli %arg1, %mul3A_86 : i32
    %add3A_88 = arith.constant 384 : i32
    %add3A_89 = arith.addi %mul3A_87, %add3A_88 : i32
    "tpu.region"() ({
      %run_scoped3A_137 = tpu.sem_alloc : memref<!tpu.dma_semaphore, #tpu.memory_space<semaphore_mem>>
      %dma_start3A_138 = arith.constant 0 : i32
      %dma_start3A_139 = tpu.memref_slice %arg11[%add3A_89, %dma_start3A_138] : memref<10240x128xf32, #tpu.memory_space<vmem_shared>> -> memref<128x128xf32, #tpu.memory_space<vmem_shared>>
      %dma_start3A_140 = arith.constant 0 : i32
      %dma_start3A_141 = tpu.memref_slice %arg11[%add3A_89, %dma_start3A_140] : memref<10240x128xf32, #tpu.memory_space<vmem_shared>> -> memref<128x128xf32, #tpu.memory_space<vmem_shared>>
      tpu.enqueue_dma source(%arg9 : memref<128x128xf32, #tpu.memory_space<vmem>>) target(%dma_start3A_141 : memref<128x128xf32, #tpu.memory_space<vmem_shared>>) target_semaphore(%run_scoped3A_137 : memref<!tpu.dma_semaphore, #tpu.memory_space<semaphore_mem>>)
      %dma_wait3A = arith.constant 0 : i32
      %dma_wait3A_142 = tpu.memref_slice %arg11[%add3A_89, %dma_wait3A] : memref<10240x128xf32, #tpu.memory_space<vmem_shared>> -> memref<128x128xf32, #tpu.memory_space<vmem_shared>>
      %dma_wait3A_143 = arith.constant 0 : i32
      %dma_wait3A_144 = tpu.memref_slice %arg11[%add3A_89, %dma_wait3A_143] : memref<10240x128xf32, #tpu.memory_space<vmem_shared>> -> memref<128x128xf32, #tpu.memory_space<vmem_shared>>
      tpu.wait_dma2 semaphore(%run_scoped3A_137 : memref<!tpu.dma_semaphore, #tpu.memory_space<semaphore_mem>>) src(%arg9 : memref<128x128xf32, #tpu.memory_space<vmem>>) dst(%dma_wait3A_144 : memref<128x128xf32, #tpu.memory_space<vmem_shared>>)
      tpu.yield
    }) : () -> ()
    %mul3A_90 = arith.constant 640 : i32
    %mul3A_91 = arith.muli %arg1, %mul3A_90 : i32
    %add3A_92 = arith.constant 512 : i32
    %add3A_93 = arith.addi %mul3A_91, %add3A_92 : i32
    "tpu.region"() ({
      %run_scoped3A_137 = tpu.sem_alloc : memref<!tpu.dma_semaphore, #tpu.memory_space<semaphore_mem>>
      %dma_start3A_138 = arith.constant 0 : i32
      %dma_start3A_139 = tpu.memref_slice %arg11[%add3A_93, %dma_start3A_138] : memref<10240x128xf32, #tpu.memory_space<vmem_shared>> -> memref<128x128xf32, #tpu.memory_space<vmem_shared>>
      %dma_start3A_140 = arith.constant 0 : i32
      %dma_start3A_141 = tpu.memref_slice %arg11[%add3A_93, %dma_start3A_140] : memref<10240x128xf32, #tpu.memory_space<vmem_shared>> -> memref<128x128xf32, #tpu.memory_space<vmem_shared>>
      tpu.enqueue_dma source(%arg9 : memref<128x128xf32, #tpu.memory_space<vmem>>) target(%dma_start3A_141 : memref<128x128xf32, #tpu.memory_space<vmem_shared>>) target_semaphore(%run_scoped3A_137 : memref<!tpu.dma_semaphore, #tpu.memory_space<semaphore_mem>>)
      %dma_wait3A = arith.constant 0 : i32
      %dma_wait3A_142 = tpu.memref_slice %arg11[%add3A_93, %dma_wait3A] : memref<10240x128xf32, #tpu.memory_space<vmem_shared>> -> memref<128x128xf32, #tpu.memory_space<vmem_shared>>
      %dma_wait3A_143 = arith.constant 0 : i32
      %dma_wait3A_144 = tpu.memref_slice %arg11[%add3A_93, %dma_wait3A_143] : memref<10240x128xf32, #tpu.memory_space<vmem_shared>> -> memref<128x128xf32, #tpu.memory_space<vmem_shared>>
      tpu.wait_dma2 semaphore(%run_scoped3A_137 : memref<!tpu.dma_semaphore, #tpu.memory_space<semaphore_mem>>) src(%arg9 : memref<128x128xf32, #tpu.memory_space<vmem>>) dst(%dma_wait3A_144 : memref<128x128xf32, #tpu.memory_space<vmem_shared>>)
      tpu.yield
    }) : () -> ()
    %barrier3A_94 = arith.constant 0 : index
    tpu.barrier barrier_id(%barrier3A_94)
    %run_scoped3A_95 = arith.constant 1 : i32
    %run_scoped3A_96 = arith.constant 0 : i32
    "tpu.region"() ({
      %run_scoped3A_137 = tpu.sem_alloc : memref<!tpu.dma_semaphore, #tpu.memory_space<semaphore_mem>>
      %dma_start3A_138 = arith.constant 0 : i32
      %dma_start3A_139 = arith.constant 0 : i32
      %dma_start3A_140 = tpu.memref_slice %arg3[%run_scoped3A_95, %arg1, %run_scoped3A_96, %dma_start3A_138, %dma_start3A_139] : memref<2x16x160x2x128xi32, #tpu.memory_space<hbm>> -> memref<1x1x1x2x128xi32, #tpu.memory_space<hbm>>
      %dma_start3A_141 = tpu.memref_squeeze %dma_start3A_140 : memref<1x1x1x2x128xi32, #tpu.memory_space<hbm>> -> memref<2x128xi32, #tpu.memory_space<hbm>>
      %dma_start3A_142 = arith.constant 0 : i32
      %dma_start3A_143 = arith.constant 0 : i32
      %dma_start3A_144 = tpu.memref_slice %arg3[%run_scoped3A_95, %arg1, %run_scoped3A_96, %dma_start3A_142, %dma_start3A_143] : memref<2x16x160x2x128xi32, #tpu.memory_space<hbm>> -> memref<1x1x1x2x128xi32, #tpu.memory_space<hbm>>
      %dma_start3A_145 = tpu.memref_squeeze %dma_start3A_144 : memref<1x1x1x2x128xi32, #tpu.memory_space<hbm>> -> memref<2x128xi32, #tpu.memory_space<hbm>>
      tpu.enqueue_dma source(%dma_start3A_145 : memref<2x128xi32, #tpu.memory_space<hbm>>) target(%arg5 : memref<2x128xi32, #tpu.memory_space<vmem>>) target_semaphore(%run_scoped3A_137 : memref<!tpu.dma_semaphore, #tpu.memory_space<semaphore_mem>>)
      %dma_wait3A = arith.constant 0 : i32
      %dma_wait3A_146 = arith.constant 0 : i32
      %dma_wait3A_147 = tpu.memref_slice %arg3[%run_scoped3A_95, %arg1, %run_scoped3A_96, %dma_wait3A, %dma_wait3A_146] : memref<2x16x160x2x128xi32, #tpu.memory_space<hbm>> -> memref<1x1x1x2x128xi32, #tpu.memory_space<hbm>>
      %dma_wait3A_148 = tpu.memref_squeeze %dma_wait3A_147 : memref<1x1x1x2x128xi32, #tpu.memory_space<hbm>> -> memref<2x128xi32, #tpu.memory_space<hbm>>
      %dma_wait3A_149 = arith.constant 0 : i32
      %dma_wait3A_150 = arith.constant 0 : i32
      %dma_wait3A_151 = tpu.memref_slice %arg3[%run_scoped3A_95, %arg1, %run_scoped3A_96, %dma_wait3A_149, %dma_wait3A_150] : memref<2x16x160x2x128xi32, #tpu.memory_space<hbm>> -> memref<1x1x1x2x128xi32, #tpu.memory_space<hbm>>
      %dma_wait3A_152 = tpu.memref_squeeze %dma_wait3A_151 : memref<1x1x1x2x128xi32, #tpu.memory_space<hbm>> -> memref<2x128xi32, #tpu.memory_space<hbm>>
      tpu.wait_dma2 semaphore(%run_scoped3A_137 : memref<!tpu.dma_semaphore, #tpu.memory_space<semaphore_mem>>) src(%dma_wait3A_152 : memref<2x128xi32, #tpu.memory_space<hbm>>) dst(%arg5 : memref<2x128xi32, #tpu.memory_space<vmem>>)
      tpu.yield
    }) : () -> ()
    %run_scoped3A_97 = arith.constant 1 : i32
    %run_scoped3A_98 = arith.constant 1 : i32
    "tpu.region"() ({
      %run_scoped3A_137 = tpu.sem_alloc : memref<!tpu.dma_semaphore, #tpu.memory_space<semaphore_mem>>
      %dma_start3A_138 = arith.constant 0 : i32
      %dma_start3A_139 = arith.constant 0 : i32
      %dma_start3A_140 = tpu.memref_slice %arg3[%run_scoped3A_97, %arg1, %run_scoped3A_98, %dma_start3A_138, %dma_start3A_139] : memref<2x16x160x2x128xi32, #tpu.memory_space<hbm>> -> memref<1x1x1x2x128xi32, #tpu.memory_space<hbm>>
      %dma_start3A_141 = tpu.memref_squeeze %dma_start3A_140 : memref<1x1x1x2x128xi32, #tpu.memory_space<hbm>> -> memref<2x128xi32, #tpu.memory_space<hbm>>
      %dma_start3A_142 = arith.constant 0 : i32
      %dma_start3A_143 = arith.constant 0 : i32
      %dma_start3A_144 = tpu.memref_slice %arg3[%run_scoped3A_97, %arg1, %run_scoped3A_98, %dma_start3A_142, %dma_start3A_143] : memref<2x16x160x2x128xi32, #tpu.memory_space<hbm>> -> memref<1x1x1x2x128xi32, #tpu.memory_space<hbm>>
      %dma_start3A_145 = tpu.memref_squeeze %dma_start3A_144 : memref<1x1x1x2x128xi32, #tpu.memory_space<hbm>> -> memref<2x128xi32, #tpu.memory_space<hbm>>
      tpu.enqueue_dma source(%dma_start3A_145 : memref<2x128xi32, #tpu.memory_space<hbm>>) target(%arg6 : memref<2x128xi32, #tpu.memory_space<vmem>>) target_semaphore(%run_scoped3A_137 : memref<!tpu.dma_semaphore, #tpu.memory_space<semaphore_mem>>)
      %dma_wait3A = arith.constant 0 : i32
      %dma_wait3A_146 = arith.constant 0 : i32
      %dma_wait3A_147 = tpu.memref_slice %arg3[%run_scoped3A_97, %arg1, %run_scoped3A_98, %dma_wait3A, %dma_wait3A_146] : memref<2x16x160x2x128xi32, #tpu.memory_space<hbm>> -> memref<1x1x1x2x128xi32, #tpu.memory_space<hbm>>
      %dma_wait3A_148 = tpu.memref_squeeze %dma_wait3A_147 : memref<1x1x1x2x128xi32, #tpu.memory_space<hbm>> -> memref<2x128xi32, #tpu.memory_space<hbm>>
      %dma_wait3A_149 = arith.constant 0 : i32
      %dma_wait3A_150 = arith.constant 0 : i32
      %dma_wait3A_151 = tpu.memref_slice %arg3[%run_scoped3A_97, %arg1, %run_scoped3A_98, %dma_wait3A_149, %dma_wait3A_150] : memref<2x16x160x2x128xi32, #tpu.memory_space<hbm>> -> memref<1x1x1x2x128xi32, #tpu.memory_space<hbm>>
      %dma_wait3A_152 = tpu.memref_squeeze %dma_wait3A_151 : memref<1x1x1x2x128xi32, #tpu.memory_space<hbm>> -> memref<2x128xi32, #tpu.memory_space<hbm>>
      tpu.wait_dma2 semaphore(%run_scoped3A_137 : memref<!tpu.dma_semaphore, #tpu.memory_space<semaphore_mem>>) src(%dma_wait3A_152 : memref<2x128xi32, #tpu.memory_space<hbm>>) dst(%arg6 : memref<2x128xi32, #tpu.memory_space<vmem>>)
      tpu.yield
    }) : () -> ()
    %dma_start3A_99 = arith.constant 1 : i32
    %dma_start3A_100 = arith.constant 2 : i32
    %dma_start3A_101 = arith.constant 0 : i32
    %dma_start3A_102 = arith.constant 0 : i32
    %dma_start3A_103 = tpu.memref_slice %arg3[%dma_start3A_99, %arg1, %dma_start3A_100, %dma_start3A_101, %dma_start3A_102] : memref<2x16x160x2x128xi32, #tpu.memory_space<hbm>> -> memref<1x1x1x2x128xi32, #tpu.memory_space<hbm>>
    %dma_start3A_104 = tpu.memref_squeeze %dma_start3A_103 : memref<1x1x1x2x128xi32, #tpu.memory_space<hbm>> -> memref<2x128xi32, #tpu.memory_space<hbm>>
    %dma_start3A_105 = arith.constant 0 : i32
    %dma_start3A_106 = arith.constant 0 : i32
    %dma_start3A_107 = tpu.memref_slice %arg3[%dma_start3A_99, %arg1, %dma_start3A_100, %dma_start3A_105, %dma_start3A_106] : memref<2x16x160x2x128xi32, #tpu.memory_space<hbm>> -> memref<1x1x1x2x128xi32, #tpu.memory_space<hbm>>
    %dma_start3A_108 = tpu.memref_squeeze %dma_start3A_107 : memref<1x1x1x2x128xi32, #tpu.memory_space<hbm>> -> memref<2x128xi32, #tpu.memory_space<hbm>>
    tpu.enqueue_dma source(%dma_start3A_108 : memref<2x128xi32, #tpu.memory_space<hbm>>) target(%arg7 : memref<2x128xi32, #tpu.memory_space<vmem>>) target_semaphore(%arg14 : memref<!tpu.dma_semaphore, #tpu.memory_space<semaphore_mem>>)
    %dma_start3A_109 = arith.constant 0 : i32
    %dma_start3A_110 = arith.constant 0 : i32
    %dma_start3A_111 = tpu.memref_slice %arg5[%dma_start3A_109, %dma_start3A_110] : memref<2x128xi32, #tpu.memory_space<vmem>> -> memref<1x128xi32, #tpu.memory_space<vmem>>
    %dma_start3A_112 = tpu.memref_squeeze %dma_start3A_111 : memref<1x128xi32, #tpu.memory_space<vmem>> -> memref<128xi32, #tpu.memory_space<vmem>>
    %dma_start3A_113 = arith.constant 0 : i32
    %dma_start3A_114 = arith.constant 0 : i32
    %dma_start3A_115 = tpu.memref_slice %arg2[%dma_start3A_113, %dma_start3A_114] : memref<10000x128xf32, #tpu.memory_space<hbm>> -> memref<10000x128xf32, #tpu.memory_space<hbm>>
    tpu.enqueue_indirect_dma source(%dma_start3A_115 : memref<10000x128xf32, #tpu.memory_space<hbm>>) target(%arg9 : memref<128x128xf32, #tpu.memory_space<vmem>>) offsets(%dma_start3A_112 : memref<128xi32, #tpu.memory_space<vmem>>) semaphore(%arg12 : memref<!tpu.dma_semaphore, #tpu.memory_space<semaphore_mem>>)
    %dma_start3A_116 = arith.constant 0 : i32
    %dma_start3A_117 = arith.constant 0 : i32
    %dma_start3A_118 = tpu.memref_slice %arg6[%dma_start3A_116, %dma_start3A_117] : memref<2x128xi32, #tpu.memory_space<vmem>> -> memref<1x128xi32, #tpu.memory_space<vmem>>
    %dma_start3A_119 = tpu.memref_squeeze %dma_start3A_118 : memref<1x128xi32, #tpu.memory_space<vmem>> -> memref<128xi32, #tpu.memory_space<vmem>>
    %dma_start3A_120 = arith.constant 0 : i32
    %dma_start3A_121 = arith.constant 0 : i32
    %dma_start3A_122 = tpu.memref_slice %arg2[%dma_start3A_120, %dma_start3A_121] : memref<10000x128xf32, #tpu.memory_space<hbm>> -> memref<10000x128xf32, #tpu.memory_space<hbm>>
    tpu.enqueue_indirect_dma source(%dma_start3A_122 : memref<10000x128xf32, #tpu.memory_space<hbm>>) target(%arg10 : memref<128x128xf32, #tpu.memory_space<vmem>>) offsets(%dma_start3A_119 : memref<128xi32, #tpu.memory_space<vmem>>) semaphore(%arg12 : memref<!tpu.dma_semaphore, #tpu.memory_space<semaphore_mem>>)
    %scan3A_123 = arith.constant 0 : i32
    %scan3A_124 = arith.constant 0 : i32
    %scan3A_125 = arith.constant 40 : i32
    %scan3A_126 = arith.addi %scan3A_124, %scan3A_125 : i32
    %scan3A_127 = arith.constant 1 : i32
    %scan3A_128 = scf.for %scan3A_137 = %scan3A_124 to %scan3A_126 step %scan3A_127 iter_args(%scan3A_138 = %scan3A_123) -> (i32)  : i32 {
      %mul3A_139 = arith.constant 4 : i32
      %mul3A_140 = arith.muli %mul3A_139, %scan3A_137 : i32
      %add3A_141 = arith.constant 0 : i32
      %add3A_142 = arith.addi %mul3A_140, %add3A_141 : i32
      %dma_wait3A = arith.constant 0 : i32
      %dma_wait3A_143 = arith.constant 0 : i32
      %dma_wait3A_144 = tpu.memref_slice %arg5[%dma_wait3A, %dma_wait3A_143] : memref<2x128xi32, #tpu.memory_space<vmem>> -> memref<1x128xi32, #tpu.memory_space<vmem>>
      %dma_wait3A_145 = tpu.memref_squeeze %dma_wait3A_144 : memref<1x128xi32, #tpu.memory_space<vmem>> -> memref<128xi32, #tpu.memory_space<vmem>>
      %dma_wait3A_146 = arith.constant 0 : i32
      %dma_wait3A_147 = arith.constant 0 : i32
      %dma_wait3A_148 = tpu.memref_slice %arg2[%dma_wait3A_146, %dma_wait3A_147] : memref<10000x128xf32, #tpu.memory_space<hbm>> -> memref<10000x128xf32, #tpu.memory_space<hbm>>
      tpu.wait_indirect_dma semaphore(%arg12 : memref<!tpu.dma_semaphore, #tpu.memory_space<semaphore_mem>>) src(%dma_wait3A_148 : memref<10000x128xf32, #tpu.memory_space<hbm>>) dst(%arg9 : memref<128x128xf32, #tpu.memory_space<vmem>>)
      %run_scoped3A_149 = arith.constant 1 : i32
      "tpu.region"() ({
        %run_scoped3A_240 = tpu.sem_alloc : memref<!tpu.dma_semaphore, #tpu.memory_space<semaphore_mem>>
        %dma_start3A_241 = arith.constant 0 : i32
        %dma_start3A_242 = tpu.memref_slice %arg5[%run_scoped3A_149, %dma_start3A_241] : memref<2x128xi32, #tpu.memory_space<vmem>> -> memref<1x128xi32, #tpu.memory_space<vmem>>
        %dma_start3A_243 = tpu.memref_squeeze %dma_start3A_242 : memref<1x128xi32, #tpu.memory_space<vmem>> -> memref<128xi32, #tpu.memory_space<vmem>>
        %dma_start3A_244 = arith.constant 0 : i32
        %dma_start3A_245 = arith.constant 0 : i32
        %dma_start3A_246 = tpu.memref_slice %arg11[%dma_start3A_244, %dma_start3A_245] : memref<10240x128xf32, #tpu.memory_space<vmem_shared>> -> memref<10240x128xf32, #tpu.memory_space<vmem_shared>>
        tpu.enqueue_indirect_dma source(%arg9 : memref<128x128xf32, #tpu.memory_space<vmem>>) target(%dma_start3A_246 : memref<10240x128xf32, #tpu.memory_space<vmem_shared>>) offsets(%dma_start3A_243 : memref<128xi32, #tpu.memory_space<vmem>>) semaphore(%run_scoped3A_240 : memref<!tpu.dma_semaphore, #tpu.memory_space<semaphore_mem>>) {add = true}
        %dma_wait3A_247 = arith.constant 0 : i32
        %dma_wait3A_248 = tpu.memref_slice %arg5[%run_scoped3A_149, %dma_wait3A_247] : memref<2x128xi32, #tpu.memory_space<vmem>> -> memref<1x128xi32, #tpu.memory_space<vmem>>
        %dma_wait3A_249 = tpu.memref_squeeze %dma_wait3A_248 : memref<1x128xi32, #tpu.memory_space<vmem>> -> memref<128xi32, #tpu.memory_space<vmem>>
        %dma_wait3A_250 = arith.constant 0 : i32
        %dma_wait3A_251 = arith.constant 0 : i32
        %dma_wait3A_252 = tpu.memref_slice %arg11[%dma_wait3A_250, %dma_wait3A_251] : memref<10240x128xf32, #tpu.memory_space<vmem_shared>> -> memref<10240x128xf32, #tpu.memory_space<vmem_shared>>
        tpu.wait_indirect_dma semaphore(%run_scoped3A_240 : memref<!tpu.dma_semaphore, #tpu.memory_space<semaphore_mem>>) src(%arg9 : memref<128x128xf32, #tpu.memory_space<vmem>>) dst(%dma_wait3A_252 : memref<10240x128xf32, #tpu.memory_space<vmem_shared>>)
        tpu.yield
      }) : () -> ()
      %add3A_150 = arith.constant 3 : i32
      %add3A_151 = arith.addi %add3A_142, %add3A_150 : i32
      %lt3A = arith.constant 160 : i32
      %lt3A_152 = arith.cmpi slt, %add3A_151, %lt3A : i32
      %convert_element_type3A = arith.extui %lt3A_152 : i1 to i32
      %cond3A = arith.constant 0 : i32
      %cond3A_153 = arith.cmpi ne, %convert_element_type3A, %cond3A : i32
      scf.if %cond3A_153 {
        %add3A_240 = arith.constant 3 : i32
        %add3A_241 = arith.addi %add3A_142, %add3A_240 : i32
        %dma_start3A_242 = arith.constant 1 : i32
        %dma_start3A_243 = arith.constant 0 : i32
        %dma_start3A_244 = arith.constant 0 : i32
        %dma_start3A_245 = tpu.memref_slice %arg3[%dma_start3A_242, %arg1, %add3A_241, %dma_start3A_243, %dma_start3A_244] : memref<2x16x160x2x128xi32, #tpu.memory_space<hbm>> -> memref<1x1x1x2x128xi32, #tpu.memory_space<hbm>>
        %dma_start3A_246 = tpu.memref_squeeze %dma_start3A_245 : memref<1x1x1x2x128xi32, #tpu.memory_space<hbm>> -> memref<2x128xi32, #tpu.memory_space<hbm>>
        %dma_start3A_247 = arith.constant 0 : i32
        %dma_start3A_248 = arith.constant 0 : i32
        %dma_start3A_249 = tpu.memref_slice %arg3[%dma_start3A_242, %arg1, %add3A_241, %dma_start3A_247, %dma_start3A_248] : memref<2x16x160x2x128xi32, #tpu.memory_space<hbm>> -> memref<1x1x1x2x128xi32, #tpu.memory_space<hbm>>
        %dma_start3A_250 = tpu.memref_squeeze %dma_start3A_249 : memref<1x1x1x2x128xi32, #tpu.memory_space<hbm>> -> memref<2x128xi32, #tpu.memory_space<hbm>>
        tpu.enqueue_dma source(%dma_start3A_250 : memref<2x128xi32, #tpu.memory_space<hbm>>) target(%arg8 : memref<2x128xi32, #tpu.memory_space<vmem>>) target_semaphore(%arg14 : memref<!tpu.dma_semaphore, #tpu.memory_space<semaphore_mem>>)
      } else {
      }
      %add3A_154 = arith.constant 2 : i32
      %add3A_155 = arith.addi %add3A_142, %add3A_154 : i32
      %lt3A_156 = arith.constant 160 : i32
      %lt3A_157 = arith.cmpi slt, %add3A_155, %lt3A_156 : i32
      %convert_element_type3A_158 = arith.extui %lt3A_157 : i1 to i32
      %cond3A_159 = arith.constant 0 : i32
      %cond3A_160 = arith.cmpi ne, %convert_element_type3A_158, %cond3A_159 : i32
      scf.if %cond3A_160 {
        %dma_wait3A_240 = arith.constant 1 : i32
        %dma_wait3A_241 = arith.constant 0 : i32
        %dma_wait3A_242 = arith.constant 0 : i32
        %dma_wait3A_243 = arith.constant 0 : i32
        %dma_wait3A_244 = tpu.memref_slice %arg3[%dma_wait3A_240, %arg1, %dma_wait3A_241, %dma_wait3A_242, %dma_wait3A_243] : memref<2x16x160x2x128xi32, #tpu.memory_space<hbm>> -> memref<1x1x1x2x128xi32, #tpu.memory_space<hbm>>
        %dma_wait3A_245 = tpu.memref_squeeze %dma_wait3A_244 : memref<1x1x1x2x128xi32, #tpu.memory_space<hbm>> -> memref<2x128xi32, #tpu.memory_space<hbm>>
        %dma_wait3A_246 = arith.constant 0 : i32
        %dma_wait3A_247 = arith.constant 0 : i32
        %dma_wait3A_248 = tpu.memref_slice %arg3[%dma_wait3A_240, %arg1, %dma_wait3A_241, %dma_wait3A_246, %dma_wait3A_247] : memref<2x16x160x2x128xi32, #tpu.memory_space<hbm>> -> memref<1x1x1x2x128xi32, #tpu.memory_space<hbm>>
        %dma_wait3A_249 = tpu.memref_squeeze %dma_wait3A_248 : memref<1x1x1x2x128xi32, #tpu.memory_space<hbm>> -> memref<2x128xi32, #tpu.memory_space<hbm>>
        tpu.wait_dma2 semaphore(%arg14 : memref<!tpu.dma_semaphore, #tpu.memory_space<semaphore_mem>>) src(%dma_wait3A_249 : memref<2x128xi32, #tpu.memory_space<hbm>>) dst(%arg7 : memref<2x128xi32, #tpu.memory_space<vmem>>)
        %dma_start3A_250 = arith.constant 0 : i32
        %dma_start3A_251 = arith.constant 0 : i32
        %dma_start3A_252 = tpu.memref_slice %arg7[%dma_start3A_250, %dma_start3A_251] : memref<2x128xi32, #tpu.memory_space<vmem>> -> memref<1x128xi32, #tpu.memory_space<vmem>>
        %dma_start3A_253 = tpu.memref_squeeze %dma_start3A_252 : memref<1x128xi32, #tpu.memory_space<vmem>> -> memref<128xi32, #tpu.memory_space<vmem>>
        %dma_start3A_254 = arith.constant 0 : i32
        %dma_start3A_255 = arith.constant 0 : i32
        %dma_start3A_256 = tpu.memref_slice %arg2[%dma_start3A_254, %dma_start3A_255] : memref<10000x128xf32, #tpu.memory_space<hbm>> -> memref<10000x128xf32, #tpu.memory_space<hbm>>
        tpu.enqueue_indirect_dma source(%dma_start3A_256 : memref<10000x128xf32, #tpu.memory_space<hbm>>) target(%arg9 : memref<128x128xf32, #tpu.memory_space<vmem>>) offsets(%dma_start3A_253 : memref<128xi32, #tpu.memory_space<vmem>>) semaphore(%arg12 : memref<!tpu.dma_semaphore, #tpu.memory_space<semaphore_mem>>)
      } else {
      }
      %mul3A_161 = arith.constant 4 : i32
      %mul3A_162 = arith.muli %mul3A_161, %scan3A_137 : i32
      %add3A_163 = arith.constant 1 : i32
      %add3A_164 = arith.addi %mul3A_162, %add3A_163 : i32
      %dma_wait3A_165 = arith.constant 0 : i32
      %dma_wait3A_166 = arith.constant 0 : i32
      %dma_wait3A_167 = tpu.memref_slice %arg6[%dma_wait3A_165, %dma_wait3A_166] : memref<2x128xi32, #tpu.memory_space<vmem>> -> memref<1x128xi32, #tpu.memory_space<vmem>>
      %dma_wait3A_168 = tpu.memref_squeeze %dma_wait3A_167 : memref<1x128xi32, #tpu.memory_space<vmem>> -> memref<128xi32, #tpu.memory_space<vmem>>
      %dma_wait3A_169 = arith.constant 0 : i32
      %dma_wait3A_170 = arith.constant 0 : i32
      %dma_wait3A_171 = tpu.memref_slice %arg2[%dma_wait3A_169, %dma_wait3A_170] : memref<10000x128xf32, #tpu.memory_space<hbm>> -> memref<10000x128xf32, #tpu.memory_space<hbm>>
      tpu.wait_indirect_dma semaphore(%arg12 : memref<!tpu.dma_semaphore, #tpu.memory_space<semaphore_mem>>) src(%dma_wait3A_171 : memref<10000x128xf32, #tpu.memory_space<hbm>>) dst(%arg10 : memref<128x128xf32, #tpu.memory_space<vmem>>)
      %run_scoped3A_172 = arith.constant 1 : i32
      "tpu.region"() ({
        %run_scoped3A_240 = tpu.sem_alloc : memref<!tpu.dma_semaphore, #tpu.memory_space<semaphore_mem>>
        %dma_start3A_241 = arith.constant 0 : i32
        %dma_start3A_242 = tpu.memref_slice %arg6[%run_scoped3A_172, %dma_start3A_241] : memref<2x128xi32, #tpu.memory_space<vmem>> -> memref<1x128xi32, #tpu.memory_space<vmem>>
        %dma_start3A_243 = tpu.memref_squeeze %dma_start3A_242 : memref<1x128xi32, #tpu.memory_space<vmem>> -> memref<128xi32, #tpu.memory_space<vmem>>
        %dma_start3A_244 = arith.constant 0 : i32
        %dma_start3A_245 = arith.constant 0 : i32
        %dma_start3A_246 = tpu.memref_slice %arg11[%dma_start3A_244, %dma_start3A_245] : memref<10240x128xf32, #tpu.memory_space<vmem_shared>> -> memref<10240x128xf32, #tpu.memory_space<vmem_shared>>
        tpu.enqueue_indirect_dma source(%arg10 : memref<128x128xf32, #tpu.memory_space<vmem>>) target(%dma_start3A_246 : memref<10240x128xf32, #tpu.memory_space<vmem_shared>>) offsets(%dma_start3A_243 : memref<128xi32, #tpu.memory_space<vmem>>) semaphore(%run_scoped3A_240 : memref<!tpu.dma_semaphore, #tpu.memory_space<semaphore_mem>>) {add = true}
        %dma_wait3A_247 = arith.constant 0 : i32
        %dma_wait3A_248 = tpu.memref_slice %arg6[%run_scoped3A_172, %dma_wait3A_247] : memref<2x128xi32, #tpu.memory_space<vmem>> -> memref<1x128xi32, #tpu.memory_space<vmem>>
        %dma_wait3A_249 = tpu.memref_squeeze %dma_wait3A_248 : memref<1x128xi32, #tpu.memory_space<vmem>> -> memref<128xi32, #tpu.memory_space<vmem>>
        %dma_wait3A_250 = arith.constant 0 : i32
        %dma_wait3A_251 = arith.constant 0 : i32
        %dma_wait3A_252 = tpu.memref_slice %arg11[%dma_wait3A_250, %dma_wait3A_251] : memref<10240x128xf32, #tpu.memory_space<vmem_shared>> -> memref<10240x128xf32, #tpu.memory_space<vmem_shared>>
        tpu.wait_indirect_dma semaphore(%run_scoped3A_240 : memref<!tpu.dma_semaphore, #tpu.memory_space<semaphore_mem>>) src(%arg10 : memref<128x128xf32, #tpu.memory_space<vmem>>) dst(%dma_wait3A_252 : memref<10240x128xf32, #tpu.memory_space<vmem_shared>>)
        tpu.yield
      }) : () -> ()
      %add3A_173 = arith.constant 3 : i32
      %add3A_174 = arith.addi %add3A_164, %add3A_173 : i32
      %lt3A_175 = arith.constant 160 : i32
      %lt3A_176 = arith.cmpi slt, %add3A_174, %lt3A_175 : i32
      %convert_element_type3A_177 = arith.extui %lt3A_176 : i1 to i32
      %cond3A_178 = arith.constant 0 : i32
      %cond3A_179 = arith.cmpi ne, %convert_element_type3A_177, %cond3A_178 : i32
      scf.if %cond3A_179 {
        %add3A_240 = arith.constant 3 : i32
        %add3A_241 = arith.addi %add3A_164, %add3A_240 : i32
        %dma_start3A_242 = arith.constant 1 : i32
        %dma_start3A_243 = arith.constant 0 : i32
        %dma_start3A_244 = arith.constant 0 : i32
        %dma_start3A_245 = tpu.memref_slice %arg3[%dma_start3A_242, %arg1, %add3A_241, %dma_start3A_243, %dma_start3A_244] : memref<2x16x160x2x128xi32, #tpu.memory_space<hbm>> -> memref<1x1x1x2x128xi32, #tpu.memory_space<hbm>>
        %dma_start3A_246 = tpu.memref_squeeze %dma_start3A_245 : memref<1x1x1x2x128xi32, #tpu.memory_space<hbm>> -> memref<2x128xi32, #tpu.memory_space<hbm>>
        %dma_start3A_247 = arith.constant 0 : i32
        %dma_start3A_248 = arith.constant 0 : i32
        %dma_start3A_249 = tpu.memref_slice %arg3[%dma_start3A_242, %arg1, %add3A_241, %dma_start3A_247, %dma_start3A_248] : memref<2x16x160x2x128xi32, #tpu.memory_space<hbm>> -> memref<1x1x1x2x128xi32, #tpu.memory_space<hbm>>
        %dma_start3A_250 = tpu.memref_squeeze %dma_start3A_249 : memref<1x1x1x2x128xi32, #tpu.memory_space<hbm>> -> memref<2x128xi32, #tpu.memory_space<hbm>>
        tpu.enqueue_dma source(%dma_start3A_250 : memref<2x128xi32, #tpu.memory_space<hbm>>) target(%arg5 : memref<2x128xi32, #tpu.memory_space<vmem>>) target_semaphore(%arg14 : memref<!tpu.dma_semaphore, #tpu.memory_space<semaphore_mem>>)
      } else {
      }
      %add3A_180 = arith.constant 2 : i32
      %add3A_181 = arith.addi %add3A_164, %add3A_180 : i32
      %lt3A_182 = arith.constant 160 : i32
      %lt3A_183 = arith.cmpi slt, %add3A_181, %lt3A_182 : i32
      %convert_element_type3A_184 = arith.extui %lt3A_183 : i1 to i32
      %cond3A_185 = arith.constant 0 : i32
      %cond3A_186 = arith.cmpi ne, %convert_element_type3A_184, %cond3A_185 : i32
      scf.if %cond3A_186 {
        %dma_wait3A_240 = arith.constant 1 : i32
        %dma_wait3A_241 = arith.constant 0 : i32
        %dma_wait3A_242 = arith.constant 0 : i32
        %dma_wait3A_243 = arith.constant 0 : i32
        %dma_wait3A_244 = tpu.memref_slice %arg3[%dma_wait3A_240, %arg1, %dma_wait3A_241, %dma_wait3A_242, %dma_wait3A_243] : memref<2x16x160x2x128xi32, #tpu.memory_space<hbm>> -> memref<1x1x1x2x128xi32, #tpu.memory_space<hbm>>
        %dma_wait3A_245 = tpu.memref_squeeze %dma_wait3A_244 : memref<1x1x1x2x128xi32, #tpu.memory_space<hbm>> -> memref<2x128xi32, #tpu.memory_space<hbm>>
        %dma_wait3A_246 = arith.constant 0 : i32
        %dma_wait3A_247 = arith.constant 0 : i32
        %dma_wait3A_248 = tpu.memref_slice %arg3[%dma_wait3A_240, %arg1, %dma_wait3A_241, %dma_wait3A_246, %dma_wait3A_247] : memref<2x16x160x2x128xi32, #tpu.memory_space<hbm>> -> memref<1x1x1x2x128xi32, #tpu.memory_space<hbm>>
        %dma_wait3A_249 = tpu.memref_squeeze %dma_wait3A_248 : memref<1x1x1x2x128xi32, #tpu.memory_space<hbm>> -> memref<2x128xi32, #tpu.memory_space<hbm>>
        tpu.wait_dma2 semaphore(%arg14 : memref<!tpu.dma_semaphore, #tpu.memory_space<semaphore_mem>>) src(%dma_wait3A_249 : memref<2x128xi32, #tpu.memory_space<hbm>>) dst(%arg8 : memref<2x128xi32, #tpu.memory_space<vmem>>)
        %dma_start3A_250 = arith.constant 0 : i32
        %dma_start3A_251 = arith.constant 0 : i32
        %dma_start3A_252 = tpu.memref_slice %arg8[%dma_start3A_250, %dma_start3A_251] : memref<2x128xi32, #tpu.memory_space<vmem>> -> memref<1x128xi32, #tpu.memory_space<vmem>>
        %dma_start3A_253 = tpu.memref_squeeze %dma_start3A_252 : memref<1x128xi32, #tpu.memory_space<vmem>> -> memref<128xi32, #tpu.memory_space<vmem>>
        %dma_start3A_254 = arith.constant 0 : i32
        %dma_start3A_255 = arith.constant 0 : i32
        %dma_start3A_256 = tpu.memref_slice %arg2[%dma_start3A_254, %dma_start3A_255] : memref<10000x128xf32, #tpu.memory_space<hbm>> -> memref<10000x128xf32, #tpu.memory_space<hbm>>
        tpu.enqueue_indirect_dma source(%dma_start3A_256 : memref<10000x128xf32, #tpu.memory_space<hbm>>) target(%arg10 : memref<128x128xf32, #tpu.memory_space<vmem>>) offsets(%dma_start3A_253 : memref<128xi32, #tpu.memory_space<vmem>>) semaphore(%arg12 : memref<!tpu.dma_semaphore, #tpu.memory_space<semaphore_mem>>)
      } else {
      }
      %mul3A_187 = arith.constant 4 : i32
      %mul3A_188 = arith.muli %mul3A_187, %scan3A_137 : i32
      %add3A_189 = arith.constant 2 : i32
      %add3A_190 = arith.addi %mul3A_188, %add3A_189 : i32
      %dma_wait3A_191 = arith.constant 0 : i32
      %dma_wait3A_192 = arith.constant 0 : i32
      %dma_wait3A_193 = tpu.memref_slice %arg7[%dma_wait3A_191, %dma_wait3A_192] : memref<2x128xi32, #tpu.memory_space<vmem>> -> memref<1x128xi32, #tpu.memory_space<vmem>>
      %dma_wait3A_194 = tpu.memref_squeeze %dma_wait3A_193 : memref<1x128xi32, #tpu.memory_space<vmem>> -> memref<128xi32, #tpu.memory_space<vmem>>
      %dma_wait3A_195 = arith.constant 0 : i32
      %dma_wait3A_196 = arith.constant 0 : i32
      %dma_wait3A_197 = tpu.memref_slice %arg2[%dma_wait3A_195, %dma_wait3A_196] : memref<10000x128xf32, #tpu.memory_space<hbm>> -> memref<10000x128xf32, #tpu.memory_space<hbm>>
      tpu.wait_indirect_dma semaphore(%arg12 : memref<!tpu.dma_semaphore, #tpu.memory_space<semaphore_mem>>) src(%dma_wait3A_197 : memref<10000x128xf32, #tpu.memory_space<hbm>>) dst(%arg9 : memref<128x128xf32, #tpu.memory_space<vmem>>)
      %run_scoped3A_198 = arith.constant 1 : i32
      "tpu.region"() ({
        %run_scoped3A_240 = tpu.sem_alloc : memref<!tpu.dma_semaphore, #tpu.memory_space<semaphore_mem>>
        %dma_start3A_241 = arith.constant 0 : i32
        %dma_start3A_242 = tpu.memref_slice %arg7[%run_scoped3A_198, %dma_start3A_241] : memref<2x128xi32, #tpu.memory_space<vmem>> -> memref<1x128xi32, #tpu.memory_space<vmem>>
        %dma_start3A_243 = tpu.memref_squeeze %dma_start3A_242 : memref<1x128xi32, #tpu.memory_space<vmem>> -> memref<128xi32, #tpu.memory_space<vmem>>
        %dma_start3A_244 = arith.constant 0 : i32
        %dma_start3A_245 = arith.constant 0 : i32
        %dma_start3A_246 = tpu.memref_slice %arg11[%dma_start3A_244, %dma_start3A_245] : memref<10240x128xf32, #tpu.memory_space<vmem_shared>> -> memref<10240x128xf32, #tpu.memory_space<vmem_shared>>
        tpu.enqueue_indirect_dma source(%arg9 : memref<128x128xf32, #tpu.memory_space<vmem>>) target(%dma_start3A_246 : memref<10240x128xf32, #tpu.memory_space<vmem_shared>>) offsets(%dma_start3A_243 : memref<128xi32, #tpu.memory_space<vmem>>) semaphore(%run_scoped3A_240 : memref<!tpu.dma_semaphore, #tpu.memory_space<semaphore_mem>>) {add = true}
        %dma_wait3A_247 = arith.constant 0 : i32
        %dma_wait3A_248 = tpu.memref_slice %arg7[%run_scoped3A_198, %dma_wait3A_247] : memref<2x128xi32, #tpu.memory_space<vmem>> -> memref<1x128xi32, #tpu.memory_space<vmem>>
        %dma_wait3A_249 = tpu.memref_squeeze %dma_wait3A_248 : memref<1x128xi32, #tpu.memory_space<vmem>> -> memref<128xi32, #tpu.memory_space<vmem>>
        %dma_wait3A_250 = arith.constant 0 : i32
        %dma_wait3A_251 = arith.constant 0 : i32
        %dma_wait3A_252 = tpu.memref_slice %arg11[%dma_wait3A_250, %dma_wait3A_251] : memref<10240x128xf32, #tpu.memory_space<vmem_shared>> -> memref<10240x128xf32, #tpu.memory_space<vmem_shared>>
        tpu.wait_indirect_dma semaphore(%run_scoped3A_240 : memref<!tpu.dma_semaphore, #tpu.memory_space<semaphore_mem>>) src(%arg9 : memref<128x128xf32, #tpu.memory_space<vmem>>) dst(%dma_wait3A_252 : memref<10240x128xf32, #tpu.memory_space<vmem_shared>>)
        tpu.yield
      }) : () -> ()
      %add3A_199 = arith.constant 3 : i32
      %add3A_200 = arith.addi %add3A_190, %add3A_199 : i32
      %lt3A_201 = arith.constant 160 : i32
      %lt3A_202 = arith.cmpi slt, %add3A_200, %lt3A_201 : i32
      %convert_element_type3A_203 = arith.extui %lt3A_202 : i1 to i32
      %cond3A_204 = arith.constant 0 : i32
      %cond3A_205 = arith.cmpi ne, %convert_element_type3A_203, %cond3A_204 : i32
      scf.if %cond3A_205 {
        %add3A_240 = arith.constant 3 : i32
        %add3A_241 = arith.addi %add3A_190, %add3A_240 : i32
        %dma_start3A_242 = arith.constant 1 : i32
        %dma_start3A_243 = arith.constant 0 : i32
        %dma_start3A_244 = arith.constant 0 : i32
        %dma_start3A_245 = tpu.memref_slice %arg3[%dma_start3A_242, %arg1, %add3A_241, %dma_start3A_243, %dma_start3A_244] : memref<2x16x160x2x128xi32, #tpu.memory_space<hbm>> -> memref<1x1x1x2x128xi32, #tpu.memory_space<hbm>>
        %dma_start3A_246 = tpu.memref_squeeze %dma_start3A_245 : memref<1x1x1x2x128xi32, #tpu.memory_space<hbm>> -> memref<2x128xi32, #tpu.memory_space<hbm>>
        %dma_start3A_247 = arith.constant 0 : i32
        %dma_start3A_248 = arith.constant 0 : i32
        %dma_start3A_249 = tpu.memref_slice %arg3[%dma_start3A_242, %arg1, %add3A_241, %dma_start3A_247, %dma_start3A_248] : memref<2x16x160x2x128xi32, #tpu.memory_space<hbm>> -> memref<1x1x1x2x128xi32, #tpu.memory_space<hbm>>
        %dma_start3A_250 = tpu.memref_squeeze %dma_start3A_249 : memref<1x1x1x2x128xi32, #tpu.memory_space<hbm>> -> memref<2x128xi32, #tpu.memory_space<hbm>>
        tpu.enqueue_dma source(%dma_start3A_250 : memref<2x128xi32, #tpu.memory_space<hbm>>) target(%arg6 : memref<2x128xi32, #tpu.memory_space<vmem>>) target_semaphore(%arg14 : memref<!tpu.dma_semaphore, #tpu.memory_space<semaphore_mem>>)
      } else {
      }
      %add3A_206 = arith.constant 2 : i32
      %add3A_207 = arith.addi %add3A_190, %add3A_206 : i32
      %lt3A_208 = arith.constant 160 : i32
      %lt3A_209 = arith.cmpi slt, %add3A_207, %lt3A_208 : i32
      %convert_element_type3A_210 = arith.extui %lt3A_209 : i1 to i32
      %cond3A_211 = arith.constant 0 : i32
      %cond3A_212 = arith.cmpi ne, %convert_element_type3A_210, %cond3A_211 : i32
      scf.if %cond3A_212 {
        %dma_wait3A_240 = arith.constant 1 : i32
        %dma_wait3A_241 = arith.constant 0 : i32
        %dma_wait3A_242 = arith.constant 0 : i32
        %dma_wait3A_243 = arith.constant 0 : i32
        %dma_wait3A_244 = tpu.memref_slice %arg3[%dma_wait3A_240, %arg1, %dma_wait3A_241, %dma_wait3A_242, %dma_wait3A_243] : memref<2x16x160x2x128xi32, #tpu.memory_space<hbm>> -> memref<1x1x1x2x128xi32, #tpu.memory_space<hbm>>
        %dma_wait3A_245 = tpu.memref_squeeze %dma_wait3A_244 : memref<1x1x1x2x128xi32, #tpu.memory_space<hbm>> -> memref<2x128xi32, #tpu.memory_space<hbm>>
        %dma_wait3A_246 = arith.constant 0 : i32
        %dma_wait3A_247 = arith.constant 0 : i32
        %dma_wait3A_248 = tpu.memref_slice %arg3[%dma_wait3A_240, %arg1, %dma_wait3A_241, %dma_wait3A_246, %dma_wait3A_247] : memref<2x16x160x2x128xi32, #tpu.memory_space<hbm>> -> memref<1x1x1x2x128xi32, #tpu.memory_space<hbm>>
        %dma_wait3A_249 = tpu.memref_squeeze %dma_wait3A_248 : memref<1x1x1x2x128xi32, #tpu.memory_space<hbm>> -> memref<2x128xi32, #tpu.memory_space<hbm>>
        tpu.wait_dma2 semaphore(%arg14 : memref<!tpu.dma_semaphore, #tpu.memory_space<semaphore_mem>>) src(%dma_wait3A_249 : memref<2x128xi32, #tpu.memory_space<hbm>>) dst(%arg5 : memref<2x128xi32, #tpu.memory_space<vmem>>)
        %dma_start3A_250 = arith.constant 0 : i32
        %dma_start3A_251 = arith.constant 0 : i32
        %dma_start3A_252 = tpu.memref_slice %arg5[%dma_start3A_250, %dma_start3A_251] : memref<2x128xi32, #tpu.memory_space<vmem>> -> memref<1x128xi32, #tpu.memory_space<vmem>>
        %dma_start3A_253 = tpu.memref_squeeze %dma_start3A_252 : memref<1x128xi32, #tpu.memory_space<vmem>> -> memref<128xi32, #tpu.memory_space<vmem>>
        %dma_start3A_254 = arith.constant 0 : i32
        %dma_start3A_255 = arith.constant 0 : i32
        %dma_start3A_256 = tpu.memref_slice %arg2[%dma_start3A_254, %dma_start3A_255] : memref<10000x128xf32, #tpu.memory_space<hbm>> -> memref<10000x128xf32, #tpu.memory_space<hbm>>
        tpu.enqueue_indirect_dma source(%dma_start3A_256 : memref<10000x128xf32, #tpu.memory_space<hbm>>) target(%arg9 : memref<128x128xf32, #tpu.memory_space<vmem>>) offsets(%dma_start3A_253 : memref<128xi32, #tpu.memory_space<vmem>>) semaphore(%arg12 : memref<!tpu.dma_semaphore, #tpu.memory_space<semaphore_mem>>)
      } else {
      }
      %mul3A_213 = arith.constant 4 : i32
      %mul3A_214 = arith.muli %mul3A_213, %scan3A_137 : i32
      %add3A_215 = arith.constant 3 : i32
      %add3A_216 = arith.addi %mul3A_214, %add3A_215 : i32
      %dma_wait3A_217 = arith.constant 0 : i32
      %dma_wait3A_218 = arith.constant 0 : i32
      %dma_wait3A_219 = tpu.memref_slice %arg8[%dma_wait3A_217, %dma_wait3A_218] : memref<2x128xi32, #tpu.memory_space<vmem>> -> memref<1x128xi32, #tpu.memory_space<vmem>>
      %dma_wait3A_220 = tpu.memref_squeeze %dma_wait3A_219 : memref<1x128xi32, #tpu.memory_space<vmem>> -> memref<128xi32, #tpu.memory_space<vmem>>
      %dma_wait3A_221 = arith.constant 0 : i32
      %dma_wait3A_222 = arith.constant 0 : i32
      %dma_wait3A_223 = tpu.memref_slice %arg2[%dma_wait3A_221, %dma_wait3A_222] : memref<10000x128xf32, #tpu.memory_space<hbm>> -> memref<10000x128xf32, #tpu.memory_space<hbm>>
      tpu.wait_indirect_dma semaphore(%arg12 : memref<!tpu.dma_semaphore, #tpu.memory_space<semaphore_mem>>) src(%dma_wait3A_223 : memref<10000x128xf32, #tpu.memory_space<hbm>>) dst(%arg10 : memref<128x128xf32, #tpu.memory_space<vmem>>)
      %run_scoped3A_224 = arith.constant 1 : i32
      "tpu.region"() ({
        %run_scoped3A_240 = tpu.sem_alloc : memref<!tpu.dma_semaphore, #tpu.memory_space<semaphore_mem>>
        %dma_start3A_241 = arith.constant 0 : i32
        %dma_start3A_242 = tpu.memref_slice %arg8[%run_scoped3A_224, %dma_start3A_241] : memref<2x128xi32, #tpu.memory_space<vmem>> -> memref<1x128xi32, #tpu.memory_space<vmem>>
        %dma_start3A_243 = tpu.memref_squeeze %dma_start3A_242 : memref<1x128xi32, #tpu.memory_space<vmem>> -> memref<128xi32, #tpu.memory_space<vmem>>
        %dma_start3A_244 = arith.constant 0 : i32
        %dma_start3A_245 = arith.constant 0 : i32
        %dma_start3A_246 = tpu.memref_slice %arg11[%dma_start3A_244, %dma_start3A_245] : memref<10240x128xf32, #tpu.memory_space<vmem_shared>> -> memref<10240x128xf32, #tpu.memory_space<vmem_shared>>
        tpu.enqueue_indirect_dma source(%arg10 : memref<128x128xf32, #tpu.memory_space<vmem>>) target(%dma_start3A_246 : memref<10240x128xf32, #tpu.memory_space<vmem_shared>>) offsets(%dma_start3A_243 : memref<128xi32, #tpu.memory_space<vmem>>) semaphore(%run_scoped3A_240 : memref<!tpu.dma_semaphore, #tpu.memory_space<semaphore_mem>>) {add = true}
        %dma_wait3A_247 = arith.constant 0 : i32
        %dma_wait3A_248 = tpu.memref_slice %arg8[%run_scoped3A_224, %dma_wait3A_247] : memref<2x128xi32, #tpu.memory_space<vmem>> -> memref<1x128xi32, #tpu.memory_space<vmem>>
        %dma_wait3A_249 = tpu.memref_squeeze %dma_wait3A_248 : memref<1x128xi32, #tpu.memory_space<vmem>> -> memref<128xi32, #tpu.memory_space<vmem>>
        %dma_wait3A_250 = arith.constant 0 : i32
        %dma_wait3A_251 = arith.constant 0 : i32
        %dma_wait3A_252 = tpu.memref_slice %arg11[%dma_wait3A_250, %dma_wait3A_251] : memref<10240x128xf32, #tpu.memory_space<vmem_shared>> -> memref<10240x128xf32, #tpu.memory_space<vmem_shared>>
        tpu.wait_indirect_dma semaphore(%run_scoped3A_240 : memref<!tpu.dma_semaphore, #tpu.memory_space<semaphore_mem>>) src(%arg10 : memref<128x128xf32, #tpu.memory_space<vmem>>) dst(%dma_wait3A_252 : memref<10240x128xf32, #tpu.memory_space<vmem_shared>>)
        tpu.yield
      }) : () -> ()
      %add3A_225 = arith.constant 3 : i32
      %add3A_226 = arith.addi %add3A_216, %add3A_225 : i32
      %lt3A_227 = arith.constant 160 : i32
      %lt3A_228 = arith.cmpi slt, %add3A_226, %lt3A_227 : i32
      %convert_element_type3A_229 = arith.extui %lt3A_228 : i1 to i32
      %cond3A_230 = arith.constant 0 : i32
      %cond3A_231 = arith.cmpi ne, %convert_element_type3A_229, %cond3A_230 : i32
      scf.if %cond3A_231 {
        %add3A_240 = arith.constant 3 : i32
        %add3A_241 = arith.addi %add3A_216, %add3A_240 : i32
        %dma_start3A_242 = arith.constant 1 : i32
        %dma_start3A_243 = arith.constant 0 : i32
        %dma_start3A_244 = arith.constant 0 : i32
        %dma_start3A_245 = tpu.memref_slice %arg3[%dma_start3A_242, %arg1, %add3A_241, %dma_start3A_243, %dma_start3A_244] : memref<2x16x160x2x128xi32, #tpu.memory_space<hbm>> -> memref<1x1x1x2x128xi32, #tpu.memory_space<hbm>>
        %dma_start3A_246 = tpu.memref_squeeze %dma_start3A_245 : memref<1x1x1x2x128xi32, #tpu.memory_space<hbm>> -> memref<2x128xi32, #tpu.memory_space<hbm>>
        %dma_start3A_247 = arith.constant 0 : i32
        %dma_start3A_248 = arith.constant 0 : i32
        %dma_start3A_249 = tpu.memref_slice %arg3[%dma_start3A_242, %arg1, %add3A_241, %dma_start3A_247, %dma_start3A_248] : memref<2x16x160x2x128xi32, #tpu.memory_space<hbm>> -> memref<1x1x1x2x128xi32, #tpu.memory_space<hbm>>
        %dma_start3A_250 = tpu.memref_squeeze %dma_start3A_249 : memref<1x1x1x2x128xi32, #tpu.memory_space<hbm>> -> memref<2x128xi32, #tpu.memory_space<hbm>>
        tpu.enqueue_dma source(%dma_start3A_250 : memref<2x128xi32, #tpu.memory_space<hbm>>) target(%arg7 : memref<2x128xi32, #tpu.memory_space<vmem>>) target_semaphore(%arg14 : memref<!tpu.dma_semaphore, #tpu.memory_space<semaphore_mem>>)
      } else {
      }
      %add3A_232 = arith.constant 2 : i32
      %add3A_233 = arith.addi %add3A_216, %add3A_232 : i32
      %lt3A_234 = arith.constant 160 : i32
      %lt3A_235 = arith.cmpi slt, %add3A_233, %lt3A_234 : i32
      %convert_element_type3A_236 = arith.extui %lt3A_235 : i1 to i32
      %cond3A_237 = arith.constant 0 : i32
      %cond3A_238 = arith.cmpi ne, %convert_element_type3A_236, %cond3A_237 : i32
      scf.if %cond3A_238 {
        %dma_wait3A_240 = arith.constant 1 : i32
        %dma_wait3A_241 = arith.constant 0 : i32
        %dma_wait3A_242 = arith.constant 0 : i32
        %dma_wait3A_243 = arith.constant 0 : i32
        %dma_wait3A_244 = tpu.memref_slice %arg3[%dma_wait3A_240, %arg1, %dma_wait3A_241, %dma_wait3A_242, %dma_wait3A_243] : memref<2x16x160x2x128xi32, #tpu.memory_space<hbm>> -> memref<1x1x1x2x128xi32, #tpu.memory_space<hbm>>
        %dma_wait3A_245 = tpu.memref_squeeze %dma_wait3A_244 : memref<1x1x1x2x128xi32, #tpu.memory_space<hbm>> -> memref<2x128xi32, #tpu.memory_space<hbm>>
        %dma_wait3A_246 = arith.constant 0 : i32
        %dma_wait3A_247 = arith.constant 0 : i32
        %dma_wait3A_248 = tpu.memref_slice %arg3[%dma_wait3A_240, %arg1, %dma_wait3A_241, %dma_wait3A_246, %dma_wait3A_247] : memref<2x16x160x2x128xi32, #tpu.memory_space<hbm>> -> memref<1x1x1x2x128xi32, #tpu.memory_space<hbm>>
        %dma_wait3A_249 = tpu.memref_squeeze %dma_wait3A_248 : memref<1x1x1x2x128xi32, #tpu.memory_space<hbm>> -> memref<2x128xi32, #tpu.memory_space<hbm>>
        tpu.wait_dma2 semaphore(%arg14 : memref<!tpu.dma_semaphore, #tpu.memory_space<semaphore_mem>>) src(%dma_wait3A_249 : memref<2x128xi32, #tpu.memory_space<hbm>>) dst(%arg6 : memref<2x128xi32, #tpu.memory_space<vmem>>)
        %dma_start3A_250 = arith.constant 0 : i32
        %dma_start3A_251 = arith.constant 0 : i32
        %dma_start3A_252 = tpu.memref_slice %arg6[%dma_start3A_250, %dma_start3A_251] : memref<2x128xi32, #tpu.memory_space<vmem>> -> memref<1x128xi32, #tpu.memory_space<vmem>>
        %dma_start3A_253 = tpu.memref_squeeze %dma_start3A_252 : memref<1x128xi32, #tpu.memory_space<vmem>> -> memref<128xi32, #tpu.memory_space<vmem>>
        %dma_start3A_254 = arith.constant 0 : i32
        %dma_start3A_255 = arith.constant 0 : i32
        %dma_start3A_256 = tpu.memref_slice %arg2[%dma_start3A_254, %dma_start3A_255] : memref<10000x128xf32, #tpu.memory_space<hbm>> -> memref<10000x128xf32, #tpu.memory_space<hbm>>
        tpu.enqueue_indirect_dma source(%dma_start3A_256 : memref<10000x128xf32, #tpu.memory_space<hbm>>) target(%arg10 : memref<128x128xf32, #tpu.memory_space<vmem>>) offsets(%dma_start3A_253 : memref<128xi32, #tpu.memory_space<vmem>>) semaphore(%arg12 : memref<!tpu.dma_semaphore, #tpu.memory_space<semaphore_mem>>)
      } else {
      }
      %scan3A_239 = arith.constant 0 : i32
      scf.yield %scan3A_239 : i32
    }
    %scan3A_129 = arith.constant 40 : i32
    %barrier3A_130 = arith.constant 0 : index
    tpu.barrier barrier_id(%barrier3A_130)
    %mul3A_131 = arith.constant 640 : i32
    %mul3A_132 = arith.muli %arg1, %mul3A_131 : i32
    %mul3A_133 = arith.constant 640 : i32
    %mul3A_134 = arith.muli %arg1, %mul3A_133 : i32
    %run_scoped3A_135 = arith.constant 1 : i32
    "tpu.region"() ({
      %run_scoped3A_137 = tpu.sem_alloc : memref<!tpu.dma_semaphore, #tpu.memory_space<semaphore_mem>>
      %dma_start3A_138 = arith.constant 0 : i32
      %dma_start3A_139 = tpu.memref_slice %arg4[%run_scoped3A_135, %mul3A_134, %dma_start3A_138] : memref<2x10240x128xf32, #tpu.memory_space<hbm>> -> memref<1x640x128xf32, #tpu.memory_space<hbm>>
      %dma_start3A_140 = tpu.memref_squeeze %dma_start3A_139 : memref<1x640x128xf32, #tpu.memory_space<hbm>> -> memref<640x128xf32, #tpu.memory_space<hbm>>
      %dma_start3A_141 = arith.constant 0 : i32
      %dma_start3A_142 = tpu.memref_slice %arg11[%mul3A_132, %dma_start3A_141] : memref<10240x128xf32, #tpu.memory_space<vmem_shared>> -> memref<640x128xf32, #tpu.memory_space<vmem_shared>>
      tpu.enqueue_dma source(%dma_start3A_142 : memref<640x128xf32, #tpu.memory_space<vmem_shared>>) target(%dma_start3A_140 : memref<640x128xf32, #tpu.memory_space<hbm>>) target_semaphore(%run_scoped3A_137 : memref<!tpu.dma_semaphore, #tpu.memory_space<semaphore_mem>>)
      %dma_wait3A = arith.constant 0 : i32
      %dma_wait3A_143 = tpu.memref_slice %arg4[%run_scoped3A_135, %mul3A_134, %dma_wait3A] : memref<2x10240x128xf32, #tpu.memory_space<hbm>> -> memref<1x640x128xf32, #tpu.memory_space<hbm>>
      %dma_wait3A_144 = tpu.memref_squeeze %dma_wait3A_143 : memref<1x640x128xf32, #tpu.memory_space<hbm>> -> memref<640x128xf32, #tpu.memory_space<hbm>>
      %dma_wait3A_145 = arith.constant 0 : i32
      %dma_wait3A_146 = tpu.memref_slice %arg11[%mul3A_132, %dma_wait3A_145] : memref<10240x128xf32, #tpu.memory_space<vmem_shared>> -> memref<640x128xf32, #tpu.memory_space<vmem_shared>>
      tpu.wait_dma2 semaphore(%run_scoped3A_137 : memref<!tpu.dma_semaphore, #tpu.memory_space<semaphore_mem>>) src(%dma_wait3A_146 : memref<640x128xf32, #tpu.memory_space<vmem_shared>>) dst(%dma_wait3A_144 : memref<640x128xf32, #tpu.memory_space<hbm>>)
      tpu.yield
    }) : () -> ()
    %barrier3A_136 = arith.constant 0 : index
    tpu.barrier barrier_id(%barrier3A_136)
    return
  }
}

#map = affine_map<(d0, d1) -> (0, 0, 0, 0)>
#map1 = affine_map<(d0, d1) -> (0, 0, 0)>
module attributes {stable_mosaic.version = 14 : i64} {
  func.func @sc_deg(%arg0: i32, %arg1: i32, %arg2: memref<2x16x256x80xi32, #tpu.memory_space<hbm>>, %arg3: memref<2x10240x128xf32, #tpu.memory_space<hbm>>, %arg4: memref<80xi32, #tpu.memory_space<vmem>>, %arg5: memref<80xi32, #tpu.memory_space<vmem>>, %arg6: memref<80x128xf32, #tpu.memory_space<vmem>>, %arg7: memref<128x128xf32, #tpu.memory_space<vmem>>, %arg8: memref<10240x128xf32, #tpu.memory_space<vmem_shared>>, %arg9: memref<!tpu.dma_semaphore, #tpu.memory_space<semaphore_mem>>) attributes {dimension_semantics = [#tpu.dimension_semantics<core_parallel>, #tpu.dimension_semantics<subcore_parallel>], iteration_bounds = array<i64: 1, 16>, scalar_prefetch = 0 : i64, scratch_operands = 6 : i64, tpu.core_type = #tpu.core_type<sc_vector_subcore>, window_params = [{transform_indices = #map}, {transform_indices = #map1}]} {
    %broadcast_in_dim3A = arith.constant 1.000000e+00 : f32
    %broadcast_in_dim3A_0 = vector.broadcast %broadcast_in_dim3A : f32 to vector<16xf32>
    %scan3A = arith.constant 0 : i32
    %scan3A_1 = arith.constant 0 : i32
    %scan3A_2 = arith.constant 80 : i32
    %scan3A_3 = arith.addi %scan3A_1, %scan3A_2 : i32
    %scan3A_4 = arith.constant 1 : i32
    %scan3A_5 = scf.for %scan3A_101 = %scan3A_1 to %scan3A_3 step %scan3A_4 iter_args(%scan3A_102 = %scan3A) -> (i32)  : i32 {
      %scan3A_103 = arith.constant 0 : i32
      %scan3A_104 = arith.constant 0 : i32
      %scan3A_105 = arith.constant 8 : i32
      %scan3A_106 = arith.addi %scan3A_104, %scan3A_105 : i32
      %scan3A_107 = arith.constant 1 : i32
      %scan3A_108 = scf.for %scan3A_110 = %scan3A_104 to %scan3A_106 step %scan3A_107 iter_args(%scan3A_111 = %scan3A_103) -> (i32)  : i32 {
        %mul3A_112 = arith.constant 16 : i32
        %mul3A_113 = arith.muli %scan3A_110, %mul3A_112 : i32
        %swap3A = arith.index_cast %scan3A_101 : i32 to index
        %swap3A_114 = arith.index_cast %mul3A_113 : i32 to index
        %swap3A_115 = tpu.vector_load %arg6[%swap3A, %swap3A_114] {strides = array<i32>} : memref<80x128xf32, #tpu.memory_space<vmem>>, vector<1x16xf32>,
        %swap3A_116 = vector.shape_cast %swap3A_115 : vector<1x16xf32> to vector<16xf32>
        %swap3A_117 = vector.shape_cast %broadcast_in_dim3A_0 : vector<16xf32> to vector<1x16xf32>
        tpu.vector_store %arg6[%swap3A, %swap3A_114], %swap3A_117 {strides = array<i32>} : memref<80x128xf32, #tpu.memory_space<vmem>>, vector<1x16xf32>,
        %scan3A_118 = arith.constant 0 : i32
        scf.yield %scan3A_118 : i32
      }
      %scan3A_109 = arith.constant 8 : i32
      scf.yield %scan3A_108 : i32
    }
    %scan3A_6 = arith.constant 80 : i32
    %broadcast_in_dim3A_7 = arith.constant 0.000000e+00 : f32
    %broadcast_in_dim3A_8 = vector.broadcast %broadcast_in_dim3A_7 : f32 to vector<16xf32>
    %scan3A_9 = arith.constant 0 : i32
    %scan3A_10 = arith.constant 0 : i32
    %scan3A_11 = arith.constant 128 : i32
    %scan3A_12 = arith.addi %scan3A_10, %scan3A_11 : i32
    %scan3A_13 = arith.constant 1 : i32
    %scan3A_14 = scf.for %scan3A_101 = %scan3A_10 to %scan3A_12 step %scan3A_13 iter_args(%scan3A_102 = %scan3A_9) -> (i32)  : i32 {
      %scan3A_103 = arith.constant 0 : i32
      %scan3A_104 = arith.constant 0 : i32
      %scan3A_105 = arith.constant 8 : i32
      %scan3A_106 = arith.addi %scan3A_104, %scan3A_105 : i32
      %scan3A_107 = arith.constant 1 : i32
      %scan3A_108 = scf.for %scan3A_110 = %scan3A_104 to %scan3A_106 step %scan3A_107 iter_args(%scan3A_111 = %scan3A_103) -> (i32)  : i32 {
        %mul3A_112 = arith.constant 16 : i32
        %mul3A_113 = arith.muli %scan3A_110, %mul3A_112 : i32
        %swap3A = arith.index_cast %scan3A_101 : i32 to index
        %swap3A_114 = arith.index_cast %mul3A_113 : i32 to index
        %swap3A_115 = tpu.vector_load %arg7[%swap3A, %swap3A_114] {strides = array<i32>} : memref<128x128xf32, #tpu.memory_space<vmem>>, vector<1x16xf32>,
        %swap3A_116 = vector.shape_cast %swap3A_115 : vector<1x16xf32> to vector<16xf32>
        %swap3A_117 = vector.shape_cast %broadcast_in_dim3A_8 : vector<16xf32> to vector<1x16xf32>
        tpu.vector_store %arg7[%swap3A, %swap3A_114], %swap3A_117 {strides = array<i32>} : memref<128x128xf32, #tpu.memory_space<vmem>>, vector<1x16xf32>,
        %scan3A_118 = arith.constant 0 : i32
        scf.yield %scan3A_118 : i32
      }
      %scan3A_109 = arith.constant 8 : i32
      scf.yield %scan3A_108 : i32
    }
    %scan3A_15 = arith.constant 128 : i32
    %mul3A = arith.constant 640 : i32
    %mul3A_16 = arith.muli %arg1, %mul3A : i32
    %add3A = arith.constant 0 : i32
    %add3A_17 = arith.addi %mul3A_16, %add3A : i32
    "tpu.region"() ({
      %run_scoped3A_101 = tpu.sem_alloc : memref<!tpu.dma_semaphore, #tpu.memory_space<semaphore_mem>>
      %dma_start3A_102 = arith.constant 0 : i32
      %dma_start3A_103 = tpu.memref_slice %arg8[%add3A_17, %dma_start3A_102] : memref<10240x128xf32, #tpu.memory_space<vmem_shared>> -> memref<128x128xf32, #tpu.memory_space<vmem_shared>>
      %dma_start3A_104 = arith.constant 0 : i32
      %dma_start3A_105 = tpu.memref_slice %arg8[%add3A_17, %dma_start3A_104] : memref<10240x128xf32, #tpu.memory_space<vmem_shared>> -> memref<128x128xf32, #tpu.memory_space<vmem_shared>>
      tpu.enqueue_dma source(%arg7 : memref<128x128xf32, #tpu.memory_space<vmem>>) target(%dma_start3A_105 : memref<128x128xf32, #tpu.memory_space<vmem_shared>>) target_semaphore(%run_scoped3A_101 : memref<!tpu.dma_semaphore, #tpu.memory_space<semaphore_mem>>)
      %dma_wait3A = arith.constant 0 : i32
      %dma_wait3A_106 = tpu.memref_slice %arg8[%add3A_17, %dma_wait3A] : memref<10240x128xf32, #tpu.memory_space<vmem_shared>> -> memref<128x128xf32, #tpu.memory_space<vmem_shared>>
      %dma_wait3A_107 = arith.constant 0 : i32
      %dma_wait3A_108 = tpu.memref_slice %arg8[%add3A_17, %dma_wait3A_107] : memref<10240x128xf32, #tpu.memory_space<vmem_shared>> -> memref<128x128xf32, #tpu.memory_space<vmem_shared>>
      tpu.wait_dma2 semaphore(%run_scoped3A_101 : memref<!tpu.dma_semaphore, #tpu.memory_space<semaphore_mem>>) src(%arg7 : memref<128x128xf32, #tpu.memory_space<vmem>>) dst(%dma_wait3A_108 : memref<128x128xf32, #tpu.memory_space<vmem_shared>>)
      tpu.yield
    }) : () -> ()
    %mul3A_18 = arith.constant 640 : i32
    %mul3A_19 = arith.muli %arg1, %mul3A_18 : i32
    %add3A_20 = arith.constant 128 : i32
    %add3A_21 = arith.addi %mul3A_19, %add3A_20 : i32
    "tpu.region"() ({
      %run_scoped3A_101 = tpu.sem_alloc : memref<!tpu.dma_semaphore, #tpu.memory_space<semaphore_mem>>
      %dma_start3A_102 = arith.constant 0 : i32
      %dma_start3A_103 = tpu.memref_slice %arg8[%add3A_21, %dma_start3A_102] : memref<10240x128xf32, #tpu.memory_space<vmem_shared>> -> memref<128x128xf32, #tpu.memory_space<vmem_shared>>
      %dma_start3A_104 = arith.constant 0 : i32
      %dma_start3A_105 = tpu.memref_slice %arg8[%add3A_21, %dma_start3A_104] : memref<10240x128xf32, #tpu.memory_space<vmem_shared>> -> memref<128x128xf32, #tpu.memory_space<vmem_shared>>
      tpu.enqueue_dma source(%arg7 : memref<128x128xf32, #tpu.memory_space<vmem>>) target(%dma_start3A_105 : memref<128x128xf32, #tpu.memory_space<vmem_shared>>) target_semaphore(%run_scoped3A_101 : memref<!tpu.dma_semaphore, #tpu.memory_space<semaphore_mem>>)
      %dma_wait3A = arith.constant 0 : i32
      %dma_wait3A_106 = tpu.memref_slice %arg8[%add3A_21, %dma_wait3A] : memref<10240x128xf32, #tpu.memory_space<vmem_shared>> -> memref<128x128xf32, #tpu.memory_space<vmem_shared>>
      %dma_wait3A_107 = arith.constant 0 : i32
      %dma_wait3A_108 = tpu.memref_slice %arg8[%add3A_21, %dma_wait3A_107] : memref<10240x128xf32, #tpu.memory_space<vmem_shared>> -> memref<128x128xf32, #tpu.memory_space<vmem_shared>>
      tpu.wait_dma2 semaphore(%run_scoped3A_101 : memref<!tpu.dma_semaphore, #tpu.memory_space<semaphore_mem>>) src(%arg7 : memref<128x128xf32, #tpu.memory_space<vmem>>) dst(%dma_wait3A_108 : memref<128x128xf32, #tpu.memory_space<vmem_shared>>)
      tpu.yield
    }) : () -> ()
    %mul3A_22 = arith.constant 640 : i32
    %mul3A_23 = arith.muli %arg1, %mul3A_22 : i32
    %add3A_24 = arith.constant 256 : i32
    %add3A_25 = arith.addi %mul3A_23, %add3A_24 : i32
    "tpu.region"() ({
      %run_scoped3A_101 = tpu.sem_alloc : memref<!tpu.dma_semaphore, #tpu.memory_space<semaphore_mem>>
      %dma_start3A_102 = arith.constant 0 : i32
      %dma_start3A_103 = tpu.memref_slice %arg8[%add3A_25, %dma_start3A_102] : memref<10240x128xf32, #tpu.memory_space<vmem_shared>> -> memref<128x128xf32, #tpu.memory_space<vmem_shared>>
      %dma_start3A_104 = arith.constant 0 : i32
      %dma_start3A_105 = tpu.memref_slice %arg8[%add3A_25, %dma_start3A_104] : memref<10240x128xf32, #tpu.memory_space<vmem_shared>> -> memref<128x128xf32, #tpu.memory_space<vmem_shared>>
      tpu.enqueue_dma source(%arg7 : memref<128x128xf32, #tpu.memory_space<vmem>>) target(%dma_start3A_105 : memref<128x128xf32, #tpu.memory_space<vmem_shared>>) target_semaphore(%run_scoped3A_101 : memref<!tpu.dma_semaphore, #tpu.memory_space<semaphore_mem>>)
      %dma_wait3A = arith.constant 0 : i32
      %dma_wait3A_106 = tpu.memref_slice %arg8[%add3A_25, %dma_wait3A] : memref<10240x128xf32, #tpu.memory_space<vmem_shared>> -> memref<128x128xf32, #tpu.memory_space<vmem_shared>>
      %dma_wait3A_107 = arith.constant 0 : i32
      %dma_wait3A_108 = tpu.memref_slice %arg8[%add3A_25, %dma_wait3A_107] : memref<10240x128xf32, #tpu.memory_space<vmem_shared>> -> memref<128x128xf32, #tpu.memory_space<vmem_shared>>
      tpu.wait_dma2 semaphore(%run_scoped3A_101 : memref<!tpu.dma_semaphore, #tpu.memory_space<semaphore_mem>>) src(%arg7 : memref<128x128xf32, #tpu.memory_space<vmem>>) dst(%dma_wait3A_108 : memref<128x128xf32, #tpu.memory_space<vmem_shared>>)
      tpu.yield
    }) : () -> ()
    %mul3A_26 = arith.constant 640 : i32
    %mul3A_27 = arith.muli %arg1, %mul3A_26 : i32
    %add3A_28 = arith.constant 384 : i32
    %add3A_29 = arith.addi %mul3A_27, %add3A_28 : i32
    "tpu.region"() ({
      %run_scoped3A_101 = tpu.sem_alloc : memref<!tpu.dma_semaphore, #tpu.memory_space<semaphore_mem>>
      %dma_start3A_102 = arith.constant 0 : i32
      %dma_start3A_103 = tpu.memref_slice %arg8[%add3A_29, %dma_start3A_102] : memref<10240x128xf32, #tpu.memory_space<vmem_shared>> -> memref<128x128xf32, #tpu.memory_space<vmem_shared>>
      %dma_start3A_104 = arith.constant 0 : i32
      %dma_start3A_105 = tpu.memref_slice %arg8[%add3A_29, %dma_start3A_104] : memref<10240x128xf32, #tpu.memory_space<vmem_shared>> -> memref<128x128xf32, #tpu.memory_space<vmem_shared>>
      tpu.enqueue_dma source(%arg7 : memref<128x128xf32, #tpu.memory_space<vmem>>) target(%dma_start3A_105 : memref<128x128xf32, #tpu.memory_space<vmem_shared>>) target_semaphore(%run_scoped3A_101 : memref<!tpu.dma_semaphore, #tpu.memory_space<semaphore_mem>>)
      %dma_wait3A = arith.constant 0 : i32
      %dma_wait3A_106 = tpu.memref_slice %arg8[%add3A_29, %dma_wait3A] : memref<10240x128xf32, #tpu.memory_space<vmem_shared>> -> memref<128x128xf32, #tpu.memory_space<vmem_shared>>
      %dma_wait3A_107 = arith.constant 0 : i32
      %dma_wait3A_108 = tpu.memref_slice %arg8[%add3A_29, %dma_wait3A_107] : memref<10240x128xf32, #tpu.memory_space<vmem_shared>> -> memref<128x128xf32, #tpu.memory_space<vmem_shared>>
      tpu.wait_dma2 semaphore(%run_scoped3A_101 : memref<!tpu.dma_semaphore, #tpu.memory_space<semaphore_mem>>) src(%arg7 : memref<128x128xf32, #tpu.memory_space<vmem>>) dst(%dma_wait3A_108 : memref<128x128xf32, #tpu.memory_space<vmem_shared>>)
      tpu.yield
    }) : () -> ()
    %mul3A_30 = arith.constant 640 : i32
    %mul3A_31 = arith.muli %arg1, %mul3A_30 : i32
    %add3A_32 = arith.constant 512 : i32
    %add3A_33 = arith.addi %mul3A_31, %add3A_32 : i32
    "tpu.region"() ({
      %run_scoped3A_101 = tpu.sem_alloc : memref<!tpu.dma_semaphore, #tpu.memory_space<semaphore_mem>>
      %dma_start3A_102 = arith.constant 0 : i32
      %dma_start3A_103 = tpu.memref_slice %arg8[%add3A_33, %dma_start3A_102] : memref<10240x128xf32, #tpu.memory_space<vmem_shared>> -> memref<128x128xf32, #tpu.memory_space<vmem_shared>>
      %dma_start3A_104 = arith.constant 0 : i32
      %dma_start3A_105 = tpu.memref_slice %arg8[%add3A_33, %dma_start3A_104] : memref<10240x128xf32, #tpu.memory_space<vmem_shared>> -> memref<128x128xf32, #tpu.memory_space<vmem_shared>>
      tpu.enqueue_dma source(%arg7 : memref<128x128xf32, #tpu.memory_space<vmem>>) target(%dma_start3A_105 : memref<128x128xf32, #tpu.memory_space<vmem_shared>>) target_semaphore(%run_scoped3A_101 : memref<!tpu.dma_semaphore, #tpu.memory_space<semaphore_mem>>)
      %dma_wait3A = arith.constant 0 : i32
      %dma_wait3A_106 = tpu.memref_slice %arg8[%add3A_33, %dma_wait3A] : memref<10240x128xf32, #tpu.memory_space<vmem_shared>> -> memref<128x128xf32, #tpu.memory_space<vmem_shared>>
      %dma_wait3A_107 = arith.constant 0 : i32
      %dma_wait3A_108 = tpu.memref_slice %arg8[%add3A_33, %dma_wait3A_107] : memref<10240x128xf32, #tpu.memory_space<vmem_shared>> -> memref<128x128xf32, #tpu.memory_space<vmem_shared>>
      tpu.wait_dma2 semaphore(%run_scoped3A_101 : memref<!tpu.dma_semaphore, #tpu.memory_space<semaphore_mem>>) src(%arg7 : memref<128x128xf32, #tpu.memory_space<vmem>>) dst(%dma_wait3A_108 : memref<128x128xf32, #tpu.memory_space<vmem_shared>>)
      tpu.yield
    }) : () -> ()
    %barrier3A = arith.constant 0 : index
    tpu.barrier barrier_id(%barrier3A)
    %run_scoped3A = arith.constant 0 : i32
    %run_scoped3A_34 = arith.constant 0 : i32
    "tpu.region"() ({
      %run_scoped3A_101 = tpu.sem_alloc : memref<!tpu.dma_semaphore, #tpu.memory_space<semaphore_mem>>
      %dma_start3A_102 = arith.constant 0 : i32
      %dma_start3A_103 = tpu.memref_slice %arg2[%run_scoped3A, %arg1, %run_scoped3A_34, %dma_start3A_102] : memref<2x16x256x80xi32, #tpu.memory_space<hbm>> -> memref<1x1x1x80xi32, #tpu.memory_space<hbm>>
      %dma_start3A_104 = tpu.memref_squeeze %dma_start3A_103 : memref<1x1x1x80xi32, #tpu.memory_space<hbm>> -> memref<80xi32, #tpu.memory_space<hbm>>
      %dma_start3A_105 = arith.constant 0 : i32
      %dma_start3A_106 = tpu.memref_slice %arg2[%run_scoped3A, %arg1, %run_scoped3A_34, %dma_start3A_105] : memref<2x16x256x80xi32, #tpu.memory_space<hbm>> -> memref<1x1x1x80xi32, #tpu.memory_space<hbm>>
      %dma_start3A_107 = tpu.memref_squeeze %dma_start3A_106 : memref<1x1x1x80xi32, #tpu.memory_space<hbm>> -> memref<80xi32, #tpu.memory_space<hbm>>
      tpu.enqueue_dma source(%dma_start3A_107 : memref<80xi32, #tpu.memory_space<hbm>>) target(%arg4 : memref<80xi32, #tpu.memory_space<vmem>>) target_semaphore(%run_scoped3A_101 : memref<!tpu.dma_semaphore, #tpu.memory_space<semaphore_mem>>)
      %dma_wait3A = arith.constant 0 : i32
      %dma_wait3A_108 = tpu.memref_slice %arg2[%run_scoped3A, %arg1, %run_scoped3A_34, %dma_wait3A] : memref<2x16x256x80xi32, #tpu.memory_space<hbm>> -> memref<1x1x1x80xi32, #tpu.memory_space<hbm>>
      %dma_wait3A_109 = tpu.memref_squeeze %dma_wait3A_108 : memref<1x1x1x80xi32, #tpu.memory_space<hbm>> -> memref<80xi32, #tpu.memory_space<hbm>>
      %dma_wait3A_110 = arith.constant 0 : i32
      %dma_wait3A_111 = tpu.memref_slice %arg2[%run_scoped3A, %arg1, %run_scoped3A_34, %dma_wait3A_110] : memref<2x16x256x80xi32, #tpu.memory_space<hbm>> -> memref<1x1x1x80xi32, #tpu.memory_space<hbm>>
      %dma_wait3A_112 = tpu.memref_squeeze %dma_wait3A_111 : memref<1x1x1x80xi32, #tpu.memory_space<hbm>> -> memref<80xi32, #tpu.memory_space<hbm>>
      tpu.wait_dma2 semaphore(%run_scoped3A_101 : memref<!tpu.dma_semaphore, #tpu.memory_space<semaphore_mem>>) src(%dma_wait3A_112 : memref<80xi32, #tpu.memory_space<hbm>>) dst(%arg4 : memref<80xi32, #tpu.memory_space<vmem>>)
      tpu.yield
    }) : () -> ()
    %dma_start3A = arith.constant 0 : i32
    %dma_start3A_35 = arith.constant 1 : i32
    %dma_start3A_36 = arith.constant 0 : i32
    %dma_start3A_37 = tpu.memref_slice %arg2[%dma_start3A, %arg1, %dma_start3A_35, %dma_start3A_36] : memref<2x16x256x80xi32, #tpu.memory_space<hbm>> -> memref<1x1x1x80xi32, #tpu.memory_space<hbm>>
    %dma_start3A_38 = tpu.memref_squeeze %dma_start3A_37 : memref<1x1x1x80xi32, #tpu.memory_space<hbm>> -> memref<80xi32, #tpu.memory_space<hbm>>
    %dma_start3A_39 = arith.constant 0 : i32
    %dma_start3A_40 = tpu.memref_slice %arg2[%dma_start3A, %arg1, %dma_start3A_35, %dma_start3A_39] : memref<2x16x256x80xi32, #tpu.memory_space<hbm>> -> memref<1x1x1x80xi32, #tpu.memory_space<hbm>>
    %dma_start3A_41 = tpu.memref_squeeze %dma_start3A_40 : memref<1x1x1x80xi32, #tpu.memory_space<hbm>> -> memref<80xi32, #tpu.memory_space<hbm>>
    tpu.enqueue_dma source(%dma_start3A_41 : memref<80xi32, #tpu.memory_space<hbm>>) target(%arg5 : memref<80xi32, #tpu.memory_space<vmem>>) target_semaphore(%arg9 : memref<!tpu.dma_semaphore, #tpu.memory_space<semaphore_mem>>)
    %scan3A_42 = arith.constant 0 : i32
    %scan3A_43 = arith.constant 0 : i32
    %scan3A_44 = arith.constant 128 : i32
    %scan3A_45 = arith.addi %scan3A_43, %scan3A_44 : i32
    %scan3A_46 = arith.constant 1 : i32
    %scan3A_47 = scf.for %scan3A_101 = %scan3A_43 to %scan3A_45 step %scan3A_46 iter_args(%scan3A_102 = %scan3A_42) -> (i32)  : i32 {
      %mul3A_103 = arith.constant 2 : i32
      %mul3A_104 = arith.muli %mul3A_103, %scan3A_101 : i32
      %add3A_105 = arith.constant 0 : i32
      %add3A_106 = arith.addi %mul3A_104, %add3A_105 : i32
      %gt3A = arith.constant 0 : i32
      %gt3A_107 = arith.cmpi sgt, %add3A_106, %gt3A : i32
      %convert_element_type3A = arith.extui %gt3A_107 : i1 to i32
      %cond3A = arith.constant 0 : i32
      %cond3A_108 = arith.cmpi ne, %convert_element_type3A, %cond3A : i32
      scf.if %cond3A_108 {
        %dma_wait3A = arith.constant 0 : i32
        %dma_wait3A_132 = arith.constant 0 : i32
        %dma_wait3A_133 = arith.constant 0 : i32
        %dma_wait3A_134 = tpu.memref_slice %arg2[%dma_wait3A, %arg1, %dma_wait3A_132, %dma_wait3A_133] : memref<2x16x256x80xi32, #tpu.memory_space<hbm>> -> memref<1x1x1x80xi32, #tpu.memory_space<hbm>>
        %dma_wait3A_135 = tpu.memref_squeeze %dma_wait3A_134 : memref<1x1x1x80xi32, #tpu.memory_space<hbm>> -> memref<80xi32, #tpu.memory_space<hbm>>
        %dma_wait3A_136 = arith.constant 0 : i32
        %dma_wait3A_137 = tpu.memref_slice %arg2[%dma_wait3A, %arg1, %dma_wait3A_132, %dma_wait3A_136] : memref<2x16x256x80xi32, #tpu.memory_space<hbm>> -> memref<1x1x1x80xi32, #tpu.memory_space<hbm>>
        %dma_wait3A_138 = tpu.memref_squeeze %dma_wait3A_137 : memref<1x1x1x80xi32, #tpu.memory_space<hbm>> -> memref<80xi32, #tpu.memory_space<hbm>>
        tpu.wait_dma2 semaphore(%arg9 : memref<!tpu.dma_semaphore, #tpu.memory_space<semaphore_mem>>) src(%dma_wait3A_138 : memref<80xi32, #tpu.memory_space<hbm>>) dst(%arg4 : memref<80xi32, #tpu.memory_space<vmem>>)
      } else {
      }
      "tpu.region"() ({
        %run_scoped3A_132 = tpu.sem_alloc : memref<!tpu.dma_semaphore, #tpu.memory_space<semaphore_mem>>
        %dma_start3A_133 = arith.constant 0 : i32
        %dma_start3A_134 = arith.constant 0 : i32
        %dma_start3A_135 = tpu.memref_slice %arg8[%dma_start3A_133, %dma_start3A_134] : memref<10240x128xf32, #tpu.memory_space<vmem_shared>> -> memref<10240x128xf32, #tpu.memory_space<vmem_shared>>
        tpu.enqueue_indirect_dma source(%arg6 : memref<80x128xf32, #tpu.memory_space<vmem>>) target(%dma_start3A_135 : memref<10240x128xf32, #tpu.memory_space<vmem_shared>>) offsets(%arg4 : memref<80xi32, #tpu.memory_space<vmem>>) semaphore(%run_scoped3A_132 : memref<!tpu.dma_semaphore, #tpu.memory_space<semaphore_mem>>) {add = true}
        %dma_wait3A = arith.constant 0 : i32
        %dma_wait3A_136 = arith.constant 0 : i32
        %dma_wait3A_137 = tpu.memref_slice %arg8[%dma_wait3A, %dma_wait3A_136] : memref<10240x128xf32, #tpu.memory_space<vmem_shared>> -> memref<10240x128xf32, #tpu.memory_space<vmem_shared>>
        tpu.wait_indirect_dma semaphore(%run_scoped3A_132 : memref<!tpu.dma_semaphore, #tpu.memory_space<semaphore_mem>>) src(%arg6 : memref<80x128xf32, #tpu.memory_space<vmem>>) dst(%dma_wait3A_137 : memref<10240x128xf32, #tpu.memory_space<vmem_shared>>)
        tpu.yield
      }) : () -> ()
      %add3A_109 = arith.constant 2 : i32
      %add3A_110 = arith.addi %add3A_106, %add3A_109 : i32
      %lt3A = arith.constant 256 : i32
      %lt3A_111 = arith.cmpi slt, %add3A_110, %lt3A : i32
      %convert_element_type3A_112 = arith.extui %lt3A_111 : i1 to i32
      %cond3A_113 = arith.constant 0 : i32
      %cond3A_114 = arith.cmpi ne, %convert_element_type3A_112, %cond3A_113 : i32
      scf.if %cond3A_114 {
        %add3A_132 = arith.constant 2 : i32
        %add3A_133 = arith.addi %add3A_106, %add3A_132 : i32
        %dma_start3A_134 = arith.constant 0 : i32
        %dma_start3A_135 = arith.constant 0 : i32
        %dma_start3A_136 = tpu.memref_slice %arg2[%dma_start3A_134, %arg1, %add3A_133, %dma_start3A_135] : memref<2x16x256x80xi32, #tpu.memory_space<hbm>> -> memref<1x1x1x80xi32, #tpu.memory_space<hbm>>
        %dma_start3A_137 = tpu.memref_squeeze %dma_start3A_136 : memref<1x1x1x80xi32, #tpu.memory_space<hbm>> -> memref<80xi32, #tpu.memory_space<hbm>>
        %dma_start3A_138 = arith.constant 0 : i32
        %dma_start3A_139 = tpu.memref_slice %arg2[%dma_start3A_134, %arg1, %add3A_133, %dma_start3A_138] : memref<2x16x256x80xi32, #tpu.memory_space<hbm>> -> memref<1x1x1x80xi32, #tpu.memory_space<hbm>>
        %dma_start3A_140 = tpu.memref_squeeze %dma_start3A_139 : memref<1x1x1x80xi32, #tpu.memory_space<hbm>> -> memref<80xi32, #tpu.memory_space<hbm>>
        tpu.enqueue_dma source(%dma_start3A_140 : memref<80xi32, #tpu.memory_space<hbm>>) target(%arg4 : memref<80xi32, #tpu.memory_space<vmem>>) target_semaphore(%arg9 : memref<!tpu.dma_semaphore, #tpu.memory_space<semaphore_mem>>)
      } else {
      }
      %mul3A_115 = arith.constant 2 : i32
      %mul3A_116 = arith.muli %mul3A_115, %scan3A_101 : i32
      %add3A_117 = arith.constant 1 : i32
      %add3A_118 = arith.addi %mul3A_116, %add3A_117 : i32
      %gt3A_119 = arith.constant 0 : i32
      %gt3A_120 = arith.cmpi sgt, %add3A_118, %gt3A_119 : i32
      %convert_element_type3A_121 = arith.extui %gt3A_120 : i1 to i32
      %cond3A_122 = arith.constant 0 : i32
      %cond3A_123 = arith.cmpi ne, %convert_element_type3A_121, %cond3A_122 : i32
      scf.if %cond3A_123 {
        %dma_wait3A = arith.constant 0 : i32
        %dma_wait3A_132 = arith.constant 0 : i32
        %dma_wait3A_133 = arith.constant 0 : i32
        %dma_wait3A_134 = tpu.memref_slice %arg2[%dma_wait3A, %arg1, %dma_wait3A_132, %dma_wait3A_133] : memref<2x16x256x80xi32, #tpu.memory_space<hbm>> -> memref<1x1x1x80xi32, #tpu.memory_space<hbm>>
        %dma_wait3A_135 = tpu.memref_squeeze %dma_wait3A_134 : memref<1x1x1x80xi32, #tpu.memory_space<hbm>> -> memref<80xi32, #tpu.memory_space<hbm>>
        %dma_wait3A_136 = arith.constant 0 : i32
        %dma_wait3A_137 = tpu.memref_slice %arg2[%dma_wait3A, %arg1, %dma_wait3A_132, %dma_wait3A_136] : memref<2x16x256x80xi32, #tpu.memory_space<hbm>> -> memref<1x1x1x80xi32, #tpu.memory_space<hbm>>
        %dma_wait3A_138 = tpu.memref_squeeze %dma_wait3A_137 : memref<1x1x1x80xi32, #tpu.memory_space<hbm>> -> memref<80xi32, #tpu.memory_space<hbm>>
        tpu.wait_dma2 semaphore(%arg9 : memref<!tpu.dma_semaphore, #tpu.memory_space<semaphore_mem>>) src(%dma_wait3A_138 : memref<80xi32, #tpu.memory_space<hbm>>) dst(%arg5 : memref<80xi32, #tpu.memory_space<vmem>>)
      } else {
      }
      "tpu.region"() ({
        %run_scoped3A_132 = tpu.sem_alloc : memref<!tpu.dma_semaphore, #tpu.memory_space<semaphore_mem>>
        %dma_start3A_133 = arith.constant 0 : i32
        %dma_start3A_134 = arith.constant 0 : i32
        %dma_start3A_135 = tpu.memref_slice %arg8[%dma_start3A_133, %dma_start3A_134] : memref<10240x128xf32, #tpu.memory_space<vmem_shared>> -> memref<10240x128xf32, #tpu.memory_space<vmem_shared>>
        tpu.enqueue_indirect_dma source(%arg6 : memref<80x128xf32, #tpu.memory_space<vmem>>) target(%dma_start3A_135 : memref<10240x128xf32, #tpu.memory_space<vmem_shared>>) offsets(%arg5 : memref<80xi32, #tpu.memory_space<vmem>>) semaphore(%run_scoped3A_132 : memref<!tpu.dma_semaphore, #tpu.memory_space<semaphore_mem>>) {add = true}
        %dma_wait3A = arith.constant 0 : i32
        %dma_wait3A_136 = arith.constant 0 : i32
        %dma_wait3A_137 = tpu.memref_slice %arg8[%dma_wait3A, %dma_wait3A_136] : memref<10240x128xf32, #tpu.memory_space<vmem_shared>> -> memref<10240x128xf32, #tpu.memory_space<vmem_shared>>
        tpu.wait_indirect_dma semaphore(%run_scoped3A_132 : memref<!tpu.dma_semaphore, #tpu.memory_space<semaphore_mem>>) src(%arg6 : memref<80x128xf32, #tpu.memory_space<vmem>>) dst(%dma_wait3A_137 : memref<10240x128xf32, #tpu.memory_space<vmem_shared>>)
        tpu.yield
      }) : () -> ()
      %add3A_124 = arith.constant 2 : i32
      %add3A_125 = arith.addi %add3A_118, %add3A_124 : i32
      %lt3A_126 = arith.constant 256 : i32
      %lt3A_127 = arith.cmpi slt, %add3A_125, %lt3A_126 : i32
      %convert_element_type3A_128 = arith.extui %lt3A_127 : i1 to i32
      %cond3A_129 = arith.constant 0 : i32
      %cond3A_130 = arith.cmpi ne, %convert_element_type3A_128, %cond3A_129 : i32
      scf.if %cond3A_130 {
        %add3A_132 = arith.constant 2 : i32
        %add3A_133 = arith.addi %add3A_118, %add3A_132 : i32
        %dma_start3A_134 = arith.constant 0 : i32
        %dma_start3A_135 = arith.constant 0 : i32
        %dma_start3A_136 = tpu.memref_slice %arg2[%dma_start3A_134, %arg1, %add3A_133, %dma_start3A_135] : memref<2x16x256x80xi32, #tpu.memory_space<hbm>> -> memref<1x1x1x80xi32, #tpu.memory_space<hbm>>
        %dma_start3A_137 = tpu.memref_squeeze %dma_start3A_136 : memref<1x1x1x80xi32, #tpu.memory_space<hbm>> -> memref<80xi32, #tpu.memory_space<hbm>>
        %dma_start3A_138 = arith.constant 0 : i32
        %dma_start3A_139 = tpu.memref_slice %arg2[%dma_start3A_134, %arg1, %add3A_133, %dma_start3A_138] : memref<2x16x256x80xi32, #tpu.memory_space<hbm>> -> memref<1x1x1x80xi32, #tpu.memory_space<hbm>>
        %dma_start3A_140 = tpu.memref_squeeze %dma_start3A_139 : memref<1x1x1x80xi32, #tpu.memory_space<hbm>> -> memref<80xi32, #tpu.memory_space<hbm>>
        tpu.enqueue_dma source(%dma_start3A_140 : memref<80xi32, #tpu.memory_space<hbm>>) target(%arg5 : memref<80xi32, #tpu.memory_space<vmem>>) target_semaphore(%arg9 : memref<!tpu.dma_semaphore, #tpu.memory_space<semaphore_mem>>)
      } else {
      }
      %scan3A_131 = arith.constant 0 : i32
      scf.yield %scan3A_131 : i32
    }
    %scan3A_48 = arith.constant 128 : i32
    %barrier3A_49 = arith.constant 0 : index
    tpu.barrier barrier_id(%barrier3A_49)
    %mul3A_50 = arith.constant 640 : i32
    %mul3A_51 = arith.muli %arg1, %mul3A_50 : i32
    %mul3A_52 = arith.constant 640 : i32
    %mul3A_53 = arith.muli %arg1, %mul3A_52 : i32
    %run_scoped3A_54 = arith.constant 0 : i32
    "tpu.region"() ({
      %run_scoped3A_101 = tpu.sem_alloc : memref<!tpu.dma_semaphore, #tpu.memory_space<semaphore_mem>>
      %dma_start3A_102 = arith.constant 0 : i32
      %dma_start3A_103 = tpu.memref_slice %arg3[%run_scoped3A_54, %mul3A_53, %dma_start3A_102] : memref<2x10240x128xf32, #tpu.memory_space<hbm>> -> memref<1x640x128xf32, #tpu.memory_space<hbm>>
      %dma_start3A_104 = tpu.memref_squeeze %dma_start3A_103 : memref<1x640x128xf32, #tpu.memory_space<hbm>> -> memref<640x128xf32, #tpu.memory_space<hbm>>
      %dma_start3A_105 = arith.constant 0 : i32
      %dma_start3A_106 = tpu.memref_slice %arg8[%mul3A_51, %dma_start3A_105] : memref<10240x128xf32, #tpu.memory_space<vmem_shared>> -> memref<640x128xf32, #tpu.memory_space<vmem_shared>>
      tpu.enqueue_dma source(%dma_start3A_106 : memref<640x128xf32, #tpu.memory_space<vmem_shared>>) target(%dma_start3A_104 : memref<640x128xf32, #tpu.memory_space<hbm>>) target_semaphore(%run_scoped3A_101 : memref<!tpu.dma_semaphore, #tpu.memory_space<semaphore_mem>>)
      %dma_wait3A = arith.constant 0 : i32
      %dma_wait3A_107 = tpu.memref_slice %arg3[%run_scoped3A_54, %mul3A_53, %dma_wait3A] : memref<2x10240x128xf32, #tpu.memory_space<hbm>> -> memref<1x640x128xf32, #tpu.memory_space<hbm>>
      %dma_wait3A_108 = tpu.memref_squeeze %dma_wait3A_107 : memref<1x640x128xf32, #tpu.memory_space<hbm>> -> memref<640x128xf32, #tpu.memory_space<hbm>>
      %dma_wait3A_109 = arith.constant 0 : i32
      %dma_wait3A_110 = tpu.memref_slice %arg8[%mul3A_51, %dma_wait3A_109] : memref<10240x128xf32, #tpu.memory_space<vmem_shared>> -> memref<640x128xf32, #tpu.memory_space<vmem_shared>>
      tpu.wait_dma2 semaphore(%run_scoped3A_101 : memref<!tpu.dma_semaphore, #tpu.memory_space<semaphore_mem>>) src(%dma_wait3A_110 : memref<640x128xf32, #tpu.memory_space<vmem_shared>>) dst(%dma_wait3A_108 : memref<640x128xf32, #tpu.memory_space<hbm>>)
      tpu.yield
    }) : () -> ()
    %barrier3A_55 = arith.constant 0 : index
    tpu.barrier barrier_id(%barrier3A_55)
    %mul3A_56 = arith.constant 640 : i32
    %mul3A_57 = arith.muli %arg1, %mul3A_56 : i32
    %add3A_58 = arith.constant 0 : i32
    %add3A_59 = arith.addi %mul3A_57, %add3A_58 : i32
    "tpu.region"() ({
      %run_scoped3A_101 = tpu.sem_alloc : memref<!tpu.dma_semaphore, #tpu.memory_space<semaphore_mem>>
      %dma_start3A_102 = arith.constant 0 : i32
      %dma_start3A_103 = tpu.memref_slice %arg8[%add3A_59, %dma_start3A_102] : memref<10240x128xf32, #tpu.memory_space<vmem_shared>> -> memref<128x128xf32, #tpu.memory_space<vmem_shared>>
      %dma_start3A_104 = arith.constant 0 : i32
      %dma_start3A_105 = tpu.memref_slice %arg8[%add3A_59, %dma_start3A_104] : memref<10240x128xf32, #tpu.memory_space<vmem_shared>> -> memref<128x128xf32, #tpu.memory_space<vmem_shared>>
      tpu.enqueue_dma source(%arg7 : memref<128x128xf32, #tpu.memory_space<vmem>>) target(%dma_start3A_105 : memref<128x128xf32, #tpu.memory_space<vmem_shared>>) target_semaphore(%run_scoped3A_101 : memref<!tpu.dma_semaphore, #tpu.memory_space<semaphore_mem>>)
      %dma_wait3A = arith.constant 0 : i32
      %dma_wait3A_106 = tpu.memref_slice %arg8[%add3A_59, %dma_wait3A] : memref<10240x128xf32, #tpu.memory_space<vmem_shared>> -> memref<128x128xf32, #tpu.memory_space<vmem_shared>>
      %dma_wait3A_107 = arith.constant 0 : i32
      %dma_wait3A_108 = tpu.memref_slice %arg8[%add3A_59, %dma_wait3A_107] : memref<10240x128xf32, #tpu.memory_space<vmem_shared>> -> memref<128x128xf32, #tpu.memory_space<vmem_shared>>
      tpu.wait_dma2 semaphore(%run_scoped3A_101 : memref<!tpu.dma_semaphore, #tpu.memory_space<semaphore_mem>>) src(%arg7 : memref<128x128xf32, #tpu.memory_space<vmem>>) dst(%dma_wait3A_108 : memref<128x128xf32, #tpu.memory_space<vmem_shared>>)
      tpu.yield
    }) : () -> ()
    %mul3A_60 = arith.constant 640 : i32
    %mul3A_61 = arith.muli %arg1, %mul3A_60 : i32
    %add3A_62 = arith.constant 128 : i32
    %add3A_63 = arith.addi %mul3A_61, %add3A_62 : i32
    "tpu.region"() ({
      %run_scoped3A_101 = tpu.sem_alloc : memref<!tpu.dma_semaphore, #tpu.memory_space<semaphore_mem>>
      %dma_start3A_102 = arith.constant 0 : i32
      %dma_start3A_103 = tpu.memref_slice %arg8[%add3A_63, %dma_start3A_102] : memref<10240x128xf32, #tpu.memory_space<vmem_shared>> -> memref<128x128xf32, #tpu.memory_space<vmem_shared>>
      %dma_start3A_104 = arith.constant 0 : i32
      %dma_start3A_105 = tpu.memref_slice %arg8[%add3A_63, %dma_start3A_104] : memref<10240x128xf32, #tpu.memory_space<vmem_shared>> -> memref<128x128xf32, #tpu.memory_space<vmem_shared>>
      tpu.enqueue_dma source(%arg7 : memref<128x128xf32, #tpu.memory_space<vmem>>) target(%dma_start3A_105 : memref<128x128xf32, #tpu.memory_space<vmem_shared>>) target_semaphore(%run_scoped3A_101 : memref<!tpu.dma_semaphore, #tpu.memory_space<semaphore_mem>>)
      %dma_wait3A = arith.constant 0 : i32
      %dma_wait3A_106 = tpu.memref_slice %arg8[%add3A_63, %dma_wait3A] : memref<10240x128xf32, #tpu.memory_space<vmem_shared>> -> memref<128x128xf32, #tpu.memory_space<vmem_shared>>
      %dma_wait3A_107 = arith.constant 0 : i32
      %dma_wait3A_108 = tpu.memref_slice %arg8[%add3A_63, %dma_wait3A_107] : memref<10240x128xf32, #tpu.memory_space<vmem_shared>> -> memref<128x128xf32, #tpu.memory_space<vmem_shared>>
      tpu.wait_dma2 semaphore(%run_scoped3A_101 : memref<!tpu.dma_semaphore, #tpu.memory_space<semaphore_mem>>) src(%arg7 : memref<128x128xf32, #tpu.memory_space<vmem>>) dst(%dma_wait3A_108 : memref<128x128xf32, #tpu.memory_space<vmem_shared>>)
      tpu.yield
    }) : () -> ()
    %mul3A_64 = arith.constant 640 : i32
    %mul3A_65 = arith.muli %arg1, %mul3A_64 : i32
    %add3A_66 = arith.constant 256 : i32
    %add3A_67 = arith.addi %mul3A_65, %add3A_66 : i32
    "tpu.region"() ({
      %run_scoped3A_101 = tpu.sem_alloc : memref<!tpu.dma_semaphore, #tpu.memory_space<semaphore_mem>>
      %dma_start3A_102 = arith.constant 0 : i32
      %dma_start3A_103 = tpu.memref_slice %arg8[%add3A_67, %dma_start3A_102] : memref<10240x128xf32, #tpu.memory_space<vmem_shared>> -> memref<128x128xf32, #tpu.memory_space<vmem_shared>>
      %dma_start3A_104 = arith.constant 0 : i32
      %dma_start3A_105 = tpu.memref_slice %arg8[%add3A_67, %dma_start3A_104] : memref<10240x128xf32, #tpu.memory_space<vmem_shared>> -> memref<128x128xf32, #tpu.memory_space<vmem_shared>>
      tpu.enqueue_dma source(%arg7 : memref<128x128xf32, #tpu.memory_space<vmem>>) target(%dma_start3A_105 : memref<128x128xf32, #tpu.memory_space<vmem_shared>>) target_semaphore(%run_scoped3A_101 : memref<!tpu.dma_semaphore, #tpu.memory_space<semaphore_mem>>)
      %dma_wait3A = arith.constant 0 : i32
      %dma_wait3A_106 = tpu.memref_slice %arg8[%add3A_67, %dma_wait3A] : memref<10240x128xf32, #tpu.memory_space<vmem_shared>> -> memref<128x128xf32, #tpu.memory_space<vmem_shared>>
      %dma_wait3A_107 = arith.constant 0 : i32
      %dma_wait3A_108 = tpu.memref_slice %arg8[%add3A_67, %dma_wait3A_107] : memref<10240x128xf32, #tpu.memory_space<vmem_shared>> -> memref<128x128xf32, #tpu.memory_space<vmem_shared>>
      tpu.wait_dma2 semaphore(%run_scoped3A_101 : memref<!tpu.dma_semaphore, #tpu.memory_space<semaphore_mem>>) src(%arg7 : memref<128x128xf32, #tpu.memory_space<vmem>>) dst(%dma_wait3A_108 : memref<128x128xf32, #tpu.memory_space<vmem_shared>>)
      tpu.yield
    }) : () -> ()
    %mul3A_68 = arith.constant 640 : i32
    %mul3A_69 = arith.muli %arg1, %mul3A_68 : i32
    %add3A_70 = arith.constant 384 : i32
    %add3A_71 = arith.addi %mul3A_69, %add3A_70 : i32
    "tpu.region"() ({
      %run_scoped3A_101 = tpu.sem_alloc : memref<!tpu.dma_semaphore, #tpu.memory_space<semaphore_mem>>
      %dma_start3A_102 = arith.constant 0 : i32
      %dma_start3A_103 = tpu.memref_slice %arg8[%add3A_71, %dma_start3A_102] : memref<10240x128xf32, #tpu.memory_space<vmem_shared>> -> memref<128x128xf32, #tpu.memory_space<vmem_shared>>
      %dma_start3A_104 = arith.constant 0 : i32
      %dma_start3A_105 = tpu.memref_slice %arg8[%add3A_71, %dma_start3A_104] : memref<10240x128xf32, #tpu.memory_space<vmem_shared>> -> memref<128x128xf32, #tpu.memory_space<vmem_shared>>
      tpu.enqueue_dma source(%arg7 : memref<128x128xf32, #tpu.memory_space<vmem>>) target(%dma_start3A_105 : memref<128x128xf32, #tpu.memory_space<vmem_shared>>) target_semaphore(%run_scoped3A_101 : memref<!tpu.dma_semaphore, #tpu.memory_space<semaphore_mem>>)
      %dma_wait3A = arith.constant 0 : i32
      %dma_wait3A_106 = tpu.memref_slice %arg8[%add3A_71, %dma_wait3A] : memref<10240x128xf32, #tpu.memory_space<vmem_shared>> -> memref<128x128xf32, #tpu.memory_space<vmem_shared>>
      %dma_wait3A_107 = arith.constant 0 : i32
      %dma_wait3A_108 = tpu.memref_slice %arg8[%add3A_71, %dma_wait3A_107] : memref<10240x128xf32, #tpu.memory_space<vmem_shared>> -> memref<128x128xf32, #tpu.memory_space<vmem_shared>>
      tpu.wait_dma2 semaphore(%run_scoped3A_101 : memref<!tpu.dma_semaphore, #tpu.memory_space<semaphore_mem>>) src(%arg7 : memref<128x128xf32, #tpu.memory_space<vmem>>) dst(%dma_wait3A_108 : memref<128x128xf32, #tpu.memory_space<vmem_shared>>)
      tpu.yield
    }) : () -> ()
    %mul3A_72 = arith.constant 640 : i32
    %mul3A_73 = arith.muli %arg1, %mul3A_72 : i32
    %add3A_74 = arith.constant 512 : i32
    %add3A_75 = arith.addi %mul3A_73, %add3A_74 : i32
    "tpu.region"() ({
      %run_scoped3A_101 = tpu.sem_alloc : memref<!tpu.dma_semaphore, #tpu.memory_space<semaphore_mem>>
      %dma_start3A_102 = arith.constant 0 : i32
      %dma_start3A_103 = tpu.memref_slice %arg8[%add3A_75, %dma_start3A_102] : memref<10240x128xf32, #tpu.memory_space<vmem_shared>> -> memref<128x128xf32, #tpu.memory_space<vmem_shared>>
      %dma_start3A_104 = arith.constant 0 : i32
      %dma_start3A_105 = tpu.memref_slice %arg8[%add3A_75, %dma_start3A_104] : memref<10240x128xf32, #tpu.memory_space<vmem_shared>> -> memref<128x128xf32, #tpu.memory_space<vmem_shared>>
      tpu.enqueue_dma source(%arg7 : memref<128x128xf32, #tpu.memory_space<vmem>>) target(%dma_start3A_105 : memref<128x128xf32, #tpu.memory_space<vmem_shared>>) target_semaphore(%run_scoped3A_101 : memref<!tpu.dma_semaphore, #tpu.memory_space<semaphore_mem>>)
      %dma_wait3A = arith.constant 0 : i32
      %dma_wait3A_106 = tpu.memref_slice %arg8[%add3A_75, %dma_wait3A] : memref<10240x128xf32, #tpu.memory_space<vmem_shared>> -> memref<128x128xf32, #tpu.memory_space<vmem_shared>>
      %dma_wait3A_107 = arith.constant 0 : i32
      %dma_wait3A_108 = tpu.memref_slice %arg8[%add3A_75, %dma_wait3A_107] : memref<10240x128xf32, #tpu.memory_space<vmem_shared>> -> memref<128x128xf32, #tpu.memory_space<vmem_shared>>
      tpu.wait_dma2 semaphore(%run_scoped3A_101 : memref<!tpu.dma_semaphore, #tpu.memory_space<semaphore_mem>>) src(%arg7 : memref<128x128xf32, #tpu.memory_space<vmem>>) dst(%dma_wait3A_108 : memref<128x128xf32, #tpu.memory_space<vmem_shared>>)
      tpu.yield
    }) : () -> ()
    %barrier3A_76 = arith.constant 0 : index
    tpu.barrier barrier_id(%barrier3A_76)
    %run_scoped3A_77 = arith.constant 1 : i32
    %run_scoped3A_78 = arith.constant 0 : i32
    "tpu.region"() ({
      %run_scoped3A_101 = tpu.sem_alloc : memref<!tpu.dma_semaphore, #tpu.memory_space<semaphore_mem>>
      %dma_start3A_102 = arith.constant 0 : i32
      %dma_start3A_103 = tpu.memref_slice %arg2[%run_scoped3A_77, %arg1, %run_scoped3A_78, %dma_start3A_102] : memref<2x16x256x80xi32, #tpu.memory_space<hbm>> -> memref<1x1x1x80xi32, #tpu.memory_space<hbm>>
      %dma_start3A_104 = tpu.memref_squeeze %dma_start3A_103 : memref<1x1x1x80xi32, #tpu.memory_space<hbm>> -> memref<80xi32, #tpu.memory_space<hbm>>
      %dma_start3A_105 = arith.constant 0 : i32
      %dma_start3A_106 = tpu.memref_slice %arg2[%run_scoped3A_77, %arg1, %run_scoped3A_78, %dma_start3A_105] : memref<2x16x256x80xi32, #tpu.memory_space<hbm>> -> memref<1x1x1x80xi32, #tpu.memory_space<hbm>>
      %dma_start3A_107 = tpu.memref_squeeze %dma_start3A_106 : memref<1x1x1x80xi32, #tpu.memory_space<hbm>> -> memref<80xi32, #tpu.memory_space<hbm>>
      tpu.enqueue_dma source(%dma_start3A_107 : memref<80xi32, #tpu.memory_space<hbm>>) target(%arg4 : memref<80xi32, #tpu.memory_space<vmem>>) target_semaphore(%run_scoped3A_101 : memref<!tpu.dma_semaphore, #tpu.memory_space<semaphore_mem>>)
      %dma_wait3A = arith.constant 0 : i32
      %dma_wait3A_108 = tpu.memref_slice %arg2[%run_scoped3A_77, %arg1, %run_scoped3A_78, %dma_wait3A] : memref<2x16x256x80xi32, #tpu.memory_space<hbm>> -> memref<1x1x1x80xi32, #tpu.memory_space<hbm>>
      %dma_wait3A_109 = tpu.memref_squeeze %dma_wait3A_108 : memref<1x1x1x80xi32, #tpu.memory_space<hbm>> -> memref<80xi32, #tpu.memory_space<hbm>>
      %dma_wait3A_110 = arith.constant 0 : i32
      %dma_wait3A_111 = tpu.memref_slice %arg2[%run_scoped3A_77, %arg1, %run_scoped3A_78, %dma_wait3A_110] : memref<2x16x256x80xi32, #tpu.memory_space<hbm>> -> memref<1x1x1x80xi32, #tpu.memory_space<hbm>>
      %dma_wait3A_112 = tpu.memref_squeeze %dma_wait3A_111 : memref<1x1x1x80xi32, #tpu.memory_space<hbm>> -> memref<80xi32, #tpu.memory_space<hbm>>
      tpu.wait_dma2 semaphore(%run_scoped3A_101 : memref<!tpu.dma_semaphore, #tpu.memory_space<semaphore_mem>>) src(%dma_wait3A_112 : memref<80xi32, #tpu.memory_space<hbm>>) dst(%arg4 : memref<80xi32, #tpu.memory_space<vmem>>)
      tpu.yield
    }) : () -> ()
    %dma_start3A_79 = arith.constant 1 : i32
    %dma_start3A_80 = arith.constant 1 : i32
    %dma_start3A_81 = arith.constant 0 : i32
    %dma_start3A_82 = tpu.memref_slice %arg2[%dma_start3A_79, %arg1, %dma_start3A_80, %dma_start3A_81] : memref<2x16x256x80xi32, #tpu.memory_space<hbm>> -> memref<1x1x1x80xi32, #tpu.memory_space<hbm>>
    %dma_start3A_83 = tpu.memref_squeeze %dma_start3A_82 : memref<1x1x1x80xi32, #tpu.memory_space<hbm>> -> memref<80xi32, #tpu.memory_space<hbm>>
    %dma_start3A_84 = arith.constant 0 : i32
    %dma_start3A_85 = tpu.memref_slice %arg2[%dma_start3A_79, %arg1, %dma_start3A_80, %dma_start3A_84] : memref<2x16x256x80xi32, #tpu.memory_space<hbm>> -> memref<1x1x1x80xi32, #tpu.memory_space<hbm>>
    %dma_start3A_86 = tpu.memref_squeeze %dma_start3A_85 : memref<1x1x1x80xi32, #tpu.memory_space<hbm>> -> memref<80xi32, #tpu.memory_space<hbm>>
    tpu.enqueue_dma source(%dma_start3A_86 : memref<80xi32, #tpu.memory_space<hbm>>) target(%arg5 : memref<80xi32, #tpu.memory_space<vmem>>) target_semaphore(%arg9 : memref<!tpu.dma_semaphore, #tpu.memory_space<semaphore_mem>>)
    %scan3A_87 = arith.constant 0 : i32
    %scan3A_88 = arith.constant 0 : i32
    %scan3A_89 = arith.constant 128 : i32
    %scan3A_90 = arith.addi %scan3A_88, %scan3A_89 : i32
    %scan3A_91 = arith.constant 1 : i32
    %scan3A_92 = scf.for %scan3A_101 = %scan3A_88 to %scan3A_90 step %scan3A_91 iter_args(%scan3A_102 = %scan3A_87) -> (i32)  : i32 {
      %mul3A_103 = arith.constant 2 : i32
      %mul3A_104 = arith.muli %mul3A_103, %scan3A_101 : i32
      %add3A_105 = arith.constant 0 : i32
      %add3A_106 = arith.addi %mul3A_104, %add3A_105 : i32
      %gt3A = arith.constant 0 : i32
      %gt3A_107 = arith.cmpi sgt, %add3A_106, %gt3A : i32
      %convert_element_type3A = arith.extui %gt3A_107 : i1 to i32
      %cond3A = arith.constant 0 : i32
      %cond3A_108 = arith.cmpi ne, %convert_element_type3A, %cond3A : i32
      scf.if %cond3A_108 {
        %dma_wait3A = arith.constant 1 : i32
        %dma_wait3A_132 = arith.constant 0 : i32
        %dma_wait3A_133 = arith.constant 0 : i32
        %dma_wait3A_134 = tpu.memref_slice %arg2[%dma_wait3A, %arg1, %dma_wait3A_132, %dma_wait3A_133] : memref<2x16x256x80xi32, #tpu.memory_space<hbm>> -> memref<1x1x1x80xi32, #tpu.memory_space<hbm>>
        %dma_wait3A_135 = tpu.memref_squeeze %dma_wait3A_134 : memref<1x1x1x80xi32, #tpu.memory_space<hbm>> -> memref<80xi32, #tpu.memory_space<hbm>>
        %dma_wait3A_136 = arith.constant 0 : i32
        %dma_wait3A_137 = tpu.memref_slice %arg2[%dma_wait3A, %arg1, %dma_wait3A_132, %dma_wait3A_136] : memref<2x16x256x80xi32, #tpu.memory_space<hbm>> -> memref<1x1x1x80xi32, #tpu.memory_space<hbm>>
        %dma_wait3A_138 = tpu.memref_squeeze %dma_wait3A_137 : memref<1x1x1x80xi32, #tpu.memory_space<hbm>> -> memref<80xi32, #tpu.memory_space<hbm>>
        tpu.wait_dma2 semaphore(%arg9 : memref<!tpu.dma_semaphore, #tpu.memory_space<semaphore_mem>>) src(%dma_wait3A_138 : memref<80xi32, #tpu.memory_space<hbm>>) dst(%arg4 : memref<80xi32, #tpu.memory_space<vmem>>)
      } else {
      }
      "tpu.region"() ({
        %run_scoped3A_132 = tpu.sem_alloc : memref<!tpu.dma_semaphore, #tpu.memory_space<semaphore_mem>>
        %dma_start3A_133 = arith.constant 0 : i32
        %dma_start3A_134 = arith.constant 0 : i32
        %dma_start3A_135 = tpu.memref_slice %arg8[%dma_start3A_133, %dma_start3A_134] : memref<10240x128xf32, #tpu.memory_space<vmem_shared>> -> memref<10240x128xf32, #tpu.memory_space<vmem_shared>>
        tpu.enqueue_indirect_dma source(%arg6 : memref<80x128xf32, #tpu.memory_space<vmem>>) target(%dma_start3A_135 : memref<10240x128xf32, #tpu.memory_space<vmem_shared>>) offsets(%arg4 : memref<80xi32, #tpu.memory_space<vmem>>) semaphore(%run_scoped3A_132 : memref<!tpu.dma_semaphore, #tpu.memory_space<semaphore_mem>>) {add = true}
        %dma_wait3A = arith.constant 0 : i32
        %dma_wait3A_136 = arith.constant 0 : i32
        %dma_wait3A_137 = tpu.memref_slice %arg8[%dma_wait3A, %dma_wait3A_136] : memref<10240x128xf32, #tpu.memory_space<vmem_shared>> -> memref<10240x128xf32, #tpu.memory_space<vmem_shared>>
        tpu.wait_indirect_dma semaphore(%run_scoped3A_132 : memref<!tpu.dma_semaphore, #tpu.memory_space<semaphore_mem>>) src(%arg6 : memref<80x128xf32, #tpu.memory_space<vmem>>) dst(%dma_wait3A_137 : memref<10240x128xf32, #tpu.memory_space<vmem_shared>>)
        tpu.yield
      }) : () -> ()
      %add3A_109 = arith.constant 2 : i32
      %add3A_110 = arith.addi %add3A_106, %add3A_109 : i32
      %lt3A = arith.constant 256 : i32
      %lt3A_111 = arith.cmpi slt, %add3A_110, %lt3A : i32
      %convert_element_type3A_112 = arith.extui %lt3A_111 : i1 to i32
      %cond3A_113 = arith.constant 0 : i32
      %cond3A_114 = arith.cmpi ne, %convert_element_type3A_112, %cond3A_113 : i32
      scf.if %cond3A_114 {
        %add3A_132 = arith.constant 2 : i32
        %add3A_133 = arith.addi %add3A_106, %add3A_132 : i32
        %dma_start3A_134 = arith.constant 1 : i32
        %dma_start3A_135 = arith.constant 0 : i32
        %dma_start3A_136 = tpu.memref_slice %arg2[%dma_start3A_134, %arg1, %add3A_133, %dma_start3A_135] : memref<2x16x256x80xi32, #tpu.memory_space<hbm>> -> memref<1x1x1x80xi32, #tpu.memory_space<hbm>>
        %dma_start3A_137 = tpu.memref_squeeze %dma_start3A_136 : memref<1x1x1x80xi32, #tpu.memory_space<hbm>> -> memref<80xi32, #tpu.memory_space<hbm>>
        %dma_start3A_138 = arith.constant 0 : i32
        %dma_start3A_139 = tpu.memref_slice %arg2[%dma_start3A_134, %arg1, %add3A_133, %dma_start3A_138] : memref<2x16x256x80xi32, #tpu.memory_space<hbm>> -> memref<1x1x1x80xi32, #tpu.memory_space<hbm>>
        %dma_start3A_140 = tpu.memref_squeeze %dma_start3A_139 : memref<1x1x1x80xi32, #tpu.memory_space<hbm>> -> memref<80xi32, #tpu.memory_space<hbm>>
        tpu.enqueue_dma source(%dma_start3A_140 : memref<80xi32, #tpu.memory_space<hbm>>) target(%arg4 : memref<80xi32, #tpu.memory_space<vmem>>) target_semaphore(%arg9 : memref<!tpu.dma_semaphore, #tpu.memory_space<semaphore_mem>>)
      } else {
      }
      %mul3A_115 = arith.constant 2 : i32
      %mul3A_116 = arith.muli %mul3A_115, %scan3A_101 : i32
      %add3A_117 = arith.constant 1 : i32
      %add3A_118 = arith.addi %mul3A_116, %add3A_117 : i32
      %gt3A_119 = arith.constant 0 : i32
      %gt3A_120 = arith.cmpi sgt, %add3A_118, %gt3A_119 : i32
      %convert_element_type3A_121 = arith.extui %gt3A_120 : i1 to i32
      %cond3A_122 = arith.constant 0 : i32
      %cond3A_123 = arith.cmpi ne, %convert_element_type3A_121, %cond3A_122 : i32
      scf.if %cond3A_123 {
        %dma_wait3A = arith.constant 1 : i32
        %dma_wait3A_132 = arith.constant 0 : i32
        %dma_wait3A_133 = arith.constant 0 : i32
        %dma_wait3A_134 = tpu.memref_slice %arg2[%dma_wait3A, %arg1, %dma_wait3A_132, %dma_wait3A_133] : memref<2x16x256x80xi32, #tpu.memory_space<hbm>> -> memref<1x1x1x80xi32, #tpu.memory_space<hbm>>
        %dma_wait3A_135 = tpu.memref_squeeze %dma_wait3A_134 : memref<1x1x1x80xi32, #tpu.memory_space<hbm>> -> memref<80xi32, #tpu.memory_space<hbm>>
        %dma_wait3A_136 = arith.constant 0 : i32
        %dma_wait3A_137 = tpu.memref_slice %arg2[%dma_wait3A, %arg1, %dma_wait3A_132, %dma_wait3A_136] : memref<2x16x256x80xi32, #tpu.memory_space<hbm>> -> memref<1x1x1x80xi32, #tpu.memory_space<hbm>>
        %dma_wait3A_138 = tpu.memref_squeeze %dma_wait3A_137 : memref<1x1x1x80xi32, #tpu.memory_space<hbm>> -> memref<80xi32, #tpu.memory_space<hbm>>
        tpu.wait_dma2 semaphore(%arg9 : memref<!tpu.dma_semaphore, #tpu.memory_space<semaphore_mem>>) src(%dma_wait3A_138 : memref<80xi32, #tpu.memory_space<hbm>>) dst(%arg5 : memref<80xi32, #tpu.memory_space<vmem>>)
      } else {
      }
      "tpu.region"() ({
        %run_scoped3A_132 = tpu.sem_alloc : memref<!tpu.dma_semaphore, #tpu.memory_space<semaphore_mem>>
        %dma_start3A_133 = arith.constant 0 : i32
        %dma_start3A_134 = arith.constant 0 : i32
        %dma_start3A_135 = tpu.memref_slice %arg8[%dma_start3A_133, %dma_start3A_134] : memref<10240x128xf32, #tpu.memory_space<vmem_shared>> -> memref<10240x128xf32, #tpu.memory_space<vmem_shared>>
        tpu.enqueue_indirect_dma source(%arg6 : memref<80x128xf32, #tpu.memory_space<vmem>>) target(%dma_start3A_135 : memref<10240x128xf32, #tpu.memory_space<vmem_shared>>) offsets(%arg5 : memref<80xi32, #tpu.memory_space<vmem>>) semaphore(%run_scoped3A_132 : memref<!tpu.dma_semaphore, #tpu.memory_space<semaphore_mem>>) {add = true}
        %dma_wait3A = arith.constant 0 : i32
        %dma_wait3A_136 = arith.constant 0 : i32
        %dma_wait3A_137 = tpu.memref_slice %arg8[%dma_wait3A, %dma_wait3A_136] : memref<10240x128xf32, #tpu.memory_space<vmem_shared>> -> memref<10240x128xf32, #tpu.memory_space<vmem_shared>>
        tpu.wait_indirect_dma semaphore(%run_scoped3A_132 : memref<!tpu.dma_semaphore, #tpu.memory_space<semaphore_mem>>) src(%arg6 : memref<80x128xf32, #tpu.memory_space<vmem>>) dst(%dma_wait3A_137 : memref<10240x128xf32, #tpu.memory_space<vmem_shared>>)
        tpu.yield
      }) : () -> ()
      %add3A_124 = arith.constant 2 : i32
      %add3A_125 = arith.addi %add3A_118, %add3A_124 : i32
      %lt3A_126 = arith.constant 256 : i32
      %lt3A_127 = arith.cmpi slt, %add3A_125, %lt3A_126 : i32
      %convert_element_type3A_128 = arith.extui %lt3A_127 : i1 to i32
      %cond3A_129 = arith.constant 0 : i32
      %cond3A_130 = arith.cmpi ne, %convert_element_type3A_128, %cond3A_129 : i32
      scf.if %cond3A_130 {
        %add3A_132 = arith.constant 2 : i32
        %add3A_133 = arith.addi %add3A_118, %add3A_132 : i32
        %dma_start3A_134 = arith.constant 1 : i32
        %dma_start3A_135 = arith.constant 0 : i32
        %dma_start3A_136 = tpu.memref_slice %arg2[%dma_start3A_134, %arg1, %add3A_133, %dma_start3A_135] : memref<2x16x256x80xi32, #tpu.memory_space<hbm>> -> memref<1x1x1x80xi32, #tpu.memory_space<hbm>>
        %dma_start3A_137 = tpu.memref_squeeze %dma_start3A_136 : memref<1x1x1x80xi32, #tpu.memory_space<hbm>> -> memref<80xi32, #tpu.memory_space<hbm>>
        %dma_start3A_138 = arith.constant 0 : i32
        %dma_start3A_139 = tpu.memref_slice %arg2[%dma_start3A_134, %arg1, %add3A_133, %dma_start3A_138] : memref<2x16x256x80xi32, #tpu.memory_space<hbm>> -> memref<1x1x1x80xi32, #tpu.memory_space<hbm>>
        %dma_start3A_140 = tpu.memref_squeeze %dma_start3A_139 : memref<1x1x1x80xi32, #tpu.memory_space<hbm>> -> memref<80xi32, #tpu.memory_space<hbm>>
        tpu.enqueue_dma source(%dma_start3A_140 : memref<80xi32, #tpu.memory_space<hbm>>) target(%arg5 : memref<80xi32, #tpu.memory_space<vmem>>) target_semaphore(%arg9 : memref<!tpu.dma_semaphore, #tpu.memory_space<semaphore_mem>>)
      } else {
      }
      %scan3A_131 = arith.constant 0 : i32
      scf.yield %scan3A_131 : i32
    }
    %scan3A_93 = arith.constant 128 : i32
    %barrier3A_94 = arith.constant 0 : index
    tpu.barrier barrier_id(%barrier3A_94)
    %mul3A_95 = arith.constant 640 : i32
    %mul3A_96 = arith.muli %arg1, %mul3A_95 : i32
    %mul3A_97 = arith.constant 640 : i32
    %mul3A_98 = arith.muli %arg1, %mul3A_97 : i32
    %run_scoped3A_99 = arith.constant 1 : i32
    "tpu.region"() ({
      %run_scoped3A_101 = tpu.sem_alloc : memref<!tpu.dma_semaphore, #tpu.memory_space<semaphore_mem>>
      %dma_start3A_102 = arith.constant 0 : i32
      %dma_start3A_103 = tpu.memref_slice %arg3[%run_scoped3A_99, %mul3A_98, %dma_start3A_102] : memref<2x10240x128xf32, #tpu.memory_space<hbm>> -> memref<1x640x128xf32, #tpu.memory_space<hbm>>
      %dma_start3A_104 = tpu.memref_squeeze %dma_start3A_103 : memref<1x640x128xf32, #tpu.memory_space<hbm>> -> memref<640x128xf32, #tpu.memory_space<hbm>>
      %dma_start3A_105 = arith.constant 0 : i32
      %dma_start3A_106 = tpu.memref_slice %arg8[%mul3A_96, %dma_start3A_105] : memref<10240x128xf32, #tpu.memory_space<vmem_shared>> -> memref<640x128xf32, #tpu.memory_space<vmem_shared>>
      tpu.enqueue_dma source(%dma_start3A_106 : memref<640x128xf32, #tpu.memory_space<vmem_shared>>) target(%dma_start3A_104 : memref<640x128xf32, #tpu.memory_space<hbm>>) target_semaphore(%run_scoped3A_101 : memref<!tpu.dma_semaphore, #tpu.memory_space<semaphore_mem>>)
      %dma_wait3A = arith.constant 0 : i32
      %dma_wait3A_107 = tpu.memref_slice %arg3[%run_scoped3A_99, %mul3A_98, %dma_wait3A] : memref<2x10240x128xf32, #tpu.memory_space<hbm>> -> memref<1x640x128xf32, #tpu.memory_space<hbm>>
      %dma_wait3A_108 = tpu.memref_squeeze %dma_wait3A_107 : memref<1x640x128xf32, #tpu.memory_space<hbm>> -> memref<640x128xf32, #tpu.memory_space<hbm>>
      %dma_wait3A_109 = arith.constant 0 : i32
      %dma_wait3A_110 = tpu.memref_slice %arg8[%mul3A_96, %dma_wait3A_109] : memref<10240x128xf32, #tpu.memory_space<vmem_shared>> -> memref<640x128xf32, #tpu.memory_space<vmem_shared>>
      tpu.wait_dma2 semaphore(%run_scoped3A_101 : memref<!tpu.dma_semaphore, #tpu.memory_space<semaphore_mem>>) src(%dma_wait3A_110 : memref<640x128xf32, #tpu.memory_space<vmem_shared>>) dst(%dma_wait3A_108 : memref<640x128xf32, #tpu.memory_space<hbm>>)
      tpu.yield
    }) : () -> ()
    %barrier3A_100 = arith.constant 0 : index
    tpu.barrier barrier_id(%barrier3A_100)
    return
  }
}

module attributes {stable_mosaic.version = 14 : i64} {
  func.func @_tanh_proj_body(%arg0: i32, %arg1: memref<1000x128xf32, #tpu.memory_space<vmem>>, %arg2: memref<128x128xf32, #tpu.memory_space<vmem>>, %arg3: memref<1000x128xf32, #tpu.memory_space<vmem>>) attributes {dimension_semantics = [#tpu.dimension_semantics<arbitrary>], iteration_bounds = array<i64: 10>, scalar_prefetch = 0 : i64, scratch_operands = 0 : i64, tpu.core_type = #tpu.core_type<tc>, window_params = [{transform_indices = @transform_0, window_bounds = array<i64: 1000, 128>}, {pipeline_mode = #tpu.pipeline_mode<synchronous>, transform_indices = @transform_1, window_bounds = array<i64: 128, 128>}, {transform_indices = @transform_2, window_bounds = array<i64: 1000, 128>}]} {
    %get3A = arith.constant 0 : index
    %get3A_0 = arith.constant 0 : index
    %get3A_1 = vector.load %arg1[%get3A, %get3A_0] : memref<1000x128xf32, #tpu.memory_space<vmem>>, vector<1000x128xf32>
    %get3A_2 = arith.constant 0 : index
    %get3A_3 = arith.constant 0 : index
    %get3A_4 = vector.load %arg2[%get3A_2, %get3A_3] : memref<128x128xf32, #tpu.memory_space<vmem>>, vector<128x128xf32>
    %dot_general3A = arith.constant dense<0.000000e+00> : vector<1000x128xf32>
    %dot_general3A_5 = tpu.matmul %get3A_1, %get3A_4, %dot_general3A {dimension_numbers = #tpu.dot_dimension_numbers<[1], [0], [0], [1], [0, 0, 1, 1], [], []>, transpose_lhs_hint = false} : vector<1000x128xf32>, vector<128x128xf32>, vector<1000x128xf32> -> vector<1000x128xf32>
    %tanh3A = math.tanh %dot_general3A_5 : vector<1000x128xf32>
    %swap3A = arith.constant 0 : index
    %swap3A_6 = arith.constant 0 : index
    %swap3A_7 = vector.load %arg3[%swap3A, %swap3A_6] : memref<1000x128xf32, #tpu.memory_space<vmem>>, vector<1000x128xf32>
    tpu.vector_store %arg3[%swap3A, %swap3A_6], %tanh3A {strides = array<i32>} : memref<1000x128xf32, #tpu.memory_space<vmem>>, vector<1000x128xf32>,
    return
  }
  func.func @transform_0(%arg0: i32) -> (i32, i32) {
    %c0_i32 = arith.constant 0 : i32
    %c0_i32_0 = arith.constant 0 : i32
    return %arg0, %c0_i32 : i32, i32
  }
  func.func @transform_1(%arg0: i32) -> (i32, i32) {
    %c0_i32 = arith.constant 0 : i32
    %c0_i32_0 = arith.constant 0 : i32
    %c0_i32_1 = arith.constant 0 : i32
    return %c0_i32, %c0_i32_0 : i32, i32
  }
  func.func @transform_2(%arg0: i32) -> (i32, i32) {
    %c0_i32 = arith.constant 0 : i32
    %c0_i32_0 = arith.constant 0 : i32
    return %arg0, %c0_i32 : i32, i32
  }
}

module attributes {stable_mosaic.version = 14 : i64} {
  func.func @_layer_body(%arg0: i32, %arg1: i32, %arg2: memref<1x1000x128xf32, #tpu.memory_space<vmem>>, %arg3: memref<1x1000x128xf32, #tpu.memory_space<vmem>>, %arg4: memref<1000x128xf32, #tpu.memory_space<vmem>>, %arg5: memref<128x128xf32, #tpu.memory_space<vmem>>, %arg6: memref<1000x128xf32, #tpu.memory_space<vmem>>) attributes {dimension_semantics = [#tpu.dimension_semantics<arbitrary>, #tpu.dimension_semantics<arbitrary>], iteration_bounds = array<i64: 2, 10>, scalar_prefetch = 0 : i64, scratch_operands = 0 : i64, tpu.core_type = #tpu.core_type<tc>, window_params = [{transform_indices = @transform_0, window_bounds = array<i64: 1, 1000, 128>}, {transform_indices = @transform_1, window_bounds = array<i64: 1, 1000, 128>}, {transform_indices = @transform_2, window_bounds = array<i64: 1000, 128>}, {pipeline_mode = #tpu.pipeline_mode<synchronous>, transform_indices = @transform_3, window_bounds = array<i64: 128, 128>}, {transform_indices = @transform_4, window_bounds = array<i64: 1000, 128>}]} {
    %get3A = arith.constant 0 : index
    %get3A_0 = arith.constant 0 : index
    %get3A_1 = arith.constant 0 : index
    %get3A_2 = vector.load %arg2[%get3A, %get3A_0, %get3A_1] : memref<1x1000x128xf32, #tpu.memory_space<vmem>>, vector<1x1000x128xf32>
    %get3A_3 = vector.shape_cast %get3A_2 : vector<1x1000x128xf32> to vector<1000x128xf32>
    %get3A_4 = arith.constant 0 : index
    %get3A_5 = arith.constant 0 : index
    %get3A_6 = arith.constant 0 : index
    %get3A_7 = vector.load %arg3[%get3A_4, %get3A_5, %get3A_6] : memref<1x1000x128xf32, #tpu.memory_space<vmem>>, vector<1x1000x128xf32>
    %get3A_8 = vector.shape_cast %get3A_7 : vector<1x1000x128xf32> to vector<1000x128xf32>
    %slice3A = vector.extract_strided_slice %get3A_8 {offsets = [0, 0], sizes = [1000, 1], strides = [1, 1]} : vector<1000x128xf32> to vector<1000x1xf32>
    %jit3A = arith.constant 1.000000e+00 : f32
    %max3A = vector.broadcast %jit3A : f32 to vector<1000x1xf32>
    %max3A_9 = arith.maximumf %max3A, %slice3A : vector<1000x1xf32>
    %div3A = arith.constant 1.000000e+00 : f32
    %div3A_10 = vector.broadcast %div3A : f32 to vector<1000x1xf32>
    %div3A_11 = arith.divf %div3A_10, %max3A_9 : vector<1000x1xf32>
    %mul3A = vector.broadcast %div3A_11 : vector<1000x1xf32> to vector<1000x128xf32>
    %mul3A_12 = arith.mulf %get3A_3, %mul3A : vector<1000x128xf32>
    %get3A_13 = arith.constant 0 : index
    %get3A_14 = arith.constant 0 : index
    %get3A_15 = vector.load %arg5[%get3A_13, %get3A_14] : memref<128x128xf32, #tpu.memory_space<vmem>>, vector<128x128xf32>
    %dot_general3A = arith.constant dense<0.000000e+00> : vector<1000x128xf32>
    %dot_general3A_16 = tpu.matmul %mul3A_12, %get3A_15, %dot_general3A {dimension_numbers = #tpu.dot_dimension_numbers<[1], [0], [0], [1], [0, 0, 1, 1], [], []>, transpose_lhs_hint = false} : vector<1000x128xf32>, vector<128x128xf32>, vector<1000x128xf32> -> vector<1000x128xf32>
    %max3A_17 = arith.constant 0.000000e+00 : f32
    %max3A_18 = vector.broadcast %max3A_17 : f32 to vector<1000x128xf32>
    %max3A_19 = arith.maximumf %dot_general3A_16, %max3A_18 : vector<1000x128xf32>
    %get3A_20 = arith.constant 0 : index
    %get3A_21 = arith.constant 0 : index
    %get3A_22 = vector.load %arg4[%get3A_20, %get3A_21] : memref<1000x128xf32, #tpu.memory_space<vmem>>, vector<1000x128xf32>
    %add3A = arith.addf %max3A_19, %get3A_22 : vector<1000x128xf32>
    %swap3A = arith.constant 0 : index
    %swap3A_23 = arith.constant 0 : index
    %swap3A_24 = vector.load %arg6[%swap3A, %swap3A_23] : memref<1000x128xf32, #tpu.memory_space<vmem>>, vector<1000x128xf32>
    tpu.vector_store %arg6[%swap3A, %swap3A_23], %add3A {strides = array<i32>} : memref<1000x128xf32, #tpu.memory_space<vmem>>, vector<1000x128xf32>,
    return
  }
  func.func @transform_0(%arg0: i32, %arg1: i32) -> (i32, i32, i32) {
    %c0_i32 = arith.constant 0 : i32
    %c0_i32_0 = arith.constant 0 : i32
    return %arg0, %arg1, %c0_i32 : i32, i32, i32
  }
  func.func @transform_1(%arg0: i32, %arg1: i32) -> (i32, i32, i32) {
    %c0_i32 = arith.constant 0 : i32
    %c0_i32_0 = arith.constant 0 : i32
    return %arg0, %arg1, %c0_i32 : i32, i32, i32
  }
  func.func @transform_2(%arg0: i32, %arg1: i32) -> (i32, i32) {
    %c0_i32 = arith.constant 0 : i32
    %c0_i32_0 = arith.constant 0 : i32
    return %arg1, %c0_i32 : i32, i32
  }
  func.func @transform_3(%arg0: i32, %arg1: i32) -> (i32, i32) {
    %c0_i32 = arith.constant 0 : i32
    %c0_i32_0 = arith.constant 0 : i32
    %c0_i32_1 = arith.constant 0 : i32
    return %c0_i32, %c0_i32_0 : i32, i32
  }
  func.func @transform_4(%arg0: i32, %arg1: i32) -> (i32, i32) {
    %mul3A = arith.constant 10 : i32
    %mul3A_0 = arith.muli %arg0, %mul3A : i32
    %add3A = arith.addi %mul3A_0, %arg1 : i32
    %c0_i32 = arith.constant 0 : i32
    %c0_i32_1 = arith.constant 0 : i32
    return %add3A, %c0_i32 : i32, i32
  }
}

module attributes {stable_mosaic.version = 14 : i64} {
  func.func @_layer_readout_body(%arg0: i32, %arg1: i32, %arg2: memref<1x1000x128xf32, #tpu.memory_space<vmem>>, %arg3: memref<1x1000x128xf32, #tpu.memory_space<vmem>>, %arg4: memref<1000x128xf32, #tpu.memory_space<vmem>>, %arg5: memref<128x128xf32, #tpu.memory_space<vmem>>, %arg6: memref<1x1x1000xi32, #tpu.memory_space<vmem>>, %arg7: memref<1x256x128xf32, #tpu.memory_space<vmem>>, %arg8: memref<1x256xf32, #tpu.memory_space<vmem>>) attributes {dimension_semantics = [#tpu.dimension_semantics<arbitrary>, #tpu.dimension_semantics<arbitrary>], iteration_bounds = array<i64: 2, 10>, scalar_prefetch = 0 : i64, scratch_operands = 0 : i64, tpu.core_type = #tpu.core_type<tc>, window_params = [{transform_indices = @transform_0, window_bounds = array<i64: 1, 1000, 128>}, {transform_indices = @transform_1, window_bounds = array<i64: 1, 1000, 128>}, {transform_indices = @transform_2, window_bounds = array<i64: 1000, 128>}, {pipeline_mode = #tpu.pipeline_mode<synchronous>, transform_indices = @transform_3, window_bounds = array<i64: 128, 128>}, {transform_indices = @transform_4, window_bounds = array<i64: 1, 1, 1000>}, {transform_indices = @transform_5, window_bounds = array<i64: 1, 256, 128>}, {pipeline_mode = #tpu.pipeline_mode<synchronous>, transform_indices = @transform_6, window_bounds = array<i64: 1, 256>}]} {
    %get3A = arith.constant 0 : index
    %get3A_0 = arith.constant 0 : index
    %get3A_1 = arith.constant 0 : index
    %get3A_2 = vector.load %arg2[%get3A, %get3A_0, %get3A_1] : memref<1x1000x128xf32, #tpu.memory_space<vmem>>, vector<1x1000x128xf32>
    %get3A_3 = vector.shape_cast %get3A_2 : vector<1x1000x128xf32> to vector<1000x128xf32>
    %get3A_4 = arith.constant 0 : index
    %get3A_5 = arith.constant 0 : index
    %get3A_6 = arith.constant 0 : index
    %get3A_7 = vector.load %arg3[%get3A_4, %get3A_5, %get3A_6] : memref<1x1000x128xf32, #tpu.memory_space<vmem>>, vector<1x1000x128xf32>
    %get3A_8 = vector.shape_cast %get3A_7 : vector<1x1000x128xf32> to vector<1000x128xf32>
    %slice3A = vector.extract_strided_slice %get3A_8 {offsets = [0, 0], sizes = [1000, 1], strides = [1, 1]} : vector<1000x128xf32> to vector<1000x1xf32>
    %jit3A = arith.constant 1.000000e+00 : f32
    %max3A = vector.broadcast %jit3A : f32 to vector<1000x1xf32>
    %max3A_9 = arith.maximumf %max3A, %slice3A : vector<1000x1xf32>
    %div3A = arith.constant 1.000000e+00 : f32
    %div3A_10 = vector.broadcast %div3A : f32 to vector<1000x1xf32>
    %div3A_11 = arith.divf %div3A_10, %max3A_9 : vector<1000x1xf32>
    %mul3A = vector.broadcast %div3A_11 : vector<1000x1xf32> to vector<1000x128xf32>
    %mul3A_12 = arith.mulf %get3A_3, %mul3A : vector<1000x128xf32>
    %get3A_13 = arith.constant 0 : index
    %get3A_14 = arith.constant 0 : index
    %get3A_15 = vector.load %arg5[%get3A_13, %get3A_14] : memref<128x128xf32, #tpu.memory_space<vmem>>, vector<128x128xf32>
    %dot_general3A = arith.constant dense<0.000000e+00> : vector<1000x128xf32>
    %dot_general3A_16 = tpu.matmul %mul3A_12, %get3A_15, %dot_general3A {dimension_numbers = #tpu.dot_dimension_numbers<[1], [0], [0], [1], [0, 0, 1, 1], [], []>, transpose_lhs_hint = false} : vector<1000x128xf32>, vector<128x128xf32>, vector<1000x128xf32> -> vector<1000x128xf32>
    %max3A_17 = arith.constant 0.000000e+00 : f32
    %max3A_18 = vector.broadcast %max3A_17 : f32 to vector<1000x128xf32>
    %max3A_19 = arith.maximumf %dot_general3A_16, %max3A_18 : vector<1000x128xf32>
    %get3A_20 = arith.constant 0 : index
    %get3A_21 = arith.constant 0 : index
    %get3A_22 = vector.load %arg4[%get3A_20, %get3A_21] : memref<1000x128xf32, #tpu.memory_space<vmem>>, vector<1000x128xf32>
    %add3A = arith.addf %max3A_19, %get3A_22 : vector<1000x128xf32>
    %get3A_23 = arith.constant 0 : index
    %get3A_24 = arith.constant 0 : index
    %get3A_25 = arith.constant 0 : index
    %get3A_26 = vector.load %arg6[%get3A_23, %get3A_24, %get3A_25] : memref<1x1x1000xi32, #tpu.memory_space<vmem>>, vector<1x1x1000xi32>
    %get3A_27 = vector.shape_cast %get3A_26 : vector<1x1x1000xi32> to vector<1x1000xi32>
    %iota3A = tpu.iota {dimensions = array<i32: 0>} : vector<256x1000xi32>
    %eq3A = vector.broadcast %get3A_27 : vector<1x1000xi32> to vector<256x1000xi32>
    %eq3A_28 = arith.cmpi eq, %iota3A, %eq3A : vector<256x1000xi32>
    %convert_element_type3A = arith.extui %eq3A_28 : vector<256x1000xi1> to vector<256x1000xi32>
    %convert_element_type3A_29 = arith.sitofp %convert_element_type3A : vector<256x1000xi32> to vector<256x1000xf32>
    %dot_general3A_30 = arith.constant dense<0.000000e+00> : vector<256x128xf32>
    %dot_general3A_31 = tpu.matmul %convert_element_type3A_29, %add3A, %dot_general3A_30 {dimension_numbers = #tpu.dot_dimension_numbers<[1], [0], [0], [1], [0, 0, 1, 1], [], []>, transpose_lhs_hint = false} : vector<256x1000xf32>, vector<1000x128xf32>, vector<256x128xf32> -> vector<256x128xf32>
    %eq3A_32 = arith.constant 0 : i32
    %eq3A_33 = arith.cmpi eq, %arg1, %eq3A_32 : i32
    %convert_element_type3A_34 = arith.extui %eq3A_33 : i1 to i32
    %cond3A = arith.constant 0 : i32
    %cond3A_35 = arith.cmpi ne, %convert_element_type3A_34, %cond3A : i32
    scf.if %cond3A_35 {
      %swap3A = arith.constant 0 : index
      %swap3A_52 = arith.constant 0 : index
      %swap3A_53 = arith.constant 0 : index
      %swap3A_54 = vector.load %arg7[%swap3A, %swap3A_52, %swap3A_53] : memref<1x256x128xf32, #tpu.memory_space<vmem>>, vector<1x256x128xf32>
      %swap3A_55 = vector.shape_cast %swap3A_54 : vector<1x256x128xf32> to vector<256x128xf32>
      %swap3A_56 = vector.shape_cast %dot_general3A_31 : vector<256x128xf32> to vector<1x256x128xf32>
      tpu.vector_store %arg7[%swap3A, %swap3A_52, %swap3A_53], %swap3A_56 {strides = array<i32>} : memref<1x256x128xf32, #tpu.memory_space<vmem>>, vector<1x256x128xf32>,
    } else {
    }
    %gt3A = arith.constant 0 : i32
    %gt3A_36 = arith.cmpi sgt, %arg1, %gt3A : i32
    %convert_element_type3A_37 = arith.extui %gt3A_36 : i1 to i32
    %cond3A_38 = arith.constant 0 : i32
    %cond3A_39 = arith.cmpi ne, %convert_element_type3A_37, %cond3A_38 : i32
    scf.if %cond3A_39 {
      %get3A_52 = arith.constant 0 : index
      %get3A_53 = arith.constant 0 : index
      %get3A_54 = arith.constant 0 : index
      %get3A_55 = vector.load %arg7[%get3A_52, %get3A_53, %get3A_54] : memref<1x256x128xf32, #tpu.memory_space<vmem>>, vector<1x256x128xf32>
      %get3A_56 = vector.shape_cast %get3A_55 : vector<1x256x128xf32> to vector<256x128xf32>
      %add3A_57 = arith.addf %get3A_56, %dot_general3A_31 : vector<256x128xf32>
      %swap3A = arith.constant 0 : index
      %swap3A_58 = arith.constant 0 : index
      %swap3A_59 = arith.constant 0 : index
      %swap3A_60 = vector.load %arg7[%swap3A, %swap3A_58, %swap3A_59] : memref<1x256x128xf32, #tpu.memory_space<vmem>>, vector<1x256x128xf32>
      %swap3A_61 = vector.shape_cast %swap3A_60 : vector<1x256x128xf32> to vector<256x128xf32>
      %swap3A_62 = vector.shape_cast %add3A_57 : vector<256x128xf32> to vector<1x256x128xf32>
      tpu.vector_store %arg7[%swap3A, %swap3A_58, %swap3A_59], %swap3A_62 {strides = array<i32>} : memref<1x256x128xf32, #tpu.memory_space<vmem>>, vector<1x256x128xf32>,
    } else {
    }
    %eq3A_40 = arith.constant 0 : i32
    %eq3A_41 = arith.cmpi eq, %arg0, %eq3A_40 : i32
    %eq3A_42 = arith.constant 0 : i32
    %eq3A_43 = arith.cmpi eq, %arg1, %eq3A_42 : i32
    %and3A = arith.andi %eq3A_41, %eq3A_43 : i1
    %convert_element_type3A_44 = arith.extui %and3A : i1 to i32
    %cond3A_45 = arith.constant 0 : i32
    %cond3A_46 = arith.cmpi ne, %convert_element_type3A_44, %cond3A_45 : i32
    scf.if %cond3A_46 {
      %broadcast_in_dim3A = arith.constant 0.000000e+00 : f32
      %broadcast_in_dim3A_52 = vector.broadcast %broadcast_in_dim3A : f32 to vector<1x256xf32>
      %swap3A = arith.constant 0 : index
      %swap3A_53 = arith.constant 0 : index
      %swap3A_54 = vector.load %arg8[%swap3A, %swap3A_53] : memref<1x256xf32, #tpu.memory_space<vmem>>, vector<1x256xf32>
      tpu.vector_store %arg8[%swap3A, %swap3A_53], %broadcast_in_dim3A_52 {strides = array<i32>} : memref<1x256xf32, #tpu.memory_space<vmem>>, vector<1x256xf32>,
    } else {
    }
    %eq3A_47 = arith.constant 0 : i32
    %eq3A_48 = arith.cmpi eq, %arg0, %eq3A_47 : i32
    %convert_element_type3A_49 = arith.extui %eq3A_48 : i1 to i32
    %cond3A_50 = arith.constant 0 : i32
    %cond3A_51 = arith.cmpi ne, %convert_element_type3A_49, %cond3A_50 : i32
    scf.if %cond3A_51 {
      %get3A_52 = arith.constant 0 : index
      %get3A_53 = arith.constant 0 : index
      %get3A_54 = vector.load %arg8[%get3A_52, %get3A_53] : memref<1x256xf32, #tpu.memory_space<vmem>>, vector<1x256xf32>
      %get3A_55 = vector.shape_cast %get3A_54 : vector<1x256xf32> to vector<256xf32>
      %reduce_sum3A = arith.constant dense<0.000000e+00> : vector<256xf32>
      %reduce_sum3A_56 = vector.multi_reduction <add>, %convert_element_type3A_29, %reduce_sum3A [1] : vector<256x1000xf32> to vector<256xf32>
      %add3A_57 = arith.addf %get3A_55, %reduce_sum3A_56 : vector<256xf32>
      %swap3A = arith.constant 0 : index
      %swap3A_58 = arith.constant 0 : index
      %swap3A_59 = vector.load %arg8[%swap3A, %swap3A_58] : memref<1x256xf32, #tpu.memory_space<vmem>>, vector<1x256xf32>
      %swap3A_60 = vector.shape_cast %swap3A_59 : vector<1x256xf32> to vector<256xf32>
      %swap3A_61 = vector.shape_cast %add3A_57 : vector<256xf32> to vector<1x256xf32>
      tpu.vector_store %arg8[%swap3A, %swap3A_58], %swap3A_61 {strides = array<i32>} : memref<1x256xf32, #tpu.memory_space<vmem>>, vector<1x256xf32>,
    } else {
    }
    return
  }
  func.func @transform_0(%arg0: i32, %arg1: i32) -> (i32, i32, i32) {
    %c0_i32 = arith.constant 0 : i32
    %c0_i32_0 = arith.constant 0 : i32
    return %arg0, %arg1, %c0_i32 : i32, i32, i32
  }
  func.func @transform_1(%arg0: i32, %arg1: i32) -> (i32, i32, i32) {
    %c0_i32 = arith.constant 0 : i32
    %c0_i32_0 = arith.constant 0 : i32
    return %arg0, %arg1, %c0_i32 : i32, i32, i32
  }
  func.func @transform_2(%arg0: i32, %arg1: i32) -> (i32, i32) {
    %mul3A = arith.constant 10 : i32
    %mul3A_0 = arith.muli %arg0, %mul3A : i32
    %add3A = arith.addi %mul3A_0, %arg1 : i32
    %c0_i32 = arith.constant 0 : i32
    %c0_i32_1 = arith.constant 0 : i32
    return %add3A, %c0_i32 : i32, i32
  }
  func.func @transform_3(%arg0: i32, %arg1: i32) -> (i32, i32) {
    %c0_i32 = arith.constant 0 : i32
    %c0_i32_0 = arith.constant 0 : i32
    %c0_i32_1 = arith.constant 0 : i32
    return %c0_i32, %c0_i32_0 : i32, i32
  }
  func.func @transform_4(%arg0: i32, %arg1: i32) -> (i32, i32, i32) {
    %c0_i32 = arith.constant 0 : i32
    %c0_i32_0 = arith.constant 0 : i32
    %c0_i32_1 = arith.constant 0 : i32
    return %arg1, %c0_i32, %c0_i32_0 : i32, i32, i32
  }
  func.func @transform_5(%arg0: i32, %arg1: i32) -> (i32, i32, i32) {
    %c0_i32 = arith.constant 0 : i32
    %c0_i32_0 = arith.constant 0 : i32
    %c0_i32_1 = arith.constant 0 : i32
    return %arg0, %c0_i32, %c0_i32_0 : i32, i32, i32
  }
  func.func @transform_6(%arg0: i32, %arg1: i32) -> (i32, i32) {
    %c0_i32 = arith.constant 0 : i32
    %c0_i32_0 = arith.constant 0 : i32
    %c0_i32_1 = arith.constant 0 : i32
    return %c0_i32, %c0_i32_0 : i32, i32
  }
}

module attributes {stable_mosaic.version = 14 : i64} {
  func.func @_loss_body(%arg0: memref<2x256x128xf32, #tpu.memory_space<vmem>>, %arg1: memref<1x256xf32, #tpu.memory_space<vmem>>, %arg2: memref<1x1xf32, #tpu.memory_space<vmem>>) attributes {dimension_semantics = [], scalar_prefetch = 0 : i64, scratch_operands = 0 : i64, tpu.core_type = #tpu.core_type<tc>} {
    %get3A = arith.constant 0 : index
    %get3A_0 = arith.constant 0 : index
    %get3A_1 = arith.constant 0 : index
    %get3A_2 = vector.load %arg0[%get3A, %get3A_0, %get3A_1] : memref<2x256x128xf32, #tpu.memory_space<vmem>>, vector<2x256x128xf32>
    %get3A_3 = arith.constant 0 : index
    %get3A_4 = arith.constant 0 : index
    %get3A_5 = vector.load %arg1[%get3A_3, %get3A_4] : memref<1x256xf32, #tpu.memory_space<vmem>>, vector<1x256xf32>
    %get3A_6 = vector.shape_cast %get3A_5 : vector<1x256xf32> to vector<256xf32>
    %jit3A = arith.constant 1.000000e+00 : f32
    %max3A = vector.broadcast %jit3A : f32 to vector<256xf32>
    %max3A_7 = arith.maximumf %max3A, %get3A_6 : vector<256xf32>
    %slice3A = vector.extract_strided_slice %get3A_2 {offsets = [0, 0, 0], sizes = [1, 256, 128], strides = [1, 1, 1]} : vector<2x256x128xf32> to vector<1x256x128xf32>
    %squeeze3A = vector.shape_cast %slice3A : vector<1x256x128xf32> to vector<256x128xf32>
    %broadcast_in_dim3A = vector.shape_cast %max3A_7 : vector<256xf32> to vector<256x1xf32>
    %div3A = vector.broadcast %broadcast_in_dim3A : vector<256x1xf32> to vector<256x128xf32>
    %div3A_8 = arith.divf %squeeze3A, %div3A : vector<256x128xf32>
    %slice3A_9 = vector.extract_strided_slice %get3A_2 {offsets = [1, 0, 0], sizes = [1, 256, 128], strides = [1, 1, 1]} : vector<2x256x128xf32> to vector<1x256x128xf32>
    %squeeze3A_10 = vector.shape_cast %slice3A_9 : vector<1x256x128xf32> to vector<256x128xf32>
    %broadcast_in_dim3A_11 = vector.shape_cast %max3A_7 : vector<256xf32> to vector<256x1xf32>
    %div3A_12 = vector.broadcast %broadcast_in_dim3A_11 : vector<256x1xf32> to vector<256x128xf32>
    %div3A_13 = arith.divf %squeeze3A_10, %div3A_12 : vector<256x128xf32>
    %mul3A = arith.mulf %div3A_8, %div3A_8 : vector<256x128xf32>
    %reduce_sum3A = arith.constant dense<0.000000e+00> : vector<256xf32>
    %reduce_sum3A_14 = vector.multi_reduction <add>, %mul3A, %reduce_sum3A [1] : vector<256x128xf32> to vector<256xf32>
    %broadcast_in_dim3A_15 = vector.shape_cast %reduce_sum3A_14 : vector<256xf32> to vector<256x1xf32>
    %sqrt3A = math.sqrt %broadcast_in_dim3A_15 : vector<256x1xf32>
    %mul3A_16 = arith.mulf %div3A_13, %div3A_13 : vector<256x128xf32>
    %reduce_sum3A_17 = arith.constant dense<0.000000e+00> : vector<256xf32>
    %reduce_sum3A_18 = vector.multi_reduction <add>, %mul3A_16, %reduce_sum3A_17 [1] : vector<256x128xf32> to vector<256xf32>
    %broadcast_in_dim3A_19 = vector.shape_cast %reduce_sum3A_18 : vector<256xf32> to vector<256x1xf32>
    %sqrt3A_20 = math.sqrt %broadcast_in_dim3A_19 : vector<256x1xf32>
    %jit3A_21 = arith.constant 9.99999996E-13 : f32
    %max3A_22 = vector.broadcast %jit3A_21 : f32 to vector<256x1xf32>
    %max3A_23 = arith.maximumf %max3A_22, %sqrt3A : vector<256x1xf32>
    %div3A_24 = vector.broadcast %max3A_23 : vector<256x1xf32> to vector<256x128xf32>
    %div3A_25 = arith.divf %div3A_8, %div3A_24 : vector<256x128xf32>
    %jit3A_26 = arith.constant 9.99999996E-13 : f32
    %max3A_27 = vector.broadcast %jit3A_26 : f32 to vector<256x1xf32>
    %max3A_28 = arith.maximumf %max3A_27, %sqrt3A_20 : vector<256x1xf32>
    %div3A_29 = vector.broadcast %max3A_28 : vector<256x1xf32> to vector<256x128xf32>
    %div3A_30 = arith.divf %div3A_13, %div3A_29 : vector<256x128xf32>
    %dot_general3A = arith.constant dense<0.000000e+00> : vector<256x256xf32>
    %dot_general3A_31 = tpu.matmul %div3A_25, %div3A_25, %dot_general3A {dimension_numbers = #tpu.dot_dimension_numbers<[1], [1], [0], [0], [0, 0, 1, 0], [], []>, transpose_lhs_hint = false} : vector<256x128xf32>, vector<256x128xf32>, vector<256x256xf32> -> vector<256x256xf32>
    %dot_general3A_32 = arith.constant dense<0.000000e+00> : vector<256x256xf32>
    %dot_general3A_33 = tpu.matmul %div3A_30, %div3A_30, %dot_general3A_32 {dimension_numbers = #tpu.dot_dimension_numbers<[1], [1], [0], [0], [0, 0, 1, 0], [], []>, transpose_lhs_hint = false} : vector<256x128xf32>, vector<256x128xf32>, vector<256x256xf32> -> vector<256x256xf32>
    %dot_general3A_34 = arith.constant dense<0.000000e+00> : vector<256x256xf32>
    %dot_general3A_35 = tpu.matmul %div3A_25, %div3A_30, %dot_general3A_34 {dimension_numbers = #tpu.dot_dimension_numbers<[1], [1], [0], [0], [0, 0, 1, 0], [], []>, transpose_lhs_hint = false} : vector<256x128xf32>, vector<256x128xf32>, vector<256x256xf32> -> vector<256x256xf32>
    %exp3A = math.exp %dot_general3A_31 : vector<256x256xf32>
    %exp3A_36 = math.exp %dot_general3A_33 : vector<256x256xf32>
    %exp3A_37 = math.exp %dot_general3A_35 : vector<256x256xf32>
    %iota3A = tpu.iota {dimensions = array<i32: 0>} : vector<256x256xi32>
    %iota3A_38 = tpu.iota {dimensions = array<i32: 1>} : vector<256x256xi32>
    %eq3A = arith.cmpi eq, %iota3A, %iota3A_38 : vector<256x256xi32>
    %broadcast_in_dim3A_39 = arith.constant 0.000000e+00 : f32
    %broadcast_in_dim3A_40 = vector.broadcast %broadcast_in_dim3A_39 : f32 to vector<256x256xf32>
    %select_n3A = arith.select %eq3A, %exp3A, %broadcast_in_dim3A_40 : vector<256x256xi1>, vector<256x256xf32>
    %reduce_sum3A_41 = arith.constant dense<0.000000e+00> : vector<256xf32>
    %reduce_sum3A_42 = vector.multi_reduction <add>, %select_n3A, %reduce_sum3A_41 [1] : vector<256x256xf32> to vector<256xf32>
    %select_n3A_43 = arith.select %eq3A, %exp3A_36, %broadcast_in_dim3A_40 : vector<256x256xi1>, vector<256x256xf32>
    %reduce_sum3A_44 = arith.constant dense<0.000000e+00> : vector<256xf32>
    %reduce_sum3A_45 = vector.multi_reduction <add>, %select_n3A_43, %reduce_sum3A_44 [1] : vector<256x256xf32> to vector<256xf32>
    %select_n3A_46 = arith.select %eq3A, %dot_general3A_35, %broadcast_in_dim3A_40 : vector<256x256xi1>, vector<256x256xf32>
    %reduce_sum3A_47 = arith.constant dense<0.000000e+00> : vector<256xf32>
    %reduce_sum3A_48 = vector.multi_reduction <add>, %select_n3A_46, %reduce_sum3A_47 [1] : vector<256x256xf32> to vector<256xf32>
    %reduce_sum3A_49 = arith.constant dense<0.000000e+00> : vector<256xf32>
    %reduce_sum3A_50 = vector.multi_reduction <add>, %exp3A, %reduce_sum3A_49 [1] : vector<256x256xf32> to vector<256xf32>
    %reduce_sum3A_51 = arith.constant dense<0.000000e+00> : vector<256xf32>
    %reduce_sum3A_52 = vector.multi_reduction <add>, %exp3A_37, %reduce_sum3A_51 [1] : vector<256x256xf32> to vector<256xf32>
    %add3A = arith.addf %reduce_sum3A_50, %reduce_sum3A_52 : vector<256xf32>
    %sub3A = arith.subf %add3A, %reduce_sum3A_42 : vector<256xf32>
    %reduce_sum3A_53 = arith.constant dense<0.000000e+00> : vector<256xf32>
    %reduce_sum3A_54 = vector.multi_reduction <add>, %exp3A_36, %reduce_sum3A_53 [1] : vector<256x256xf32> to vector<256xf32>
    %reduce_sum3A_55 = arith.constant dense<0.000000e+00> : vector<256xf32>
    %reduce_sum3A_56 = vector.multi_reduction <add>, %exp3A_37, %reduce_sum3A_55 [0] : vector<256x256xf32> to vector<256xf32>
    %add3A_57 = arith.addf %reduce_sum3A_54, %reduce_sum3A_56 : vector<256xf32>
    %sub3A_58 = arith.subf %add3A_57, %reduce_sum3A_45 : vector<256xf32>
    %log3A = math.log %sub3A : vector<256xf32>
    %sub3A_59 = arith.subf %log3A, %reduce_sum3A_48 : vector<256xf32>
    %log3A_60 = math.log %sub3A_58 : vector<256xf32>
    %sub3A_61 = arith.subf %log3A_60, %reduce_sum3A_48 : vector<256xf32>
    %add3A_62 = arith.addf %sub3A_59, %sub3A_61 : vector<256xf32>
    %reduce_sum3A_63 = vector.shape_cast %add3A_62 : vector<256xf32> to vector<1x256xf32>
    %reduce_sum3A_64 = arith.constant dense<0.000000e+00> : vector<1xf32>
    %reduce_sum3A_65 = vector.multi_reduction <add>, %reduce_sum3A_63, %reduce_sum3A_64 [1] : vector<1x256xf32> to vector<1xf32>
    %reduce_sum3A_66 = vector.shape_cast %reduce_sum3A_65 : vector<1xf32> to vector<1x1xf32>
    %reduce_sum3A_67 = vector.extract %reduce_sum3A_66[0, 0] : f32 from vector<1x1xf32>
    %div3A_68 = arith.constant 2.560000e+02 : f32
    %div3A_69 = arith.divf %reduce_sum3A_67, %div3A_68 : f32
    %broadcast_in_dim3A_70 = vector.broadcast %div3A_69 : f32 to vector<1x1xf32>
    %swap3A = arith.constant 0 : index
    %swap3A_71 = arith.constant 0 : index
    %swap3A_72 = vector.load %arg2[%swap3A, %swap3A_71] : memref<1x1xf32, #tpu.memory_space<vmem>>, vector<1x1xf32>
    tpu.vector_store %arg2[%swap3A, %swap3A_71], %broadcast_in_dim3A_70 {strides = array<i32>} : memref<1x1xf32, #tpu.memory_space<vmem>>, vector<1x1xf32>,
    return
  }
}

</mosaic_0001>

<sc_bundles>
// kernel: sc_agg_a.3.cloned.1.call-start
scs
__scs_entry_jumppad:
0x0: {  	(pc) =	sbr.rel $0x88, $3  }
0x1: {  	(tag) =	ssettag $0x0;
	lr =	simm.s32 $0x1  }
0x2: {  	[smem:$0x3F9A] =	sst lr;
	_ =	strace $0xD0000000  }
0x3: {  	_ = 	snop  }
0x4: {  	_ = 	snop  }
0x5: {  	_ = 	snop  }
0x6: {  	_ = 	snop  }
0x7: {  	_ = 	snop  }
__scs_overlays_trampoline_lowered:
0x8: {  	[smem:$0x3FA9] =	sst s0  }
0x9: {  	[smem:$0x3FAA] =	sst s1  }
0xa: {  	[smem:$0x3FAB] =	sst s2  }
0xb: {  	[smem:$0x3FAC] =	sst s3  }
0xc: {  	[smem:$0x3FAD] =	sst s4  }
0xd: {  	[smem:$0x3FAE] =	sst s5  }
0xe: {  	[smem:$0x3FAF] =	sst s6  }
0xf: {  	[smem:$0x3FB0] =	sst s7  }
0x10: {  	[smem:$0x3FB1] =	sst s8  }
0x11: {  	[smem:$0x3FB2] =	sst s9;
	s0 =	simm.s32 @!p0 $0x0  }
0x12: {  	s1 =	sld [smem:$0x3F98];
	s0 =	simm.s32 @p0 $0x1  }
0x13: {  	[smem:$0x3FB3] =	sst s0;
	s0 =	simm.s32 @!p1 $0x0  }
0x14: {  	s2 =	sld [smem:$0x3F97];
	s0 =	simm.s32 @p1 $0x1  }
0x15: {  	[smem:$0x3FB4] =	sst s0;
	s0 =	simm.s32 @!p2 $0x0  }
0x16: {  	s3 =	sld [smem:$0x3FDB];
	s0 =	simm.s32 @p2 $0x1  }
0x17: {  	s4 =	simm.s32 $0x1BF5;
	[smem:$0x3FB6] =	sst s0  }
0x18: {  	s0 =	sld [smem:$0x3F99];
	_ =	swait.ge [sflag:s4], $0x0  }
0x19: {  	s7 =	sld [smem:$0x3F9A]  }
0x1a: {  	s8 =	sadd.s32 $0xFFFFE003, lr  }
0x1b: {  	s9 =	sadd.s32 $0xFFFFFEF7, lr;
	s5 =	simm.s32 $0xFFFFFFFF;
	p2 =	slt.u32 s8, $0xFFFFF086  }
0x1c: {  	p1 =	slt.u32 s9, $0xF7A;
	s5 =	simm.s32 @!p2 $0x0  }
0x1d: {  	s5 =	simm.s32 @p1 $0x1;
	p0 =	seq.s32 s7, s2  }
0x1e: {  	s7 =	smul.u32 @!p0 $0xF7A, s2;
	p2 =	seq.s32 @!p0 s5, $0x0  }
0x1f: {  	s9 =	smul.u32 $0xF7A, s1;
	s8 =	simm.s32 @!p0 $0x1BF5;
	p2 =	por !p2, p0  }
0x20: {  	[sflag:s8] =	ssyncset.s32 @!p0 $0xFFFFF086;
	s6 =	sadd.s32 @!p0 s3, s7;
	s7 =	simm.s32 @!p0 $0x108  }
0x21: {  	s3 =	sadd.s32 s3, s9;
	s6 =	sadd.s32 @!p0 $0x88, s6;
	s7 =	simm.s32 @p2 $0x1082  }
0x22: {  	[simem:s7], [sflag:s8] =	dma.local @!p0 [hbm:s6], $0xF7A  }
0x23: {  	s9 =	sor.u32 $0xD0000000, s2;
	s6 =	simm.s32 $0x108;
	_ =	swait.ge @!p0 [sflag:s8], $0x0  }
0x24: {  	s3 =	sadd.s32 $0x88, s3;
	s6 =	simm.s32 @!p1 $0x1082;
	[sflag:s4] =	ssyncset.s32 $0xFFFFF086  }
0x25: {  	[simem:s6], [sflag:s4] =	dma.local [hbm:s3], $0xF7A  }
0x26: {  	[smem:$0x3F9A] =	sst s1;
	(tag) =	ssettag s2;
	_ =	strace s9  }
0x27: {  	s1 =	sld [smem:$0x3FAA]  }
0x28: {  	s2 =	sld [smem:$0x3FAB]  }
0x29: {  	s4 =	sld [smem:$0x3FAD]  }
0x2a: {  	p0 =	seq.s32 s5, $0x0;
	s5 =	sld [smem:$0x3FAE]  }
0x2b: {  	s6 =	sld [smem:$0x3FAF]  }
0x2c: {  	s7 =	sld [smem:$0x3FB0]  }
0x2d: {  	s3 =	simm.s32 $0x108;
	s8 =	sld [smem:$0x3FB1]  }
0x2e: {  	s3 =	simm.s32 @!p0 $0x1082;
	s9 =	sld [smem:$0x3FB2]  }
0x2f: {  	lr =	sadd.s32 s0, s3;
	s0 =	sld [smem:$0x3FA9]  }
0x30: {  	s3 =	sld [smem:$0x3FAC]  }
0x31: {  	[smem:$0x3FB5] =	sst s10  }
0x32: {  	s10 =	sld [smem:$0x3FB3];
	_ =	sdelay $0x3  }
0x33: {  	p0 =	seq.s32 s10, $0x1;
	s10 =	sld [smem:$0x3FB5];
	_ =	sdelay $0x3  }
0x34: {  	[smem:$0x3FB5] =	sst s10  }
0x35: {  	s10 =	sld [smem:$0x3FB4];
	_ =	sdelay $0x3  }
0x36: {  	p1 =	seq.s32 s10, $0x1;
	s10 =	sld [smem:$0x3FB5];
	_ =	sdelay $0x3  }
0x37: {  	[smem:$0x3FB5] =	sst s10  }
0x38: {  	s10 =	sld [smem:$0x3FB6]  }
0x39: {  	_ = 	snop;
	(pc) =	sbr.ind lr, $3  }
0x3a: {  	_ = 	snop  }
0x3b: {  	_ = 	snop  }
0x3c: {  	p2 =	seq.s32 s10, $0x1;
	s10 =	sld [smem:$0x3FB5]  }
0x3d: {  	_ =	shalt  }
0x3e: {  	_ =	shalt  }
0x3f: {  	_ =	shalt  }
0x40: {  	_ =	shalt  }
0x41: {  	_ =	shalt  }
0x42: {  	_ =	shalt  }
0x43: {  	_ =	shalt  }
0x44: {  	_ =	shalt  }
0x45: {  	_ =	shalt  }
0x46: {  	_ =	shalt  }
0x47: {  	_ =	shalt  }
0x48: {  	_ =	shalt  }
0x49: {  	_ =	shalt  }
0x4a: {  	_ =	shalt  }
0x4b: {  	_ =	shalt  }
0x4c: {  	_ =	shalt  }
0x4d: {  	_ =	shalt  }
0x4e: {  	_ =	shalt  }
0x4f: {  	_ =	shalt  }
0x50: {  	_ =	shalt  }
0x51: {  	_ =	shalt  }
0x52: {  	_ =	shalt  }
0x53: {  	_ =	shalt  }
0x54: {  	_ =	shalt  }
0x55: {  	_ =	shalt  }
0x56: {  	_ =	shalt  }
0x57: {  	_ =	shalt  }
0x58: {  	_ =	shalt  }
0x59: {  	_ =	shalt  }
0x5a: {  	_ =	shalt  }
0x5b: {  	_ =	shalt  }
0x5c: {  	_ =	shalt  }
0x5d: {  	_ =	shalt  }
0x5e: {  	_ =	shalt  }
0x5f: {  	_ =	shalt  }
0x60: {  	_ =	shalt  }
0x61: {  	_ =	shalt  }
0x62: {  	_ =	shalt  }
0x63: {  	_ =	shalt  }
0x64: {  	_ =	shalt  }
0x65: {  	_ =	shalt  }
0x66: {  	_ =	shalt  }
0x67: {  	_ =	shalt  }
0x68: {  	_ =	shalt  }
0x69: {  	_ =	shalt  }
0x6a: {  	_ =	shalt  }
0x6b: {  	_ =	shalt  }
0x6c: {  	_ =	shalt  }
0x6d: {  	_ =	shalt  }
0x6e: {  	_ =	shalt  }
0x6f: {  	_ =	shalt  }
0x70: {  	_ =	shalt  }
0x71: {  	_ =	shalt  }
0x72: {  	_ =	shalt  }
0x73: {  	_ =	shalt  }
0x74: {  	_ =	shalt  }
0x75: {  	_ =	shalt  }
0x76: {  	_ =	shalt  }
0x77: {  	_ =	shalt  }
0x78: {  	_ =	shalt  }
0x79: {  	_ =	shalt  }
0x7a: {  	_ =	shalt  }
0x7b: {  	_ =	shalt  }
0x7c: {  	_ =	shalt  }
0x7d: {  	_ =	shalt  }
0x7e: {  	_ =	shalt  }
0x7f: {  	_ =	shalt  }
0x80: {  	_ =	shalt  }
0x81: {  	_ =	shalt  }
0x82: {  	_ =	shalt  }
0x83: {  	_ =	shalt  }
0x84: {  	_ =	shalt  }
0x85: {  	_ =	shalt  }
0x86: {  	_ =	shalt  }
0x87: {  	_ =	shalt  }
.Lfunc_end0:
.L_simem_size_0:
called_computation.1_lowered:
.L_overlay_start_0:
0x88: {  	s0 =	sld [smem:$0x3FD9]  }
0x89: {  	s1 =	sld [smem:$0x3FFE];
	_ =	sdelay $0x3  }
0x8a: {  	s0 =	sadd.s32 s1, s0  }
0x8b: {  	[smem:$0x3FC1] =	sst s0  }
0x8c: {  	_ = 	snop  }
0x8d: {  	(tm) =	ssettm $0x1  }
0x8e: {  	s15 =	sld [smem:$0x3FFB];
	_ =	sdelay $0x3  }
0x8f: {  	_ =	strace s15  }
0x90: {  	s0 =	sld [smem:$0x3FFC];
	_ =	sdelay $0x3  }
0x91: {  	_ =	strace s0  }
0x92: {  	s0 =	sld [smem:$0x3FFD];
	_ =	sdelay $0x3  }
0x93: {  	_ =	strace s0  }
0x94: {  	_ =	strace $0x8FFFFFFF  }
0x95: {  	s16 =	sld [smem:$0x3FDB];
	_ =	sdelay $0x1  }
0x96: {  	s17 =	simm.s32 $_scs_section_size  }
0x97: {  	s2 =	simm.s32 $_size__tile_overlayer_lowered;
	s3 =	simm.s32 $_tile_overlayer_lowered  }
0x98: {  	s20 =	simm.s32 $0x1BFF;
	s19 =	sshll.u32 s3, $0x1;
	s0 =	sadd.s32 s17, s16  }
0x99: {  	s4 =	simm.s32 $0x0;
	s18 =	sshll.u32 s2, $0x1;
	s2 =	sadd.s32 s19, s0  }
0x9a: {  	[timem:s4], [sflag:s20] =	dma.local [hbm:s2], s18  }
0x9b: {  	_ =	swait.ge [sflag:s20], s18  }
0x9c: {  	s1 =	ssub.s32 $0x0, s18;
	[sflag:s20] =	ssyncset.done $0x0  }
0x9d: {  	[sflag:s20] =	ssyncadd.s32 s1;
	_ =	sdelay $0x1  }
0x9e: {  	s21 =	simm.s32 $0x1B8B  }
0x9f: {  	_ =	swait.ge [sflag:s21], $0x1  }
0xa0: {  	[sflag:s21] =	ssyncset.done $0x0  }
0xa1: {  	s23 =	simm.s32 $0x1B8E;
	s22 =	sld [smem:$0x3FFE];
	[sflag:s21] =	ssyncadd.s32 $0xFFFFFFFF  }
0xa2: {  	s24 =	simm.s32 $execute0_lowered;
	[smem:$0x3FD2] =	sst s23  }
0xa3: {  	s2 =	sshll.u32 s24, $0x1;
	_ =	strace $0x80000046;
	[dreg:$0x1] =	wrdreg $0xFFFFFFFF  }
0xa4: {  	s25 =	simm.s32 $_size_execute0_lowered;
	s0 =	sadd.s32 s0, s2;
	[dreg:$0x0] =	wrdreg $0x0  }
0xa5: {  	s2 =	sshll.u32 s25, $0x1;
	[dreg:$0x2] =	wrdreg s0  }
0xa6: {  	[dreg:$0x3] =	wrdreg s2  }
0xa7: {  	[dreg:$0x4] =	wrdreg $0xC0  }
0xa8: {  	_ =	task [dreg:s4], $0x5FFFF  }
0xa9: {  	[dreg:$0x1] =	wrdreg $0xFFFFFFFF  }
0xaa: {  	[dreg:$0x0] =	wrdreg $0x60  }
0xab: {  	[dreg:$0x2] =	wrdreg s22  }
0xac: {  	[dreg:$0x3] =	wrdreg $0x84000  }
0xad: {  	[dreg:$0x4] =	wrdreg $0xA  }
0xae: {  	_ =	task.clear_ibuf [dreg:s4], $0x5FFFF;
	_ =	strace $0x90000046  }
0xaf: {  	s26 =	simm.s32 $0xA;
	_ =	strace $0x80000048  }
0xb0: {  	_ =	swait.ge [sflag:s26], $0x1  }
0xb1: {  	[sflag:s26] =	ssyncadd.s32 $0xFFFFFFFF  }
0xb2: {  	_ =	strace $0x90000048  }
0xb3: {  	_ =	sfence  }
0xb4: {  	s28 =	sld [smem:$0x0];
	_ =	sdelay $0x1  }
0xb5: {  	s29 =	srdreg.scid  }
0xb6: {  	s30 =	sshll.u32 s29, $0xD;
	s31 =	sshrl.u32 s29, $0x2  }
0xb7: {  	s1 =	sand.u32 $0x1, s29;
	s2 =	sand.u32 $0x4000, s30;
	s0 =	sadd.s32 s31, s28  }
0xb8: {  	s1 =	sor.u32 s2, s1;
	s0 =	sshll.u32 s0, $0x11  }
0xb9: {  	s0 =	sor.u32 s0, s1  }
0xba: {  	s0 =	sadd.s32 $0x8F2B, s0  }
0xbb: {  	[sflag:s0] =	ssyncadd.remote.s32 $0x1  }
0xbc: {  	_ =	sfence.sel $0xFFFF  }
0xbd: {  	[dreg:$0x0] =	wrdreg $0xFFFFFFFF;
	(pc) =	sbr.abs _section_cstart, $3  }
0xbe: {  	[dreg:$0x1] =	wrdreg $0xFFFFFFFF  }
0xbf: {  	_ =	task.clear_ibuf [dreg:s4], $0x2FFFF;
	_ =	strace $0x9FFFFFFF  }
0xc0: {  	(tm) =	ssettm $0x7FFFFFFF  }
0xc1: {  	_ =	shalt  }
tec
execute0_lowered:
.L_overlay_start_1:
0x0: {  	(tag) =	ssettag $0x1  }
0x1: {  	s1 =	rddreg [dreg:$0x0]  }
0x2: {  	s2 =	rddreg [dreg:$0x1]  }
0x3: {  	s0 =	rddreg [dreg:$0x2]  }
0x4: {  	s3 =	simm.s32 $0x0;
	s5 =	simm.s32 $0x0;
	s6 =	simm.s32 $0x200  }
0x5: {  	[smem:$0x7FF] =	sst s3;
	s3 =	sadd.s32 $0x2A00, s1;
	s4 =	sadd.s32 $0x29C00, s1  }
0x6: {  	v0 =	vimm.f32 $0.0e+00;
	s11 =	sadd.s32 $0x79C00, s1;
	s1 =	stileid.u32;
	_ =	strace $0x80000047  }
.LBB2_1:
0x7: {  	p0 =	sne.s32 s6, $0xFE00;
	[tilespmem:s5+$0x470] =	vst v0  }
0x8: {  	[tilespmem:s5+$0x400] =	vst v0  }
0x9: {  	[tilespmem:s5+$0x410] =	vst v0  }
.Ltmp0:
0xa: {  	[tilespmem:s5+$0x420] =	vst v0;
	(pc) =	sbr.rel @p0 .LBB2_1-.Ltmp0, $4  }
0xb: {  	[tilespmem:s5+$0x430] =	vst v0  }
0xc: {  	[tilespmem:s5+$0x440] =	vst v0  }
0xd: {  	[tilespmem:s5+$0x450] =	vst v0  }
0xe: {  	[tilespmem:s5+$0x460] =	vst v0;
	s5 =	sshra.s32 s6, $0x2;
	s6 =	sadd.s32 $0x200, s6  }
0xf: {  	[tilespmem:s5+$0x470] =	vst v0  }
0x10: {  	[tilespmem:s5+$0x400] =	vst v0  }
0x11: {  	[tilespmem:s5+$0x410] =	vst v0  }
0x12: {  	[tilespmem:s5+$0x420] =	vst v0  }
0x13: {  	[tilespmem:s5+$0x430] =	vst v0;
	s6 =	smul.u32 $0x50000, s1  }
0x14: {  	[tilespmem:s5+$0x440] =	vst v0  }
0x15: {  	[tilespmem:s5+$0x450] =	vst v0;
	s6 =	sshrl.u32 s6, $0x2  }
0x16: {  	[tilespmem:s5+$0x460] =	vst v0;
	s12 =	simm.s32 $0x400;
	s13 =	simm.s32 $0x3;
	s6 =	sadd.s32 s6, s2  }
0x17: {  	[spmem:s6] =	stream.linear.scatter [tilespmem:s12], [sflag:$0x3], $0x4000, $0x38;
	[tilespmem:$0x1C400] =	vst v63  }
0x18: {  	_ =	swait.ge [sflag:s13], $0x4000  }
0x19: {  	[sflag:s13] =	ssyncset.done $0x0  }
0x1a: {  	s7 =	sadd.s32 $0x4000, s6;
	[sflag:s13] =	ssyncadd.s32 $0xFFFFC000  }
0x1b: {  	[spmem:s7] =	stream.linear.scatter [tilespmem:s12], [sflag:$0x3], $0x4000, $0x38;
	[tilespmem:$0x1C400] =	vst v63  }
0x1c: {  	_ =	swait.ge [sflag:s13], $0x4000  }
0x1d: {  	[sflag:s13] =	ssyncset.done $0x0  }
0x1e: {  	s8 =	sadd.s32 $0x8000, s6;
	[sflag:s13] =	ssyncadd.s32 $0xFFFFC000  }
0x1f: {  	[spmem:s8] =	stream.linear.scatter [tilespmem:s12], [sflag:$0x3], $0x4000, $0x38;
	[tilespmem:$0x1C400] =	vst v63  }
0x20: {  	_ =	swait.ge [sflag:s13], $0x4000  }
0x21: {  	[sflag:s13] =	ssyncset.done $0x0  }
0x22: {  	s9 =	sadd.s32 $0xC000, s6;
	[sflag:s13] =	ssyncadd.s32 $0xFFFFC000  }
0x23: {  	[spmem:s9] =	stream.linear.scatter [tilespmem:s12], [sflag:$0x3], $0x4000, $0x38;
	[tilespmem:$0x1C400] =	vst v63  }
0x24: {  	_ =	swait.ge [sflag:s13], $0x4000  }
0x25: {  	[sflag:s13] =	ssyncset.done $0x0  }
0x26: {  	s10 =	sadd.s32 $0x10000, s6;
	[sflag:s13] =	ssyncadd.s32 $0xFFFFC000  }
0x27: {  	[spmem:s10] =	stream.linear.scatter [tilespmem:s12], [sflag:$0x3], $0x4000, $0x38;
	[tilespmem:$0x1C400] =	vst v63  }
0x28: {  	s31 =	smul.u32 $0xA000, s1;
	_ =	swait.ge [sflag:s13], $0x4000  }
0x29: {  	[sflag:s13] =	ssyncset.done $0x0  }
0x2a: {  	s5 =	sshrl.u32 s31, $0x3;
	[sflag:s13] =	ssyncadd.s32 $0xFFFFC000  }
0x2b: {  	s14 =	simm.s32 $0x0;
	s5 =	sadd.s32 s4, s5;
	[bflag:$0x0] =	sbarrier.arrive $0xFFFF  }
0x2c: {  	[tilespmem:s14], [sflag:$0x3] =	stream.linear.gather [hbm4b:s5+s14], $0x100, $0x38;
	[tilespmem:$0x1C400] =	vst v63  }
0x2d: {  	_ =	swait.ge [sflag:s13], $0x100  }
0x2e: {  	s15 =	simm.s32 $0x100;
	[sflag:s13] =	ssyncset.done $0x0  }
0x2f: {  	s18 =	simm.s32 $0x4400;
	s16 =	sadd.s32 $0x20, s5;
	[sflag:s13] =	ssyncadd.s32 $0xFFFFFF00  }
0x30: {  	[tilespmem:s15], [sflag:$0x3] =	stream.linear.gather [hbm4b:s16+s14], $0x100, $0x38;
	[tilespmem:$0x1C400] =	vst v63  }
0x31: {  	s19 =	smul.u32 $0x1400, s1;
	s20 =	simm.s32 $0x1;
	_ =	swait.ge [sflag:s13], $0x100  }
0x32: {  	s21 =	simm.s32 $0x300;
	s22 =	simm.s32 $0x2;
	[sflag:s13] =	ssyncset.done $0x0  }
0x33: {  	s17 =	sadd.s32 $0x40, s5;
	s16 =	simm.s32 $0x200;
	[sflag:s13] =	ssyncadd.s32 $0xFFFFFF00  }
0x34: {  	[tilespmem:s16], [sflag:$0x2] =	stream.linear.gather [hbm4b:s17+s14], $0x100, $0x38;
	[tilespmem:$0x1C400] =	vst v63  }
0x35: {  	s23 =	simm.s32 $0x180;
	s24 =	simm.s32 $0x280;
	s17 =	simm.s32 $0x80  }
0x36: {  	[tilespmem:s12], [sflag:$0x1] =	stream.indirect.gather [hbm4b:s3+s17], $0x80, s14, s17, $0xb8;
	[tilespmem:$0x1C400] =	vst v63  }
0x37: {  	s25 =	simm.s32 $0x380;
	s4 =	sadd.s32 s19, s4;
	s19 =	simm.s32 $0xFFFFEC80  }
0x38: {  	[tilespmem:s18], [sflag:$0x1] =	stream.indirect.gather [hbm4b:s3+s17], $0x80, s15, s17, $0xb8;
	[tilespmem:$0x1C400] =	vst v63  }
.LBB2_3:
0x39: {  	_ =	swait.ge [sflag:s20], $0x4000  }
0x3a: {  	[sflag:s20] =	ssyncset.done $0x0  }
0x3b: {  	[sflag:s20] =	ssyncadd.s32 $0xFFFFC000  }
0x3c: {  	[spmem:s2] =	stream.indirect.scatter.add.f32 [tilespmem:s12], [sflag:$0x3], $0x80, s17, s17, $0xb8;
	[tilespmem:$0x1C400] =	vst v63  }
0x3d: {  	_ =	swait.ge [sflag:s13], $0x4000  }
0x3e: {  	s26 =	sadd.s32 s19, s4;
	[sflag:s13] =	ssyncset.done $0x0  }
0x3f: {  	s28 =	sadd.s32 $0x13E0, s26;
	[sflag:s13] =	ssyncadd.s32 $0xFFFFC000  }
0x40: {  	[tilespmem:s21], [sflag:$0x2] =	stream.linear.gather [hbm4b:s28+s14], $0x100, $0x38;
	[tilespmem:$0x1C400] =	vst v63  }
0x41: {  	_ =	swait.ge [sflag:s22], $0x100  }
0x42: {  	[sflag:s22] =	ssyncset.done $0x0  }
0x43: {  	[sflag:s22] =	ssyncadd.s32 $0xFFFFFF00  }
0x44: {  	[tilespmem:s12], [sflag:$0x1] =	stream.indirect.gather [hbm4b:s3+s17], $0x80, s16, s17, $0xb8;
	[tilespmem:$0x1C400] =	vst v63  }
0x45: {  	_ =	swait.ge [sflag:s20], $0x4000  }
0x46: {  	[sflag:s20] =	ssyncset.done $0x0  }
0x47: {  	[sflag:s20] =	ssyncadd.s32 $0xFFFFC000  }
0x48: {  	[spmem:s2] =	stream.indirect.scatter.add.f32 [tilespmem:s18], [sflag:$0x3], $0x80, s23, s17, $0xb8;
	[tilespmem:$0x1C400] =	vst v63  }
0x49: {  	p0 =	seq.s32 s19, $0x0;
	_ =	swait.ge [sflag:s13], $0x4000  }
0x4a: {  	s28 =	sadd.s32 @!p0 s19, s4;
	[sflag:s13] =	ssyncset.done $0x0  }
0x4b: {  	s29 =	simm.s32 @!p0 $0x0;
	s28 =	sadd.s32 @!p0 $0x1400, s28;
	[sflag:s13] =	ssyncadd.s32 $0xFFFFC000  }
0x4c: {  	[tilespmem:s29], [sflag:$0x2] =	stream.linear.gather @!p0 [hbm4b:s28+s29], $0x100, $0x38;
	[tilespmem:$0x1C400] =	vst v63  }
0x4d: {  	_ =	swait.ge [sflag:s22], $0x100  }
0x4e: {  	[sflag:s22] =	ssyncset.done $0x0  }
0x4f: {  	[sflag:s22] =	ssyncadd.s32 $0xFFFFFF00  }
0x50: {  	[tilespmem:s18], [sflag:$0x1] =	stream.indirect.gather [hbm4b:s3+s17], $0x80, s21, s17, $0xb8;
	[tilespmem:$0x1C400] =	vst v63  }
0x51: {  	_ =	swait.ge [sflag:s20], $0x4000  }
0x52: {  	[sflag:s20] =	ssyncset.done $0x0  }
.Ltmp1:
0x53: {  	[sflag:s20] =	ssyncadd.s32 $0xFFFFC000;
	(pc) =	sbr.rel @p0 .LBB2_5-.Ltmp1, $4  }
0x54: {  	[spmem:s2] =	stream.indirect.scatter.add.f32 [tilespmem:s12], [sflag:$0x3], $0x80, s24, s17, $0xb8;
	[tilespmem:$0x1C400] =	vst v63  }
0x55: {  	_ =	swait.ge [sflag:s13], $0x4000  }
0x56: {  	[sflag:s13] =	ssyncset.done $0x0  }
0x57: {  	[sflag:s13] =	ssyncadd.s32 $0xFFFFC000  }
0x58: {  	s28 =	sadd.s32 $0x1420, s26  }
0x59: {  	[tilespmem:s15], [sflag:$0x2] =	stream.linear.gather [hbm4b:s28+s14], $0x100, $0x38;
	[tilespmem:$0x1C400] =	vst v63  }
0x5a: {  	_ =	swait.ge [sflag:s22], $0x100  }
0x5b: {  	[sflag:s22] =	ssyncset.done $0x0  }
0x5c: {  	[sflag:s22] =	ssyncadd.s32 $0xFFFFFF00  }
0x5d: {  	[tilespmem:s12], [sflag:$0x1] =	stream.indirect.gather [hbm4b:s3+s17], $0x80, s14, s17, $0xb8;
	[tilespmem:$0x1C400] =	vst v63  }
0x5e: {  	_ =	swait.ge [sflag:s20], $0x4000  }
0x5f: {  	[sflag:s20] =	ssyncset.done $0x0  }
0x60: {  	[sflag:s20] =	ssyncadd.s32 $0xFFFFC000  }
0x61: {  	[spmem:s2] =	stream.indirect.scatter.add.f32 [tilespmem:s18], [sflag:$0x3], $0x80, s25, s17, $0xb8;
	[tilespmem:$0x1C400] =	vst v63  }
0x62: {  	_ =	swait.ge [sflag:s13], $0x4000  }
0x63: {  	[sflag:s13] =	ssyncset.done $0x0  }
0x64: {  	s31 =	sadd.s32 $0x1440, s26;
	[sflag:s13] =	ssyncadd.s32 $0xFFFFC000  }
0x65: {  	[tilespmem:s16], [sflag:$0x2] =	stream.linear.gather [hbm4b:s31+s14], $0x100, $0x38;
	[tilespmem:$0x1C400] =	vst v63  }
.Ltmp2:
0x66: {  	_ = 	snop;
	(pc) =	sbr.rel .LBB2_3-.Ltmp2, $4  }
0x67: {  	_ =	swait.ge [sflag:s22], $0x100  }
0x68: {  	[sflag:s22] =	ssyncset.done $0x0  }
0x69: {  	s19 =	sadd.s32 $0x80, s19;
	[sflag:s22] =	ssyncadd.s32 $0xFFFFFF00  }
0x6a: {  	[tilespmem:s18], [sflag:$0x1] =	stream.indirect.gather [hbm4b:s3+s17], $0x80, s15, s17, $0xb8;
	[tilespmem:$0x1C400] =	vst v63  }
.LBB2_5:
0x6b: {  	s12 =	simm.s32 $0x1  }
0x6c: {  	s28 =	simm.s32 $0x80;
	_ =	swait.ge [sflag:s12], $0x4000  }
0x6d: {  	s13 =	simm.s32 $0x380;
	s14 =	simm.s32 $0x4400;
	[sflag:s12] =	ssyncset.done $0x0  }
0x6e: {  	s29 =	simm.s32 $0x3;
	s30 =	smul.u32 $0x14000, s1;
	[sflag:s12] =	ssyncadd.s32 $0xFFFFC000  }
0x6f: {  	[spmem:s2] =	stream.indirect.scatter.add.f32 [tilespmem:s14], [sflag:$0x3], $0x80, s13, s28, $0xb8;
	[tilespmem:$0x1C400] =	vst v63  }
0x70: {  	_ =	swait.ge [sflag:s29], $0x4000  }
0x71: {  	s12 =	sshrl.u32 s30, $0x3;
	[sflag:s29] =	ssyncset.done $0x0  }
0x72: {  	s31 =	sshll.u32 s1, $0x6;
	s11 =	sadd.s32 s11, s12;
	[sflag:s29] =	ssyncadd.s32 $0xFFFFC000  }
0x73: {  	s12 =	sor.u32 $0x1C03, s31;
	s13 =	sshrl.u32 s6, $0x3;
	[bflag:$0x0] =	sbarrier.arrive $0xFFFF  }
0x74: {  	[hbm:s11], [sflag:s12] =	dma.local [spmem:s13], $0x2800  }
0x75: {  	_ =	swait.ge [sflag:s29], $0x2800  }
0x76: {  	[sflag:s29] =	ssyncset.done $0x0  }
0x77: {  	[sflag:s29] =	ssyncadd.s32 $0xFFFFD800  }
0x78: {  	v0 =	vimm.f32 $0.0e+00;
	s15 =	simm.s32 $0x200;
	s14 =	simm.s32 $0x0;
	[bflag:$0x0] =	sbarrier.arrive $0xFFFF  }
.LBB2_6:
0x79: {  	p0 =	sne.s32 s15, $0xFE00;
	[tilespmem:s14+$0x470] =	vst v0  }
0x7a: {  	[tilespmem:s14+$0x400] =	vst v0  }
0x7b: {  	[tilespmem:s14+$0x410] =	vst v0  }
.Ltmp3:
0x7c: {  	[tilespmem:s14+$0x420] =	vst v0;
	(pc) =	sbr.rel @p0 .LBB2_6-.Ltmp3, $4  }
0x7d: {  	[tilespmem:s14+$0x430] =	vst v0  }
0x7e: {  	[tilespmem:s14+$0x440] =	vst v0  }
0x7f: {  	[tilespmem:s14+$0x450] =	vst v0  }
0x80: {  	[tilespmem:s14+$0x460] =	vst v0;
	s14 =	sshra.s32 s15, $0x2;
	s15 =	sadd.s32 $0x200, s15  }
0x81: {  	[tilespmem:s14+$0x470] =	vst v0  }
0x82: {  	[tilespmem:s14+$0x400] =	vst v0  }
0x83: {  	[tilespmem:s14+$0x410] =	vst v0  }
0x84: {  	[tilespmem:s14+$0x420] =	vst v0  }
0x85: {  	[tilespmem:s14+$0x430] =	vst v0  }
0x86: {  	[tilespmem:s14+$0x440] =	vst v0  }
0x87: {  	[tilespmem:s14+$0x450] =	vst v0  }
0x88: {  	[tilespmem:s14+$0x460] =	vst v0;
	s14 =	simm.s32 $0x400  }
0x89: {  	[spmem:s6] =	stream.linear.scatter [tilespmem:s14], [sflag:$0x3], $0x4000, $0x38;
	[tilespmem:$0x1C400] =	vst v63  }
0x8a: {  	s6 =	simm.s32 $0x3  }
0x8b: {  	_ =	swait.ge [sflag:s6], $0x4000  }
0x8c: {  	[sflag:s6] =	ssyncset.done $0x0  }
0x8d: {  	[sflag:s6] =	ssyncadd.s32 $0xFFFFC000  }
0x8e: {  	[spmem:s7] =	stream.linear.scatter [tilespmem:s14], [sflag:$0x3], $0x4000, $0x38;
	[tilespmem:$0x1C400] =	vst v63  }
0x8f: {  	_ =	swait.ge [sflag:s6], $0x4000  }
0x90: {  	[sflag:s6] =	ssyncset.done $0x0  }
0x91: {  	[sflag:s6] =	ssyncadd.s32 $0xFFFFC000  }
0x92: {  	[spmem:s8] =	stream.linear.scatter [tilespmem:s14], [sflag:$0x3], $0x4000, $0x38;
	[tilespmem:$0x1C400] =	vst v63  }
0x93: {  	_ =	swait.ge [sflag:s6], $0x4000  }
0x94: {  	[sflag:s6] =	ssyncset.done $0x0  }
0x95: {  	[sflag:s6] =	ssyncadd.s32 $0xFFFFC000  }
0x96: {  	[spmem:s9] =	stream.linear.scatter [tilespmem:s14], [sflag:$0x3], $0x4000, $0x38;
	[tilespmem:$0x1C400] =	vst v63  }
0x97: {  	_ =	swait.ge [sflag:s6], $0x4000  }
0x98: {  	[sflag:s6] =	ssyncset.done $0x0  }
0x99: {  	[sflag:s6] =	ssyncadd.s32 $0xFFFFC000  }
0x9a: {  	[spmem:s10] =	stream.linear.scatter [tilespmem:s14], [sflag:$0x3], $0x4000, $0x38;
	[tilespmem:$0x1C400] =	vst v63  }
0x9b: {  	_ =	swait.ge [sflag:s6], $0x4000  }
0x9c: {  	[sflag:s6] =	ssyncset.done $0x0  }
0x9d: {  	[sflag:s6] =	ssyncadd.s32 $0xFFFFC000  }
0x9e: {  	s29 =	sadd.s32 $0x14000, s5;
	s7 =	simm.s32 $0x0;
	[bflag:$0x0] =	sbarrier.arrive $0xFFFF  }
0x9f: {  	[tilespmem:s7], [sflag:$0x3] =	stream.linear.gather [hbm4b:s29+s7], $0x100, $0x38;
	[tilespmem:$0x1C400] =	vst v63  }
0xa0: {  	_ =	swait.ge [sflag:s6], $0x100  }
0xa1: {  	[sflag:s6] =	ssyncset.done $0x0  }
0xa2: {  	s30 =	sadd.s32 $0x14020, s5;
	s8 =	simm.s32 $0x100;
	[sflag:s6] =	ssyncadd.s32 $0xFFFFFF00  }
0xa3: {  	[tilespmem:s8], [sflag:$0x3] =	stream.linear.gather [hbm4b:s30+s7], $0x100, $0x38;
	[tilespmem:$0x1C400] =	vst v63  }
0xa4: {  	s31 =	sadd.s32 $0x14040, s5;
	_ =	swait.ge [sflag:s6], $0x100  }
0xa5: {  	s5 =	simm.s32 $0x200;
	s15 =	simm.s32 $0xFFFFEC80;
	[sflag:s6] =	ssyncset.done $0x0  }
0xa6: {  	s16 =	simm.s32 $0x1;
	s17 =	simm.s32 $0x300;
	[sflag:s6] =	ssyncadd.s32 $0xFFFFFF00  }
0xa7: {  	[tilespmem:s5], [sflag:$0x2] =	stream.linear.gather [hbm4b:s31+s7], $0x100, $0x38;
	[tilespmem:$0x1C400] =	vst v63  }
0xa8: {  	s18 =	simm.s32 $0x2;
	s19 =	simm.s32 $0x180;
	s9 =	simm.s32 $0x80  }
0xa9: {  	[tilespmem:s14], [sflag:$0x1] =	stream.indirect.gather [hbm4b:s3+s9], $0x80, s7, s9, $0xb8;
	[tilespmem:$0x1C400] =	vst v63  }
0xaa: {  	s20 =	simm.s32 $0x280;
	s21 =	simm.s32 $0x380;
	s10 =	simm.s32 $0x4400  }
0xab: {  	[tilespmem:s10], [sflag:$0x1] =	stream.indirect.gather [hbm4b:s3+s9], $0x80, s8, s9, $0xb8;
	[tilespmem:$0x1C400] =	vst v63  }
.LBB2_8:
0xac: {  	_ =	swait.ge [sflag:s16], $0x4000  }
0xad: {  	[sflag:s16] =	ssyncset.done $0x0  }
0xae: {  	[sflag:s16] =	ssyncadd.s32 $0xFFFFC000  }
0xaf: {  	[spmem:s2] =	stream.indirect.scatter.add.f32 [tilespmem:s14], [sflag:$0x3], $0x80, s9, s9, $0xb8;
	[tilespmem:$0x1C400] =	vst v63  }
0xb0: {  	_ =	swait.ge [sflag:s6], $0x4000  }
0xb1: {  	s22 =	sadd.s32 s15, s4;
	[sflag:s6] =	ssyncset.done $0x0  }
0xb2: {  	s23 =	sadd.s32 $0x153E0, s22;
	[sflag:s6] =	ssyncadd.s32 $0xFFFFC000  }
0xb3: {  	[tilespmem:s17], [sflag:$0x2] =	stream.linear.gather [hbm4b:s23+s7], $0x100, $0x38;
	[tilespmem:$0x1C400] =	vst v63  }
0xb4: {  	_ =	swait.ge [sflag:s18], $0x100  }
0xb5: {  	[sflag:s18] =	ssyncset.done $0x0  }
0xb6: {  	[sflag:s18] =	ssyncadd.s32 $0xFFFFFF00  }
0xb7: {  	[tilespmem:s14], [sflag:$0x1] =	stream.indirect.gather [hbm4b:s3+s9], $0x80, s5, s9, $0xb8;
	[tilespmem:$0x1C400] =	vst v63  }
0xb8: {  	_ =	swait.ge [sflag:s16], $0x4000  }
0xb9: {  	[sflag:s16] =	ssyncset.done $0x0  }
0xba: {  	[sflag:s16] =	ssyncadd.s32 $0xFFFFC000  }
0xbb: {  	[spmem:s2] =	stream.indirect.scatter.add.f32 [tilespmem:s10], [sflag:$0x3], $0x80, s19, s9, $0xb8;
	[tilespmem:$0x1C400] =	vst v63  }
0xbc: {  	p0 =	seq.s32 s15, $0x0;
	_ =	swait.ge [sflag:s6], $0x4000  }
0xbd: {  	s23 =	sadd.s32 @!p0 s15, s4;
	[sflag:s6] =	ssyncset.done $0x0  }
0xbe: {  	s24 =	simm.s32 @!p0 $0x0;
	s23 =	sadd.s32 @!p0 $0x15400, s23;
	[sflag:s6] =	ssyncadd.s32 $0xFFFFC000  }
0xbf: {  	[tilespmem:s24], [sflag:$0x2] =	stream.linear.gather @!p0 [hbm4b:s23+s24], $0x100, $0x38;
	[tilespmem:$0x1C400] =	vst v63  }
0xc0: {  	_ =	swait.ge [sflag:s18], $0x100  }
0xc1: {  	[sflag:s18] =	ssyncset.done $0x0  }
0xc2: {  	[sflag:s18] =	ssyncadd.s32 $0xFFFFFF00  }
0xc3: {  	[tilespmem:s10], [sflag:$0x1] =	stream.indirect.gather [hbm4b:s3+s9], $0x80, s17, s9, $0xb8;
	[tilespmem:$0x1C400] =	vst v63  }
0xc4: {  	_ =	swait.ge [sflag:s16], $0x4000  }
0xc5: {  	[sflag:s16] =	ssyncset.done $0x0  }
.Ltmp4:
0xc6: {  	[sflag:s16] =	ssyncadd.s32 $0xFFFFC000;
	(pc) =	sbr.rel @p0 .LBB2_10-.Ltmp4, $4  }
0xc7: {  	[spmem:s2] =	stream.indirect.scatter.add.f32 [tilespmem:s14], [sflag:$0x3], $0x80, s20, s9, $0xb8;
	[tilespmem:$0x1C400] =	vst v63  }
0xc8: {  	_ =	swait.ge [sflag:s6], $0x4000  }
0xc9: {  	[sflag:s6] =	ssyncset.done $0x0  }
0xca: {  	[sflag:s6] =	ssyncadd.s32 $0xFFFFC000  }
0xcb: {  	s23 =	sadd.s32 $0x15420, s22  }
0xcc: {  	[tilespmem:s8], [sflag:$0x2] =	stream.linear.gather [hbm4b:s23+s7], $0x100, $0x38;
	[tilespmem:$0x1C400] =	vst v63  }
0xcd: {  	_ =	swait.ge [sflag:s18], $0x100  }
0xce: {  	[sflag:s18] =	ssyncset.done $0x0  }
0xcf: {  	[sflag:s18] =	ssyncadd.s32 $0xFFFFFF00  }
0xd0: {  	[tilespmem:s14], [sflag:$0x1] =	stream.indirect.gather [hbm4b:s3+s9], $0x80, s7, s9, $0xb8;
	[tilespmem:$0x1C400] =	vst v63  }
0xd1: {  	_ =	swait.ge [sflag:s16], $0x4000  }
0xd2: {  	[sflag:s16] =	ssyncset.done $0x0  }
0xd3: {  	[sflag:s16] =	ssyncadd.s32 $0xFFFFC000  }
0xd4: {  	[spmem:s2] =	stream.indirect.scatter.add.f32 [tilespmem:s10], [sflag:$0x3], $0x80, s21, s9, $0xb8;
	[tilespmem:$0x1C400] =	vst v63  }
0xd5: {  	_ =	swait.ge [sflag:s6], $0x4000  }
0xd6: {  	[sflag:s6] =	ssyncset.done $0x0  }
0xd7: {  	s31 =	sadd.s32 $0x15440, s22;
	[sflag:s6] =	ssyncadd.s32 $0xFFFFC000  }
0xd8: {  	[tilespmem:s5], [sflag:$0x2] =	stream.linear.gather [hbm4b:s31+s7], $0x100, $0x38;
	[tilespmem:$0x1C400] =	vst v63  }
.Ltmp5:
0xd9: {  	_ = 	snop;
	(pc) =	sbr.rel .LBB2_8-.Ltmp5, $4  }
0xda: {  	_ =	swait.ge [sflag:s18], $0x100  }
0xdb: {  	[sflag:s18] =	ssyncset.done $0x0  }
0xdc: {  	s15 =	sadd.s32 $0x80, s15;
	[sflag:s18] =	ssyncadd.s32 $0xFFFFFF00  }
0xdd: {  	[tilespmem:s10], [sflag:$0x1] =	stream.indirect.gather [hbm4b:s3+s9], $0x80, s8, s9, $0xb8;
	[tilespmem:$0x1C400] =	vst v63  }
.LBB2_10:
0xde: {  	s3 =	simm.s32 $0x1  }
0xdf: {  	_ =	swait.ge [sflag:s3], $0x4000  }
0xe0: {  	s29 =	simm.s32 $0x80;
	s4 =	simm.s32 $0x380;
	[sflag:s3] =	ssyncset.done $0x0  }
0xe1: {  	s5 =	simm.s32 $0x4400;
	s30 =	simm.s32 $0x3;
	[sflag:s3] =	ssyncadd.s32 $0xFFFFC000  }
0xe2: {  	[spmem:s2] =	stream.indirect.scatter.add.f32 [tilespmem:s5], [sflag:$0x3], $0x80, s4, s29, $0xb8;
	[tilespmem:$0x1C400] =	vst v63  }
0xe3: {  	_ =	swait.ge [sflag:s30], $0x4000  }
0xe4: {  	[sflag:s30] =	ssyncset.done $0x0  }
0xe5: {  	[sflag:s30] =	ssyncadd.s32 $0xFFFFC000  }
0xe6: {  	s31 =	sadd.s32 $0x28000, s11;
	[bflag:$0x0] =	sbarrier.arrive $0xFFFF  }
0xe7: {  	[hbm:s31], [sflag:s12] =	dma.local [spmem:s13], $0x2800  }
0xe8: {  	_ =	swait.ge [sflag:s30], $0x2800  }
0xe9: {  	[sflag:s30] =	ssyncset.done $0x0  }
0xea: {  	[sflag:s30] =	ssyncadd.s32 $0xFFFFD800  }
0xeb: {  	[bflag:$0x0] =	sbarrier.arrive $0xFFFF  }
0xec: {  	_ =	sfence.sel $0x180000  }
0xed: {  	[bflag:$0x0] =	sbarrier.arrive $0xFFFF  }
0xee: {  	p0 =	sne.s32 s1, $0x0;
	_ =	strace $0x90000047  }
0xef: {  	s0 =	sadd.s32 @!p0 $0x100000, s0;
	[bflag:$0x2] =	sbarrier.arrive $0xFFFF  }
0xf0: {  	[sflag:s0] =	ssyncadd.tile.s32 @!p0 $0x1;
	_ =	shalt  }
.Lfunc_end2:
_tile_overlayer_lowered:
.L_overlay_start_2:
0xf1: {  	(tag) =	ssettag $0x2  }
0xf2: {  	s0 =	rddreg [dreg:$0x0];
	s2 =	stileid.u32  }
0xf3: {  	s1 =	rddreg [dreg:$0x1];
	p0 =	sne.s32 s2, $0x0  }
0xf4: {  	s3 =	rddreg [dreg:$0x2];
	[bflag:$0x3] =	sbarrier.arrive $0xFFFF;
	s2 =	simm.s32 @!p0 $0x1C03  }
0xf5: {  	[timem:s3], [sflag:s2] =	dma.local @!p0 [hbm:s0], s1  }
0xf6: {  	s0 =	simm.s32 @!p0 $0x3  }
0xf7: {  	_ =	swait.ge @!p0 [sflag:s0], s1  }
0xf8: {  	s1 =	ssub.s32 @!p0 $0x0, s1;
	[sflag:s0] =	ssyncset.done @!p0 $0x0  }
0xf9: {  	[sflag:s0] =	ssyncadd.s32 @!p0 s1  }
0xfa: {  	[bflag:$0x3] =	sbarrier.arrive $0xFFFF  }
0xfb: {  	_ =	shalt  }

// kernel: sc_agg_b.3.cloned.1.call-start
scs
__scs_entry_jumppad:
0x0: {  	(pc) =	sbr.rel $0x88, $3  }
0x1: {  	(tag) =	ssettag $0x0;
	lr =	simm.s32 $0x1  }
0x2: {  	[smem:$0x3F9A] =	sst lr;
	_ =	strace $0xD0000000  }
0x3: {  	_ = 	snop  }
0x4: {  	_ = 	snop  }
0x5: {  	_ = 	snop  }
0x6: {  	_ = 	snop  }
0x7: {  	_ = 	snop  }
__scs_overlays_trampoline_lowered:
0x8: {  	[smem:$0x3FA9] =	sst s0  }
0x9: {  	[smem:$0x3FAA] =	sst s1  }
0xa: {  	[smem:$0x3FAB] =	sst s2  }
0xb: {  	[smem:$0x3FAC] =	sst s3  }
0xc: {  	[smem:$0x3FAD] =	sst s4  }
0xd: {  	[smem:$0x3FAE] =	sst s5  }
0xe: {  	[smem:$0x3FAF] =	sst s6  }
0xf: {  	[smem:$0x3FB0] =	sst s7  }
0x10: {  	[smem:$0x3FB1] =	sst s8  }
0x11: {  	[smem:$0x3FB2] =	sst s9;
	s0 =	simm.s32 @!p0 $0x0  }
0x12: {  	s1 =	sld [smem:$0x3F98];
	s0 =	simm.s32 @p0 $0x1  }
0x13: {  	[smem:$0x3FB3] =	sst s0;
	s0 =	simm.s32 @!p1 $0x0  }
0x14: {  	s2 =	sld [smem:$0x3F97];
	s0 =	simm.s32 @p1 $0x1  }
0x15: {  	[smem:$0x3FB4] =	sst s0;
	s0 =	simm.s32 @!p2 $0x0  }
0x16: {  	s3 =	sld [smem:$0x3FDB];
	s0 =	simm.s32 @p2 $0x1  }
0x17: {  	s4 =	simm.s32 $0x1BF5;
	[smem:$0x3FB6] =	sst s0  }
0x18: {  	s0 =	sld [smem:$0x3F99];
	_ =	swait.ge [sflag:s4], $0x0  }
0x19: {  	s7 =	sld [smem:$0x3F9A]  }
0x1a: {  	s8 =	sadd.s32 $0xFFFFE003, lr  }
0x1b: {  	s9 =	sadd.s32 $0xFFFFFEF7, lr;
	s5 =	simm.s32 $0xFFFFFFFF;
	p2 =	slt.u32 s8, $0xFFFFF086  }
0x1c: {  	p1 =	slt.u32 s9, $0xF7A;
	s5 =	simm.s32 @!p2 $0x0  }
0x1d: {  	s5 =	simm.s32 @p1 $0x1;
	p0 =	seq.s32 s7, s2  }
0x1e: {  	s7 =	smul.u32 @!p0 $0xF7A, s2;
	p2 =	seq.s32 @!p0 s5, $0x0  }
0x1f: {  	s9 =	smul.u32 $0xF7A, s1;
	s8 =	simm.s32 @!p0 $0x1BF5;
	p2 =	por !p2, p0  }
0x20: {  	[sflag:s8] =	ssyncset.s32 @!p0 $0xFFFFF086;
	s6 =	sadd.s32 @!p0 s3, s7;
	s7 =	simm.s32 @!p0 $0x108  }
0x21: {  	s3 =	sadd.s32 s3, s9;
	s6 =	sadd.s32 @!p0 $0x88, s6;
	s7 =	simm.s32 @p2 $0x1082  }
0x22: {  	[simem:s7], [sflag:s8] =	dma.local @!p0 [hbm:s6], $0xF7A  }
0x23: {  	s9 =	sor.u32 $0xD0000000, s2;
	s6 =	simm.s32 $0x108;
	_ =	swait.ge @!p0 [sflag:s8], $0x0  }
0x24: {  	s3 =	sadd.s32 $0x88, s3;
	s6 =	simm.s32 @!p1 $0x1082;
	[sflag:s4] =	ssyncset.s32 $0xFFFFF086  }
0x25: {  	[simem:s6], [sflag:s4] =	dma.local [hbm:s3], $0xF7A  }
0x26: {  	[smem:$0x3F9A] =	sst s1;
	(tag) =	ssettag s2;
	_ =	strace s9  }
0x27: {  	s1 =	sld [smem:$0x3FAA]  }
0x28: {  	s2 =	sld [smem:$0x3FAB]  }
0x29: {  	s4 =	sld [smem:$0x3FAD]  }
0x2a: {  	p0 =	seq.s32 s5, $0x0;
	s5 =	sld [smem:$0x3FAE]  }
0x2b: {  	s6 =	sld [smem:$0x3FAF]  }
0x2c: {  	s7 =	sld [smem:$0x3FB0]  }
0x2d: {  	s3 =	simm.s32 $0x108;
	s8 =	sld [smem:$0x3FB1]  }
0x2e: {  	s3 =	simm.s32 @!p0 $0x1082;
	s9 =	sld [smem:$0x3FB2]  }
0x2f: {  	lr =	sadd.s32 s0, s3;
	s0 =	sld [smem:$0x3FA9]  }
0x30: {  	s3 =	sld [smem:$0x3FAC]  }
0x31: {  	[smem:$0x3FB5] =	sst s10  }
0x32: {  	s10 =	sld [smem:$0x3FB3];
	_ =	sdelay $0x3  }
0x33: {  	p0 =	seq.s32 s10, $0x1;
	s10 =	sld [smem:$0x3FB5];
	_ =	sdelay $0x3  }
0x34: {  	[smem:$0x3FB5] =	sst s10  }
0x35: {  	s10 =	sld [smem:$0x3FB4];
	_ =	sdelay $0x3  }
0x36: {  	p1 =	seq.s32 s10, $0x1;
	s10 =	sld [smem:$0x3FB5];
	_ =	sdelay $0x3  }
0x37: {  	[smem:$0x3FB5] =	sst s10  }
0x38: {  	s10 =	sld [smem:$0x3FB6]  }
0x39: {  	_ = 	snop;
	(pc) =	sbr.ind lr, $3  }
0x3a: {  	_ = 	snop  }
0x3b: {  	_ = 	snop  }
0x3c: {  	p2 =	seq.s32 s10, $0x1;
	s10 =	sld [smem:$0x3FB5]  }
0x3d: {  	_ =	shalt  }
0x3e: {  	_ =	shalt  }
0x3f: {  	_ =	shalt  }
0x40: {  	_ =	shalt  }
0x41: {  	_ =	shalt  }
0x42: {  	_ =	shalt  }
0x43: {  	_ =	shalt  }
0x44: {  	_ =	shalt  }
0x45: {  	_ =	shalt  }
0x46: {  	_ =	shalt  }
0x47: {  	_ =	shalt  }
0x48: {  	_ =	shalt  }
0x49: {  	_ =	shalt  }
0x4a: {  	_ =	shalt  }
0x4b: {  	_ =	shalt  }
0x4c: {  	_ =	shalt  }
0x4d: {  	_ =	shalt  }
0x4e: {  	_ =	shalt  }
0x4f: {  	_ =	shalt  }
0x50: {  	_ =	shalt  }
0x51: {  	_ =	shalt  }
0x52: {  	_ =	shalt  }
0x53: {  	_ =	shalt  }
0x54: {  	_ =	shalt  }
0x55: {  	_ =	shalt  }
0x56: {  	_ =	shalt  }
0x57: {  	_ =	shalt  }
0x58: {  	_ =	shalt  }
0x59: {  	_ =	shalt  }
0x5a: {  	_ =	shalt  }
0x5b: {  	_ =	shalt  }
0x5c: {  	_ =	shalt  }
0x5d: {  	_ =	shalt  }
0x5e: {  	_ =	shalt  }
0x5f: {  	_ =	shalt  }
0x60: {  	_ =	shalt  }
0x61: {  	_ =	shalt  }
0x62: {  	_ =	shalt  }
0x63: {  	_ =	shalt  }
0x64: {  	_ =	shalt  }
0x65: {  	_ =	shalt  }
0x66: {  	_ =	shalt  }
0x67: {  	_ =	shalt  }
0x68: {  	_ =	shalt  }
0x69: {  	_ =	shalt  }
0x6a: {  	_ =	shalt  }
0x6b: {  	_ =	shalt  }
0x6c: {  	_ =	shalt  }
0x6d: {  	_ =	shalt  }
0x6e: {  	_ =	shalt  }
0x6f: {  	_ =	shalt  }
0x70: {  	_ =	shalt  }
0x71: {  	_ =	shalt  }
0x72: {  	_ =	shalt  }
0x73: {  	_ =	shalt  }
0x74: {  	_ =	shalt  }
0x75: {  	_ =	shalt  }
0x76: {  	_ =	shalt  }
0x77: {  	_ =	shalt  }
0x78: {  	_ =	shalt  }
0x79: {  	_ =	shalt  }
0x7a: {  	_ =	shalt  }
0x7b: {  	_ =	shalt  }
0x7c: {  	_ =	shalt  }
0x7d: {  	_ =	shalt  }
0x7e: {  	_ =	shalt  }
0x7f: {  	_ =	shalt  }
0x80: {  	_ =	shalt  }
0x81: {  	_ =	shalt  }
0x82: {  	_ =	shalt  }
0x83: {  	_ =	shalt  }
0x84: {  	_ =	shalt  }
0x85: {  	_ =	shalt  }
0x86: {  	_ =	shalt  }
0x87: {  	_ =	shalt  }
.Lfunc_end0:
.L_simem_size_0:
called_computation.2_lowered:
.L_overlay_start_0:
0x88: {  	s0 =	sld [smem:$0x3FD9]  }
0x89: {  	s1 =	sld [smem:$0x3FFE];
	_ =	sdelay $0x3  }
0x8a: {  	s0 =	sadd.s32 s1, s0  }
0x8b: {  	[smem:$0x3FC1] =	sst s0  }
0x8c: {  	_ = 	snop  }
0x8d: {  	(tm) =	ssettm $0x1  }
0x8e: {  	s15 =	sld [smem:$0x3FFB];
	_ =	sdelay $0x3  }
0x8f: {  	_ =	strace s15  }
0x90: {  	s0 =	sld [smem:$0x3FFC];
	_ =	sdelay $0x3  }
0x91: {  	_ =	strace s0  }
0x92: {  	s0 =	sld [smem:$0x3FFD];
	_ =	sdelay $0x3  }
0x93: {  	_ =	strace s0  }
0x94: {  	_ =	strace $0x8FFFFFFF  }
0x95: {  	s16 =	sld [smem:$0x3FDB];
	_ =	sdelay $0x1  }
0x96: {  	s17 =	simm.s32 $_scs_section_size  }
0x97: {  	s2 =	simm.s32 $_size__tile_overlayer_lowered;
	s3 =	simm.s32 $_tile_overlayer_lowered  }
0x98: {  	s20 =	simm.s32 $0x1BFF;
	s19 =	sshll.u32 s3, $0x1;
	s0 =	sadd.s32 s17, s16  }
0x99: {  	s4 =	simm.s32 $0x0;
	s18 =	sshll.u32 s2, $0x1;
	s2 =	sadd.s32 s19, s0  }
0x9a: {  	[timem:s4], [sflag:s20] =	dma.local [hbm:s2], s18  }
0x9b: {  	_ =	swait.ge [sflag:s20], s18  }
0x9c: {  	s1 =	ssub.s32 $0x0, s18;
	[sflag:s20] =	ssyncset.done $0x0  }
0x9d: {  	[sflag:s20] =	ssyncadd.s32 s1;
	_ =	sdelay $0x1  }
0x9e: {  	s21 =	simm.s32 $0x1B8B  }
0x9f: {  	_ =	swait.ge [sflag:s21], $0x1  }
0xa0: {  	[sflag:s21] =	ssyncset.done $0x0  }
0xa1: {  	s23 =	simm.s32 $0x1B8E;
	s22 =	sld [smem:$0x3FFE];
	[sflag:s21] =	ssyncadd.s32 $0xFFFFFFFF  }
0xa2: {  	s24 =	simm.s32 $execute0_lowered;
	[smem:$0x3FD2] =	sst s23  }
0xa3: {  	s2 =	sshll.u32 s24, $0x1;
	_ =	strace $0x8000004C;
	[dreg:$0x1] =	wrdreg $0xFFFFFFFF  }
0xa4: {  	s25 =	simm.s32 $_size_execute0_lowered;
	s0 =	sadd.s32 s0, s2;
	[dreg:$0x0] =	wrdreg $0x0  }
0xa5: {  	s2 =	sshll.u32 s25, $0x1;
	[dreg:$0x2] =	wrdreg s0  }
0xa6: {  	[dreg:$0x3] =	wrdreg s2  }
0xa7: {  	[dreg:$0x4] =	wrdreg $0xC0  }
0xa8: {  	_ =	task [dreg:s4], $0x5FFFF  }
0xa9: {  	[dreg:$0x1] =	wrdreg $0xFFFFFFFF  }
0xaa: {  	[dreg:$0x0] =	wrdreg $0x60  }
0xab: {  	[dreg:$0x2] =	wrdreg s22  }
0xac: {  	[dreg:$0x3] =	wrdreg $0x84000  }
0xad: {  	[dreg:$0x4] =	wrdreg $0x9  }
0xae: {  	_ =	task.clear_ibuf [dreg:s4], $0x5FFFF;
	_ =	strace $0x9000004C  }
0xaf: {  	s26 =	simm.s32 $0x9;
	_ =	strace $0x8000004E  }
0xb0: {  	_ =	swait.ge [sflag:s26], $0x1  }
0xb1: {  	[sflag:s26] =	ssyncadd.s32 $0xFFFFFFFF  }
0xb2: {  	_ =	strace $0x9000004E  }
0xb3: {  	_ =	sfence  }
0xb4: {  	s28 =	sld [smem:$0x0];
	_ =	sdelay $0x1  }
0xb5: {  	s29 =	srdreg.scid  }
0xb6: {  	s30 =	sshll.u32 s29, $0xD;
	s31 =	sshrl.u32 s29, $0x2  }
0xb7: {  	s1 =	sand.u32 $0x1, s29;
	s2 =	sand.u32 $0x4000, s30;
	s0 =	sadd.s32 s31, s28  }
0xb8: {  	s1 =	sor.u32 s2, s1;
	s0 =	sshll.u32 s0, $0x11  }
0xb9: {  	s0 =	sor.u32 s0, s1  }
0xba: {  	s0 =	sadd.s32 $0x8F2B, s0  }
0xbb: {  	[sflag:s0] =	ssyncadd.remote.s32 $0x1  }
0xbc: {  	_ =	sfence.sel $0xFFFF  }
0xbd: {  	[dreg:$0x0] =	wrdreg $0xFFFFFFFF;
	(pc) =	sbr.abs _section_cstart, $3  }
0xbe: {  	[dreg:$0x1] =	wrdreg $0xFFFFFFFF  }
0xbf: {  	_ =	task.clear_ibuf [dreg:s4], $0x2FFFF;
	_ =	strace $0x9FFFFFFF  }
0xc0: {  	(tm) =	ssettm $0x7FFFFFFF  }
0xc1: {  	_ =	shalt  }
tec
execute0_lowered:
.L_overlay_start_1:
0x0: {  	(tag) =	ssettag $0x1  }
0x1: {  	s1 =	rddreg [dreg:$0x0]  }
0x2: {  	s2 =	rddreg [dreg:$0x1]  }
0x3: {  	s0 =	rddreg [dreg:$0x2]  }
0x4: {  	s3 =	simm.s32 $0x0;
	s5 =	simm.s32 $0x0;
	s6 =	simm.s32 $0x200  }
0x5: {  	[smem:$0x7FF] =	sst s3;
	s3 =	sadd.s32 $0x2A00, s1;
	s4 =	sadd.s32 $0x51C00, s1  }
0x6: {  	v0 =	vimm.f32 $0.0e+00;
	s11 =	sadd.s32 $0x79C00, s1;
	s1 =	stileid.u32;
	_ =	strace $0x8000004D  }
.LBB2_1:
0x7: {  	p0 =	sne.s32 s6, $0xFE00;
	[tilespmem:s5+$0x470] =	vst v0  }
0x8: {  	[tilespmem:s5+$0x400] =	vst v0  }
0x9: {  	[tilespmem:s5+$0x410] =	vst v0  }
.Ltmp0:
0xa: {  	[tilespmem:s5+$0x420] =	vst v0;
	(pc) =	sbr.rel @p0 .LBB2_1-.Ltmp0, $4  }
0xb: {  	[tilespmem:s5+$0x430] =	vst v0  }
0xc: {  	[tilespmem:s5+$0x440] =	vst v0  }
0xd: {  	[tilespmem:s5+$0x450] =	vst v0  }
0xe: {  	[tilespmem:s5+$0x460] =	vst v0;
	s5 =	sshra.s32 s6, $0x2;
	s6 =	sadd.s32 $0x200, s6  }
0xf: {  	[tilespmem:s5+$0x470] =	vst v0  }
0x10: {  	[tilespmem:s5+$0x400] =	vst v0  }
0x11: {  	[tilespmem:s5+$0x410] =	vst v0  }
0x12: {  	[tilespmem:s5+$0x420] =	vst v0  }
0x13: {  	[tilespmem:s5+$0x430] =	vst v0;
	s6 =	smul.u32 $0x50000, s1  }
0x14: {  	[tilespmem:s5+$0x440] =	vst v0  }
0x15: {  	[tilespmem:s5+$0x450] =	vst v0;
	s6 =	sshrl.u32 s6, $0x2  }
0x16: {  	[tilespmem:s5+$0x460] =	vst v0;
	s12 =	simm.s32 $0x400;
	s13 =	simm.s32 $0x3;
	s6 =	sadd.s32 s6, s2  }
0x17: {  	[spmem:s6] =	stream.linear.scatter [tilespmem:s12], [sflag:$0x3], $0x4000, $0x38;
	[tilespmem:$0x1C400] =	vst v63  }
0x18: {  	_ =	swait.ge [sflag:s13], $0x4000  }
0x19: {  	[sflag:s13] =	ssyncset.done $0x0  }
0x1a: {  	s7 =	sadd.s32 $0x4000, s6;
	[sflag:s13] =	ssyncadd.s32 $0xFFFFC000  }
0x1b: {  	[spmem:s7] =	stream.linear.scatter [tilespmem:s12], [sflag:$0x3], $0x4000, $0x38;
	[tilespmem:$0x1C400] =	vst v63  }
0x1c: {  	_ =	swait.ge [sflag:s13], $0x4000  }
0x1d: {  	[sflag:s13] =	ssyncset.done $0x0  }
0x1e: {  	s8 =	sadd.s32 $0x8000, s6;
	[sflag:s13] =	ssyncadd.s32 $0xFFFFC000  }
0x1f: {  	[spmem:s8] =	stream.linear.scatter [tilespmem:s12], [sflag:$0x3], $0x4000, $0x38;
	[tilespmem:$0x1C400] =	vst v63  }
0x20: {  	_ =	swait.ge [sflag:s13], $0x4000  }
0x21: {  	[sflag:s13] =	ssyncset.done $0x0  }
0x22: {  	s9 =	sadd.s32 $0xC000, s6;
	[sflag:s13] =	ssyncadd.s32 $0xFFFFC000  }
0x23: {  	[spmem:s9] =	stream.linear.scatter [tilespmem:s12], [sflag:$0x3], $0x4000, $0x38;
	[tilespmem:$0x1C400] =	vst v63  }
0x24: {  	_ =	swait.ge [sflag:s13], $0x4000  }
0x25: {  	[sflag:s13] =	ssyncset.done $0x0  }
0x26: {  	s10 =	sadd.s32 $0x10000, s6;
	[sflag:s13] =	ssyncadd.s32 $0xFFFFC000  }
0x27: {  	[spmem:s10] =	stream.linear.scatter [tilespmem:s12], [sflag:$0x3], $0x4000, $0x38;
	[tilespmem:$0x1C400] =	vst v63  }
0x28: {  	s31 =	smul.u32 $0xA000, s1;
	_ =	swait.ge [sflag:s13], $0x4000  }
0x29: {  	[sflag:s13] =	ssyncset.done $0x0  }
0x2a: {  	s5 =	sshrl.u32 s31, $0x3;
	[sflag:s13] =	ssyncadd.s32 $0xFFFFC000  }
0x2b: {  	s14 =	simm.s32 $0x0;
	s5 =	sadd.s32 s4, s5;
	[bflag:$0x0] =	sbarrier.arrive $0xFFFF  }
0x2c: {  	[tilespmem:s14], [sflag:$0x3] =	stream.linear.gather [hbm4b:s5+s14], $0x100, $0x38;
	[tilespmem:$0x1C400] =	vst v63  }
0x2d: {  	_ =	swait.ge [sflag:s13], $0x100  }
0x2e: {  	s15 =	simm.s32 $0x100;
	[sflag:s13] =	ssyncset.done $0x0  }
0x2f: {  	s18 =	simm.s32 $0x4400;
	s16 =	sadd.s32 $0x20, s5;
	[sflag:s13] =	ssyncadd.s32 $0xFFFFFF00  }
0x30: {  	[tilespmem:s15], [sflag:$0x3] =	stream.linear.gather [hbm4b:s16+s14], $0x100, $0x38;
	[tilespmem:$0x1C400] =	vst v63  }
0x31: {  	s19 =	smul.u32 $0x1400, s1;
	s20 =	simm.s32 $0x1;
	_ =	swait.ge [sflag:s13], $0x100  }
0x32: {  	s21 =	simm.s32 $0x300;
	s22 =	simm.s32 $0x2;
	[sflag:s13] =	ssyncset.done $0x0  }
0x33: {  	s17 =	sadd.s32 $0x40, s5;
	s16 =	simm.s32 $0x200;
	[sflag:s13] =	ssyncadd.s32 $0xFFFFFF00  }
0x34: {  	[tilespmem:s16], [sflag:$0x2] =	stream.linear.gather [hbm4b:s17+s14], $0x100, $0x38;
	[tilespmem:$0x1C400] =	vst v63  }
0x35: {  	s23 =	simm.s32 $0x180;
	s24 =	simm.s32 $0x280;
	s17 =	simm.s32 $0x80  }
0x36: {  	[tilespmem:s12], [sflag:$0x1] =	stream.indirect.gather [hbm4b:s3+s17], $0x80, s14, s17, $0xb8;
	[tilespmem:$0x1C400] =	vst v63  }
0x37: {  	s25 =	simm.s32 $0x380;
	s4 =	sadd.s32 s19, s4;
	s19 =	simm.s32 $0xFFFFEC80  }
0x38: {  	[tilespmem:s18], [sflag:$0x1] =	stream.indirect.gather [hbm4b:s3+s17], $0x80, s15, s17, $0xb8;
	[tilespmem:$0x1C400] =	vst v63  }
.LBB2_3:
0x39: {  	_ =	swait.ge [sflag:s20], $0x4000  }
0x3a: {  	[sflag:s20] =	ssyncset.done $0x0  }
0x3b: {  	[sflag:s20] =	ssyncadd.s32 $0xFFFFC000  }
0x3c: {  	[spmem:s2] =	stream.indirect.scatter.add.f32 [tilespmem:s12], [sflag:$0x3], $0x80, s17, s17, $0xb8;
	[tilespmem:$0x1C400] =	vst v63  }
0x3d: {  	_ =	swait.ge [sflag:s13], $0x4000  }
0x3e: {  	s26 =	sadd.s32 s19, s4;
	[sflag:s13] =	ssyncset.done $0x0  }
0x3f: {  	s28 =	sadd.s32 $0x13E0, s26;
	[sflag:s13] =	ssyncadd.s32 $0xFFFFC000  }
0x40: {  	[tilespmem:s21], [sflag:$0x2] =	stream.linear.gather [hbm4b:s28+s14], $0x100, $0x38;
	[tilespmem:$0x1C400] =	vst v63  }
0x41: {  	_ =	swait.ge [sflag:s22], $0x100  }
0x42: {  	[sflag:s22] =	ssyncset.done $0x0  }
0x43: {  	[sflag:s22] =	ssyncadd.s32 $0xFFFFFF00  }
0x44: {  	[tilespmem:s12], [sflag:$0x1] =	stream.indirect.gather [hbm4b:s3+s17], $0x80, s16, s17, $0xb8;
	[tilespmem:$0x1C400] =	vst v63  }
0x45: {  	_ =	swait.ge [sflag:s20], $0x4000  }
0x46: {  	[sflag:s20] =	ssyncset.done $0x0  }
0x47: {  	[sflag:s20] =	ssyncadd.s32 $0xFFFFC000  }
0x48: {  	[spmem:s2] =	stream.indirect.scatter.add.f32 [tilespmem:s18], [sflag:$0x3], $0x80, s23, s17, $0xb8;
	[tilespmem:$0x1C400] =	vst v63  }
0x49: {  	p0 =	seq.s32 s19, $0x0;
	_ =	swait.ge [sflag:s13], $0x4000  }
0x4a: {  	s28 =	sadd.s32 @!p0 s19, s4;
	[sflag:s13] =	ssyncset.done $0x0  }
0x4b: {  	s29 =	simm.s32 @!p0 $0x0;
	s28 =	sadd.s32 @!p0 $0x1400, s28;
	[sflag:s13] =	ssyncadd.s32 $0xFFFFC000  }
0x4c: {  	[tilespmem:s29], [sflag:$0x2] =	stream.linear.gather @!p0 [hbm4b:s28+s29], $0x100, $0x38;
	[tilespmem:$0x1C400] =	vst v63  }
0x4d: {  	_ =	swait.ge [sflag:s22], $0x100  }
0x4e: {  	[sflag:s22] =	ssyncset.done $0x0  }
0x4f: {  	[sflag:s22] =	ssyncadd.s32 $0xFFFFFF00  }
0x50: {  	[tilespmem:s18], [sflag:$0x1] =	stream.indirect.gather [hbm4b:s3+s17], $0x80, s21, s17, $0xb8;
	[tilespmem:$0x1C400] =	vst v63  }
0x51: {  	_ =	swait.ge [sflag:s20], $0x4000  }
0x52: {  	[sflag:s20] =	ssyncset.done $0x0  }
.Ltmp1:
0x53: {  	[sflag:s20] =	ssyncadd.s32 $0xFFFFC000;
	(pc) =	sbr.rel @p0 .LBB2_5-.Ltmp1, $4  }
0x54: {  	[spmem:s2] =	stream.indirect.scatter.add.f32 [tilespmem:s12], [sflag:$0x3], $0x80, s24, s17, $0xb8;
	[tilespmem:$0x1C400] =	vst v63  }
0x55: {  	_ =	swait.ge [sflag:s13], $0x4000  }
0x56: {  	[sflag:s13] =	ssyncset.done $0x0  }
0x57: {  	[sflag:s13] =	ssyncadd.s32 $0xFFFFC000  }
0x58: {  	s28 =	sadd.s32 $0x1420, s26  }
0x59: {  	[tilespmem:s15], [sflag:$0x2] =	stream.linear.gather [hbm4b:s28+s14], $0x100, $0x38;
	[tilespmem:$0x1C400] =	vst v63  }
0x5a: {  	_ =	swait.ge [sflag:s22], $0x100  }
0x5b: {  	[sflag:s22] =	ssyncset.done $0x0  }
0x5c: {  	[sflag:s22] =	ssyncadd.s32 $0xFFFFFF00  }
0x5d: {  	[tilespmem:s12], [sflag:$0x1] =	stream.indirect.gather [hbm4b:s3+s17], $0x80, s14, s17, $0xb8;
	[tilespmem:$0x1C400] =	vst v63  }
0x5e: {  	_ =	swait.ge [sflag:s20], $0x4000  }
0x5f: {  	[sflag:s20] =	ssyncset.done $0x0  }
0x60: {  	[sflag:s20] =	ssyncadd.s32 $0xFFFFC000  }
0x61: {  	[spmem:s2] =	stream.indirect.scatter.add.f32 [tilespmem:s18], [sflag:$0x3], $0x80, s25, s17, $0xb8;
	[tilespmem:$0x1C400] =	vst v63  }
0x62: {  	_ =	swait.ge [sflag:s13], $0x4000  }
0x63: {  	[sflag:s13] =	ssyncset.done $0x0  }
0x64: {  	s31 =	sadd.s32 $0x1440, s26;
	[sflag:s13] =	ssyncadd.s32 $0xFFFFC000  }
0x65: {  	[tilespmem:s16], [sflag:$0x2] =	stream.linear.gather [hbm4b:s31+s14], $0x100, $0x38;
	[tilespmem:$0x1C400] =	vst v63  }
.Ltmp2:
0x66: {  	_ = 	snop;
	(pc) =	sbr.rel .LBB2_3-.Ltmp2, $4  }
0x67: {  	_ =	swait.ge [sflag:s22], $0x100  }
0x68: {  	[sflag:s22] =	ssyncset.done $0x0  }
0x69: {  	s19 =	sadd.s32 $0x80, s19;
	[sflag:s22] =	ssyncadd.s32 $0xFFFFFF00  }
0x6a: {  	[tilespmem:s18], [sflag:$0x1] =	stream.indirect.gather [hbm4b:s3+s17], $0x80, s15, s17, $0xb8;
	[tilespmem:$0x1C400] =	vst v63  }
.LBB2_5:
0x6b: {  	s12 =	simm.s32 $0x1  }
0x6c: {  	s28 =	simm.s32 $0x80;
	_ =	swait.ge [sflag:s12], $0x4000  }
0x6d: {  	s13 =	simm.s32 $0x380;
	s14 =	simm.s32 $0x4400;
	[sflag:s12] =	ssyncset.done $0x0  }
0x6e: {  	s29 =	simm.s32 $0x3;
	s30 =	smul.u32 $0x14000, s1;
	[sflag:s12] =	ssyncadd.s32 $0xFFFFC000  }
0x6f: {  	[spmem:s2] =	stream.indirect.scatter.add.f32 [tilespmem:s14], [sflag:$0x3], $0x80, s13, s28, $0xb8;
	[tilespmem:$0x1C400] =	vst v63  }
0x70: {  	_ =	swait.ge [sflag:s29], $0x4000  }
0x71: {  	s12 =	sshrl.u32 s30, $0x3;
	[sflag:s29] =	ssyncset.done $0x0  }
0x72: {  	s31 =	sshll.u32 s1, $0x6;
	s11 =	sadd.s32 s11, s12;
	[sflag:s29] =	ssyncadd.s32 $0xFFFFC000  }
0x73: {  	s12 =	sor.u32 $0x1C03, s31;
	s13 =	sshrl.u32 s6, $0x3;
	[bflag:$0x0] =	sbarrier.arrive $0xFFFF  }
0x74: {  	[hbm:s11], [sflag:s12] =	dma.local [spmem:s13], $0x2800  }
0x75: {  	_ =	swait.ge [sflag:s29], $0x2800  }
0x76: {  	[sflag:s29] =	ssyncset.done $0x0  }
0x77: {  	[sflag:s29] =	ssyncadd.s32 $0xFFFFD800  }
0x78: {  	v0 =	vimm.f32 $0.0e+00;
	s15 =	simm.s32 $0x200;
	s14 =	simm.s32 $0x0;
	[bflag:$0x0] =	sbarrier.arrive $0xFFFF  }
.LBB2_6:
0x79: {  	p0 =	sne.s32 s15, $0xFE00;
	[tilespmem:s14+$0x470] =	vst v0  }
0x7a: {  	[tilespmem:s14+$0x400] =	vst v0  }
0x7b: {  	[tilespmem:s14+$0x410] =	vst v0  }
.Ltmp3:
0x7c: {  	[tilespmem:s14+$0x420] =	vst v0;
	(pc) =	sbr.rel @p0 .LBB2_6-.Ltmp3, $4  }
0x7d: {  	[tilespmem:s14+$0x430] =	vst v0  }
0x7e: {  	[tilespmem:s14+$0x440] =	vst v0  }
0x7f: {  	[tilespmem:s14+$0x450] =	vst v0  }
0x80: {  	[tilespmem:s14+$0x460] =	vst v0;
	s14 =	sshra.s32 s15, $0x2;
	s15 =	sadd.s32 $0x200, s15  }
0x81: {  	[tilespmem:s14+$0x470] =	vst v0  }
0x82: {  	[tilespmem:s14+$0x400] =	vst v0  }
0x83: {  	[tilespmem:s14+$0x410] =	vst v0  }
0x84: {  	[tilespmem:s14+$0x420] =	vst v0  }
0x85: {  	[tilespmem:s14+$0x430] =	vst v0  }
0x86: {  	[tilespmem:s14+$0x440] =	vst v0  }
0x87: {  	[tilespmem:s14+$0x450] =	vst v0  }
0x88: {  	[tilespmem:s14+$0x460] =	vst v0;
	s14 =	simm.s32 $0x400  }
0x89: {  	[spmem:s6] =	stream.linear.scatter [tilespmem:s14], [sflag:$0x3], $0x4000, $0x38;
	[tilespmem:$0x1C400] =	vst v63  }
0x8a: {  	s6 =	simm.s32 $0x3  }
0x8b: {  	_ =	swait.ge [sflag:s6], $0x4000  }
0x8c: {  	[sflag:s6] =	ssyncset.done $0x0  }
0x8d: {  	[sflag:s6] =	ssyncadd.s32 $0xFFFFC000  }
0x8e: {  	[spmem:s7] =	stream.linear.scatter [tilespmem:s14], [sflag:$0x3], $0x4000, $0x38;
	[tilespmem:$0x1C400] =	vst v63  }
0x8f: {  	_ =	swait.ge [sflag:s6], $0x4000  }
0x90: {  	[sflag:s6] =	ssyncset.done $0x0  }
0x91: {  	[sflag:s6] =	ssyncadd.s32 $0xFFFFC000  }
0x92: {  	[spmem:s8] =	stream.linear.scatter [tilespmem:s14], [sflag:$0x3], $0x4000, $0x38;
	[tilespmem:$0x1C400] =	vst v63  }
0x93: {  	_ =	swait.ge [sflag:s6], $0x4000  }
0x94: {  	[sflag:s6] =	ssyncset.done $0x0  }
0x95: {  	[sflag:s6] =	ssyncadd.s32 $0xFFFFC000  }
0x96: {  	[spmem:s9] =	stream.linear.scatter [tilespmem:s14], [sflag:$0x3], $0x4000, $0x38;
	[tilespmem:$0x1C400] =	vst v63  }
0x97: {  	_ =	swait.ge [sflag:s6], $0x4000  }
0x98: {  	[sflag:s6] =	ssyncset.done $0x0  }
0x99: {  	[sflag:s6] =	ssyncadd.s32 $0xFFFFC000  }
0x9a: {  	[spmem:s10] =	stream.linear.scatter [tilespmem:s14], [sflag:$0x3], $0x4000, $0x38;
	[tilespmem:$0x1C400] =	vst v63  }
0x9b: {  	_ =	swait.ge [sflag:s6], $0x4000  }
0x9c: {  	[sflag:s6] =	ssyncset.done $0x0  }
0x9d: {  	[sflag:s6] =	ssyncadd.s32 $0xFFFFC000  }
0x9e: {  	s29 =	sadd.s32 $0x14000, s5;
	s7 =	simm.s32 $0x0;
	[bflag:$0x0] =	sbarrier.arrive $0xFFFF  }
0x9f: {  	[tilespmem:s7], [sflag:$0x3] =	stream.linear.gather [hbm4b:s29+s7], $0x100, $0x38;
	[tilespmem:$0x1C400] =	vst v63  }
0xa0: {  	_ =	swait.ge [sflag:s6], $0x100  }
0xa1: {  	[sflag:s6] =	ssyncset.done $0x0  }
0xa2: {  	s30 =	sadd.s32 $0x14020, s5;
	s8 =	simm.s32 $0x100;
	[sflag:s6] =	ssyncadd.s32 $0xFFFFFF00  }
0xa3: {  	[tilespmem:s8], [sflag:$0x3] =	stream.linear.gather [hbm4b:s30+s7], $0x100, $0x38;
	[tilespmem:$0x1C400] =	vst v63  }
0xa4: {  	s31 =	sadd.s32 $0x14040, s5;
	_ =	swait.ge [sflag:s6], $0x100  }
0xa5: {  	s5 =	simm.s32 $0x200;
	s15 =	simm.s32 $0xFFFFEC80;
	[sflag:s6] =	ssyncset.done $0x0  }
0xa6: {  	s16 =	simm.s32 $0x1;
	s17 =	simm.s32 $0x300;
	[sflag:s6] =	ssyncadd.s32 $0xFFFFFF00  }
0xa7: {  	[tilespmem:s5], [sflag:$0x2] =	stream.linear.gather [hbm4b:s31+s7], $0x100, $0x38;
	[tilespmem:$0x1C400] =	vst v63  }
0xa8: {  	s18 =	simm.s32 $0x2;
	s19 =	simm.s32 $0x180;
	s9 =	simm.s32 $0x80  }
0xa9: {  	[tilespmem:s14], [sflag:$0x1] =	stream.indirect.gather [hbm4b:s3+s9], $0x80, s7, s9, $0xb8;
	[tilespmem:$0x1C400] =	vst v63  }
0xaa: {  	s20 =	simm.s32 $0x280;
	s21 =	simm.s32 $0x380;
	s10 =	simm.s32 $0x4400  }
0xab: {  	[tilespmem:s10], [sflag:$0x1] =	stream.indirect.gather [hbm4b:s3+s9], $0x80, s8, s9, $0xb8;
	[tilespmem:$0x1C400] =	vst v63  }
.LBB2_8:
0xac: {  	_ =	swait.ge [sflag:s16], $0x4000  }
0xad: {  	[sflag:s16] =	ssyncset.done $0x0  }
0xae: {  	[sflag:s16] =	ssyncadd.s32 $0xFFFFC000  }
0xaf: {  	[spmem:s2] =	stream.indirect.scatter.add.f32 [tilespmem:s14], [sflag:$0x3], $0x80, s9, s9, $0xb8;
	[tilespmem:$0x1C400] =	vst v63  }
0xb0: {  	_ =	swait.ge [sflag:s6], $0x4000  }
0xb1: {  	s22 =	sadd.s32 s15, s4;
	[sflag:s6] =	ssyncset.done $0x0  }
0xb2: {  	s23 =	sadd.s32 $0x153E0, s22;
	[sflag:s6] =	ssyncadd.s32 $0xFFFFC000  }
0xb3: {  	[tilespmem:s17], [sflag:$0x2] =	stream.linear.gather [hbm4b:s23+s7], $0x100, $0x38;
	[tilespmem:$0x1C400] =	vst v63  }
0xb4: {  	_ =	swait.ge [sflag:s18], $0x100  }
0xb5: {  	[sflag:s18] =	ssyncset.done $0x0  }
0xb6: {  	[sflag:s18] =	ssyncadd.s32 $0xFFFFFF00  }
0xb7: {  	[tilespmem:s14], [sflag:$0x1] =	stream.indirect.gather [hbm4b:s3+s9], $0x80, s5, s9, $0xb8;
	[tilespmem:$0x1C400] =	vst v63  }
0xb8: {  	_ =	swait.ge [sflag:s16], $0x4000  }
0xb9: {  	[sflag:s16] =	ssyncset.done $0x0  }
0xba: {  	[sflag:s16] =	ssyncadd.s32 $0xFFFFC000  }
0xbb: {  	[spmem:s2] =	stream.indirect.scatter.add.f32 [tilespmem:s10], [sflag:$0x3], $0x80, s19, s9, $0xb8;
	[tilespmem:$0x1C400] =	vst v63  }
0xbc: {  	p0 =	seq.s32 s15, $0x0;
	_ =	swait.ge [sflag:s6], $0x4000  }
0xbd: {  	s23 =	sadd.s32 @!p0 s15, s4;
	[sflag:s6] =	ssyncset.done $0x0  }
0xbe: {  	s24 =	simm.s32 @!p0 $0x0;
	s23 =	sadd.s32 @!p0 $0x15400, s23;
	[sflag:s6] =	ssyncadd.s32 $0xFFFFC000  }
0xbf: {  	[tilespmem:s24], [sflag:$0x2] =	stream.linear.gather @!p0 [hbm4b:s23+s24], $0x100, $0x38;
	[tilespmem:$0x1C400] =	vst v63  }
0xc0: {  	_ =	swait.ge [sflag:s18], $0x100  }
0xc1: {  	[sflag:s18] =	ssyncset.done $0x0  }
0xc2: {  	[sflag:s18] =	ssyncadd.s32 $0xFFFFFF00  }
0xc3: {  	[tilespmem:s10], [sflag:$0x1] =	stream.indirect.gather [hbm4b:s3+s9], $0x80, s17, s9, $0xb8;
	[tilespmem:$0x1C400] =	vst v63  }
0xc4: {  	_ =	swait.ge [sflag:s16], $0x4000  }
0xc5: {  	[sflag:s16] =	ssyncset.done $0x0  }
.Ltmp4:
0xc6: {  	[sflag:s16] =	ssyncadd.s32 $0xFFFFC000;
	(pc) =	sbr.rel @p0 .LBB2_10-.Ltmp4, $4  }
0xc7: {  	[spmem:s2] =	stream.indirect.scatter.add.f32 [tilespmem:s14], [sflag:$0x3], $0x80, s20, s9, $0xb8;
	[tilespmem:$0x1C400] =	vst v63  }
0xc8: {  	_ =	swait.ge [sflag:s6], $0x4000  }
0xc9: {  	[sflag:s6] =	ssyncset.done $0x0  }
0xca: {  	[sflag:s6] =	ssyncadd.s32 $0xFFFFC000  }
0xcb: {  	s23 =	sadd.s32 $0x15420, s22  }
0xcc: {  	[tilespmem:s8], [sflag:$0x2] =	stream.linear.gather [hbm4b:s23+s7], $0x100, $0x38;
	[tilespmem:$0x1C400] =	vst v63  }
0xcd: {  	_ =	swait.ge [sflag:s18], $0x100  }
0xce: {  	[sflag:s18] =	ssyncset.done $0x0  }
0xcf: {  	[sflag:s18] =	ssyncadd.s32 $0xFFFFFF00  }
0xd0: {  	[tilespmem:s14], [sflag:$0x1] =	stream.indirect.gather [hbm4b:s3+s9], $0x80, s7, s9, $0xb8;
	[tilespmem:$0x1C400] =	vst v63  }
0xd1: {  	_ =	swait.ge [sflag:s16], $0x4000  }
0xd2: {  	[sflag:s16] =	ssyncset.done $0x0  }
0xd3: {  	[sflag:s16] =	ssyncadd.s32 $0xFFFFC000  }
0xd4: {  	[spmem:s2] =	stream.indirect.scatter.add.f32 [tilespmem:s10], [sflag:$0x3], $0x80, s21, s9, $0xb8;
	[tilespmem:$0x1C400] =	vst v63  }
0xd5: {  	_ =	swait.ge [sflag:s6], $0x4000  }
0xd6: {  	[sflag:s6] =	ssyncset.done $0x0  }
0xd7: {  	s31 =	sadd.s32 $0x15440, s22;
	[sflag:s6] =	ssyncadd.s32 $0xFFFFC000  }
0xd8: {  	[tilespmem:s5], [sflag:$0x2] =	stream.linear.gather [hbm4b:s31+s7], $0x100, $0x38;
	[tilespmem:$0x1C400] =	vst v63  }
.Ltmp5:
0xd9: {  	_ = 	snop;
	(pc) =	sbr.rel .LBB2_8-.Ltmp5, $4  }
0xda: {  	_ =	swait.ge [sflag:s18], $0x100  }
0xdb: {  	[sflag:s18] =	ssyncset.done $0x0  }
0xdc: {  	s15 =	sadd.s32 $0x80, s15;
	[sflag:s18] =	ssyncadd.s32 $0xFFFFFF00  }
0xdd: {  	[tilespmem:s10], [sflag:$0x1] =	stream.indirect.gather [hbm4b:s3+s9], $0x80, s8, s9, $0xb8;
	[tilespmem:$0x1C400] =	vst v63  }
.LBB2_10:
0xde: {  	s3 =	simm.s32 $0x1  }
0xdf: {  	_ =	swait.ge [sflag:s3], $0x4000  }
0xe0: {  	s29 =	simm.s32 $0x80;
	s4 =	simm.s32 $0x380;
	[sflag:s3] =	ssyncset.done $0x0  }
0xe1: {  	s5 =	simm.s32 $0x4400;
	s30 =	simm.s32 $0x3;
	[sflag:s3] =	ssyncadd.s32 $0xFFFFC000  }
0xe2: {  	[spmem:s2] =	stream.indirect.scatter.add.f32 [tilespmem:s5], [sflag:$0x3], $0x80, s4, s29, $0xb8;
	[tilespmem:$0x1C400] =	vst v63  }
0xe3: {  	_ =	swait.ge [sflag:s30], $0x4000  }
0xe4: {  	[sflag:s30] =	ssyncset.done $0x0  }
0xe5: {  	[sflag:s30] =	ssyncadd.s32 $0xFFFFC000  }
0xe6: {  	s31 =	sadd.s32 $0x28000, s11;
	[bflag:$0x0] =	sbarrier.arrive $0xFFFF  }
0xe7: {  	[hbm:s31], [sflag:s12] =	dma.local [spmem:s13], $0x2800  }
0xe8: {  	_ =	swait.ge [sflag:s30], $0x2800  }
0xe9: {  	[sflag:s30] =	ssyncset.done $0x0  }
0xea: {  	[sflag:s30] =	ssyncadd.s32 $0xFFFFD800  }
0xeb: {  	[bflag:$0x0] =	sbarrier.arrive $0xFFFF  }
0xec: {  	_ =	sfence.sel $0x180000  }
0xed: {  	[bflag:$0x0] =	sbarrier.arrive $0xFFFF  }
0xee: {  	p0 =	sne.s32 s1, $0x0;
	_ =	strace $0x9000004D  }
0xef: {  	s0 =	sadd.s32 @!p0 $0x100000, s0;
	[bflag:$0x2] =	sbarrier.arrive $0xFFFF  }
0xf0: {  	[sflag:s0] =	ssyncadd.tile.s32 @!p0 $0x1;
	_ =	shalt  }
.Lfunc_end2:
_tile_overlayer_lowered:
.L_overlay_start_2:
0xf1: {  	(tag) =	ssettag $0x2  }
0xf2: {  	s0 =	rddreg [dreg:$0x0];
	s2 =	stileid.u32  }
0xf3: {  	s1 =	rddreg [dreg:$0x1];
	p0 =	sne.s32 s2, $0x0  }
0xf4: {  	s3 =	rddreg [dreg:$0x2];
	[bflag:$0x3] =	sbarrier.arrive $0xFFFF;
	s2 =	simm.s32 @!p0 $0x1C03  }
0xf5: {  	[timem:s3], [sflag:s2] =	dma.local @!p0 [hbm:s0], s1  }
0xf6: {  	s0 =	simm.s32 @!p0 $0x3  }
0xf7: {  	_ =	swait.ge @!p0 [sflag:s0], s1  }
0xf8: {  	s1 =	ssub.s32 @!p0 $0x0, s1;
	[sflag:s0] =	ssyncset.done @!p0 $0x0  }
0xf9: {  	[sflag:s0] =	ssyncadd.s32 @!p0 s1  }
0xfa: {  	[bflag:$0x3] =	sbarrier.arrive $0xFFFF  }
0xfb: {  	_ =	shalt  }

// kernel: sc_deg.3.cloned.1.call-start
scs
__scs_entry_jumppad:
0x0: {  	(pc) =	sbr.rel $0x88, $3  }
0x1: {  	(tag) =	ssettag $0x0;
	lr =	simm.s32 $0x1  }
0x2: {  	[smem:$0x3F9A] =	sst lr;
	_ =	strace $0xD0000000  }
0x3: {  	_ = 	snop  }
0x4: {  	_ = 	snop  }
0x5: {  	_ = 	snop  }
0x6: {  	_ = 	snop  }
0x7: {  	_ = 	snop  }
__scs_overlays_trampoline_lowered:
0x8: {  	[smem:$0x3FA9] =	sst s0  }
0x9: {  	[smem:$0x3FAA] =	sst s1  }
0xa: {  	[smem:$0x3FAB] =	sst s2  }
0xb: {  	[smem:$0x3FAC] =	sst s3  }
0xc: {  	[smem:$0x3FAD] =	sst s4  }
0xd: {  	[smem:$0x3FAE] =	sst s5  }
0xe: {  	[smem:$0x3FAF] =	sst s6  }
0xf: {  	[smem:$0x3FB0] =	sst s7  }
0x10: {  	[smem:$0x3FB1] =	sst s8  }
0x11: {  	[smem:$0x3FB2] =	sst s9;
	s0 =	simm.s32 @!p0 $0x0  }
0x12: {  	s1 =	sld [smem:$0x3F98];
	s0 =	simm.s32 @p0 $0x1  }
0x13: {  	[smem:$0x3FB3] =	sst s0;
	s0 =	simm.s32 @!p1 $0x0  }
0x14: {  	s2 =	sld [smem:$0x3F97];
	s0 =	simm.s32 @p1 $0x1  }
0x15: {  	[smem:$0x3FB4] =	sst s0;
	s0 =	simm.s32 @!p2 $0x0  }
0x16: {  	s3 =	sld [smem:$0x3FDB];
	s0 =	simm.s32 @p2 $0x1  }
0x17: {  	s4 =	simm.s32 $0x1BF5;
	[smem:$0x3FB6] =	sst s0  }
0x18: {  	s0 =	sld [smem:$0x3F99];
	_ =	swait.ge [sflag:s4], $0x0  }
0x19: {  	s7 =	sld [smem:$0x3F9A]  }
0x1a: {  	s8 =	sadd.s32 $0xFFFFE003, lr  }
0x1b: {  	s9 =	sadd.s32 $0xFFFFFEF7, lr;
	s5 =	simm.s32 $0xFFFFFFFF;
	p2 =	slt.u32 s8, $0xFFFFF086  }
0x1c: {  	p1 =	slt.u32 s9, $0xF7A;
	s5 =	simm.s32 @!p2 $0x0  }
0x1d: {  	s5 =	simm.s32 @p1 $0x1;
	p0 =	seq.s32 s7, s2  }
0x1e: {  	s7 =	smul.u32 @!p0 $0xF7A, s2;
	p2 =	seq.s32 @!p0 s5, $0x0  }
0x1f: {  	s9 =	smul.u32 $0xF7A, s1;
	s8 =	simm.s32 @!p0 $0x1BF5;
	p2 =	por !p2, p0  }
0x20: {  	[sflag:s8] =	ssyncset.s32 @!p0 $0xFFFFF086;
	s6 =	sadd.s32 @!p0 s3, s7;
	s7 =	simm.s32 @!p0 $0x108  }
0x21: {  	s3 =	sadd.s32 s3, s9;
	s6 =	sadd.s32 @!p0 $0x88, s6;
	s7 =	simm.s32 @p2 $0x1082  }
0x22: {  	[simem:s7], [sflag:s8] =	dma.local @!p0 [hbm:s6], $0xF7A  }
0x23: {  	s9 =	sor.u32 $0xD0000000, s2;
	s6 =	simm.s32 $0x108;
	_ =	swait.ge @!p0 [sflag:s8], $0x0  }
0x24: {  	s3 =	sadd.s32 $0x88, s3;
	s6 =	simm.s32 @!p1 $0x1082;
	[sflag:s4] =	ssyncset.s32 $0xFFFFF086  }
0x25: {  	[simem:s6], [sflag:s4] =	dma.local [hbm:s3], $0xF7A  }
0x26: {  	[smem:$0x3F9A] =	sst s1;
	(tag) =	ssettag s2;
	_ =	strace s9  }
0x27: {  	s1 =	sld [smem:$0x3FAA]  }
0x28: {  	s2 =	sld [smem:$0x3FAB]  }
0x29: {  	s4 =	sld [smem:$0x3FAD]  }
0x2a: {  	p0 =	seq.s32 s5, $0x0;
	s5 =	sld [smem:$0x3FAE]  }
0x2b: {  	s6 =	sld [smem:$0x3FAF]  }
0x2c: {  	s7 =	sld [smem:$0x3FB0]  }
0x2d: {  	s3 =	simm.s32 $0x108;
	s8 =	sld [smem:$0x3FB1]  }
0x2e: {  	s3 =	simm.s32 @!p0 $0x1082;
	s9 =	sld [smem:$0x3FB2]  }
0x2f: {  	lr =	sadd.s32 s0, s3;
	s0 =	sld [smem:$0x3FA9]  }
0x30: {  	s3 =	sld [smem:$0x3FAC]  }
0x31: {  	[smem:$0x3FB5] =	sst s10  }
0x32: {  	s10 =	sld [smem:$0x3FB3];
	_ =	sdelay $0x3  }
0x33: {  	p0 =	seq.s32 s10, $0x1;
	s10 =	sld [smem:$0x3FB5];
	_ =	sdelay $0x3  }
0x34: {  	[smem:$0x3FB5] =	sst s10  }
0x35: {  	s10 =	sld [smem:$0x3FB4];
	_ =	sdelay $0x3  }
0x36: {  	p1 =	seq.s32 s10, $0x1;
	s10 =	sld [smem:$0x3FB5];
	_ =	sdelay $0x3  }
0x37: {  	[smem:$0x3FB5] =	sst s10  }
0x38: {  	s10 =	sld [smem:$0x3FB6]  }
0x39: {  	_ = 	snop;
	(pc) =	sbr.ind lr, $3  }
0x3a: {  	_ = 	snop  }
0x3b: {  	_ = 	snop  }
0x3c: {  	p2 =	seq.s32 s10, $0x1;
	s10 =	sld [smem:$0x3FB5]  }
0x3d: {  	_ =	shalt  }
0x3e: {  	_ =	shalt  }
0x3f: {  	_ =	shalt  }
0x40: {  	_ =	shalt  }
0x41: {  	_ =	shalt  }
0x42: {  	_ =	shalt  }
0x43: {  	_ =	shalt  }
0x44: {  	_ =	shalt  }
0x45: {  	_ =	shalt  }
0x46: {  	_ =	shalt  }
0x47: {  	_ =	shalt  }
0x48: {  	_ =	shalt  }
0x49: {  	_ =	shalt  }
0x4a: {  	_ =	shalt  }
0x4b: {  	_ =	shalt  }
0x4c: {  	_ =	shalt  }
0x4d: {  	_ =	shalt  }
0x4e: {  	_ =	shalt  }
0x4f: {  	_ =	shalt  }
0x50: {  	_ =	shalt  }
0x51: {  	_ =	shalt  }
0x52: {  	_ =	shalt  }
0x53: {  	_ =	shalt  }
0x54: {  	_ =	shalt  }
0x55: {  	_ =	shalt  }
0x56: {  	_ =	shalt  }
0x57: {  	_ =	shalt  }
0x58: {  	_ =	shalt  }
0x59: {  	_ =	shalt  }
0x5a: {  	_ =	shalt  }
0x5b: {  	_ =	shalt  }
0x5c: {  	_ =	shalt  }
0x5d: {  	_ =	shalt  }
0x5e: {  	_ =	shalt  }
0x5f: {  	_ =	shalt  }
0x60: {  	_ =	shalt  }
0x61: {  	_ =	shalt  }
0x62: {  	_ =	shalt  }
0x63: {  	_ =	shalt  }
0x64: {  	_ =	shalt  }
0x65: {  	_ =	shalt  }
0x66: {  	_ =	shalt  }
0x67: {  	_ =	shalt  }
0x68: {  	_ =	shalt  }
0x69: {  	_ =	shalt  }
0x6a: {  	_ =	shalt  }
0x6b: {  	_ =	shalt  }
0x6c: {  	_ =	shalt  }
0x6d: {  	_ =	shalt  }
0x6e: {  	_ =	shalt  }
0x6f: {  	_ =	shalt  }
0x70: {  	_ =	shalt  }
0x71: {  	_ =	shalt  }
0x72: {  	_ =	shalt  }
0x73: {  	_ =	shalt  }
0x74: {  	_ =	shalt  }
0x75: {  	_ =	shalt  }
0x76: {  	_ =	shalt  }
0x77: {  	_ =	shalt  }
0x78: {  	_ =	shalt  }
0x79: {  	_ =	shalt  }
0x7a: {  	_ =	shalt  }
0x7b: {  	_ =	shalt  }
0x7c: {  	_ =	shalt  }
0x7d: {  	_ =	shalt  }
0x7e: {  	_ =	shalt  }
0x7f: {  	_ =	shalt  }
0x80: {  	_ =	shalt  }
0x81: {  	_ =	shalt  }
0x82: {  	_ =	shalt  }
0x83: {  	_ =	shalt  }
0x84: {  	_ =	shalt  }
0x85: {  	_ =	shalt  }
0x86: {  	_ =	shalt  }
0x87: {  	_ =	shalt  }
.Lfunc_end0:
.L_simem_size_0:
called_computation_lowered:
.L_overlay_start_0:
0x88: {  	s0 =	sld [smem:$0x3FD9]  }
0x89: {  	s1 =	sld [smem:$0x3FFE];
	_ =	sdelay $0x3  }
0x8a: {  	s0 =	sadd.s32 s1, s0  }
0x8b: {  	[smem:$0x3FC1] =	sst s0  }
0x8c: {  	_ = 	snop  }
0x8d: {  	(tm) =	ssettm $0x1  }
0x8e: {  	s15 =	sld [smem:$0x3FFB];
	_ =	sdelay $0x3  }
0x8f: {  	_ =	strace s15  }
0x90: {  	s0 =	sld [smem:$0x3FFC];
	_ =	sdelay $0x3  }
0x91: {  	_ =	strace s0  }
0x92: {  	s0 =	sld [smem:$0x3FFD];
	_ =	sdelay $0x3  }
0x93: {  	_ =	strace s0  }
0x94: {  	_ =	strace $0x8FFFFFFF  }
0x95: {  	s16 =	sld [smem:$0x3FDB];
	_ =	sdelay $0x1  }
0x96: {  	s17 =	simm.s32 $_scs_section_size  }
0x97: {  	s2 =	simm.s32 $_size__tile_overlayer_lowered;
	s3 =	simm.s32 $_tile_overlayer_lowered  }
0x98: {  	s20 =	simm.s32 $0x1BFF;
	s19 =	sshll.u32 s3, $0x1;
	s0 =	sadd.s32 s17, s16  }
0x99: {  	s4 =	simm.s32 $0x0;
	s18 =	sshll.u32 s2, $0x1;
	s2 =	sadd.s32 s19, s0  }
0x9a: {  	[timem:s4], [sflag:s20] =	dma.local [hbm:s2], s18  }
0x9b: {  	_ =	swait.ge [sflag:s20], s18  }
0x9c: {  	s1 =	ssub.s32 $0x0, s18;
	[sflag:s20] =	ssyncset.done $0x0  }
0x9d: {  	[sflag:s20] =	ssyncadd.s32 s1;
	_ =	sdelay $0x1  }
0x9e: {  	s21 =	simm.s32 $0x1B8B  }
0x9f: {  	_ =	swait.ge [sflag:s21], $0x1  }
0xa0: {  	[sflag:s21] =	ssyncset.done $0x0  }
0xa1: {  	s23 =	simm.s32 $0x1B8E;
	s22 =	sld [smem:$0x3FFE];
	[sflag:s21] =	ssyncadd.s32 $0xFFFFFFFF  }
0xa2: {  	s24 =	simm.s32 $execute0_lowered;
	[smem:$0x3FD2] =	sst s23  }
0xa3: {  	s2 =	sshll.u32 s24, $0x1;
	_ =	strace $0x80000049;
	[dreg:$0x1] =	wrdreg $0xFFFFFFFF  }
0xa4: {  	s25 =	simm.s32 $_size_execute0_lowered;
	s0 =	sadd.s32 s0, s2;
	[dreg:$0x0] =	wrdreg $0x0  }
0xa5: {  	s2 =	sshll.u32 s25, $0x1;
	[dreg:$0x2] =	wrdreg s0  }
0xa6: {  	[dreg:$0x3] =	wrdreg s2  }
0xa7: {  	[dreg:$0x4] =	wrdreg $0xC0  }
0xa8: {  	_ =	task [dreg:s4], $0x5FFFF  }
0xa9: {  	[dreg:$0x1] =	wrdreg $0xFFFFFFFF  }
0xaa: {  	[dreg:$0x0] =	wrdreg $0x60  }
0xab: {  	[dreg:$0x2] =	wrdreg s22  }
0xac: {  	[dreg:$0x3] =	wrdreg $0x69000  }
0xad: {  	[dreg:$0x4] =	wrdreg $0x9  }
0xae: {  	_ =	task.clear_ibuf [dreg:s4], $0x5FFFF;
	_ =	strace $0x90000049  }
0xaf: {  	s26 =	simm.s32 $0x9;
	_ =	strace $0x8000004B  }
0xb0: {  	_ =	swait.ge [sflag:s26], $0x1  }
0xb1: {  	[sflag:s26] =	ssyncadd.s32 $0xFFFFFFFF  }
0xb2: {  	_ =	strace $0x9000004B  }
0xb3: {  	_ =	sfence  }
0xb4: {  	s28 =	sld [smem:$0x0];
	_ =	sdelay $0x1  }
0xb5: {  	s29 =	srdreg.scid  }
0xb6: {  	s30 =	sshll.u32 s29, $0xD;
	s31 =	sshrl.u32 s29, $0x2  }
0xb7: {  	s1 =	sand.u32 $0x1, s29;
	s2 =	sand.u32 $0x4000, s30;
	s0 =	sadd.s32 s31, s28  }
0xb8: {  	s1 =	sor.u32 s2, s1;
	s0 =	sshll.u32 s0, $0x11  }
0xb9: {  	s0 =	sor.u32 s0, s1  }
0xba: {  	s0 =	sadd.s32 $0x8F2B, s0  }
0xbb: {  	[sflag:s0] =	ssyncadd.remote.s32 $0x1  }
0xbc: {  	_ =	sfence.sel $0xFFFF  }
0xbd: {  	[dreg:$0x0] =	wrdreg $0xFFFFFFFF;
	(pc) =	sbr.abs _section_cstart, $3  }
0xbe: {  	[dreg:$0x1] =	wrdreg $0xFFFFFFFF  }
0xbf: {  	_ =	task.clear_ibuf [dreg:s4], $0x2FFFF;
	_ =	strace $0x9FFFFFFF  }
0xc0: {  	(tm) =	ssettm $0x7FFFFFFF  }
0xc1: {  	_ =	shalt  }
tec
execute0_lowered:
.L_overlay_start_1:
0x0: {  	(tag) =	ssettag $0x1  }
0x1: {  	s1 =	rddreg [dreg:$0x0]  }
0x2: {  	s2 =	rddreg [dreg:$0x1]  }
0x3: {  	s0 =	rddreg [dreg:$0x2];
	s3 =	simm.s32 $0x0;
	s5 =	simm.s32 $0x70  }
0x4: {  	s6 =	simm.s32 $0x3C0;
	[smem:$0x7FF] =	sst s3;
	s3 =	sadd.s32 $0xC9C00, s1  }
0x5: {  	v0 =	vimm.f32 $1.000000000e+00;
	s4 =	sadd.s32 $0xE9C00, s1;
	s1 =	stileid.u32;
	_ =	strace $0x8000004A  }
.LBB2_1:
0x6: {  	p0 =	sne.s32 s6, $0x9FC0;
	[tilespmem:s5+$0x100] =	vst v0  }
0x7: {  	[tilespmem:s5+$0x90] =	vst v0  }
0x8: {  	[tilespmem:s5+$0xA0] =	vst v0  }
.Ltmp0:
0x9: {  	[tilespmem:s5+$0xB0] =	vst v0;
	(pc) =	sbr.rel @p0 .LBB2_1-.Ltmp0, $4  }
0xa: {  	[tilespmem:s5+$0xC0] =	vst v0  }
0xb: {  	[tilespmem:s5+$0xD0] =	vst v0  }
0xc: {  	[tilespmem:s5+$0xE0] =	vst v0  }
0xd: {  	[tilespmem:s5+$0xF0] =	vst v0;
	s5 =	sshra.s32 s6, $0x2;
	s6 =	sadd.s32 $0x200, s6  }
0xe: {  	[tilespmem:s5+$0x100] =	vst v0  }
0xf: {  	[tilespmem:s5+$0x90] =	vst v0  }
0x10: {  	[tilespmem:s5+$0xA0] =	vst v0  }
0x11: {  	[tilespmem:s5+$0xB0] =	vst v0  }
0x12: {  	[tilespmem:s5+$0xC0] =	vst v0  }
0x13: {  	[tilespmem:s5+$0xD0] =	vst v0  }
0x14: {  	[tilespmem:s5+$0xE0] =	vst v0  }
0x15: {  	[tilespmem:s5+$0xF0] =	vst v0;
	v0 =	vimm.f32 $0.0e+00;
	s5 =	simm.s32 $0x0;
	s6 =	simm.s32 $0x200  }
.LBB2_3:
0x16: {  	p0 =	sne.s32 s6, $0xFE00;
	[tilespmem:s5+$0x2970] =	vst v0  }
0x17: {  	[tilespmem:s5+$0x2900] =	vst v0  }
0x18: {  	[tilespmem:s5+$0x2910] =	vst v0  }
.Ltmp1:
0x19: {  	[tilespmem:s5+$0x2920] =	vst v0;
	(pc) =	sbr.rel @p0 .LBB2_3-.Ltmp1, $4  }
0x1a: {  	[tilespmem:s5+$0x2930] =	vst v0  }
0x1b: {  	[tilespmem:s5+$0x2940] =	vst v0  }
0x1c: {  	[tilespmem:s5+$0x2950] =	vst v0  }
0x1d: {  	[tilespmem:s5+$0x2960] =	vst v0;
	s5 =	sshra.s32 s6, $0x2;
	s6 =	sadd.s32 $0x200, s6  }
0x1e: {  	[tilespmem:s5+$0x2970] =	vst v0  }
0x1f: {  	[tilespmem:s5+$0x2900] =	vst v0  }
0x20: {  	[tilespmem:s5+$0x2910] =	vst v0  }
0x21: {  	[tilespmem:s5+$0x2920] =	vst v0  }
0x22: {  	[tilespmem:s5+$0x2930] =	vst v0;
	s6 =	smul.u32 $0x50000, s1  }
0x23: {  	[tilespmem:s5+$0x2940] =	vst v0  }
0x24: {  	[tilespmem:s5+$0x2950] =	vst v0;
	s6 =	sshrl.u32 s6, $0x2  }
0x25: {  	[tilespmem:s5+$0x2960] =	vst v0;
	s26 =	simm.s32 $0x2900;
	s11 =	simm.s32 $0x2;
	s6 =	sadd.s32 s6, s2  }
0x26: {  	[spmem:s6] =	stream.linear.scatter [tilespmem:s26], [sflag:$0x2], $0x4000, $0x38;
	[tilespmem:$0x1A900] =	vst v63  }
0x27: {  	_ =	swait.ge [sflag:s11], $0x4000  }
0x28: {  	[sflag:s11] =	ssyncset.done $0x0  }
0x29: {  	s7 =	sadd.s32 $0x4000, s6;
	[sflag:s11] =	ssyncadd.s32 $0xFFFFC000  }
0x2a: {  	[spmem:s7] =	stream.linear.scatter [tilespmem:s26], [sflag:$0x2], $0x4000, $0x38;
	[tilespmem:$0x1A900] =	vst v63  }
0x2b: {  	_ =	swait.ge [sflag:s11], $0x4000  }
0x2c: {  	[sflag:s11] =	ssyncset.done $0x0  }
0x2d: {  	s8 =	sadd.s32 $0x8000, s6;
	[sflag:s11] =	ssyncadd.s32 $0xFFFFC000  }
0x2e: {  	[spmem:s8] =	stream.linear.scatter [tilespmem:s26], [sflag:$0x2], $0x4000, $0x38;
	[tilespmem:$0x1A900] =	vst v63  }
0x2f: {  	_ =	swait.ge [sflag:s11], $0x4000  }
0x30: {  	[sflag:s11] =	ssyncset.done $0x0  }
0x31: {  	s9 =	sadd.s32 $0xC000, s6;
	[sflag:s11] =	ssyncadd.s32 $0xFFFFC000  }
0x32: {  	[spmem:s9] =	stream.linear.scatter [tilespmem:s26], [sflag:$0x2], $0x4000, $0x38;
	[tilespmem:$0x1A900] =	vst v63  }
0x33: {  	_ =	swait.ge [sflag:s11], $0x4000  }
0x34: {  	[sflag:s11] =	ssyncset.done $0x0  }
0x35: {  	s10 =	sadd.s32 $0x10000, s6;
	[sflag:s11] =	ssyncadd.s32 $0xFFFFC000  }
0x36: {  	[spmem:s10] =	stream.linear.scatter [tilespmem:s26], [sflag:$0x2], $0x4000, $0x38;
	[tilespmem:$0x1A900] =	vst v63  }
0x37: {  	_ =	swait.ge [sflag:s11], $0x4000  }
0x38: {  	[sflag:s11] =	ssyncset.done $0x0  }
0x39: {  	s5 =	sshll.u32 s1, $0xC;
	[sflag:s11] =	ssyncadd.s32 $0xFFFFC000  }
0x3a: {  	s12 =	simm.s32 $0x0;
	s17 =	sadd.s32 s3, s5;
	[bflag:$0x0] =	sbarrier.arrive $0xFFFF  }
0x3b: {  	[tilespmem:s12], [sflag:$0x2] =	stream.linear.gather [hbm4b:s17+s12], $0x80, $0x38;
	[tilespmem:$0x1A900] =	vst v63  }
0x3c: {  	_ =	swait.ge [sflag:s11], $0x80  }
0x3d: {  	[sflag:s11] =	ssyncset.done $0x0  }
0x3e: {  	s15 =	simm.s32 $0x80;
	s13 =	sadd.s32 $0x10, s17;
	[sflag:s11] =	ssyncadd.s32 $0xFFFFFF80  }
0x3f: {  	[tilespmem:s15], [sflag:$0x1] =	stream.linear.gather [hbm4b:s13+s12], $0x80, $0x38;
	[tilespmem:$0x1A900] =	vst v63  }
0x40: {  	s14 =	simm.s32 $0x100;
	s13 =	simm.s32 $0x50  }
0x41: {  	[spmem:s2] =	stream.indirect.scatter.add.f32 [tilespmem:s14], [sflag:$0x2], $0x80, s12, s13, $0xb8;
	[tilespmem:$0x1A900] =	vst v63  }
0x42: {  	_ =	swait.ge [sflag:s11], $0x2800  }
0x43: {  	[sflag:s11] =	ssyncset.done $0x0  }
0x44: {  	s16 =	sadd.s32 $0x20, s17;
	[sflag:s11] =	ssyncadd.s32 $0xFFFFD800  }
0x45: {  	[tilespmem:s12], [sflag:$0x1] =	stream.linear.gather [hbm4b:s16+s12], $0x80, $0x38;
	[tilespmem:$0x1A900] =	vst v63  }
0x46: {  	s16 =	simm.s32 $0x1  }
0x47: {  	_ =	swait.ge [sflag:s16], $0x80  }
0x48: {  	[sflag:s16] =	ssyncset.done $0x0  }
0x49: {  	[sflag:s16] =	ssyncadd.s32 $0xFFFFFF80  }
0x4a: {  	[spmem:s2] =	stream.indirect.scatter.add.f32 [tilespmem:s14], [sflag:$0x2], $0x80, s15, s13, $0xb8;
	[tilespmem:$0x1A900] =	vst v63  }
0x4b: {  	_ =	swait.ge [sflag:s11], $0x2800  }
0x4c: {  	[sflag:s11] =	ssyncset.done $0x0  }
0x4d: {  	s17 =	sadd.s32 $0x30, s17;
	[sflag:s11] =	ssyncadd.s32 $0xFFFFD800  }
0x4e: {  	[tilespmem:s15], [sflag:$0x1] =	stream.linear.gather [hbm4b:s17+s12], $0x80, $0x38;
	[tilespmem:$0x1A900] =	vst v63  }
0x4f: {  	s28 =	simm.s32 $0x200;
	_ =	swait.ge [sflag:s16], $0x80  }
0x50: {  	s18 =	sshll.u32 s1, $0xF;
	s19 =	sand.u32 $0xFC00, s28;
	[sflag:s16] =	ssyncset.done $0x0  }
0x51: {  	s19 =	sadd.s32 s18, s19;
	s17 =	sand.u32 $0x300, s28;
	[sflag:s16] =	ssyncadd.s32 $0xFFFFFF80  }
0x52: {  	[spmem:s2] =	stream.indirect.scatter.add.f32 [tilespmem:s14], [sflag:$0x2], $0x80, s12, s13, $0xb8;
	[tilespmem:$0x1A900] =	vst v63  }
0x53: {  	s17 =	sor.u32 s17, s19;
	_ =	swait.ge [sflag:s11], $0x2800  }
0x54: {  	s17 =	sshrl.u32 s17, $0x3;
	[sflag:s11] =	ssyncset.done $0x0  }
0x55: {  	s17 =	sadd.s32 s3, s17;
	[sflag:s11] =	ssyncadd.s32 $0xFFFFD800  }
0x56: {  	[tilespmem:s12], [sflag:$0x1] =	stream.linear.gather [hbm4b:s17+s12], $0x80, $0x38;
	[tilespmem:$0x1A900] =	vst v63  }
0x57: {  	s29 =	simm.s32 $0x280;
	_ =	swait.ge [sflag:s16], $0x80  }
0x58: {  	s31 =	simm.s32 $0x300;
	s30 =	sand.u32 $0xFC00, s29;
	[sflag:s16] =	ssyncset.done $0x0  }
0x59: {  	s20 =	sand.u32 $0x380, s29;
	s19 =	sadd.s32 s18, s30;
	[sflag:s16] =	ssyncadd.s32 $0xFFFFFF80  }
0x5a: {  	[spmem:s2] =	stream.indirect.scatter.add.f32 [tilespmem:s14], [sflag:$0x2], $0x80, s15, s13, $0xb8;
	[tilespmem:$0x1A900] =	vst v63  }
0x5b: {  	s21 =	sand.u32 $0xFC00, s31;
	s19 =	sor.u32 s20, s19;
	_ =	swait.ge [sflag:s11], $0x2800  }
0x5c: {  	s21 =	sadd.s32 s18, s21;
	s19 =	sshrl.u32 s19, $0x3;
	[sflag:s11] =	ssyncset.done $0x0  }
0x5d: {  	s20 =	sand.u32 $0x300, s31;
	s19 =	sadd.s32 s3, s19;
	[sflag:s11] =	ssyncadd.s32 $0xFFFFD800  }
0x5e: {  	[tilespmem:s15], [sflag:$0x1] =	stream.linear.gather [hbm4b:s19+s12], $0x80, $0x38;
	[tilespmem:$0x1A900] =	vst v63  }
0x5f: {  	s20 =	sor.u32 s20, s21;
	_ =	swait.ge [sflag:s16], $0x80  }
0x60: {  	s17 =	simm.s32 $0x380;
	s19 =	simm.s32 $0x480;
	[sflag:s16] =	ssyncset.done $0x0  }
.LBB2_5:
0x61: {  	s20 =	sshrl.u32 s20, $0x3  }
0x62: {  	[sflag:s16] =	ssyncadd.s32 $0xFFFFFF80;
	s21 =	smov.u32 s19;
	s22 =	sadd.s32 $0x100, s19  }
0x63: {  	[spmem:s2] =	stream.indirect.scatter.add.f32 [tilespmem:s14], [sflag:$0x2], $0x80, s12, s13, $0xb8;
	[tilespmem:$0x1A900] =	vst v63  }
0x64: {  	p0 =	sne.s32 s19, $0x7F80;
	_ =	swait.ge [sflag:s11], $0x2800  }
0x65: {  	[sflag:s11] =	ssyncset.done $0x0  }
0x66: {  	s19 =	sadd.s32 s3, s20;
	[sflag:s11] =	ssyncadd.s32 $0xFFFFD800  }
0x67: {  	[tilespmem:s12], [sflag:$0x1] =	stream.linear.gather [hbm4b:s19+s12], $0x80, $0x38;
	[tilespmem:$0x1A900] =	vst v63  }
0x68: {  	_ =	swait.ge [sflag:s16], $0x80  }
0x69: {  	s19 =	sand.u32 $0xFC00, s17;
	[sflag:s16] =	ssyncset.done $0x0  }
0x6a: {  	s17 =	sand.u32 $0x380, s17;
	s19 =	sadd.s32 s18, s19;
	[sflag:s16] =	ssyncadd.s32 $0xFFFFFF80  }
0x6b: {  	[spmem:s2] =	stream.indirect.scatter.add.f32 [tilespmem:s14], [sflag:$0x2], $0x80, s15, s13, $0xb8;
	[tilespmem:$0x1A900] =	vst v63  }
0x6c: {  	s19 =	sor.u32 s17, s19;
	s17 =	smov.u32 s21;
	_ =	swait.ge [sflag:s11], $0x2800  }
0x6d: {  	s20 =	sadd.s32 $0xFFFFFF80, s17;
	[sflag:s11] =	ssyncset.done $0x0  }
.Ltmp2:
0x6e: {  	s19 =	sshrl.u32 s19, $0x3;
	[sflag:s11] =	ssyncadd.s32 $0xFFFFD800;
	(pc) =	sbr.rel @p0 .LBB2_5-.Ltmp2, $4  }
0x6f: {  	s21 =	sand.u32 $0xFC00, s20;
	s19 =	sadd.s32 s3, s19  }
0x70: {  	[tilespmem:s15], [sflag:$0x1] =	stream.linear.gather [hbm4b:s19+s12], $0x80, $0x38;
	[tilespmem:$0x1A900] =	vst v63  }
0x71: {  	s20 =	sand.u32 $0x300, s20;
	s19 =	sadd.s32 s18, s21;
	_ =	swait.ge [sflag:s16], $0x80  }
0x72: {  	s20 =	sor.u32 s20, s19;
	s19 =	smov.u32 s22;
	[sflag:s16] =	ssyncset.done $0x0  }
0x73: {  	[sflag:s16] =	ssyncadd.s32 $0xFFFFFF80  }
0x74: {  	[spmem:s2] =	stream.indirect.scatter.add.f32 [tilespmem:s14], [sflag:$0x2], $0x80, s12, s13, $0xb8;
	[tilespmem:$0x1A900] =	vst v63  }
0x75: {  	_ =	swait.ge [sflag:s11], $0x2800  }
0x76: {  	s19 =	sshrl.u32 s20, $0x3;
	[sflag:s11] =	ssyncset.done $0x0  }
0x77: {  	s19 =	sadd.s32 s3, s19;
	[sflag:s11] =	ssyncadd.s32 $0xFFFFD800  }
0x78: {  	[tilespmem:s12], [sflag:$0x1] =	stream.linear.gather [hbm4b:s19+s12], $0x80, $0x38;
	[tilespmem:$0x1A900] =	vst v63  }
0x79: {  	_ =	swait.ge [sflag:s16], $0x80  }
0x7a: {  	s26 =	sand.u32 $0xFC00, s17;
	[sflag:s16] =	ssyncset.done $0x0  }
0x7b: {  	s28 =	sand.u32 $0x380, s17;
	s19 =	sadd.s32 s18, s26;
	[sflag:s16] =	ssyncadd.s32 $0xFFFFFF80  }
0x7c: {  	[spmem:s2] =	stream.indirect.scatter.add.f32 [tilespmem:s14], [sflag:$0x2], $0x80, s15, s13, $0xb8;
	[tilespmem:$0x1A900] =	vst v63  }
0x7d: {  	s17 =	sor.u32 s28, s19;
	_ =	swait.ge [sflag:s11], $0x2800  }
0x7e: {  	s17 =	sshrl.u32 s17, $0x3;
	[sflag:s11] =	ssyncset.done $0x0  }
0x7f: {  	s17 =	sadd.s32 s3, s17;
	[sflag:s11] =	ssyncadd.s32 $0xFFFFD800  }
0x80: {  	[tilespmem:s15], [sflag:$0x1] =	stream.linear.gather [hbm4b:s17+s12], $0x80, $0x38;
	[tilespmem:$0x1A900] =	vst v63  }
0x81: {  	_ =	swait.ge [sflag:s16], $0x80  }
0x82: {  	[sflag:s16] =	ssyncset.done $0x0  }
0x83: {  	[sflag:s16] =	ssyncadd.s32 $0xFFFFFF80  }
0x84: {  	[spmem:s2] =	stream.indirect.scatter.add.f32 [tilespmem:s14], [sflag:$0x2], $0x80, s12, s13, $0xb8;
	[tilespmem:$0x1A900] =	vst v63  }
0x85: {  	_ =	swait.ge [sflag:s11], $0x2800  }
0x86: {  	[sflag:s11] =	ssyncset.done $0x0  }
0x87: {  	s13 =	simm.s32 $0x1;
	[sflag:s11] =	ssyncadd.s32 $0xFFFFD800  }
0x88: {  	_ =	swait.ge [sflag:s13], $0x80  }
0x89: {  	s17 =	simm.s32 $0x80;
	s15 =	simm.s32 $0x2;
	[sflag:s13] =	ssyncset.done $0x0  }
0x8a: {  	s16 =	simm.s32 $0x100;
	s14 =	simm.s32 $0x50;
	[sflag:s13] =	ssyncadd.s32 $0xFFFFFF80  }
0x8b: {  	[spmem:s2] =	stream.indirect.scatter.add.f32 [tilespmem:s16], [sflag:$0x2], $0x80, s17, s14, $0xb8;
	[tilespmem:$0x1A900] =	vst v63  }
0x8c: {  	s29 =	smul.u32 $0x14000, s1;
	_ =	swait.ge [sflag:s15], $0x2800  }
0x8d: {  	s30 =	sshll.u32 s1, $0x6;
	[sflag:s15] =	ssyncset.done $0x0  }
0x8e: {  	s12 =	sshrl.u32 s6, $0x3;
	s11 =	sshrl.u32 s29, $0x3;
	[sflag:s15] =	ssyncadd.s32 $0xFFFFD800  }
0x8f: {  	s4 =	sadd.s32 s4, s11;
	s11 =	sor.u32 $0x1C02, s30;
	[bflag:$0x0] =	sbarrier.arrive $0xFFFF  }
0x90: {  	[hbm:s4], [sflag:s11] =	dma.local [spmem:s12], $0x2800  }
0x91: {  	_ =	swait.ge [sflag:s15], $0x2800  }
0x92: {  	[sflag:s15] =	ssyncset.done $0x0  }
0x93: {  	[sflag:s15] =	ssyncadd.s32 $0xFFFFD800  }
0x94: {  	s31 =	simm.s32 $0x2900;
	[bflag:$0x0] =	sbarrier.arrive $0xFFFF  }
0x95: {  	[spmem:s6] =	stream.linear.scatter [tilespmem:s31], [sflag:$0x2], $0x4000, $0x38;
	[tilespmem:$0x1A900] =	vst v63  }
0x96: {  	_ =	swait.ge [sflag:s15], $0x4000  }
0x97: {  	[sflag:s15] =	ssyncset.done $0x0  }
0x98: {  	[sflag:s15] =	ssyncadd.s32 $0xFFFFC000  }
0x99: {  	[spmem:s7] =	stream.linear.scatter [tilespmem:s31], [sflag:$0x2], $0x4000, $0x38;
	[tilespmem:$0x1A900] =	vst v63  }
0x9a: {  	_ =	swait.ge [sflag:s15], $0x4000  }
0x9b: {  	[sflag:s15] =	ssyncset.done $0x0  }
0x9c: {  	[sflag:s15] =	ssyncadd.s32 $0xFFFFC000  }
0x9d: {  	[spmem:s8] =	stream.linear.scatter [tilespmem:s31], [sflag:$0x2], $0x4000, $0x38;
	[tilespmem:$0x1A900] =	vst v63  }
0x9e: {  	_ =	swait.ge [sflag:s15], $0x4000  }
0x9f: {  	[sflag:s15] =	ssyncset.done $0x0  }
0xa0: {  	[sflag:s15] =	ssyncadd.s32 $0xFFFFC000  }
0xa1: {  	[spmem:s9] =	stream.linear.scatter [tilespmem:s31], [sflag:$0x2], $0x4000, $0x38;
	[tilespmem:$0x1A900] =	vst v63  }
0xa2: {  	_ =	swait.ge [sflag:s15], $0x4000  }
0xa3: {  	[sflag:s15] =	ssyncset.done $0x0  }
0xa4: {  	[sflag:s15] =	ssyncadd.s32 $0xFFFFC000  }
0xa5: {  	[spmem:s10] =	stream.linear.scatter [tilespmem:s31], [sflag:$0x2], $0x4000, $0x38;
	[tilespmem:$0x1A900] =	vst v63  }
0xa6: {  	_ =	swait.ge [sflag:s15], $0x4000  }
0xa7: {  	s7 =	sor.u32 $0x80000, s18;
	[sflag:s15] =	ssyncset.done $0x0  }
0xa8: {  	s20 =	sshrl.u32 s7, $0x3;
	[sflag:s15] =	ssyncadd.s32 $0xFFFFC000  }
0xa9: {  	s6 =	simm.s32 $0x0;
	s21 =	sadd.s32 s3, s20;
	[bflag:$0x0] =	sbarrier.arrive $0xFFFF  }
0xaa: {  	[tilespmem:s6], [sflag:$0x2] =	stream.linear.gather [hbm4b:s21+s6], $0x80, $0x38;
	[tilespmem:$0x1A900] =	vst v63  }
0xab: {  	_ =	swait.ge [sflag:s15], $0x80  }
0xac: {  	s5 =	sadd.s32 s5, s3;
	[sflag:s15] =	ssyncset.done $0x0  }
0xad: {  	s22 =	sadd.s32 $0x10010, s5;
	[sflag:s15] =	ssyncadd.s32 $0xFFFFFF80  }
0xae: {  	[tilespmem:s17], [sflag:$0x1] =	stream.linear.gather [hbm4b:s22+s6], $0x80, $0x38;
	[tilespmem:$0x1A900] =	vst v63  }
0xaf: {  	_ = 	snop  }
0xb0: {  	[spmem:s2] =	stream.indirect.scatter.add.f32 [tilespmem:s16], [sflag:$0x2], $0x80, s6, s14, $0xb8;
	[tilespmem:$0x1A900] =	vst v63  }
0xb1: {  	_ =	swait.ge [sflag:s15], $0x2800  }
0xb2: {  	[sflag:s15] =	ssyncset.done $0x0  }
0xb3: {  	s23 =	sadd.s32 $0x10020, s5;
	[sflag:s15] =	ssyncadd.s32 $0xFFFFD800  }
0xb4: {  	[tilespmem:s6], [sflag:$0x1] =	stream.linear.gather [hbm4b:s23+s6], $0x80, $0x38;
	[tilespmem:$0x1A900] =	vst v63  }
0xb5: {  	_ =	swait.ge [sflag:s13], $0x80  }
0xb6: {  	[sflag:s13] =	ssyncset.done $0x0  }
0xb7: {  	[sflag:s13] =	ssyncadd.s32 $0xFFFFFF80  }
0xb8: {  	[spmem:s2] =	stream.indirect.scatter.add.f32 [tilespmem:s16], [sflag:$0x2], $0x80, s17, s14, $0xb8;
	[tilespmem:$0x1A900] =	vst v63  }
0xb9: {  	_ =	swait.ge [sflag:s15], $0x2800  }
0xba: {  	[sflag:s15] =	ssyncset.done $0x0  }
0xbb: {  	s5 =	sadd.s32 $0x10030, s5;
	[sflag:s15] =	ssyncadd.s32 $0xFFFFD800  }
0xbc: {  	[tilespmem:s17], [sflag:$0x1] =	stream.linear.gather [hbm4b:s5+s6], $0x80, $0x38;
	[tilespmem:$0x1A900] =	vst v63  }
0xbd: {  	s24 =	simm.s32 $0x200;
	_ =	swait.ge [sflag:s13], $0x80  }
0xbe: {  	s25 =	sand.u32 $0xFC00, s24;
	[sflag:s13] =	ssyncset.done $0x0  }
0xbf: {  	s8 =	sadd.s32 s7, s25;
	s5 =	sand.u32 $0x300, s24;
	[sflag:s13] =	ssyncadd.s32 $0xFFFFFF80  }
0xc0: {  	[spmem:s2] =	stream.indirect.scatter.add.f32 [tilespmem:s16], [sflag:$0x2], $0x80, s6, s14, $0xb8;
	[tilespmem:$0x1A900] =	vst v63  }
0xc1: {  	s5 =	sor.u32 s5, s8;
	_ =	swait.ge [sflag:s15], $0x2800  }
0xc2: {  	s5 =	sshrl.u32 s5, $0x3;
	[sflag:s15] =	ssyncset.done $0x0  }
0xc3: {  	s5 =	sadd.s32 s3, s5;
	[sflag:s15] =	ssyncadd.s32 $0xFFFFD800  }
0xc4: {  	[tilespmem:s6], [sflag:$0x1] =	stream.linear.gather [hbm4b:s5+s6], $0x80, $0x38;
	[tilespmem:$0x1A900] =	vst v63  }
0xc5: {  	s26 =	simm.s32 $0x280;
	_ =	swait.ge [sflag:s13], $0x80  }
0xc6: {  	s28 =	sand.u32 $0xFC00, s26;
	s29 =	sand.u32 $0x380, s26;
	[sflag:s13] =	ssyncset.done $0x0  }
0xc7: {  	s30 =	simm.s32 $0x300;
	s8 =	sadd.s32 s7, s28;
	[sflag:s13] =	ssyncadd.s32 $0xFFFFFF80  }
0xc8: {  	[spmem:s2] =	stream.indirect.scatter.add.f32 [tilespmem:s16], [sflag:$0x2], $0x80, s17, s14, $0xb8;
	[tilespmem:$0x1A900] =	vst v63  }
0xc9: {  	s9 =	sand.u32 $0x300, s30;
	s8 =	sor.u32 s29, s8;
	_ =	swait.ge [sflag:s15], $0x2800  }
0xca: {  	s31 =	sand.u32 $0xFC00, s30;
	s8 =	sshrl.u32 s8, $0x3;
	[sflag:s15] =	ssyncset.done $0x0  }
0xcb: {  	s10 =	sadd.s32 s7, s31;
	s8 =	sadd.s32 s3, s8;
	[sflag:s15] =	ssyncadd.s32 $0xFFFFD800  }
0xcc: {  	[tilespmem:s17], [sflag:$0x1] =	stream.linear.gather [hbm4b:s8+s6], $0x80, $0x38;
	[tilespmem:$0x1A900] =	vst v63  }
0xcd: {  	s9 =	sor.u32 s9, s10;
	_ =	swait.ge [sflag:s13], $0x80  }
0xce: {  	s5 =	simm.s32 $0x380;
	s8 =	simm.s32 $0x480;
	[sflag:s13] =	ssyncset.done $0x0  }
.LBB2_7:
0xcf: {  	s9 =	sshrl.u32 s9, $0x3  }
0xd0: {  	[sflag:s13] =	ssyncadd.s32 $0xFFFFFF80;
	s10 =	smov.u32 s8;
	s18 =	sadd.s32 $0x100, s8  }
0xd1: {  	[spmem:s2] =	stream.indirect.scatter.add.f32 [tilespmem:s16], [sflag:$0x2], $0x80, s6, s14, $0xb8;
	[tilespmem:$0x1A900] =	vst v63  }
0xd2: {  	p0 =	sne.s32 s8, $0x7F80;
	_ =	swait.ge [sflag:s15], $0x2800  }
0xd3: {  	[sflag:s15] =	ssyncset.done $0x0  }
0xd4: {  	s8 =	sadd.s32 s3, s9;
	[sflag:s15] =	ssyncadd.s32 $0xFFFFD800  }
0xd5: {  	[tilespmem:s6], [sflag:$0x1] =	stream.linear.gather [hbm4b:s8+s6], $0x80, $0x38;
	[tilespmem:$0x1A900] =	vst v63  }
0xd6: {  	_ =	swait.ge [sflag:s13], $0x80  }
0xd7: {  	s8 =	sand.u32 $0xFC00, s5;
	[sflag:s13] =	ssyncset.done $0x0  }
0xd8: {  	s5 =	sand.u32 $0x380, s5;
	s8 =	sadd.s32 s7, s8;
	[sflag:s13] =	ssyncadd.s32 $0xFFFFFF80  }
0xd9: {  	[spmem:s2] =	stream.indirect.scatter.add.f32 [tilespmem:s16], [sflag:$0x2], $0x80, s17, s14, $0xb8;
	[tilespmem:$0x1A900] =	vst v63  }
0xda: {  	s8 =	sor.u32 s5, s8;
	s5 =	smov.u32 s10;
	_ =	swait.ge [sflag:s15], $0x2800  }
0xdb: {  	s9 =	sadd.s32 $0xFFFFFF80, s5;
	[sflag:s15] =	ssyncset.done $0x0  }
.Ltmp3:
0xdc: {  	s8 =	sshrl.u32 s8, $0x3;
	[sflag:s15] =	ssyncadd.s32 $0xFFFFD800;
	(pc) =	sbr.rel @p0 .LBB2_7-.Ltmp3, $4  }
0xdd: {  	s10 =	sand.u32 $0xFC00, s9;
	s8 =	sadd.s32 s3, s8  }
0xde: {  	[tilespmem:s17], [sflag:$0x1] =	stream.linear.gather [hbm4b:s8+s6], $0x80, $0x38;
	[tilespmem:$0x1A900] =	vst v63  }
0xdf: {  	s9 =	sand.u32 $0x300, s9;
	s8 =	sadd.s32 s7, s10;
	_ =	swait.ge [sflag:s13], $0x80  }
0xe0: {  	s9 =	sor.u32 s9, s8;
	s8 =	smov.u32 s18;
	[sflag:s13] =	ssyncset.done $0x0  }
0xe1: {  	[sflag:s13] =	ssyncadd.s32 $0xFFFFFF80  }
0xe2: {  	[spmem:s2] =	stream.indirect.scatter.add.f32 [tilespmem:s16], [sflag:$0x2], $0x80, s6, s14, $0xb8;
	[tilespmem:$0x1A900] =	vst v63  }
0xe3: {  	_ =	swait.ge [sflag:s15], $0x2800  }
0xe4: {  	s8 =	sshrl.u32 s9, $0x3;
	[sflag:s15] =	ssyncset.done $0x0  }
0xe5: {  	s8 =	sadd.s32 s3, s8;
	[sflag:s15] =	ssyncadd.s32 $0xFFFFD800  }
0xe6: {  	[tilespmem:s6], [sflag:$0x1] =	stream.linear.gather [hbm4b:s8+s6], $0x80, $0x38;
	[tilespmem:$0x1A900] =	vst v63  }
0xe7: {  	_ =	swait.ge [sflag:s13], $0x80  }
0xe8: {  	s22 =	sand.u32 $0xFC00, s5;
	[sflag:s13] =	ssyncset.done $0x0  }
0xe9: {  	s23 =	sand.u32 $0x380, s5;
	s7 =	sadd.s32 s7, s22;
	[sflag:s13] =	ssyncadd.s32 $0xFFFFFF80  }
0xea: {  	[spmem:s2] =	stream.indirect.scatter.add.f32 [tilespmem:s16], [sflag:$0x2], $0x80, s17, s14, $0xb8;
	[tilespmem:$0x1A900] =	vst v63  }
0xeb: {  	s5 =	sor.u32 s23, s7;
	_ =	swait.ge [sflag:s15], $0x2800  }
0xec: {  	s5 =	sshrl.u32 s5, $0x3;
	[sflag:s15] =	ssyncset.done $0x0  }
0xed: {  	s24 =	sadd.s32 s3, s5;
	[sflag:s15] =	ssyncadd.s32 $0xFFFFD800  }
0xee: {  	[tilespmem:s17], [sflag:$0x1] =	stream.linear.gather [hbm4b:s24+s6], $0x80, $0x38;
	[tilespmem:$0x1A900] =	vst v63  }
0xef: {  	_ =	swait.ge [sflag:s13], $0x80  }
0xf0: {  	[sflag:s13] =	ssyncset.done $0x0  }
0xf1: {  	[sflag:s13] =	ssyncadd.s32 $0xFFFFFF80  }
0xf2: {  	[spmem:s2] =	stream.indirect.scatter.add.f32 [tilespmem:s16], [sflag:$0x2], $0x80, s6, s14, $0xb8;
	[tilespmem:$0x1A900] =	vst v63  }
0xf3: {  	_ =	swait.ge [sflag:s15], $0x2800  }
0xf4: {  	[sflag:s15] =	ssyncset.done $0x0  }
0xf5: {  	s25 =	simm.s32 $0x1;
	[sflag:s15] =	ssyncadd.s32 $0xFFFFD800  }
0xf6: {  	_ =	swait.ge [sflag:s25], $0x80  }
0xf7: {  	s26 =	simm.s32 $0x50;
	s28 =	simm.s32 $0x80;
	[sflag:s25] =	ssyncset.done $0x0  }
0xf8: {  	s29 =	simm.s32 $0x100;
	s30 =	simm.s32 $0x2;
	[sflag:s25] =	ssyncadd.s32 $0xFFFFFF80  }
0xf9: {  	[spmem:s2] =	stream.indirect.scatter.add.f32 [tilespmem:s29], [sflag:$0x2], $0x80, s28, s26, $0xb8;
	[tilespmem:$0x1A900] =	vst v63  }
0xfa: {  	_ =	swait.ge [sflag:s30], $0x2800  }
0xfb: {  	[sflag:s30] =	ssyncset.done $0x0  }
0xfc: {  	[sflag:s30] =	ssyncadd.s32 $0xFFFFD800  }
0xfd: {  	s31 =	sadd.s32 $0x28000, s4;
	[bflag:$0x0] =	sbarrier.arrive $0xFFFF  }
0xfe: {  	[hbm:s31], [sflag:s11] =	dma.local [spmem:s12], $0x2800  }
0xff: {  	_ =	swait.ge [sflag:s30], $0x2800  }
0x100: {  	[sflag:s30] =	ssyncset.done $0x0  }
0x101: {  	[sflag:s30] =	ssyncadd.s32 $0xFFFFD800  }
0x102: {  	[bflag:$0x0] =	sbarrier.arrive $0xFFFF  }
0x103: {  	_ =	sfence.sel $0x180000  }
0x104: {  	[bflag:$0x0] =	sbarrier.arrive $0xFFFF  }
0x105: {  	p0 =	sne.s32 s1, $0x0;
	_ =	strace $0x9000004A  }
0x106: {  	s0 =	sadd.s32 @!p0 $0x100000, s0;
	[bflag:$0x2] =	sbarrier.arrive $0xFFFF  }
0x107: {  	[sflag:s0] =	ssyncadd.tile.s32 @!p0 $0x1;
	_ =	shalt  }
.Lfunc_end2:
_tile_overlayer_lowered:
.L_overlay_start_2:
0x108: {  	(tag) =	ssettag $0x2  }
0x109: {  	s0 =	rddreg [dreg:$0x0];
	s2 =	stileid.u32  }
0x10a: {  	s1 =	rddreg [dreg:$0x1];
	p0 =	sne.s32 s2, $0x0  }
0x10b: {  	s3 =	rddreg [dreg:$0x2];
	[bflag:$0x3] =	sbarrier.arrive $0xFFFF;
	s2 =	simm.s32 @!p0 $0x1C02  }
0x10c: {  	[timem:s3], [sflag:s2] =	dma.local @!p0 [hbm:s0], s1  }
0x10d: {  	s0 =	simm.s32 @!p0 $0x2  }
0x10e: {  	_ =	swait.ge @!p0 [sflag:s0], s1  }
0x10f: {  	s1 =	ssub.s32 @!p0 $0x0, s1;
	[sflag:s0] =	ssyncset.done @!p0 $0x0  }
0x110: {  	[sflag:s0] =	ssyncadd.s32 @!p0 s1  }
0x111: {  	[bflag:$0x3] =	sbarrier.arrive $0xFFFF  }
0x112: {  	_ =	shalt  }

</sc_bundles>
